<compile_context>
chip_gen: v7x
topology: tpu7x:2x2x1
jax: 0.10.2.dev20260603
libtpu: 0.0.44.dev20260713+nightly
codegen_flags: <defaults>
</compile_context>

<pallas_src>
import functools

import jax
import jax.numpy as jnp
from jax import lax
from jax.experimental import pallas as pl
from jax.experimental.pallas import tpu as pltpu
from jax.experimental.pallas import tpu_sc as plsc

_K = 8192
_D = 256
_B = 1024
_L = 16
_DECAY = 0.9
_THRESH = 1e-4

_BB = 256

_SC_NUM_CORES = 2
_SC_NUM_SUBCORES = 16


def _finish_prev(decay_prev, res_ref, rec_ref, row_ref, act_ref, best_ref):
    residual = res_ref[...]
    recon = rec_ref[...]
    rows = row_ref[...]
    d = jnp.sum(residual * rows, axis=1)
    sign = jnp.where(d >= 0, 1.0, -1.0)
    bestp = best_ref[0, :]
    sidx = jnp.where(d >= 0, bestp, -(bestp + 1))
    w = (act_ref[..., 0] * sign) * decay_prev
    contribution = w[:, None] * rows
    return residual - contribution, recon + contribution, sidx


def _tc_step_kernel(decay_prev, apply_update, res_ref, rec_ref, row_ref,
                    act_ref, bestp_ref, cb_ref, best_ref, sidx_ref, act_out_ref,
                    res_out_ref, rec_out_ref):
    if apply_update:
        residual, recon, sidx = _finish_prev(
            decay_prev, res_ref, rec_ref, row_ref, act_ref, bestp_ref)
        sidx_ref[0, :] = sidx
    else:
        residual = res_ref[...]
        recon = rec_ref[...]
        sidx_ref[0, :] = jnp.zeros((res_ref.shape[0],), jnp.int32)
    rn = jnp.sqrt(jnp.sum(residual * residual, axis=1, keepdims=True))
    active = (rn > _THRESH).astype(jnp.float32)
    rnorm = residual / jnp.maximum(rn, 1e-8)
    cos = lax.dot_general(
        rnorm.astype(jnp.bfloat16), cb_ref[...], (((1,), (1,)), ((), ())),
        preferred_element_type=jnp.float32,
        precision=lax.Precision.DEFAULT)
    best = jnp.argmax(jnp.abs(cos), axis=1).astype(jnp.int32)
    best_ref[0, :] = best
    act_out_ref[...] = active
    res_out_ref[...] = residual
    rec_out_ref[...] = recon


def _tc_step(decay_prev, apply_update, residual, recon, rows, act, bestp,
             cb_bf16):
    row_spec = pl.BlockSpec((_BB, _D), lambda i: (i, 0))
    col_spec = pl.BlockSpec((_BB, 1), lambda i: (i, 0))
    idx_spec = pl.BlockSpec((1, _BB), lambda i: (0, i))
    kern = functools.partial(_tc_step_kernel, decay_prev, apply_update)
    return pl.pallas_call(
        kern,
        grid=(_B // _BB,),
        in_specs=[
            row_spec,
            row_spec,
            row_spec,
            col_spec,
            idx_spec,
            pl.BlockSpec((_K, _D), lambda i: (0, 0)),
        ],
        out_specs=[idx_spec, idx_spec, col_spec, row_spec, row_spec],
        out_shape=[
            jax.ShapeDtypeStruct((1, _B), jnp.int32),
            jax.ShapeDtypeStruct((1, _B), jnp.int32),
            jax.ShapeDtypeStruct((_B, 1), jnp.float32),
            jax.ShapeDtypeStruct((_B, _D), jnp.float32),
            jax.ShapeDtypeStruct((_B, _D), jnp.float32),
        ],
    )(residual, recon, rows, act, bestp, cb_bf16)


def _tc_final_kernel(decay_prev, res_ref, rec_ref, row_ref, act_ref,
                     bestp_ref, sidx_ref, rec_out_ref):
    _, recon, sidx = _finish_prev(
        decay_prev, res_ref, rec_ref, row_ref, act_ref, bestp_ref)
    sidx_ref[0, :] = sidx
    rec_out_ref[...] = recon


def _tc_final(decay_prev, residual, recon, rows, act, bestp):
    row_spec = pl.BlockSpec((_BB, _D), lambda i: (i, 0))
    return pl.pallas_call(
        functools.partial(_tc_final_kernel, decay_prev),
        grid=(_B // _BB,),
        in_specs=[
            row_spec, row_spec, row_spec,
            pl.BlockSpec((_BB, 1), lambda i: (i, 0)),
            pl.BlockSpec((1, _BB), lambda i: (0, i)),
        ],
        out_specs=[
            pl.BlockSpec((1, _BB), lambda i: (0, i)),
            row_spec,
        ],
        out_shape=[
            jax.ShapeDtypeStruct((1, _B), jnp.int32),
            jax.ShapeDtypeStruct((_B, _D), jnp.float32),
        ],
    )(residual, recon, rows, act, bestp)


@functools.cache
def _make_sc_gather():
    nw = _SC_NUM_CORES * _SC_NUM_SUBCORES
    b_per_w = _B // nw
    mesh = plsc.VectorSubcoreMesh(core_axis_name="c", subcore_axis_name="s",
                                  num_cores=_SC_NUM_CORES)

    @functools.partial(
        pl.kernel, mesh=mesh,
        out_type=jax.ShapeDtypeStruct((_B, _D), jnp.float32),
        scratch_types=[
            pltpu.VMEM((b_per_w,), jnp.int32),
            pltpu.VMEM((b_per_w, _D), jnp.float32),
            pltpu.SemaphoreType.DMA,
        ],
    )
    def gather(table_hbm, idx_hbm, out_hbm, idx_v, rows_v, sem):
        wid = lax.axis_index("s") * _SC_NUM_CORES + lax.axis_index("c")
        base = wid * b_per_w
        pltpu.sync_copy(idx_hbm.at[pl.ds(base, b_per_w)], idx_v)
        pltpu.async_copy(table_hbm.at[idx_v], rows_v, sem).wait()
        pltpu.sync_copy(rows_v, out_hbm.at[pl.ds(base, b_per_w)])

    return gather


def _sc_gather(table, idx):
    return _make_sc_gather()(table, idx)


@jax.jit
def kernel(targets, codebook):
    cb_bf16 = codebook.astype(jnp.bfloat16)
    residual = targets
    recon = jnp.zeros((_B, _D), jnp.float32)
    rows = jnp.zeros((_B, _D), jnp.float32)
    act = jnp.zeros((_B, 1), jnp.float32)
    best = jnp.zeros((1, _B), jnp.int32)
    idx_steps = []
    for step in range(_L):
        decay_prev = _DECAY ** step
        best, sidx_prev, act, residual, recon = _tc_step(
            decay_prev, step > 0, residual, recon, rows, act, best, cb_bf16)
        if step > 0:
            idx_steps.append(sidx_prev[0])
        rows = _sc_gather(codebook, best[0])
    sidx_last, recon = _tc_final(
        _DECAY ** _L, residual, recon, rows, act, best)
    idx_steps.append(sidx_last[0])
    signed_indices = jnp.stack(idx_steps, axis=1)
    return signed_indices, recon

# --- scband reference (transcript-rebuilt; emitter-appended) ---
"""Pipeline reference for scband-lexical-encoder-10608569221426 (READ-ONLY COPY).

The authoritative reference and input builder live on the scoring server;
editing this copy changes nothing except your own understanding.
"""

import jax, jax.numpy as jnp
import numpy as np

K = 8192          # num_codes
D = 256           # code_dim / embedding_dim
B = 1024          # batch of target vectors (encode_batch)
L = 16            # max_word_length
DECAY = 0.9       # decay_factor
THRESH = 1e-4     # residual_threshold


def setup_inputs(seed: int = 0) -> dict:
    key = jax.random.key(seed)
    k1, k2 = jax.random.split(key)
    targets = jax.random.normal(k1, (B, D), dtype=jnp.float32)
    codebook = jax.random.normal(k2, (K, D), dtype=jnp.float32) / np.sqrt(D)
    return {"targets": targets, "codebook": codebook}


def reference(targets, codebook):
    """Greedy residual pursuit (allow_negative_signs=True), vectorized over the batch.
    Returns (signed_indices [B, L] int32, reconstruction [B, D] float32).
    Early-break on ||residual|| < threshold is implemented as a per-row mask
    (once inactive, contributions are zeroed, matching the torch loop's break)."""
    residual = targets
    recon = jnp.zeros_like(targets)
    idx_steps = []
    for step in range(L):
        rn = jnp.linalg.norm(residual, axis=1, keepdims=True)            # [B,1]
        active = (rn > THRESH).astype(targets.dtype)                     # [B,1]
        rnorm = residual / jnp.maximum(rn, 1e-8)                         # [B,D]
        cos = rnorm @ codebook.T                                         # [B,K]  (compute-heavy)
        best = jnp.argmax(jnp.abs(cos), axis=1)                          # [B]
        best_cos = jnp.take_along_axis(cos, best[:, None], axis=1)[:, 0] # [B]
        sign = jnp.where(best_cos >= 0, 1.0, -1.0)                       # [B]
        signed_idx = jnp.where(best_cos >= 0, best, -(best + 1))         # [B] signed index convention
        decay = DECAY ** (step + 1)
        contribution = active * sign[:, None] * decay * jnp.take(codebook, best, axis=0)  # [B,D]
        residual = residual - contribution
        recon = recon + contribution
        idx_steps.append(signed_idx.astype(jnp.int32))
    signed_indices = jnp.stack(idx_steps, axis=1)                        # [B,L]
    return signed_indices, recon

if __name__ == "__main__":
    import jax
    _d = setup_inputs()
    print(jax.jit(kernel)(*tuple(_d.values())))

</pallas_src>

<mosaic_0001>
#map = affine_map<(d0, d1) -> (0, 0)>
#map1 = affine_map<(d0, d1) -> (0)>
module attributes {stable_mosaic.version = 14 : i64} {
  func.func @gather(%arg0: i32, %arg1: i32, %arg2: memref<8192x256xf32, #tpu.memory_space<hbm>>, %arg3: memref<1024xi32, #tpu.memory_space<hbm>>, %arg4: memref<1024x256xf32, #tpu.memory_space<hbm>>, %arg5: memref<32xi32, #tpu.memory_space<vmem>>, %arg6: memref<32x256xf32, #tpu.memory_space<vmem>>, %arg7: memref<!tpu.dma_semaphore, #tpu.memory_space<semaphore_mem>>) attributes {dimension_semantics = [#tpu.dimension_semantics<core_parallel>, #tpu.dimension_semantics<subcore_parallel>], iteration_bounds = array<i64: 2, 16>, scalar_prefetch = 0 : i64, scratch_operands = 3 : i64, tpu.core_type = #tpu.core_type<sc_vector_subcore>, window_params = [{transform_indices = #map}, {transform_indices = #map1}, {transform_indices = #map}]} {
    %mul3A = arith.constant 2 : i32
    %mul3A_0 = arith.muli %arg1, %mul3A : i32
    %add3A = arith.addi %mul3A_0, %arg0 : i32
    %mul3A_1 = arith.constant 32 : i32
    %mul3A_2 = arith.muli %add3A, %mul3A_1 : i32
    "tpu.region"() ({
      %run_scoped3A = tpu.sem_alloc : memref<!tpu.dma_semaphore, #tpu.memory_space<semaphore_mem>>
      %dma_start3A_7 = tpu.memref_slice %arg3[%mul3A_2] : memref<1024xi32, #tpu.memory_space<hbm>> -> memref<32xi32, #tpu.memory_space<hbm>>
      %dma_start3A_8 = tpu.memref_slice %arg3[%mul3A_2] : memref<1024xi32, #tpu.memory_space<hbm>> -> memref<32xi32, #tpu.memory_space<hbm>>
      tpu.enqueue_dma source(%dma_start3A_8 : memref<32xi32, #tpu.memory_space<hbm>>) target(%arg5 : memref<32xi32, #tpu.memory_space<vmem>>) target_semaphore(%run_scoped3A : memref<!tpu.dma_semaphore, #tpu.memory_space<semaphore_mem>>)
      %dma_wait3A_9 = tpu.memref_slice %arg3[%mul3A_2] : memref<1024xi32, #tpu.memory_space<hbm>> -> memref<32xi32, #tpu.memory_space<hbm>>
      %dma_wait3A_10 = tpu.memref_slice %arg3[%mul3A_2] : memref<1024xi32, #tpu.memory_space<hbm>> -> memref<32xi32, #tpu.memory_space<hbm>>
      tpu.wait_dma2 semaphore(%run_scoped3A : memref<!tpu.dma_semaphore, #tpu.memory_space<semaphore_mem>>) src(%dma_wait3A_10 : memref<32xi32, #tpu.memory_space<hbm>>) dst(%arg5 : memref<32xi32, #tpu.memory_space<vmem>>)
      tpu.yield
    }) : () -> ()
    %dma_start3A = arith.constant 0 : i32
    %dma_start3A_3 = arith.constant 0 : i32
    %dma_start3A_4 = tpu.memref_slice %arg2[%dma_start3A, %dma_start3A_3] : memref<8192x256xf32, #tpu.memory_space<hbm>> -> memref<8192x256xf32, #tpu.memory_space<hbm>>
    tpu.enqueue_indirect_dma source(%dma_start3A_4 : memref<8192x256xf32, #tpu.memory_space<hbm>>) target(%arg6 : memref<32x256xf32, #tpu.memory_space<vmem>>) offsets(%arg5 : memref<32xi32, #tpu.memory_space<vmem>>) semaphore(%arg7 : memref<!tpu.dma_semaphore, #tpu.memory_space<semaphore_mem>>)
    %dma_wait3A = arith.constant 0 : i32
    %dma_wait3A_5 = arith.constant 0 : i32
    %dma_wait3A_6 = tpu.memref_slice %arg2[%dma_wait3A, %dma_wait3A_5] : memref<8192x256xf32, #tpu.memory_space<hbm>> -> memref<8192x256xf32, #tpu.memory_space<hbm>>
    tpu.wait_indirect_dma semaphore(%arg7 : memref<!tpu.dma_semaphore, #tpu.memory_space<semaphore_mem>>) src(%dma_wait3A_6 : memref<8192x256xf32, #tpu.memory_space<hbm>>) dst(%arg6 : memref<32x256xf32, #tpu.memory_space<vmem>>)
    "tpu.region"() ({
      %run_scoped3A = tpu.sem_alloc : memref<!tpu.dma_semaphore, #tpu.memory_space<semaphore_mem>>
      %dma_start3A_7 = arith.constant 0 : i32
      %dma_start3A_8 = tpu.memref_slice %arg4[%mul3A_2, %dma_start3A_7] : memref<1024x256xf32, #tpu.memory_space<hbm>> -> memref<32x256xf32, #tpu.memory_space<hbm>>
      %dma_start3A_9 = arith.constant 0 : i32
      %dma_start3A_10 = tpu.memref_slice %arg4[%mul3A_2, %dma_start3A_9] : memref<1024x256xf32, #tpu.memory_space<hbm>> -> memref<32x256xf32, #tpu.memory_space<hbm>>
      tpu.enqueue_dma source(%arg6 : memref<32x256xf32, #tpu.memory_space<vmem>>) target(%dma_start3A_10 : memref<32x256xf32, #tpu.memory_space<hbm>>) target_semaphore(%run_scoped3A : memref<!tpu.dma_semaphore, #tpu.memory_space<semaphore_mem>>)
      %dma_wait3A_11 = arith.constant 0 : i32
      %dma_wait3A_12 = tpu.memref_slice %arg4[%mul3A_2, %dma_wait3A_11] : memref<1024x256xf32, #tpu.memory_space<hbm>> -> memref<32x256xf32, #tpu.memory_space<hbm>>
      %dma_wait3A_13 = arith.constant 0 : i32
      %dma_wait3A_14 = tpu.memref_slice %arg4[%mul3A_2, %dma_wait3A_13] : memref<1024x256xf32, #tpu.memory_space<hbm>> -> memref<32x256xf32, #tpu.memory_space<hbm>>
      tpu.wait_dma2 semaphore(%run_scoped3A : memref<!tpu.dma_semaphore, #tpu.memory_space<semaphore_mem>>) src(%arg6 : memref<32x256xf32, #tpu.memory_space<vmem>>) dst(%dma_wait3A_14 : memref<32x256xf32, #tpu.memory_space<hbm>>)
      tpu.yield
    }) : () -> ()
    return
  }
}

#map = affine_map<(d0, d1) -> (0, 0)>
#map1 = affine_map<(d0, d1) -> (0)>
module attributes {stable_mosaic.version = 14 : i64} {
  func.func @gather(%arg0: i32, %arg1: i32, %arg2: memref<8192x256xf32, #tpu.memory_space<hbm>>, %arg3: memref<1024xi32, #tpu.memory_space<hbm>>, %arg4: memref<1024x256xf32, #tpu.memory_space<hbm>>, %arg5: memref<32xi32, #tpu.memory_space<vmem>>, %arg6: memref<32x256xf32, #tpu.memory_space<vmem>>, %arg7: memref<!tpu.dma_semaphore, #tpu.memory_space<semaphore_mem>>) attributes {dimension_semantics = [#tpu.dimension_semantics<core_parallel>, #tpu.dimension_semantics<subcore_parallel>], iteration_bounds = array<i64: 2, 16>, scalar_prefetch = 0 : i64, scratch_operands = 3 : i64, tpu.core_type = #tpu.core_type<sc_vector_subcore>, window_params = [{transform_indices = #map}, {transform_indices = #map1}, {transform_indices = #map}]} {
    %mul3A = arith.constant 2 : i32
    %mul3A_0 = arith.muli %arg1, %mul3A : i32
    %add3A = arith.addi %mul3A_0, %arg0 : i32
    %mul3A_1 = arith.constant 32 : i32
    %mul3A_2 = arith.muli %add3A, %mul3A_1 : i32
    "tpu.region"() ({
      %run_scoped3A = tpu.sem_alloc : memref<!tpu.dma_semaphore, #tpu.memory_space<semaphore_mem>>
      %dma_start3A_7 = tpu.memref_slice %arg3[%mul3A_2] : memref<1024xi32, #tpu.memory_space<hbm>> -> memref<32xi32, #tpu.memory_space<hbm>>
      %dma_start3A_8 = tpu.memref_slice %arg3[%mul3A_2] : memref<1024xi32, #tpu.memory_space<hbm>> -> memref<32xi32, #tpu.memory_space<hbm>>
      tpu.enqueue_dma source(%dma_start3A_8 : memref<32xi32, #tpu.memory_space<hbm>>) target(%arg5 : memref<32xi32, #tpu.memory_space<vmem>>) target_semaphore(%run_scoped3A : memref<!tpu.dma_semaphore, #tpu.memory_space<semaphore_mem>>)
      %dma_wait3A_9 = tpu.memref_slice %arg3[%mul3A_2] : memref<1024xi32, #tpu.memory_space<hbm>> -> memref<32xi32, #tpu.memory_space<hbm>>
      %dma_wait3A_10 = tpu.memref_slice %arg3[%mul3A_2] : memref<1024xi32, #tpu.memory_space<hbm>> -> memref<32xi32, #tpu.memory_space<hbm>>
      tpu.wait_dma2 semaphore(%run_scoped3A : memref<!tpu.dma_semaphore, #tpu.memory_space<semaphore_mem>>) src(%dma_wait3A_10 : memref<32xi32, #tpu.memory_space<hbm>>) dst(%arg5 : memref<32xi32, #tpu.memory_space<vmem>>)
      tpu.yield
    }) : () -> ()
    %dma_start3A = arith.constant 0 : i32
    %dma_start3A_3 = arith.constant 0 : i32
    %dma_start3A_4 = tpu.memref_slice %arg2[%dma_start3A, %dma_start3A_3] : memref<8192x256xf32, #tpu.memory_space<hbm>> -> memref<8192x256xf32, #tpu.memory_space<hbm>>
    tpu.enqueue_indirect_dma source(%dma_start3A_4 : memref<8192x256xf32, #tpu.memory_space<hbm>>) target(%arg6 : memref<32x256xf32, #tpu.memory_space<vmem>>) offsets(%arg5 : memref<32xi32, #tpu.memory_space<vmem>>) semaphore(%arg7 : memref<!tpu.dma_semaphore, #tpu.memory_space<semaphore_mem>>)
    %dma_wait3A = arith.constant 0 : i32
    %dma_wait3A_5 = arith.constant 0 : i32
    %dma_wait3A_6 = tpu.memref_slice %arg2[%dma_wait3A, %dma_wait3A_5] : memref<8192x256xf32, #tpu.memory_space<hbm>> -> memref<8192x256xf32, #tpu.memory_space<hbm>>
    tpu.wait_indirect_dma semaphore(%arg7 : memref<!tpu.dma_semaphore, #tpu.memory_space<semaphore_mem>>) src(%dma_wait3A_6 : memref<8192x256xf32, #tpu.memory_space<hbm>>) dst(%arg6 : memref<32x256xf32, #tpu.memory_space<vmem>>)
    "tpu.region"() ({
      %run_scoped3A = tpu.sem_alloc : memref<!tpu.dma_semaphore, #tpu.memory_space<semaphore_mem>>
      %dma_start3A_7 = arith.constant 0 : i32
      %dma_start3A_8 = tpu.memref_slice %arg4[%mul3A_2, %dma_start3A_7] : memref<1024x256xf32, #tpu.memory_space<hbm>> -> memref<32x256xf32, #tpu.memory_space<hbm>>
      %dma_start3A_9 = arith.constant 0 : i32
      %dma_start3A_10 = tpu.memref_slice %arg4[%mul3A_2, %dma_start3A_9] : memref<1024x256xf32, #tpu.memory_space<hbm>> -> memref<32x256xf32, #tpu.memory_space<hbm>>
      tpu.enqueue_dma source(%arg6 : memref<32x256xf32, #tpu.memory_space<vmem>>) target(%dma_start3A_10 : memref<32x256xf32, #tpu.memory_space<hbm>>) target_semaphore(%run_scoped3A : memref<!tpu.dma_semaphore, #tpu.memory_space<semaphore_mem>>)
      %dma_wait3A_11 = arith.constant 0 : i32
      %dma_wait3A_12 = tpu.memref_slice %arg4[%mul3A_2, %dma_wait3A_11] : memref<1024x256xf32, #tpu.memory_space<hbm>> -> memref<32x256xf32, #tpu.memory_space<hbm>>
      %dma_wait3A_13 = arith.constant 0 : i32
      %dma_wait3A_14 = tpu.memref_slice %arg4[%mul3A_2, %dma_wait3A_13] : memref<1024x256xf32, #tpu.memory_space<hbm>> -> memref<32x256xf32, #tpu.memory_space<hbm>>
      tpu.wait_dma2 semaphore(%run_scoped3A : memref<!tpu.dma_semaphore, #tpu.memory_space<semaphore_mem>>) src(%arg6 : memref<32x256xf32, #tpu.memory_space<vmem>>) dst(%dma_wait3A_14 : memref<32x256xf32, #tpu.memory_space<hbm>>)
      tpu.yield
    }) : () -> ()
    return
  }
}

#map = affine_map<(d0, d1) -> (0, 0)>
#map1 = affine_map<(d0, d1) -> (0)>
module attributes {stable_mosaic.version = 14 : i64} {
  func.func @gather(%arg0: i32, %arg1: i32, %arg2: memref<8192x256xf32, #tpu.memory_space<hbm>>, %arg3: memref<1024xi32, #tpu.memory_space<hbm>>, %arg4: memref<1024x256xf32, #tpu.memory_space<hbm>>, %arg5: memref<32xi32, #tpu.memory_space<vmem>>, %arg6: memref<32x256xf32, #tpu.memory_space<vmem>>, %arg7: memref<!tpu.dma_semaphore, #tpu.memory_space<semaphore_mem>>) attributes {dimension_semantics = [#tpu.dimension_semantics<core_parallel>, #tpu.dimension_semantics<subcore_parallel>], iteration_bounds = array<i64: 2, 16>, scalar_prefetch = 0 : i64, scratch_operands = 3 : i64, tpu.core_type = #tpu.core_type<sc_vector_subcore>, window_params = [{transform_indices = #map}, {transform_indices = #map1}, {transform_indices = #map}]} {
    %mul3A = arith.constant 2 : i32
    %mul3A_0 = arith.muli %arg1, %mul3A : i32
    %add3A = arith.addi %mul3A_0, %arg0 : i32
    %mul3A_1 = arith.constant 32 : i32
    %mul3A_2 = arith.muli %add3A, %mul3A_1 : i32
    "tpu.region"() ({
      %run_scoped3A = tpu.sem_alloc : memref<!tpu.dma_semaphore, #tpu.memory_space<semaphore_mem>>
      %dma_start3A_7 = tpu.memref_slice %arg3[%mul3A_2] : memref<1024xi32, #tpu.memory_space<hbm>> -> memref<32xi32, #tpu.memory_space<hbm>>
      %dma_start3A_8 = tpu.memref_slice %arg3[%mul3A_2] : memref<1024xi32, #tpu.memory_space<hbm>> -> memref<32xi32, #tpu.memory_space<hbm>>
      tpu.enqueue_dma source(%dma_start3A_8 : memref<32xi32, #tpu.memory_space<hbm>>) target(%arg5 : memref<32xi32, #tpu.memory_space<vmem>>) target_semaphore(%run_scoped3A : memref<!tpu.dma_semaphore, #tpu.memory_space<semaphore_mem>>)
      %dma_wait3A_9 = tpu.memref_slice %arg3[%mul3A_2] : memref<1024xi32, #tpu.memory_space<hbm>> -> memref<32xi32, #tpu.memory_space<hbm>>
      %dma_wait3A_10 = tpu.memref_slice %arg3[%mul3A_2] : memref<1024xi32, #tpu.memory_space<hbm>> -> memref<32xi32, #tpu.memory_space<hbm>>
      tpu.wait_dma2 semaphore(%run_scoped3A : memref<!tpu.dma_semaphore, #tpu.memory_space<semaphore_mem>>) src(%dma_wait3A_10 : memref<32xi32, #tpu.memory_space<hbm>>) dst(%arg5 : memref<32xi32, #tpu.memory_space<vmem>>)
      tpu.yield
    }) : () -> ()
    %dma_start3A = arith.constant 0 : i32
    %dma_start3A_3 = arith.constant 0 : i32
    %dma_start3A_4 = tpu.memref_slice %arg2[%dma_start3A, %dma_start3A_3] : memref<8192x256xf32, #tpu.memory_space<hbm>> -> memref<8192x256xf32, #tpu.memory_space<hbm>>
    tpu.enqueue_indirect_dma source(%dma_start3A_4 : memref<8192x256xf32, #tpu.memory_space<hbm>>) target(%arg6 : memref<32x256xf32, #tpu.memory_space<vmem>>) offsets(%arg5 : memref<32xi32, #tpu.memory_space<vmem>>) semaphore(%arg7 : memref<!tpu.dma_semaphore, #tpu.memory_space<semaphore_mem>>)
    %dma_wait3A = arith.constant 0 : i32
    %dma_wait3A_5 = arith.constant 0 : i32
    %dma_wait3A_6 = tpu.memref_slice %arg2[%dma_wait3A, %dma_wait3A_5] : memref<8192x256xf32, #tpu.memory_space<hbm>> -> memref<8192x256xf32, #tpu.memory_space<hbm>>
    tpu.wait_indirect_dma semaphore(%arg7 : memref<!tpu.dma_semaphore, #tpu.memory_space<semaphore_mem>>) src(%dma_wait3A_6 : memref<8192x256xf32, #tpu.memory_space<hbm>>) dst(%arg6 : memref<32x256xf32, #tpu.memory_space<vmem>>)
    "tpu.region"() ({
      %run_scoped3A = tpu.sem_alloc : memref<!tpu.dma_semaphore, #tpu.memory_space<semaphore_mem>>
      %dma_start3A_7 = arith.constant 0 : i32
      %dma_start3A_8 = tpu.memref_slice %arg4[%mul3A_2, %dma_start3A_7] : memref<1024x256xf32, #tpu.memory_space<hbm>> -> memref<32x256xf32, #tpu.memory_space<hbm>>
      %dma_start3A_9 = arith.constant 0 : i32
      %dma_start3A_10 = tpu.memref_slice %arg4[%mul3A_2, %dma_start3A_9] : memref<1024x256xf32, #tpu.memory_space<hbm>> -> memref<32x256xf32, #tpu.memory_space<hbm>>
      tpu.enqueue_dma source(%arg6 : memref<32x256xf32, #tpu.memory_space<vmem>>) target(%dma_start3A_10 : memref<32x256xf32, #tpu.memory_space<hbm>>) target_semaphore(%run_scoped3A : memref<!tpu.dma_semaphore, #tpu.memory_space<semaphore_mem>>)
      %dma_wait3A_11 = arith.constant 0 : i32
      %dma_wait3A_12 = tpu.memref_slice %arg4[%mul3A_2, %dma_wait3A_11] : memref<1024x256xf32, #tpu.memory_space<hbm>> -> memref<32x256xf32, #tpu.memory_space<hbm>>
      %dma_wait3A_13 = arith.constant 0 : i32
      %dma_wait3A_14 = tpu.memref_slice %arg4[%mul3A_2, %dma_wait3A_13] : memref<1024x256xf32, #tpu.memory_space<hbm>> -> memref<32x256xf32, #tpu.memory_space<hbm>>
      tpu.wait_dma2 semaphore(%run_scoped3A : memref<!tpu.dma_semaphore, #tpu.memory_space<semaphore_mem>>) src(%arg6 : memref<32x256xf32, #tpu.memory_space<vmem>>) dst(%dma_wait3A_14 : memref<32x256xf32, #tpu.memory_space<hbm>>)
      tpu.yield
    }) : () -> ()
    return
  }
}

#map = affine_map<(d0, d1) -> (0, 0)>
#map1 = affine_map<(d0, d1) -> (0)>
module attributes {stable_mosaic.version = 14 : i64} {
  func.func @gather(%arg0: i32, %arg1: i32, %arg2: memref<8192x256xf32, #tpu.memory_space<hbm>>, %arg3: memref<1024xi32, #tpu.memory_space<hbm>>, %arg4: memref<1024x256xf32, #tpu.memory_space<hbm>>, %arg5: memref<32xi32, #tpu.memory_space<vmem>>, %arg6: memref<32x256xf32, #tpu.memory_space<vmem>>, %arg7: memref<!tpu.dma_semaphore, #tpu.memory_space<semaphore_mem>>) attributes {dimension_semantics = [#tpu.dimension_semantics<core_parallel>, #tpu.dimension_semantics<subcore_parallel>], iteration_bounds = array<i64: 2, 16>, scalar_prefetch = 0 : i64, scratch_operands = 3 : i64, tpu.core_type = #tpu.core_type<sc_vector_subcore>, window_params = [{transform_indices = #map}, {transform_indices = #map1}, {transform_indices = #map}]} {
    %mul3A = arith.constant 2 : i32
    %mul3A_0 = arith.muli %arg1, %mul3A : i32
    %add3A = arith.addi %mul3A_0, %arg0 : i32
    %mul3A_1 = arith.constant 32 : i32
    %mul3A_2 = arith.muli %add3A, %mul3A_1 : i32
    "tpu.region"() ({
      %run_scoped3A = tpu.sem_alloc : memref<!tpu.dma_semaphore, #tpu.memory_space<semaphore_mem>>
      %dma_start3A_7 = tpu.memref_slice %arg3[%mul3A_2] : memref<1024xi32, #tpu.memory_space<hbm>> -> memref<32xi32, #tpu.memory_space<hbm>>
      %dma_start3A_8 = tpu.memref_slice %arg3[%mul3A_2] : memref<1024xi32, #tpu.memory_space<hbm>> -> memref<32xi32, #tpu.memory_space<hbm>>
      tpu.enqueue_dma source(%dma_start3A_8 : memref<32xi32, #tpu.memory_space<hbm>>) target(%arg5 : memref<32xi32, #tpu.memory_space<vmem>>) target_semaphore(%run_scoped3A : memref<!tpu.dma_semaphore, #tpu.memory_space<semaphore_mem>>)
      %dma_wait3A_9 = tpu.memref_slice %arg3[%mul3A_2] : memref<1024xi32, #tpu.memory_space<hbm>> -> memref<32xi32, #tpu.memory_space<hbm>>
      %dma_wait3A_10 = tpu.memref_slice %arg3[%mul3A_2] : memref<1024xi32, #tpu.memory_space<hbm>> -> memref<32xi32, #tpu.memory_space<hbm>>
      tpu.wait_dma2 semaphore(%run_scoped3A : memref<!tpu.dma_semaphore, #tpu.memory_space<semaphore_mem>>) src(%dma_wait3A_10 : memref<32xi32, #tpu.memory_space<hbm>>) dst(%arg5 : memref<32xi32, #tpu.memory_space<vmem>>)
      tpu.yield
    }) : () -> ()
    %dma_start3A = arith.constant 0 : i32
    %dma_start3A_3 = arith.constant 0 : i32
    %dma_start3A_4 = tpu.memref_slice %arg2[%dma_start3A, %dma_start3A_3] : memref<8192x256xf32, #tpu.memory_space<hbm>> -> memref<8192x256xf32, #tpu.memory_space<hbm>>
    tpu.enqueue_indirect_dma source(%dma_start3A_4 : memref<8192x256xf32, #tpu.memory_space<hbm>>) target(%arg6 : memref<32x256xf32, #tpu.memory_space<vmem>>) offsets(%arg5 : memref<32xi32, #tpu.memory_space<vmem>>) semaphore(%arg7 : memref<!tpu.dma_semaphore, #tpu.memory_space<semaphore_mem>>)
    %dma_wait3A = arith.constant 0 : i32
    %dma_wait3A_5 = arith.constant 0 : i32
    %dma_wait3A_6 = tpu.memref_slice %arg2[%dma_wait3A, %dma_wait3A_5] : memref<8192x256xf32, #tpu.memory_space<hbm>> -> memref<8192x256xf32, #tpu.memory_space<hbm>>
    tpu.wait_indirect_dma semaphore(%arg7 : memref<!tpu.dma_semaphore, #tpu.memory_space<semaphore_mem>>) src(%dma_wait3A_6 : memref<8192x256xf32, #tpu.memory_space<hbm>>) dst(%arg6 : memref<32x256xf32, #tpu.memory_space<vmem>>)
    "tpu.region"() ({
      %run_scoped3A = tpu.sem_alloc : memref<!tpu.dma_semaphore, #tpu.memory_space<semaphore_mem>>
      %dma_start3A_7 = arith.constant 0 : i32
      %dma_start3A_8 = tpu.memref_slice %arg4[%mul3A_2, %dma_start3A_7] : memref<1024x256xf32, #tpu.memory_space<hbm>> -> memref<32x256xf32, #tpu.memory_space<hbm>>
      %dma_start3A_9 = arith.constant 0 : i32
      %dma_start3A_10 = tpu.memref_slice %arg4[%mul3A_2, %dma_start3A_9] : memref<1024x256xf32, #tpu.memory_space<hbm>> -> memref<32x256xf32, #tpu.memory_space<hbm>>
      tpu.enqueue_dma source(%arg6 : memref<32x256xf32, #tpu.memory_space<vmem>>) target(%dma_start3A_10 : memref<32x256xf32, #tpu.memory_space<hbm>>) target_semaphore(%run_scoped3A : memref<!tpu.dma_semaphore, #tpu.memory_space<semaphore_mem>>)
      %dma_wait3A_11 = arith.constant 0 : i32
      %dma_wait3A_12 = tpu.memref_slice %arg4[%mul3A_2, %dma_wait3A_11] : memref<1024x256xf32, #tpu.memory_space<hbm>> -> memref<32x256xf32, #tpu.memory_space<hbm>>
      %dma_wait3A_13 = arith.constant 0 : i32
      %dma_wait3A_14 = tpu.memref_slice %arg4[%mul3A_2, %dma_wait3A_13] : memref<1024x256xf32, #tpu.memory_space<hbm>> -> memref<32x256xf32, #tpu.memory_space<hbm>>
      tpu.wait_dma2 semaphore(%run_scoped3A : memref<!tpu.dma_semaphore, #tpu.memory_space<semaphore_mem>>) src(%arg6 : memref<32x256xf32, #tpu.memory_space<vmem>>) dst(%dma_wait3A_14 : memref<32x256xf32, #tpu.memory_space<hbm>>)
      tpu.yield
    }) : () -> ()
    return
  }
}

#map = affine_map<(d0, d1) -> (0, 0)>
#map1 = affine_map<(d0, d1) -> (0)>
module attributes {stable_mosaic.version = 14 : i64} {
  func.func @gather(%arg0: i32, %arg1: i32, %arg2: memref<8192x256xf32, #tpu.memory_space<hbm>>, %arg3: memref<1024xi32, #tpu.memory_space<hbm>>, %arg4: memref<1024x256xf32, #tpu.memory_space<hbm>>, %arg5: memref<32xi32, #tpu.memory_space<vmem>>, %arg6: memref<32x256xf32, #tpu.memory_space<vmem>>, %arg7: memref<!tpu.dma_semaphore, #tpu.memory_space<semaphore_mem>>) attributes {dimension_semantics = [#tpu.dimension_semantics<core_parallel>, #tpu.dimension_semantics<subcore_parallel>], iteration_bounds = array<i64: 2, 16>, scalar_prefetch = 0 : i64, scratch_operands = 3 : i64, tpu.core_type = #tpu.core_type<sc_vector_subcore>, window_params = [{transform_indices = #map}, {transform_indices = #map1}, {transform_indices = #map}]} {
    %mul3A = arith.constant 2 : i32
    %mul3A_0 = arith.muli %arg1, %mul3A : i32
    %add3A = arith.addi %mul3A_0, %arg0 : i32
    %mul3A_1 = arith.constant 32 : i32
    %mul3A_2 = arith.muli %add3A, %mul3A_1 : i32
    "tpu.region"() ({
      %run_scoped3A = tpu.sem_alloc : memref<!tpu.dma_semaphore, #tpu.memory_space<semaphore_mem>>
      %dma_start3A_7 = tpu.memref_slice %arg3[%mul3A_2] : memref<1024xi32, #tpu.memory_space<hbm>> -> memref<32xi32, #tpu.memory_space<hbm>>
      %dma_start3A_8 = tpu.memref_slice %arg3[%mul3A_2] : memref<1024xi32, #tpu.memory_space<hbm>> -> memref<32xi32, #tpu.memory_space<hbm>>
      tpu.enqueue_dma source(%dma_start3A_8 : memref<32xi32, #tpu.memory_space<hbm>>) target(%arg5 : memref<32xi32, #tpu.memory_space<vmem>>) target_semaphore(%run_scoped3A : memref<!tpu.dma_semaphore, #tpu.memory_space<semaphore_mem>>)
      %dma_wait3A_9 = tpu.memref_slice %arg3[%mul3A_2] : memref<1024xi32, #tpu.memory_space<hbm>> -> memref<32xi32, #tpu.memory_space<hbm>>
      %dma_wait3A_10 = tpu.memref_slice %arg3[%mul3A_2] : memref<1024xi32, #tpu.memory_space<hbm>> -> memref<32xi32, #tpu.memory_space<hbm>>
      tpu.wait_dma2 semaphore(%run_scoped3A : memref<!tpu.dma_semaphore, #tpu.memory_space<semaphore_mem>>) src(%dma_wait3A_10 : memref<32xi32, #tpu.memory_space<hbm>>) dst(%arg5 : memref<32xi32, #tpu.memory_space<vmem>>)
      tpu.yield
    }) : () -> ()
    %dma_start3A = arith.constant 0 : i32
    %dma_start3A_3 = arith.constant 0 : i32
    %dma_start3A_4 = tpu.memref_slice %arg2[%dma_start3A, %dma_start3A_3] : memref<8192x256xf32, #tpu.memory_space<hbm>> -> memref<8192x256xf32, #tpu.memory_space<hbm>>
    tpu.enqueue_indirect_dma source(%dma_start3A_4 : memref<8192x256xf32, #tpu.memory_space<hbm>>) target(%arg6 : memref<32x256xf32, #tpu.memory_space<vmem>>) offsets(%arg5 : memref<32xi32, #tpu.memory_space<vmem>>) semaphore(%arg7 : memref<!tpu.dma_semaphore, #tpu.memory_space<semaphore_mem>>)
    %dma_wait3A = arith.constant 0 : i32
    %dma_wait3A_5 = arith.constant 0 : i32
    %dma_wait3A_6 = tpu.memref_slice %arg2[%dma_wait3A, %dma_wait3A_5] : memref<8192x256xf32, #tpu.memory_space<hbm>> -> memref<8192x256xf32, #tpu.memory_space<hbm>>
    tpu.wait_indirect_dma semaphore(%arg7 : memref<!tpu.dma_semaphore, #tpu.memory_space<semaphore_mem>>) src(%dma_wait3A_6 : memref<8192x256xf32, #tpu.memory_space<hbm>>) dst(%arg6 : memref<32x256xf32, #tpu.memory_space<vmem>>)
    "tpu.region"() ({
      %run_scoped3A = tpu.sem_alloc : memref<!tpu.dma_semaphore, #tpu.memory_space<semaphore_mem>>
      %dma_start3A_7 = arith.constant 0 : i32
      %dma_start3A_8 = tpu.memref_slice %arg4[%mul3A_2, %dma_start3A_7] : memref<1024x256xf32, #tpu.memory_space<hbm>> -> memref<32x256xf32, #tpu.memory_space<hbm>>
      %dma_start3A_9 = arith.constant 0 : i32
      %dma_start3A_10 = tpu.memref_slice %arg4[%mul3A_2, %dma_start3A_9] : memref<1024x256xf32, #tpu.memory_space<hbm>> -> memref<32x256xf32, #tpu.memory_space<hbm>>
      tpu.enqueue_dma source(%arg6 : memref<32x256xf32, #tpu.memory_space<vmem>>) target(%dma_start3A_10 : memref<32x256xf32, #tpu.memory_space<hbm>>) target_semaphore(%run_scoped3A : memref<!tpu.dma_semaphore, #tpu.memory_space<semaphore_mem>>)
      %dma_wait3A_11 = arith.constant 0 : i32
      %dma_wait3A_12 = tpu.memref_slice %arg4[%mul3A_2, %dma_wait3A_11] : memref<1024x256xf32, #tpu.memory_space<hbm>> -> memref<32x256xf32, #tpu.memory_space<hbm>>
      %dma_wait3A_13 = arith.constant 0 : i32
      %dma_wait3A_14 = tpu.memref_slice %arg4[%mul3A_2, %dma_wait3A_13] : memref<1024x256xf32, #tpu.memory_space<hbm>> -> memref<32x256xf32, #tpu.memory_space<hbm>>
      tpu.wait_dma2 semaphore(%run_scoped3A : memref<!tpu.dma_semaphore, #tpu.memory_space<semaphore_mem>>) src(%arg6 : memref<32x256xf32, #tpu.memory_space<vmem>>) dst(%dma_wait3A_14 : memref<32x256xf32, #tpu.memory_space<hbm>>)
      tpu.yield
    }) : () -> ()
    return
  }
}

#map = affine_map<(d0, d1) -> (0, 0)>
#map1 = affine_map<(d0, d1) -> (0)>
module attributes {stable_mosaic.version = 14 : i64} {
  func.func @gather(%arg0: i32, %arg1: i32, %arg2: memref<8192x256xf32, #tpu.memory_space<hbm>>, %arg3: memref<1024xi32, #tpu.memory_space<hbm>>, %arg4: memref<1024x256xf32, #tpu.memory_space<hbm>>, %arg5: memref<32xi32, #tpu.memory_space<vmem>>, %arg6: memref<32x256xf32, #tpu.memory_space<vmem>>, %arg7: memref<!tpu.dma_semaphore, #tpu.memory_space<semaphore_mem>>) attributes {dimension_semantics = [#tpu.dimension_semantics<core_parallel>, #tpu.dimension_semantics<subcore_parallel>], iteration_bounds = array<i64: 2, 16>, scalar_prefetch = 0 : i64, scratch_operands = 3 : i64, tpu.core_type = #tpu.core_type<sc_vector_subcore>, window_params = [{transform_indices = #map}, {transform_indices = #map1}, {transform_indices = #map}]} {
    %mul3A = arith.constant 2 : i32
    %mul3A_0 = arith.muli %arg1, %mul3A : i32
    %add3A = arith.addi %mul3A_0, %arg0 : i32
    %mul3A_1 = arith.constant 32 : i32
    %mul3A_2 = arith.muli %add3A, %mul3A_1 : i32
    "tpu.region"() ({
      %run_scoped3A = tpu.sem_alloc : memref<!tpu.dma_semaphore, #tpu.memory_space<semaphore_mem>>
      %dma_start3A_7 = tpu.memref_slice %arg3[%mul3A_2] : memref<1024xi32, #tpu.memory_space<hbm>> -> memref<32xi32, #tpu.memory_space<hbm>>
      %dma_start3A_8 = tpu.memref_slice %arg3[%mul3A_2] : memref<1024xi32, #tpu.memory_space<hbm>> -> memref<32xi32, #tpu.memory_space<hbm>>
      tpu.enqueue_dma source(%dma_start3A_8 : memref<32xi32, #tpu.memory_space<hbm>>) target(%arg5 : memref<32xi32, #tpu.memory_space<vmem>>) target_semaphore(%run_scoped3A : memref<!tpu.dma_semaphore, #tpu.memory_space<semaphore_mem>>)
      %dma_wait3A_9 = tpu.memref_slice %arg3[%mul3A_2] : memref<1024xi32, #tpu.memory_space<hbm>> -> memref<32xi32, #tpu.memory_space<hbm>>
      %dma_wait3A_10 = tpu.memref_slice %arg3[%mul3A_2] : memref<1024xi32, #tpu.memory_space<hbm>> -> memref<32xi32, #tpu.memory_space<hbm>>
      tpu.wait_dma2 semaphore(%run_scoped3A : memref<!tpu.dma_semaphore, #tpu.memory_space<semaphore_mem>>) src(%dma_wait3A_10 : memref<32xi32, #tpu.memory_space<hbm>>) dst(%arg5 : memref<32xi32, #tpu.memory_space<vmem>>)
      tpu.yield
    }) : () -> ()
    %dma_start3A = arith.constant 0 : i32
    %dma_start3A_3 = arith.constant 0 : i32
    %dma_start3A_4 = tpu.memref_slice %arg2[%dma_start3A, %dma_start3A_3] : memref<8192x256xf32, #tpu.memory_space<hbm>> -> memref<8192x256xf32, #tpu.memory_space<hbm>>
    tpu.enqueue_indirect_dma source(%dma_start3A_4 : memref<8192x256xf32, #tpu.memory_space<hbm>>) target(%arg6 : memref<32x256xf32, #tpu.memory_space<vmem>>) offsets(%arg5 : memref<32xi32, #tpu.memory_space<vmem>>) semaphore(%arg7 : memref<!tpu.dma_semaphore, #tpu.memory_space<semaphore_mem>>)
    %dma_wait3A = arith.constant 0 : i32
    %dma_wait3A_5 = arith.constant 0 : i32
    %dma_wait3A_6 = tpu.memref_slice %arg2[%dma_wait3A, %dma_wait3A_5] : memref<8192x256xf32, #tpu.memory_space<hbm>> -> memref<8192x256xf32, #tpu.memory_space<hbm>>
    tpu.wait_indirect_dma semaphore(%arg7 : memref<!tpu.dma_semaphore, #tpu.memory_space<semaphore_mem>>) src(%dma_wait3A_6 : memref<8192x256xf32, #tpu.memory_space<hbm>>) dst(%arg6 : memref<32x256xf32, #tpu.memory_space<vmem>>)
    "tpu.region"() ({
      %run_scoped3A = tpu.sem_alloc : memref<!tpu.dma_semaphore, #tpu.memory_space<semaphore_mem>>
      %dma_start3A_7 = arith.constant 0 : i32
      %dma_start3A_8 = tpu.memref_slice %arg4[%mul3A_2, %dma_start3A_7] : memref<1024x256xf32, #tpu.memory_space<hbm>> -> memref<32x256xf32, #tpu.memory_space<hbm>>
      %dma_start3A_9 = arith.constant 0 : i32
      %dma_start3A_10 = tpu.memref_slice %arg4[%mul3A_2, %dma_start3A_9] : memref<1024x256xf32, #tpu.memory_space<hbm>> -> memref<32x256xf32, #tpu.memory_space<hbm>>
      tpu.enqueue_dma source(%arg6 : memref<32x256xf32, #tpu.memory_space<vmem>>) target(%dma_start3A_10 : memref<32x256xf32, #tpu.memory_space<hbm>>) target_semaphore(%run_scoped3A : memref<!tpu.dma_semaphore, #tpu.memory_space<semaphore_mem>>)
      %dma_wait3A_11 = arith.constant 0 : i32
      %dma_wait3A_12 = tpu.memref_slice %arg4[%mul3A_2, %dma_wait3A_11] : memref<1024x256xf32, #tpu.memory_space<hbm>> -> memref<32x256xf32, #tpu.memory_space<hbm>>
      %dma_wait3A_13 = arith.constant 0 : i32
      %dma_wait3A_14 = tpu.memref_slice %arg4[%mul3A_2, %dma_wait3A_13] : memref<1024x256xf32, #tpu.memory_space<hbm>> -> memref<32x256xf32, #tpu.memory_space<hbm>>
      tpu.wait_dma2 semaphore(%run_scoped3A : memref<!tpu.dma_semaphore, #tpu.memory_space<semaphore_mem>>) src(%arg6 : memref<32x256xf32, #tpu.memory_space<vmem>>) dst(%dma_wait3A_14 : memref<32x256xf32, #tpu.memory_space<hbm>>)
      tpu.yield
    }) : () -> ()
    return
  }
}

#map = affine_map<(d0, d1) -> (0, 0)>
#map1 = affine_map<(d0, d1) -> (0)>
module attributes {stable_mosaic.version = 14 : i64} {
  func.func @gather(%arg0: i32, %arg1: i32, %arg2: memref<8192x256xf32, #tpu.memory_space<hbm>>, %arg3: memref<1024xi32, #tpu.memory_space<hbm>>, %arg4: memref<1024x256xf32, #tpu.memory_space<hbm>>, %arg5: memref<32xi32, #tpu.memory_space<vmem>>, %arg6: memref<32x256xf32, #tpu.memory_space<vmem>>, %arg7: memref<!tpu.dma_semaphore, #tpu.memory_space<semaphore_mem>>) attributes {dimension_semantics = [#tpu.dimension_semantics<core_parallel>, #tpu.dimension_semantics<subcore_parallel>], iteration_bounds = array<i64: 2, 16>, scalar_prefetch = 0 : i64, scratch_operands = 3 : i64, tpu.core_type = #tpu.core_type<sc_vector_subcore>, window_params = [{transform_indices = #map}, {transform_indices = #map1}, {transform_indices = #map}]} {
    %mul3A = arith.constant 2 : i32
    %mul3A_0 = arith.muli %arg1, %mul3A : i32
    %add3A = arith.addi %mul3A_0, %arg0 : i32
    %mul3A_1 = arith.constant 32 : i32
    %mul3A_2 = arith.muli %add3A, %mul3A_1 : i32
    "tpu.region"() ({
      %run_scoped3A = tpu.sem_alloc : memref<!tpu.dma_semaphore, #tpu.memory_space<semaphore_mem>>
      %dma_start3A_7 = tpu.memref_slice %arg3[%mul3A_2] : memref<1024xi32, #tpu.memory_space<hbm>> -> memref<32xi32, #tpu.memory_space<hbm>>
      %dma_start3A_8 = tpu.memref_slice %arg3[%mul3A_2] : memref<1024xi32, #tpu.memory_space<hbm>> -> memref<32xi32, #tpu.memory_space<hbm>>
      tpu.enqueue_dma source(%dma_start3A_8 : memref<32xi32, #tpu.memory_space<hbm>>) target(%arg5 : memref<32xi32, #tpu.memory_space<vmem>>) target_semaphore(%run_scoped3A : memref<!tpu.dma_semaphore, #tpu.memory_space<semaphore_mem>>)
      %dma_wait3A_9 = tpu.memref_slice %arg3[%mul3A_2] : memref<1024xi32, #tpu.memory_space<hbm>> -> memref<32xi32, #tpu.memory_space<hbm>>
      %dma_wait3A_10 = tpu.memref_slice %arg3[%mul3A_2] : memref<1024xi32, #tpu.memory_space<hbm>> -> memref<32xi32, #tpu.memory_space<hbm>>
      tpu.wait_dma2 semaphore(%run_scoped3A : memref<!tpu.dma_semaphore, #tpu.memory_space<semaphore_mem>>) src(%dma_wait3A_10 : memref<32xi32, #tpu.memory_space<hbm>>) dst(%arg5 : memref<32xi32, #tpu.memory_space<vmem>>)
      tpu.yield
    }) : () -> ()
    %dma_start3A = arith.constant 0 : i32
    %dma_start3A_3 = arith.constant 0 : i32
    %dma_start3A_4 = tpu.memref_slice %arg2[%dma_start3A, %dma_start3A_3] : memref<8192x256xf32, #tpu.memory_space<hbm>> -> memref<8192x256xf32, #tpu.memory_space<hbm>>
    tpu.enqueue_indirect_dma source(%dma_start3A_4 : memref<8192x256xf32, #tpu.memory_space<hbm>>) target(%arg6 : memref<32x256xf32, #tpu.memory_space<vmem>>) offsets(%arg5 : memref<32xi32, #tpu.memory_space<vmem>>) semaphore(%arg7 : memref<!tpu.dma_semaphore, #tpu.memory_space<semaphore_mem>>)
    %dma_wait3A = arith.constant 0 : i32
    %dma_wait3A_5 = arith.constant 0 : i32
    %dma_wait3A_6 = tpu.memref_slice %arg2[%dma_wait3A, %dma_wait3A_5] : memref<8192x256xf32, #tpu.memory_space<hbm>> -> memref<8192x256xf32, #tpu.memory_space<hbm>>
    tpu.wait_indirect_dma semaphore(%arg7 : memref<!tpu.dma_semaphore, #tpu.memory_space<semaphore_mem>>) src(%dma_wait3A_6 : memref<8192x256xf32, #tpu.memory_space<hbm>>) dst(%arg6 : memref<32x256xf32, #tpu.memory_space<vmem>>)
    "tpu.region"() ({
      %run_scoped3A = tpu.sem_alloc : memref<!tpu.dma_semaphore, #tpu.memory_space<semaphore_mem>>
      %dma_start3A_7 = arith.constant 0 : i32
      %dma_start3A_8 = tpu.memref_slice %arg4[%mul3A_2, %dma_start3A_7] : memref<1024x256xf32, #tpu.memory_space<hbm>> -> memref<32x256xf32, #tpu.memory_space<hbm>>
      %dma_start3A_9 = arith.constant 0 : i32
      %dma_start3A_10 = tpu.memref_slice %arg4[%mul3A_2, %dma_start3A_9] : memref<1024x256xf32, #tpu.memory_space<hbm>> -> memref<32x256xf32, #tpu.memory_space<hbm>>
      tpu.enqueue_dma source(%arg6 : memref<32x256xf32, #tpu.memory_space<vmem>>) target(%dma_start3A_10 : memref<32x256xf32, #tpu.memory_space<hbm>>) target_semaphore(%run_scoped3A : memref<!tpu.dma_semaphore, #tpu.memory_space<semaphore_mem>>)
      %dma_wait3A_11 = arith.constant 0 : i32
      %dma_wait3A_12 = tpu.memref_slice %arg4[%mul3A_2, %dma_wait3A_11] : memref<1024x256xf32, #tpu.memory_space<hbm>> -> memref<32x256xf32, #tpu.memory_space<hbm>>
      %dma_wait3A_13 = arith.constant 0 : i32
      %dma_wait3A_14 = tpu.memref_slice %arg4[%mul3A_2, %dma_wait3A_13] : memref<1024x256xf32, #tpu.memory_space<hbm>> -> memref<32x256xf32, #tpu.memory_space<hbm>>
      tpu.wait_dma2 semaphore(%run_scoped3A : memref<!tpu.dma_semaphore, #tpu.memory_space<semaphore_mem>>) src(%arg6 : memref<32x256xf32, #tpu.memory_space<vmem>>) dst(%dma_wait3A_14 : memref<32x256xf32, #tpu.memory_space<hbm>>)
      tpu.yield
    }) : () -> ()
    return
  }
}

#map = affine_map<(d0, d1) -> (0, 0)>
#map1 = affine_map<(d0, d1) -> (0)>
module attributes {stable_mosaic.version = 14 : i64} {
  func.func @gather(%arg0: i32, %arg1: i32, %arg2: memref<8192x256xf32, #tpu.memory_space<hbm>>, %arg3: memref<1024xi32, #tpu.memory_space<hbm>>, %arg4: memref<1024x256xf32, #tpu.memory_space<hbm>>, %arg5: memref<32xi32, #tpu.memory_space<vmem>>, %arg6: memref<32x256xf32, #tpu.memory_space<vmem>>, %arg7: memref<!tpu.dma_semaphore, #tpu.memory_space<semaphore_mem>>) attributes {dimension_semantics = [#tpu.dimension_semantics<core_parallel>, #tpu.dimension_semantics<subcore_parallel>], iteration_bounds = array<i64: 2, 16>, scalar_prefetch = 0 : i64, scratch_operands = 3 : i64, tpu.core_type = #tpu.core_type<sc_vector_subcore>, window_params = [{transform_indices = #map}, {transform_indices = #map1}, {transform_indices = #map}]} {
    %mul3A = arith.constant 2 : i32
    %mul3A_0 = arith.muli %arg1, %mul3A : i32
    %add3A = arith.addi %mul3A_0, %arg0 : i32
    %mul3A_1 = arith.constant 32 : i32
    %mul3A_2 = arith.muli %add3A, %mul3A_1 : i32
    "tpu.region"() ({
      %run_scoped3A = tpu.sem_alloc : memref<!tpu.dma_semaphore, #tpu.memory_space<semaphore_mem>>
      %dma_start3A_7 = tpu.memref_slice %arg3[%mul3A_2] : memref<1024xi32, #tpu.memory_space<hbm>> -> memref<32xi32, #tpu.memory_space<hbm>>
      %dma_start3A_8 = tpu.memref_slice %arg3[%mul3A_2] : memref<1024xi32, #tpu.memory_space<hbm>> -> memref<32xi32, #tpu.memory_space<hbm>>
      tpu.enqueue_dma source(%dma_start3A_8 : memref<32xi32, #tpu.memory_space<hbm>>) target(%arg5 : memref<32xi32, #tpu.memory_space<vmem>>) target_semaphore(%run_scoped3A : memref<!tpu.dma_semaphore, #tpu.memory_space<semaphore_mem>>)
      %dma_wait3A_9 = tpu.memref_slice %arg3[%mul3A_2] : memref<1024xi32, #tpu.memory_space<hbm>> -> memref<32xi32, #tpu.memory_space<hbm>>
      %dma_wait3A_10 = tpu.memref_slice %arg3[%mul3A_2] : memref<1024xi32, #tpu.memory_space<hbm>> -> memref<32xi32, #tpu.memory_space<hbm>>
      tpu.wait_dma2 semaphore(%run_scoped3A : memref<!tpu.dma_semaphore, #tpu.memory_space<semaphore_mem>>) src(%dma_wait3A_10 : memref<32xi32, #tpu.memory_space<hbm>>) dst(%arg5 : memref<32xi32, #tpu.memory_space<vmem>>)
      tpu.yield
    }) : () -> ()
    %dma_start3A = arith.constant 0 : i32
    %dma_start3A_3 = arith.constant 0 : i32
    %dma_start3A_4 = tpu.memref_slice %arg2[%dma_start3A, %dma_start3A_3] : memref<8192x256xf32, #tpu.memory_space<hbm>> -> memref<8192x256xf32, #tpu.memory_space<hbm>>
    tpu.enqueue_indirect_dma source(%dma_start3A_4 : memref<8192x256xf32, #tpu.memory_space<hbm>>) target(%arg6 : memref<32x256xf32, #tpu.memory_space<vmem>>) offsets(%arg5 : memref<32xi32, #tpu.memory_space<vmem>>) semaphore(%arg7 : memref<!tpu.dma_semaphore, #tpu.memory_space<semaphore_mem>>)
    %dma_wait3A = arith.constant 0 : i32
    %dma_wait3A_5 = arith.constant 0 : i32
    %dma_wait3A_6 = tpu.memref_slice %arg2[%dma_wait3A, %dma_wait3A_5] : memref<8192x256xf32, #tpu.memory_space<hbm>> -> memref<8192x256xf32, #tpu.memory_space<hbm>>
    tpu.wait_indirect_dma semaphore(%arg7 : memref<!tpu.dma_semaphore, #tpu.memory_space<semaphore_mem>>) src(%dma_wait3A_6 : memref<8192x256xf32, #tpu.memory_space<hbm>>) dst(%arg6 : memref<32x256xf32, #tpu.memory_space<vmem>>)
    "tpu.region"() ({
      %run_scoped3A = tpu.sem_alloc : memref<!tpu.dma_semaphore, #tpu.memory_space<semaphore_mem>>
      %dma_start3A_7 = arith.constant 0 : i32
      %dma_start3A_8 = tpu.memref_slice %arg4[%mul3A_2, %dma_start3A_7] : memref<1024x256xf32, #tpu.memory_space<hbm>> -> memref<32x256xf32, #tpu.memory_space<hbm>>
      %dma_start3A_9 = arith.constant 0 : i32
      %dma_start3A_10 = tpu.memref_slice %arg4[%mul3A_2, %dma_start3A_9] : memref<1024x256xf32, #tpu.memory_space<hbm>> -> memref<32x256xf32, #tpu.memory_space<hbm>>
      tpu.enqueue_dma source(%arg6 : memref<32x256xf32, #tpu.memory_space<vmem>>) target(%dma_start3A_10 : memref<32x256xf32, #tpu.memory_space<hbm>>) target_semaphore(%run_scoped3A : memref<!tpu.dma_semaphore, #tpu.memory_space<semaphore_mem>>)
      %dma_wait3A_11 = arith.constant 0 : i32
      %dma_wait3A_12 = tpu.memref_slice %arg4[%mul3A_2, %dma_wait3A_11] : memref<1024x256xf32, #tpu.memory_space<hbm>> -> memref<32x256xf32, #tpu.memory_space<hbm>>
      %dma_wait3A_13 = arith.constant 0 : i32
      %dma_wait3A_14 = tpu.memref_slice %arg4[%mul3A_2, %dma_wait3A_13] : memref<1024x256xf32, #tpu.memory_space<hbm>> -> memref<32x256xf32, #tpu.memory_space<hbm>>
      tpu.wait_dma2 semaphore(%run_scoped3A : memref<!tpu.dma_semaphore, #tpu.memory_space<semaphore_mem>>) src(%arg6 : memref<32x256xf32, #tpu.memory_space<vmem>>) dst(%dma_wait3A_14 : memref<32x256xf32, #tpu.memory_space<hbm>>)
      tpu.yield
    }) : () -> ()
    return
  }
}

#map = affine_map<(d0, d1) -> (0, 0)>
#map1 = affine_map<(d0, d1) -> (0)>
module attributes {stable_mosaic.version = 14 : i64} {
  func.func @gather(%arg0: i32, %arg1: i32, %arg2: memref<8192x256xf32, #tpu.memory_space<hbm>>, %arg3: memref<1024xi32, #tpu.memory_space<hbm>>, %arg4: memref<1024x256xf32, #tpu.memory_space<hbm>>, %arg5: memref<32xi32, #tpu.memory_space<vmem>>, %arg6: memref<32x256xf32, #tpu.memory_space<vmem>>, %arg7: memref<!tpu.dma_semaphore, #tpu.memory_space<semaphore_mem>>) attributes {dimension_semantics = [#tpu.dimension_semantics<core_parallel>, #tpu.dimension_semantics<subcore_parallel>], iteration_bounds = array<i64: 2, 16>, scalar_prefetch = 0 : i64, scratch_operands = 3 : i64, tpu.core_type = #tpu.core_type<sc_vector_subcore>, window_params = [{transform_indices = #map}, {transform_indices = #map1}, {transform_indices = #map}]} {
    %mul3A = arith.constant 2 : i32
    %mul3A_0 = arith.muli %arg1, %mul3A : i32
    %add3A = arith.addi %mul3A_0, %arg0 : i32
    %mul3A_1 = arith.constant 32 : i32
    %mul3A_2 = arith.muli %add3A, %mul3A_1 : i32
    "tpu.region"() ({
      %run_scoped3A = tpu.sem_alloc : memref<!tpu.dma_semaphore, #tpu.memory_space<semaphore_mem>>
      %dma_start3A_7 = tpu.memref_slice %arg3[%mul3A_2] : memref<1024xi32, #tpu.memory_space<hbm>> -> memref<32xi32, #tpu.memory_space<hbm>>
      %dma_start3A_8 = tpu.memref_slice %arg3[%mul3A_2] : memref<1024xi32, #tpu.memory_space<hbm>> -> memref<32xi32, #tpu.memory_space<hbm>>
      tpu.enqueue_dma source(%dma_start3A_8 : memref<32xi32, #tpu.memory_space<hbm>>) target(%arg5 : memref<32xi32, #tpu.memory_space<vmem>>) target_semaphore(%run_scoped3A : memref<!tpu.dma_semaphore, #tpu.memory_space<semaphore_mem>>)
      %dma_wait3A_9 = tpu.memref_slice %arg3[%mul3A_2] : memref<1024xi32, #tpu.memory_space<hbm>> -> memref<32xi32, #tpu.memory_space<hbm>>
      %dma_wait3A_10 = tpu.memref_slice %arg3[%mul3A_2] : memref<1024xi32, #tpu.memory_space<hbm>> -> memref<32xi32, #tpu.memory_space<hbm>>
      tpu.wait_dma2 semaphore(%run_scoped3A : memref<!tpu.dma_semaphore, #tpu.memory_space<semaphore_mem>>) src(%dma_wait3A_10 : memref<32xi32, #tpu.memory_space<hbm>>) dst(%arg5 : memref<32xi32, #tpu.memory_space<vmem>>)
      tpu.yield
    }) : () -> ()
    %dma_start3A = arith.constant 0 : i32
    %dma_start3A_3 = arith.constant 0 : i32
    %dma_start3A_4 = tpu.memref_slice %arg2[%dma_start3A, %dma_start3A_3] : memref<8192x256xf32, #tpu.memory_space<hbm>> -> memref<8192x256xf32, #tpu.memory_space<hbm>>
    tpu.enqueue_indirect_dma source(%dma_start3A_4 : memref<8192x256xf32, #tpu.memory_space<hbm>>) target(%arg6 : memref<32x256xf32, #tpu.memory_space<vmem>>) offsets(%arg5 : memref<32xi32, #tpu.memory_space<vmem>>) semaphore(%arg7 : memref<!tpu.dma_semaphore, #tpu.memory_space<semaphore_mem>>)
    %dma_wait3A = arith.constant 0 : i32
    %dma_wait3A_5 = arith.constant 0 : i32
    %dma_wait3A_6 = tpu.memref_slice %arg2[%dma_wait3A, %dma_wait3A_5] : memref<8192x256xf32, #tpu.memory_space<hbm>> -> memref<8192x256xf32, #tpu.memory_space<hbm>>
    tpu.wait_indirect_dma semaphore(%arg7 : memref<!tpu.dma_semaphore, #tpu.memory_space<semaphore_mem>>) src(%dma_wait3A_6 : memref<8192x256xf32, #tpu.memory_space<hbm>>) dst(%arg6 : memref<32x256xf32, #tpu.memory_space<vmem>>)
    "tpu.region"() ({
      %run_scoped3A = tpu.sem_alloc : memref<!tpu.dma_semaphore, #tpu.memory_space<semaphore_mem>>
      %dma_start3A_7 = arith.constant 0 : i32
      %dma_start3A_8 = tpu.memref_slice %arg4[%mul3A_2, %dma_start3A_7] : memref<1024x256xf32, #tpu.memory_space<hbm>> -> memref<32x256xf32, #tpu.memory_space<hbm>>
      %dma_start3A_9 = arith.constant 0 : i32
      %dma_start3A_10 = tpu.memref_slice %arg4[%mul3A_2, %dma_start3A_9] : memref<1024x256xf32, #tpu.memory_space<hbm>> -> memref<32x256xf32, #tpu.memory_space<hbm>>
      tpu.enqueue_dma source(%arg6 : memref<32x256xf32, #tpu.memory_space<vmem>>) target(%dma_start3A_10 : memref<32x256xf32, #tpu.memory_space<hbm>>) target_semaphore(%run_scoped3A : memref<!tpu.dma_semaphore, #tpu.memory_space<semaphore_mem>>)
      %dma_wait3A_11 = arith.constant 0 : i32
      %dma_wait3A_12 = tpu.memref_slice %arg4[%mul3A_2, %dma_wait3A_11] : memref<1024x256xf32, #tpu.memory_space<hbm>> -> memref<32x256xf32, #tpu.memory_space<hbm>>
      %dma_wait3A_13 = arith.constant 0 : i32
      %dma_wait3A_14 = tpu.memref_slice %arg4[%mul3A_2, %dma_wait3A_13] : memref<1024x256xf32, #tpu.memory_space<hbm>> -> memref<32x256xf32, #tpu.memory_space<hbm>>
      tpu.wait_dma2 semaphore(%run_scoped3A : memref<!tpu.dma_semaphore, #tpu.memory_space<semaphore_mem>>) src(%arg6 : memref<32x256xf32, #tpu.memory_space<vmem>>) dst(%dma_wait3A_14 : memref<32x256xf32, #tpu.memory_space<hbm>>)
      tpu.yield
    }) : () -> ()
    return
  }
}

#map = affine_map<(d0, d1) -> (0, 0)>
#map1 = affine_map<(d0, d1) -> (0)>
module attributes {stable_mosaic.version = 14 : i64} {
  func.func @gather(%arg0: i32, %arg1: i32, %arg2: memref<8192x256xf32, #tpu.memory_space<hbm>>, %arg3: memref<1024xi32, #tpu.memory_space<hbm>>, %arg4: memref<1024x256xf32, #tpu.memory_space<hbm>>, %arg5: memref<32xi32, #tpu.memory_space<vmem>>, %arg6: memref<32x256xf32, #tpu.memory_space<vmem>>, %arg7: memref<!tpu.dma_semaphore, #tpu.memory_space<semaphore_mem>>) attributes {dimension_semantics = [#tpu.dimension_semantics<core_parallel>, #tpu.dimension_semantics<subcore_parallel>], iteration_bounds = array<i64: 2, 16>, scalar_prefetch = 0 : i64, scratch_operands = 3 : i64, tpu.core_type = #tpu.core_type<sc_vector_subcore>, window_params = [{transform_indices = #map}, {transform_indices = #map1}, {transform_indices = #map}]} {
    %mul3A = arith.constant 2 : i32
    %mul3A_0 = arith.muli %arg1, %mul3A : i32
    %add3A = arith.addi %mul3A_0, %arg0 : i32
    %mul3A_1 = arith.constant 32 : i32
    %mul3A_2 = arith.muli %add3A, %mul3A_1 : i32
    "tpu.region"() ({
      %run_scoped3A = tpu.sem_alloc : memref<!tpu.dma_semaphore, #tpu.memory_space<semaphore_mem>>
      %dma_start3A_7 = tpu.memref_slice %arg3[%mul3A_2] : memref<1024xi32, #tpu.memory_space<hbm>> -> memref<32xi32, #tpu.memory_space<hbm>>
      %dma_start3A_8 = tpu.memref_slice %arg3[%mul3A_2] : memref<1024xi32, #tpu.memory_space<hbm>> -> memref<32xi32, #tpu.memory_space<hbm>>
      tpu.enqueue_dma source(%dma_start3A_8 : memref<32xi32, #tpu.memory_space<hbm>>) target(%arg5 : memref<32xi32, #tpu.memory_space<vmem>>) target_semaphore(%run_scoped3A : memref<!tpu.dma_semaphore, #tpu.memory_space<semaphore_mem>>)
      %dma_wait3A_9 = tpu.memref_slice %arg3[%mul3A_2] : memref<1024xi32, #tpu.memory_space<hbm>> -> memref<32xi32, #tpu.memory_space<hbm>>
      %dma_wait3A_10 = tpu.memref_slice %arg3[%mul3A_2] : memref<1024xi32, #tpu.memory_space<hbm>> -> memref<32xi32, #tpu.memory_space<hbm>>
      tpu.wait_dma2 semaphore(%run_scoped3A : memref<!tpu.dma_semaphore, #tpu.memory_space<semaphore_mem>>) src(%dma_wait3A_10 : memref<32xi32, #tpu.memory_space<hbm>>) dst(%arg5 : memref<32xi32, #tpu.memory_space<vmem>>)
      tpu.yield
    }) : () -> ()
    %dma_start3A = arith.constant 0 : i32
    %dma_start3A_3 = arith.constant 0 : i32
    %dma_start3A_4 = tpu.memref_slice %arg2[%dma_start3A, %dma_start3A_3] : memref<8192x256xf32, #tpu.memory_space<hbm>> -> memref<8192x256xf32, #tpu.memory_space<hbm>>
    tpu.enqueue_indirect_dma source(%dma_start3A_4 : memref<8192x256xf32, #tpu.memory_space<hbm>>) target(%arg6 : memref<32x256xf32, #tpu.memory_space<vmem>>) offsets(%arg5 : memref<32xi32, #tpu.memory_space<vmem>>) semaphore(%arg7 : memref<!tpu.dma_semaphore, #tpu.memory_space<semaphore_mem>>)
    %dma_wait3A = arith.constant 0 : i32
    %dma_wait3A_5 = arith.constant 0 : i32
    %dma_wait3A_6 = tpu.memref_slice %arg2[%dma_wait3A, %dma_wait3A_5] : memref<8192x256xf32, #tpu.memory_space<hbm>> -> memref<8192x256xf32, #tpu.memory_space<hbm>>
    tpu.wait_indirect_dma semaphore(%arg7 : memref<!tpu.dma_semaphore, #tpu.memory_space<semaphore_mem>>) src(%dma_wait3A_6 : memref<8192x256xf32, #tpu.memory_space<hbm>>) dst(%arg6 : memref<32x256xf32, #tpu.memory_space<vmem>>)
    "tpu.region"() ({
      %run_scoped3A = tpu.sem_alloc : memref<!tpu.dma_semaphore, #tpu.memory_space<semaphore_mem>>
      %dma_start3A_7 = arith.constant 0 : i32
      %dma_start3A_8 = tpu.memref_slice %arg4[%mul3A_2, %dma_start3A_7] : memref<1024x256xf32, #tpu.memory_space<hbm>> -> memref<32x256xf32, #tpu.memory_space<hbm>>
      %dma_start3A_9 = arith.constant 0 : i32
      %dma_start3A_10 = tpu.memref_slice %arg4[%mul3A_2, %dma_start3A_9] : memref<1024x256xf32, #tpu.memory_space<hbm>> -> memref<32x256xf32, #tpu.memory_space<hbm>>
      tpu.enqueue_dma source(%arg6 : memref<32x256xf32, #tpu.memory_space<vmem>>) target(%dma_start3A_10 : memref<32x256xf32, #tpu.memory_space<hbm>>) target_semaphore(%run_scoped3A : memref<!tpu.dma_semaphore, #tpu.memory_space<semaphore_mem>>)
      %dma_wait3A_11 = arith.constant 0 : i32
      %dma_wait3A_12 = tpu.memref_slice %arg4[%mul3A_2, %dma_wait3A_11] : memref<1024x256xf32, #tpu.memory_space<hbm>> -> memref<32x256xf32, #tpu.memory_space<hbm>>
      %dma_wait3A_13 = arith.constant 0 : i32
      %dma_wait3A_14 = tpu.memref_slice %arg4[%mul3A_2, %dma_wait3A_13] : memref<1024x256xf32, #tpu.memory_space<hbm>> -> memref<32x256xf32, #tpu.memory_space<hbm>>
      tpu.wait_dma2 semaphore(%run_scoped3A : memref<!tpu.dma_semaphore, #tpu.memory_space<semaphore_mem>>) src(%arg6 : memref<32x256xf32, #tpu.memory_space<vmem>>) dst(%dma_wait3A_14 : memref<32x256xf32, #tpu.memory_space<hbm>>)
      tpu.yield
    }) : () -> ()
    return
  }
}

#map = affine_map<(d0, d1) -> (0, 0)>
#map1 = affine_map<(d0, d1) -> (0)>
module attributes {stable_mosaic.version = 14 : i64} {
  func.func @gather(%arg0: i32, %arg1: i32, %arg2: memref<8192x256xf32, #tpu.memory_space<hbm>>, %arg3: memref<1024xi32, #tpu.memory_space<hbm>>, %arg4: memref<1024x256xf32, #tpu.memory_space<hbm>>, %arg5: memref<32xi32, #tpu.memory_space<vmem>>, %arg6: memref<32x256xf32, #tpu.memory_space<vmem>>, %arg7: memref<!tpu.dma_semaphore, #tpu.memory_space<semaphore_mem>>) attributes {dimension_semantics = [#tpu.dimension_semantics<core_parallel>, #tpu.dimension_semantics<subcore_parallel>], iteration_bounds = array<i64: 2, 16>, scalar_prefetch = 0 : i64, scratch_operands = 3 : i64, tpu.core_type = #tpu.core_type<sc_vector_subcore>, window_params = [{transform_indices = #map}, {transform_indices = #map1}, {transform_indices = #map}]} {
    %mul3A = arith.constant 2 : i32
    %mul3A_0 = arith.muli %arg1, %mul3A : i32
    %add3A = arith.addi %mul3A_0, %arg0 : i32
    %mul3A_1 = arith.constant 32 : i32
    %mul3A_2 = arith.muli %add3A, %mul3A_1 : i32
    "tpu.region"() ({
      %run_scoped3A = tpu.sem_alloc : memref<!tpu.dma_semaphore, #tpu.memory_space<semaphore_mem>>
      %dma_start3A_7 = tpu.memref_slice %arg3[%mul3A_2] : memref<1024xi32, #tpu.memory_space<hbm>> -> memref<32xi32, #tpu.memory_space<hbm>>
      %dma_start3A_8 = tpu.memref_slice %arg3[%mul3A_2] : memref<1024xi32, #tpu.memory_space<hbm>> -> memref<32xi32, #tpu.memory_space<hbm>>
      tpu.enqueue_dma source(%dma_start3A_8 : memref<32xi32, #tpu.memory_space<hbm>>) target(%arg5 : memref<32xi32, #tpu.memory_space<vmem>>) target_semaphore(%run_scoped3A : memref<!tpu.dma_semaphore, #tpu.memory_space<semaphore_mem>>)
      %dma_wait3A_9 = tpu.memref_slice %arg3[%mul3A_2] : memref<1024xi32, #tpu.memory_space<hbm>> -> memref<32xi32, #tpu.memory_space<hbm>>
      %dma_wait3A_10 = tpu.memref_slice %arg3[%mul3A_2] : memref<1024xi32, #tpu.memory_space<hbm>> -> memref<32xi32, #tpu.memory_space<hbm>>
      tpu.wait_dma2 semaphore(%run_scoped3A : memref<!tpu.dma_semaphore, #tpu.memory_space<semaphore_mem>>) src(%dma_wait3A_10 : memref<32xi32, #tpu.memory_space<hbm>>) dst(%arg5 : memref<32xi32, #tpu.memory_space<vmem>>)
      tpu.yield
    }) : () -> ()
    %dma_start3A = arith.constant 0 : i32
    %dma_start3A_3 = arith.constant 0 : i32
    %dma_start3A_4 = tpu.memref_slice %arg2[%dma_start3A, %dma_start3A_3] : memref<8192x256xf32, #tpu.memory_space<hbm>> -> memref<8192x256xf32, #tpu.memory_space<hbm>>
    tpu.enqueue_indirect_dma source(%dma_start3A_4 : memref<8192x256xf32, #tpu.memory_space<hbm>>) target(%arg6 : memref<32x256xf32, #tpu.memory_space<vmem>>) offsets(%arg5 : memref<32xi32, #tpu.memory_space<vmem>>) semaphore(%arg7 : memref<!tpu.dma_semaphore, #tpu.memory_space<semaphore_mem>>)
    %dma_wait3A = arith.constant 0 : i32
    %dma_wait3A_5 = arith.constant 0 : i32
    %dma_wait3A_6 = tpu.memref_slice %arg2[%dma_wait3A, %dma_wait3A_5] : memref<8192x256xf32, #tpu.memory_space<hbm>> -> memref<8192x256xf32, #tpu.memory_space<hbm>>
    tpu.wait_indirect_dma semaphore(%arg7 : memref<!tpu.dma_semaphore, #tpu.memory_space<semaphore_mem>>) src(%dma_wait3A_6 : memref<8192x256xf32, #tpu.memory_space<hbm>>) dst(%arg6 : memref<32x256xf32, #tpu.memory_space<vmem>>)
    "tpu.region"() ({
      %run_scoped3A = tpu.sem_alloc : memref<!tpu.dma_semaphore, #tpu.memory_space<semaphore_mem>>
      %dma_start3A_7 = arith.constant 0 : i32
      %dma_start3A_8 = tpu.memref_slice %arg4[%mul3A_2, %dma_start3A_7] : memref<1024x256xf32, #tpu.memory_space<hbm>> -> memref<32x256xf32, #tpu.memory_space<hbm>>
      %dma_start3A_9 = arith.constant 0 : i32
      %dma_start3A_10 = tpu.memref_slice %arg4[%mul3A_2, %dma_start3A_9] : memref<1024x256xf32, #tpu.memory_space<hbm>> -> memref<32x256xf32, #tpu.memory_space<hbm>>
      tpu.enqueue_dma source(%arg6 : memref<32x256xf32, #tpu.memory_space<vmem>>) target(%dma_start3A_10 : memref<32x256xf32, #tpu.memory_space<hbm>>) target_semaphore(%run_scoped3A : memref<!tpu.dma_semaphore, #tpu.memory_space<semaphore_mem>>)
      %dma_wait3A_11 = arith.constant 0 : i32
      %dma_wait3A_12 = tpu.memref_slice %arg4[%mul3A_2, %dma_wait3A_11] : memref<1024x256xf32, #tpu.memory_space<hbm>> -> memref<32x256xf32, #tpu.memory_space<hbm>>
      %dma_wait3A_13 = arith.constant 0 : i32
      %dma_wait3A_14 = tpu.memref_slice %arg4[%mul3A_2, %dma_wait3A_13] : memref<1024x256xf32, #tpu.memory_space<hbm>> -> memref<32x256xf32, #tpu.memory_space<hbm>>
      tpu.wait_dma2 semaphore(%run_scoped3A : memref<!tpu.dma_semaphore, #tpu.memory_space<semaphore_mem>>) src(%arg6 : memref<32x256xf32, #tpu.memory_space<vmem>>) dst(%dma_wait3A_14 : memref<32x256xf32, #tpu.memory_space<hbm>>)
      tpu.yield
    }) : () -> ()
    return
  }
}

#map = affine_map<(d0, d1) -> (0, 0)>
#map1 = affine_map<(d0, d1) -> (0)>
module attributes {stable_mosaic.version = 14 : i64} {
  func.func @gather(%arg0: i32, %arg1: i32, %arg2: memref<8192x256xf32, #tpu.memory_space<hbm>>, %arg3: memref<1024xi32, #tpu.memory_space<hbm>>, %arg4: memref<1024x256xf32, #tpu.memory_space<hbm>>, %arg5: memref<32xi32, #tpu.memory_space<vmem>>, %arg6: memref<32x256xf32, #tpu.memory_space<vmem>>, %arg7: memref<!tpu.dma_semaphore, #tpu.memory_space<semaphore_mem>>) attributes {dimension_semantics = [#tpu.dimension_semantics<core_parallel>, #tpu.dimension_semantics<subcore_parallel>], iteration_bounds = array<i64: 2, 16>, scalar_prefetch = 0 : i64, scratch_operands = 3 : i64, tpu.core_type = #tpu.core_type<sc_vector_subcore>, window_params = [{transform_indices = #map}, {transform_indices = #map1}, {transform_indices = #map}]} {
    %mul3A = arith.constant 2 : i32
    %mul3A_0 = arith.muli %arg1, %mul3A : i32
    %add3A = arith.addi %mul3A_0, %arg0 : i32
    %mul3A_1 = arith.constant 32 : i32
    %mul3A_2 = arith.muli %add3A, %mul3A_1 : i32
    "tpu.region"() ({
      %run_scoped3A = tpu.sem_alloc : memref<!tpu.dma_semaphore, #tpu.memory_space<semaphore_mem>>
      %dma_start3A_7 = tpu.memref_slice %arg3[%mul3A_2] : memref<1024xi32, #tpu.memory_space<hbm>> -> memref<32xi32, #tpu.memory_space<hbm>>
      %dma_start3A_8 = tpu.memref_slice %arg3[%mul3A_2] : memref<1024xi32, #tpu.memory_space<hbm>> -> memref<32xi32, #tpu.memory_space<hbm>>
      tpu.enqueue_dma source(%dma_start3A_8 : memref<32xi32, #tpu.memory_space<hbm>>) target(%arg5 : memref<32xi32, #tpu.memory_space<vmem>>) target_semaphore(%run_scoped3A : memref<!tpu.dma_semaphore, #tpu.memory_space<semaphore_mem>>)
      %dma_wait3A_9 = tpu.memref_slice %arg3[%mul3A_2] : memref<1024xi32, #tpu.memory_space<hbm>> -> memref<32xi32, #tpu.memory_space<hbm>>
      %dma_wait3A_10 = tpu.memref_slice %arg3[%mul3A_2] : memref<1024xi32, #tpu.memory_space<hbm>> -> memref<32xi32, #tpu.memory_space<hbm>>
      tpu.wait_dma2 semaphore(%run_scoped3A : memref<!tpu.dma_semaphore, #tpu.memory_space<semaphore_mem>>) src(%dma_wait3A_10 : memref<32xi32, #tpu.memory_space<hbm>>) dst(%arg5 : memref<32xi32, #tpu.memory_space<vmem>>)
      tpu.yield
    }) : () -> ()
    %dma_start3A = arith.constant 0 : i32
    %dma_start3A_3 = arith.constant 0 : i32
    %dma_start3A_4 = tpu.memref_slice %arg2[%dma_start3A, %dma_start3A_3] : memref<8192x256xf32, #tpu.memory_space<hbm>> -> memref<8192x256xf32, #tpu.memory_space<hbm>>
    tpu.enqueue_indirect_dma source(%dma_start3A_4 : memref<8192x256xf32, #tpu.memory_space<hbm>>) target(%arg6 : memref<32x256xf32, #tpu.memory_space<vmem>>) offsets(%arg5 : memref<32xi32, #tpu.memory_space<vmem>>) semaphore(%arg7 : memref<!tpu.dma_semaphore, #tpu.memory_space<semaphore_mem>>)
    %dma_wait3A = arith.constant 0 : i32
    %dma_wait3A_5 = arith.constant 0 : i32
    %dma_wait3A_6 = tpu.memref_slice %arg2[%dma_wait3A, %dma_wait3A_5] : memref<8192x256xf32, #tpu.memory_space<hbm>> -> memref<8192x256xf32, #tpu.memory_space<hbm>>
    tpu.wait_indirect_dma semaphore(%arg7 : memref<!tpu.dma_semaphore, #tpu.memory_space<semaphore_mem>>) src(%dma_wait3A_6 : memref<8192x256xf32, #tpu.memory_space<hbm>>) dst(%arg6 : memref<32x256xf32, #tpu.memory_space<vmem>>)
    "tpu.region"() ({
      %run_scoped3A = tpu.sem_alloc : memref<!tpu.dma_semaphore, #tpu.memory_space<semaphore_mem>>
      %dma_start3A_7 = arith.constant 0 : i32
      %dma_start3A_8 = tpu.memref_slice %arg4[%mul3A_2, %dma_start3A_7] : memref<1024x256xf32, #tpu.memory_space<hbm>> -> memref<32x256xf32, #tpu.memory_space<hbm>>
      %dma_start3A_9 = arith.constant 0 : i32
      %dma_start3A_10 = tpu.memref_slice %arg4[%mul3A_2, %dma_start3A_9] : memref<1024x256xf32, #tpu.memory_space<hbm>> -> memref<32x256xf32, #tpu.memory_space<hbm>>
      tpu.enqueue_dma source(%arg6 : memref<32x256xf32, #tpu.memory_space<vmem>>) target(%dma_start3A_10 : memref<32x256xf32, #tpu.memory_space<hbm>>) target_semaphore(%run_scoped3A : memref<!tpu.dma_semaphore, #tpu.memory_space<semaphore_mem>>)
      %dma_wait3A_11 = arith.constant 0 : i32
      %dma_wait3A_12 = tpu.memref_slice %arg4[%mul3A_2, %dma_wait3A_11] : memref<1024x256xf32, #tpu.memory_space<hbm>> -> memref<32x256xf32, #tpu.memory_space<hbm>>
      %dma_wait3A_13 = arith.constant 0 : i32
      %dma_wait3A_14 = tpu.memref_slice %arg4[%mul3A_2, %dma_wait3A_13] : memref<1024x256xf32, #tpu.memory_space<hbm>> -> memref<32x256xf32, #tpu.memory_space<hbm>>
      tpu.wait_dma2 semaphore(%run_scoped3A : memref<!tpu.dma_semaphore, #tpu.memory_space<semaphore_mem>>) src(%arg6 : memref<32x256xf32, #tpu.memory_space<vmem>>) dst(%dma_wait3A_14 : memref<32x256xf32, #tpu.memory_space<hbm>>)
      tpu.yield
    }) : () -> ()
    return
  }
}

#map = affine_map<(d0, d1) -> (0, 0)>
#map1 = affine_map<(d0, d1) -> (0)>
module attributes {stable_mosaic.version = 14 : i64} {
  func.func @gather(%arg0: i32, %arg1: i32, %arg2: memref<8192x256xf32, #tpu.memory_space<hbm>>, %arg3: memref<1024xi32, #tpu.memory_space<hbm>>, %arg4: memref<1024x256xf32, #tpu.memory_space<hbm>>, %arg5: memref<32xi32, #tpu.memory_space<vmem>>, %arg6: memref<32x256xf32, #tpu.memory_space<vmem>>, %arg7: memref<!tpu.dma_semaphore, #tpu.memory_space<semaphore_mem>>) attributes {dimension_semantics = [#tpu.dimension_semantics<core_parallel>, #tpu.dimension_semantics<subcore_parallel>], iteration_bounds = array<i64: 2, 16>, scalar_prefetch = 0 : i64, scratch_operands = 3 : i64, tpu.core_type = #tpu.core_type<sc_vector_subcore>, window_params = [{transform_indices = #map}, {transform_indices = #map1}, {transform_indices = #map}]} {
    %mul3A = arith.constant 2 : i32
    %mul3A_0 = arith.muli %arg1, %mul3A : i32
    %add3A = arith.addi %mul3A_0, %arg0 : i32
    %mul3A_1 = arith.constant 32 : i32
    %mul3A_2 = arith.muli %add3A, %mul3A_1 : i32
    "tpu.region"() ({
      %run_scoped3A = tpu.sem_alloc : memref<!tpu.dma_semaphore, #tpu.memory_space<semaphore_mem>>
      %dma_start3A_7 = tpu.memref_slice %arg3[%mul3A_2] : memref<1024xi32, #tpu.memory_space<hbm>> -> memref<32xi32, #tpu.memory_space<hbm>>
      %dma_start3A_8 = tpu.memref_slice %arg3[%mul3A_2] : memref<1024xi32, #tpu.memory_space<hbm>> -> memref<32xi32, #tpu.memory_space<hbm>>
      tpu.enqueue_dma source(%dma_start3A_8 : memref<32xi32, #tpu.memory_space<hbm>>) target(%arg5 : memref<32xi32, #tpu.memory_space<vmem>>) target_semaphore(%run_scoped3A : memref<!tpu.dma_semaphore, #tpu.memory_space<semaphore_mem>>)
      %dma_wait3A_9 = tpu.memref_slice %arg3[%mul3A_2] : memref<1024xi32, #tpu.memory_space<hbm>> -> memref<32xi32, #tpu.memory_space<hbm>>
      %dma_wait3A_10 = tpu.memref_slice %arg3[%mul3A_2] : memref<1024xi32, #tpu.memory_space<hbm>> -> memref<32xi32, #tpu.memory_space<hbm>>
      tpu.wait_dma2 semaphore(%run_scoped3A : memref<!tpu.dma_semaphore, #tpu.memory_space<semaphore_mem>>) src(%dma_wait3A_10 : memref<32xi32, #tpu.memory_space<hbm>>) dst(%arg5 : memref<32xi32, #tpu.memory_space<vmem>>)
      tpu.yield
    }) : () -> ()
    %dma_start3A = arith.constant 0 : i32
    %dma_start3A_3 = arith.constant 0 : i32
    %dma_start3A_4 = tpu.memref_slice %arg2[%dma_start3A, %dma_start3A_3] : memref<8192x256xf32, #tpu.memory_space<hbm>> -> memref<8192x256xf32, #tpu.memory_space<hbm>>
    tpu.enqueue_indirect_dma source(%dma_start3A_4 : memref<8192x256xf32, #tpu.memory_space<hbm>>) target(%arg6 : memref<32x256xf32, #tpu.memory_space<vmem>>) offsets(%arg5 : memref<32xi32, #tpu.memory_space<vmem>>) semaphore(%arg7 : memref<!tpu.dma_semaphore, #tpu.memory_space<semaphore_mem>>)
    %dma_wait3A = arith.constant 0 : i32
    %dma_wait3A_5 = arith.constant 0 : i32
    %dma_wait3A_6 = tpu.memref_slice %arg2[%dma_wait3A, %dma_wait3A_5] : memref<8192x256xf32, #tpu.memory_space<hbm>> -> memref<8192x256xf32, #tpu.memory_space<hbm>>
    tpu.wait_indirect_dma semaphore(%arg7 : memref<!tpu.dma_semaphore, #tpu.memory_space<semaphore_mem>>) src(%dma_wait3A_6 : memref<8192x256xf32, #tpu.memory_space<hbm>>) dst(%arg6 : memref<32x256xf32, #tpu.memory_space<vmem>>)
    "tpu.region"() ({
      %run_scoped3A = tpu.sem_alloc : memref<!tpu.dma_semaphore, #tpu.memory_space<semaphore_mem>>
      %dma_start3A_7 = arith.constant 0 : i32
      %dma_start3A_8 = tpu.memref_slice %arg4[%mul3A_2, %dma_start3A_7] : memref<1024x256xf32, #tpu.memory_space<hbm>> -> memref<32x256xf32, #tpu.memory_space<hbm>>
      %dma_start3A_9 = arith.constant 0 : i32
      %dma_start3A_10 = tpu.memref_slice %arg4[%mul3A_2, %dma_start3A_9] : memref<1024x256xf32, #tpu.memory_space<hbm>> -> memref<32x256xf32, #tpu.memory_space<hbm>>
      tpu.enqueue_dma source(%arg6 : memref<32x256xf32, #tpu.memory_space<vmem>>) target(%dma_start3A_10 : memref<32x256xf32, #tpu.memory_space<hbm>>) target_semaphore(%run_scoped3A : memref<!tpu.dma_semaphore, #tpu.memory_space<semaphore_mem>>)
      %dma_wait3A_11 = arith.constant 0 : i32
      %dma_wait3A_12 = tpu.memref_slice %arg4[%mul3A_2, %dma_wait3A_11] : memref<1024x256xf32, #tpu.memory_space<hbm>> -> memref<32x256xf32, #tpu.memory_space<hbm>>
      %dma_wait3A_13 = arith.constant 0 : i32
      %dma_wait3A_14 = tpu.memref_slice %arg4[%mul3A_2, %dma_wait3A_13] : memref<1024x256xf32, #tpu.memory_space<hbm>> -> memref<32x256xf32, #tpu.memory_space<hbm>>
      tpu.wait_dma2 semaphore(%run_scoped3A : memref<!tpu.dma_semaphore, #tpu.memory_space<semaphore_mem>>) src(%arg6 : memref<32x256xf32, #tpu.memory_space<vmem>>) dst(%dma_wait3A_14 : memref<32x256xf32, #tpu.memory_space<hbm>>)
      tpu.yield
    }) : () -> ()
    return
  }
}

#map = affine_map<(d0, d1) -> (0, 0)>
#map1 = affine_map<(d0, d1) -> (0)>
module attributes {stable_mosaic.version = 14 : i64} {
  func.func @gather(%arg0: i32, %arg1: i32, %arg2: memref<8192x256xf32, #tpu.memory_space<hbm>>, %arg3: memref<1024xi32, #tpu.memory_space<hbm>>, %arg4: memref<1024x256xf32, #tpu.memory_space<hbm>>, %arg5: memref<32xi32, #tpu.memory_space<vmem>>, %arg6: memref<32x256xf32, #tpu.memory_space<vmem>>, %arg7: memref<!tpu.dma_semaphore, #tpu.memory_space<semaphore_mem>>) attributes {dimension_semantics = [#tpu.dimension_semantics<core_parallel>, #tpu.dimension_semantics<subcore_parallel>], iteration_bounds = array<i64: 2, 16>, scalar_prefetch = 0 : i64, scratch_operands = 3 : i64, tpu.core_type = #tpu.core_type<sc_vector_subcore>, window_params = [{transform_indices = #map}, {transform_indices = #map1}, {transform_indices = #map}]} {
    %mul3A = arith.constant 2 : i32
    %mul3A_0 = arith.muli %arg1, %mul3A : i32
    %add3A = arith.addi %mul3A_0, %arg0 : i32
    %mul3A_1 = arith.constant 32 : i32
    %mul3A_2 = arith.muli %add3A, %mul3A_1 : i32
    "tpu.region"() ({
      %run_scoped3A = tpu.sem_alloc : memref<!tpu.dma_semaphore, #tpu.memory_space<semaphore_mem>>
      %dma_start3A_7 = tpu.memref_slice %arg3[%mul3A_2] : memref<1024xi32, #tpu.memory_space<hbm>> -> memref<32xi32, #tpu.memory_space<hbm>>
      %dma_start3A_8 = tpu.memref_slice %arg3[%mul3A_2] : memref<1024xi32, #tpu.memory_space<hbm>> -> memref<32xi32, #tpu.memory_space<hbm>>
      tpu.enqueue_dma source(%dma_start3A_8 : memref<32xi32, #tpu.memory_space<hbm>>) target(%arg5 : memref<32xi32, #tpu.memory_space<vmem>>) target_semaphore(%run_scoped3A : memref<!tpu.dma_semaphore, #tpu.memory_space<semaphore_mem>>)
      %dma_wait3A_9 = tpu.memref_slice %arg3[%mul3A_2] : memref<1024xi32, #tpu.memory_space<hbm>> -> memref<32xi32, #tpu.memory_space<hbm>>
      %dma_wait3A_10 = tpu.memref_slice %arg3[%mul3A_2] : memref<1024xi32, #tpu.memory_space<hbm>> -> memref<32xi32, #tpu.memory_space<hbm>>
      tpu.wait_dma2 semaphore(%run_scoped3A : memref<!tpu.dma_semaphore, #tpu.memory_space<semaphore_mem>>) src(%dma_wait3A_10 : memref<32xi32, #tpu.memory_space<hbm>>) dst(%arg5 : memref<32xi32, #tpu.memory_space<vmem>>)
      tpu.yield
    }) : () -> ()
    %dma_start3A = arith.constant 0 : i32
    %dma_start3A_3 = arith.constant 0 : i32
    %dma_start3A_4 = tpu.memref_slice %arg2[%dma_start3A, %dma_start3A_3] : memref<8192x256xf32, #tpu.memory_space<hbm>> -> memref<8192x256xf32, #tpu.memory_space<hbm>>
    tpu.enqueue_indirect_dma source(%dma_start3A_4 : memref<8192x256xf32, #tpu.memory_space<hbm>>) target(%arg6 : memref<32x256xf32, #tpu.memory_space<vmem>>) offsets(%arg5 : memref<32xi32, #tpu.memory_space<vmem>>) semaphore(%arg7 : memref<!tpu.dma_semaphore, #tpu.memory_space<semaphore_mem>>)
    %dma_wait3A = arith.constant 0 : i32
    %dma_wait3A_5 = arith.constant 0 : i32
    %dma_wait3A_6 = tpu.memref_slice %arg2[%dma_wait3A, %dma_wait3A_5] : memref<8192x256xf32, #tpu.memory_space<hbm>> -> memref<8192x256xf32, #tpu.memory_space<hbm>>
    tpu.wait_indirect_dma semaphore(%arg7 : memref<!tpu.dma_semaphore, #tpu.memory_space<semaphore_mem>>) src(%dma_wait3A_6 : memref<8192x256xf32, #tpu.memory_space<hbm>>) dst(%arg6 : memref<32x256xf32, #tpu.memory_space<vmem>>)
    "tpu.region"() ({
      %run_scoped3A = tpu.sem_alloc : memref<!tpu.dma_semaphore, #tpu.memory_space<semaphore_mem>>
      %dma_start3A_7 = arith.constant 0 : i32
      %dma_start3A_8 = tpu.memref_slice %arg4[%mul3A_2, %dma_start3A_7] : memref<1024x256xf32, #tpu.memory_space<hbm>> -> memref<32x256xf32, #tpu.memory_space<hbm>>
      %dma_start3A_9 = arith.constant 0 : i32
      %dma_start3A_10 = tpu.memref_slice %arg4[%mul3A_2, %dma_start3A_9] : memref<1024x256xf32, #tpu.memory_space<hbm>> -> memref<32x256xf32, #tpu.memory_space<hbm>>
      tpu.enqueue_dma source(%arg6 : memref<32x256xf32, #tpu.memory_space<vmem>>) target(%dma_start3A_10 : memref<32x256xf32, #tpu.memory_space<hbm>>) target_semaphore(%run_scoped3A : memref<!tpu.dma_semaphore, #tpu.memory_space<semaphore_mem>>)
      %dma_wait3A_11 = arith.constant 0 : i32
      %dma_wait3A_12 = tpu.memref_slice %arg4[%mul3A_2, %dma_wait3A_11] : memref<1024x256xf32, #tpu.memory_space<hbm>> -> memref<32x256xf32, #tpu.memory_space<hbm>>
      %dma_wait3A_13 = arith.constant 0 : i32
      %dma_wait3A_14 = tpu.memref_slice %arg4[%mul3A_2, %dma_wait3A_13] : memref<1024x256xf32, #tpu.memory_space<hbm>> -> memref<32x256xf32, #tpu.memory_space<hbm>>
      tpu.wait_dma2 semaphore(%run_scoped3A : memref<!tpu.dma_semaphore, #tpu.memory_space<semaphore_mem>>) src(%arg6 : memref<32x256xf32, #tpu.memory_space<vmem>>) dst(%dma_wait3A_14 : memref<32x256xf32, #tpu.memory_space<hbm>>)
      tpu.yield
    }) : () -> ()
    return
  }
}

#map = affine_map<(d0, d1) -> (0, 0)>
#map1 = affine_map<(d0, d1) -> (0)>
module attributes {stable_mosaic.version = 14 : i64} {
  func.func @gather(%arg0: i32, %arg1: i32, %arg2: memref<8192x256xf32, #tpu.memory_space<hbm>>, %arg3: memref<1024xi32, #tpu.memory_space<hbm>>, %arg4: memref<1024x256xf32, #tpu.memory_space<hbm>>, %arg5: memref<32xi32, #tpu.memory_space<vmem>>, %arg6: memref<32x256xf32, #tpu.memory_space<vmem>>, %arg7: memref<!tpu.dma_semaphore, #tpu.memory_space<semaphore_mem>>) attributes {dimension_semantics = [#tpu.dimension_semantics<core_parallel>, #tpu.dimension_semantics<subcore_parallel>], iteration_bounds = array<i64: 2, 16>, scalar_prefetch = 0 : i64, scratch_operands = 3 : i64, tpu.core_type = #tpu.core_type<sc_vector_subcore>, window_params = [{transform_indices = #map}, {transform_indices = #map1}, {transform_indices = #map}]} {
    %mul3A = arith.constant 2 : i32
    %mul3A_0 = arith.muli %arg1, %mul3A : i32
    %add3A = arith.addi %mul3A_0, %arg0 : i32
    %mul3A_1 = arith.constant 32 : i32
    %mul3A_2 = arith.muli %add3A, %mul3A_1 : i32
    "tpu.region"() ({
      %run_scoped3A = tpu.sem_alloc : memref<!tpu.dma_semaphore, #tpu.memory_space<semaphore_mem>>
      %dma_start3A_7 = tpu.memref_slice %arg3[%mul3A_2] : memref<1024xi32, #tpu.memory_space<hbm>> -> memref<32xi32, #tpu.memory_space<hbm>>
      %dma_start3A_8 = tpu.memref_slice %arg3[%mul3A_2] : memref<1024xi32, #tpu.memory_space<hbm>> -> memref<32xi32, #tpu.memory_space<hbm>>
      tpu.enqueue_dma source(%dma_start3A_8 : memref<32xi32, #tpu.memory_space<hbm>>) target(%arg5 : memref<32xi32, #tpu.memory_space<vmem>>) target_semaphore(%run_scoped3A : memref<!tpu.dma_semaphore, #tpu.memory_space<semaphore_mem>>)
      %dma_wait3A_9 = tpu.memref_slice %arg3[%mul3A_2] : memref<1024xi32, #tpu.memory_space<hbm>> -> memref<32xi32, #tpu.memory_space<hbm>>
      %dma_wait3A_10 = tpu.memref_slice %arg3[%mul3A_2] : memref<1024xi32, #tpu.memory_space<hbm>> -> memref<32xi32, #tpu.memory_space<hbm>>
      tpu.wait_dma2 semaphore(%run_scoped3A : memref<!tpu.dma_semaphore, #tpu.memory_space<semaphore_mem>>) src(%dma_wait3A_10 : memref<32xi32, #tpu.memory_space<hbm>>) dst(%arg5 : memref<32xi32, #tpu.memory_space<vmem>>)
      tpu.yield
    }) : () -> ()
    %dma_start3A = arith.constant 0 : i32
    %dma_start3A_3 = arith.constant 0 : i32
    %dma_start3A_4 = tpu.memref_slice %arg2[%dma_start3A, %dma_start3A_3] : memref<8192x256xf32, #tpu.memory_space<hbm>> -> memref<8192x256xf32, #tpu.memory_space<hbm>>
    tpu.enqueue_indirect_dma source(%dma_start3A_4 : memref<8192x256xf32, #tpu.memory_space<hbm>>) target(%arg6 : memref<32x256xf32, #tpu.memory_space<vmem>>) offsets(%arg5 : memref<32xi32, #tpu.memory_space<vmem>>) semaphore(%arg7 : memref<!tpu.dma_semaphore, #tpu.memory_space<semaphore_mem>>)
    %dma_wait3A = arith.constant 0 : i32
    %dma_wait3A_5 = arith.constant 0 : i32
    %dma_wait3A_6 = tpu.memref_slice %arg2[%dma_wait3A, %dma_wait3A_5] : memref<8192x256xf32, #tpu.memory_space<hbm>> -> memref<8192x256xf32, #tpu.memory_space<hbm>>
    tpu.wait_indirect_dma semaphore(%arg7 : memref<!tpu.dma_semaphore, #tpu.memory_space<semaphore_mem>>) src(%dma_wait3A_6 : memref<8192x256xf32, #tpu.memory_space<hbm>>) dst(%arg6 : memref<32x256xf32, #tpu.memory_space<vmem>>)
    "tpu.region"() ({
      %run_scoped3A = tpu.sem_alloc : memref<!tpu.dma_semaphore, #tpu.memory_space<semaphore_mem>>
      %dma_start3A_7 = arith.constant 0 : i32
      %dma_start3A_8 = tpu.memref_slice %arg4[%mul3A_2, %dma_start3A_7] : memref<1024x256xf32, #tpu.memory_space<hbm>> -> memref<32x256xf32, #tpu.memory_space<hbm>>
      %dma_start3A_9 = arith.constant 0 : i32
      %dma_start3A_10 = tpu.memref_slice %arg4[%mul3A_2, %dma_start3A_9] : memref<1024x256xf32, #tpu.memory_space<hbm>> -> memref<32x256xf32, #tpu.memory_space<hbm>>
      tpu.enqueue_dma source(%arg6 : memref<32x256xf32, #tpu.memory_space<vmem>>) target(%dma_start3A_10 : memref<32x256xf32, #tpu.memory_space<hbm>>) target_semaphore(%run_scoped3A : memref<!tpu.dma_semaphore, #tpu.memory_space<semaphore_mem>>)
      %dma_wait3A_11 = arith.constant 0 : i32
      %dma_wait3A_12 = tpu.memref_slice %arg4[%mul3A_2, %dma_wait3A_11] : memref<1024x256xf32, #tpu.memory_space<hbm>> -> memref<32x256xf32, #tpu.memory_space<hbm>>
      %dma_wait3A_13 = arith.constant 0 : i32
      %dma_wait3A_14 = tpu.memref_slice %arg4[%mul3A_2, %dma_wait3A_13] : memref<1024x256xf32, #tpu.memory_space<hbm>> -> memref<32x256xf32, #tpu.memory_space<hbm>>
      tpu.wait_dma2 semaphore(%run_scoped3A : memref<!tpu.dma_semaphore, #tpu.memory_space<semaphore_mem>>) src(%arg6 : memref<32x256xf32, #tpu.memory_space<vmem>>) dst(%dma_wait3A_14 : memref<32x256xf32, #tpu.memory_space<hbm>>)
      tpu.yield
    }) : () -> ()
    return
  }
}

#map = affine_map<(d0, d1) -> (0, 0)>
#map1 = affine_map<(d0, d1) -> (0)>
module attributes {stable_mosaic.version = 14 : i64} {
  func.func @gather(%arg0: i32, %arg1: i32, %arg2: memref<8192x256xf32, #tpu.memory_space<hbm>>, %arg3: memref<1024xi32, #tpu.memory_space<hbm>>, %arg4: memref<1024x256xf32, #tpu.memory_space<hbm>>, %arg5: memref<32xi32, #tpu.memory_space<vmem>>, %arg6: memref<32x256xf32, #tpu.memory_space<vmem>>, %arg7: memref<!tpu.dma_semaphore, #tpu.memory_space<semaphore_mem>>) attributes {dimension_semantics = [#tpu.dimension_semantics<core_parallel>, #tpu.dimension_semantics<subcore_parallel>], iteration_bounds = array<i64: 2, 16>, scalar_prefetch = 0 : i64, scratch_operands = 3 : i64, tpu.core_type = #tpu.core_type<sc_vector_subcore>, window_params = [{transform_indices = #map}, {transform_indices = #map1}, {transform_indices = #map}]} {
    %mul3A = arith.constant 2 : i32
    %mul3A_0 = arith.muli %arg1, %mul3A : i32
    %add3A = arith.addi %mul3A_0, %arg0 : i32
    %mul3A_1 = arith.constant 32 : i32
    %mul3A_2 = arith.muli %add3A, %mul3A_1 : i32
    "tpu.region"() ({
      %run_scoped3A = tpu.sem_alloc : memref<!tpu.dma_semaphore, #tpu.memory_space<semaphore_mem>>
      %dma_start3A_7 = tpu.memref_slice %arg3[%mul3A_2] : memref<1024xi32, #tpu.memory_space<hbm>> -> memref<32xi32, #tpu.memory_space<hbm>>
      %dma_start3A_8 = tpu.memref_slice %arg3[%mul3A_2] : memref<1024xi32, #tpu.memory_space<hbm>> -> memref<32xi32, #tpu.memory_space<hbm>>
      tpu.enqueue_dma source(%dma_start3A_8 : memref<32xi32, #tpu.memory_space<hbm>>) target(%arg5 : memref<32xi32, #tpu.memory_space<vmem>>) target_semaphore(%run_scoped3A : memref<!tpu.dma_semaphore, #tpu.memory_space<semaphore_mem>>)
      %dma_wait3A_9 = tpu.memref_slice %arg3[%mul3A_2] : memref<1024xi32, #tpu.memory_space<hbm>> -> memref<32xi32, #tpu.memory_space<hbm>>
      %dma_wait3A_10 = tpu.memref_slice %arg3[%mul3A_2] : memref<1024xi32, #tpu.memory_space<hbm>> -> memref<32xi32, #tpu.memory_space<hbm>>
      tpu.wait_dma2 semaphore(%run_scoped3A : memref<!tpu.dma_semaphore, #tpu.memory_space<semaphore_mem>>) src(%dma_wait3A_10 : memref<32xi32, #tpu.memory_space<hbm>>) dst(%arg5 : memref<32xi32, #tpu.memory_space<vmem>>)
      tpu.yield
    }) : () -> ()
    %dma_start3A = arith.constant 0 : i32
    %dma_start3A_3 = arith.constant 0 : i32
    %dma_start3A_4 = tpu.memref_slice %arg2[%dma_start3A, %dma_start3A_3] : memref<8192x256xf32, #tpu.memory_space<hbm>> -> memref<8192x256xf32, #tpu.memory_space<hbm>>
    tpu.enqueue_indirect_dma source(%dma_start3A_4 : memref<8192x256xf32, #tpu.memory_space<hbm>>) target(%arg6 : memref<32x256xf32, #tpu.memory_space<vmem>>) offsets(%arg5 : memref<32xi32, #tpu.memory_space<vmem>>) semaphore(%arg7 : memref<!tpu.dma_semaphore, #tpu.memory_space<semaphore_mem>>)
    %dma_wait3A = arith.constant 0 : i32
    %dma_wait3A_5 = arith.constant 0 : i32
    %dma_wait3A_6 = tpu.memref_slice %arg2[%dma_wait3A, %dma_wait3A_5] : memref<8192x256xf32, #tpu.memory_space<hbm>> -> memref<8192x256xf32, #tpu.memory_space<hbm>>
    tpu.wait_indirect_dma semaphore(%arg7 : memref<!tpu.dma_semaphore, #tpu.memory_space<semaphore_mem>>) src(%dma_wait3A_6 : memref<8192x256xf32, #tpu.memory_space<hbm>>) dst(%arg6 : memref<32x256xf32, #tpu.memory_space<vmem>>)
    "tpu.region"() ({
      %run_scoped3A = tpu.sem_alloc : memref<!tpu.dma_semaphore, #tpu.memory_space<semaphore_mem>>
      %dma_start3A_7 = arith.constant 0 : i32
      %dma_start3A_8 = tpu.memref_slice %arg4[%mul3A_2, %dma_start3A_7] : memref<1024x256xf32, #tpu.memory_space<hbm>> -> memref<32x256xf32, #tpu.memory_space<hbm>>
      %dma_start3A_9 = arith.constant 0 : i32
      %dma_start3A_10 = tpu.memref_slice %arg4[%mul3A_2, %dma_start3A_9] : memref<1024x256xf32, #tpu.memory_space<hbm>> -> memref<32x256xf32, #tpu.memory_space<hbm>>
      tpu.enqueue_dma source(%arg6 : memref<32x256xf32, #tpu.memory_space<vmem>>) target(%dma_start3A_10 : memref<32x256xf32, #tpu.memory_space<hbm>>) target_semaphore(%run_scoped3A : memref<!tpu.dma_semaphore, #tpu.memory_space<semaphore_mem>>)
      %dma_wait3A_11 = arith.constant 0 : i32
      %dma_wait3A_12 = tpu.memref_slice %arg4[%mul3A_2, %dma_wait3A_11] : memref<1024x256xf32, #tpu.memory_space<hbm>> -> memref<32x256xf32, #tpu.memory_space<hbm>>
      %dma_wait3A_13 = arith.constant 0 : i32
      %dma_wait3A_14 = tpu.memref_slice %arg4[%mul3A_2, %dma_wait3A_13] : memref<1024x256xf32, #tpu.memory_space<hbm>> -> memref<32x256xf32, #tpu.memory_space<hbm>>
      tpu.wait_dma2 semaphore(%run_scoped3A : memref<!tpu.dma_semaphore, #tpu.memory_space<semaphore_mem>>) src(%arg6 : memref<32x256xf32, #tpu.memory_space<vmem>>) dst(%dma_wait3A_14 : memref<32x256xf32, #tpu.memory_space<hbm>>)
      tpu.yield
    }) : () -> ()
    return
  }
}

module attributes {stable_mosaic.version = 14 : i64} {
  func.func @_tc_step_kernel(%arg0: i32, %arg1: memref<256x256xf32, #tpu.memory_space<vmem>>, %arg2: memref<256x256xf32, #tpu.memory_space<vmem>>, %arg3: memref<256x256xf32, #tpu.memory_space<vmem>>, %arg4: memref<256x1xf32, #tpu.memory_space<vmem>>, %arg5: memref<1x256xi32, #tpu.memory_space<vmem>>, %arg6: memref<8192x256xbf16, #tpu.memory_space<vmem>>, %arg7: memref<1x256xi32, #tpu.memory_space<vmem>>, %arg8: memref<1x256xi32, #tpu.memory_space<vmem>>, %arg9: memref<256x1xf32, #tpu.memory_space<vmem>>, %arg10: memref<256x256xf32, #tpu.memory_space<vmem>>, %arg11: memref<256x256xf32, #tpu.memory_space<vmem>>) attributes {dimension_semantics = [#tpu.dimension_semantics<arbitrary>], iteration_bounds = array<i64: 4>, scalar_prefetch = 0 : i64, scratch_operands = 0 : i64, tpu.core_type = #tpu.core_type<tc>, window_params = [{transform_indices = @transform_0, window_bounds = array<i64: 256, 256>}, {transform_indices = @transform_1, window_bounds = array<i64: 256, 256>}, {transform_indices = @transform_2, window_bounds = array<i64: 256, 256>}, {transform_indices = @transform_3, window_bounds = array<i64: 256, 1>}, {transform_indices = @transform_4, window_bounds = array<i64: 1, 256>}, {pipeline_mode = #tpu.pipeline_mode<synchronous>, transform_indices = @transform_5, window_bounds = array<i64: 8192, 256>}, {transform_indices = @transform_6, window_bounds = array<i64: 1, 256>}, {transform_indices = @transform_7, window_bounds = array<i64: 1, 256>}, {transform_indices = @transform_8, window_bounds = array<i64: 256, 1>}, {transform_indices = @transform_9, window_bounds = array<i64: 256, 256>}, {transform_indices = @transform_10, window_bounds = array<i64: 256, 256>}]} {
    %get3A = arith.constant 0 : index
    %get3A_0 = arith.constant 0 : index
    %get3A_1 = vector.load %arg1[%get3A, %get3A_0] : memref<256x256xf32, #tpu.memory_space<vmem>>, vector<256x256xf32>
    %get3A_2 = arith.constant 0 : index
    %get3A_3 = arith.constant 0 : index
    %get3A_4 = vector.load %arg2[%get3A_2, %get3A_3] : memref<256x256xf32, #tpu.memory_space<vmem>>, vector<256x256xf32>
    %broadcast_in_dim3A = arith.constant 0 : i32
    %broadcast_in_dim3A_5 = vector.broadcast %broadcast_in_dim3A : i32 to vector<256xi32>
    %swap3A = arith.constant 0 : index
    %swap3A_6 = arith.constant 0 : index
    %swap3A_7 = vector.load %arg8[%swap3A, %swap3A_6] : memref<1x256xi32, #tpu.memory_space<vmem>>, vector<1x256xi32>
    %swap3A_8 = vector.shape_cast %swap3A_7 : vector<1x256xi32> to vector<256xi32>
    %swap3A_9 = vector.shape_cast %broadcast_in_dim3A_5 : vector<256xi32> to vector<1x256xi32>
    tpu.vector_store %arg8[%swap3A, %swap3A_6], %swap3A_9 {strides = array<i32>} : memref<1x256xi32, #tpu.memory_space<vmem>>, vector<1x256xi32>,
    %mul3A = arith.mulf %get3A_1, %get3A_1 : vector<256x256xf32>
    %reduce_sum3A = arith.constant dense<0.000000e+00> : vector<256xf32>
    %reduce_sum3A_10 = vector.multi_reduction <add>, %mul3A, %reduce_sum3A [1] : vector<256x256xf32> to vector<256xf32>
    %broadcast_in_dim3A_11 = vector.shape_cast %reduce_sum3A_10 : vector<256xf32> to vector<256x1xf32>
    %sqrt3A = math.sqrt %broadcast_in_dim3A_11 : vector<256x1xf32>
    %gt3A = arith.constant 9.99999974E-5 : f32
    %gt3A_12 = vector.broadcast %gt3A : f32 to vector<256x1xf32>
    %gt3A_13 = arith.cmpf ogt, %sqrt3A, %gt3A_12 : vector<256x1xf32>
    %convert_element_type3A = arith.extui %gt3A_13 : vector<256x1xi1> to vector<256x1xi32>
    %convert_element_type3A_14 = arith.sitofp %convert_element_type3A : vector<256x1xi32> to vector<256x1xf32>
    %max3A = arith.constant 9.99999993E-9 : f32
    %max3A_15 = vector.broadcast %max3A : f32 to vector<256x1xf32>
    %max3A_16 = arith.maximumf %sqrt3A, %max3A_15 : vector<256x1xf32>
    %div3A = vector.broadcast %max3A_16 : vector<256x1xf32> to vector<256x256xf32>
    %div3A_17 = arith.divf %get3A_1, %div3A : vector<256x256xf32>
    %convert_element_type3A_18 = arith.truncf %div3A_17 : vector<256x256xf32> to vector<256x256xbf16>
    %get3A_19 = arith.constant 0 : index
    %get3A_20 = arith.constant 0 : index
    %get3A_21 = vector.load %arg6[%get3A_19, %get3A_20] : memref<8192x256xbf16, #tpu.memory_space<vmem>>, vector<8192x256xbf16>
    %dot_general3A = arith.constant dense<0.000000e+00> : vector<256x8192xf32>
    %dot_general3A_22 = tpu.matmul %convert_element_type3A_18, %get3A_21, %dot_general3A {dimension_numbers = #tpu.dot_dimension_numbers<[1], [1], [0], [0], [0, 0, 1, 0], [], []>, transpose_lhs_hint = false} : vector<256x256xbf16>, vector<8192x256xbf16>, vector<256x8192xf32> -> vector<256x8192xf32>
    %abs3A = math.absf %dot_general3A_22 : vector<256x8192xf32>
    %argmax3A = tpu.reduce_index %abs3A {axis = 1 : i32, kind = #tpu.reduction_kind<arg_max>} : vector<256x8192xf32> -> vector<256xi32>
    %swap3A_23 = arith.constant 0 : index
    %swap3A_24 = arith.constant 0 : index
    %swap3A_25 = vector.load %arg7[%swap3A_23, %swap3A_24] : memref<1x256xi32, #tpu.memory_space<vmem>>, vector<1x256xi32>
    %swap3A_26 = vector.shape_cast %swap3A_25 : vector<1x256xi32> to vector<256xi32>
    %swap3A_27 = vector.shape_cast %argmax3A : vector<256xi32> to vector<1x256xi32>
    tpu.vector_store %arg7[%swap3A_23, %swap3A_24], %swap3A_27 {strides = array<i32>} : memref<1x256xi32, #tpu.memory_space<vmem>>, vector<1x256xi32>,
    %swap3A_28 = arith.constant 0 : index
    %swap3A_29 = arith.constant 0 : index
    %swap3A_30 = vector.load %arg9[%swap3A_28, %swap3A_29] : memref<256x1xf32, #tpu.memory_space<vmem>>, vector<256x1xf32>
    tpu.vector_store %arg9[%swap3A_28, %swap3A_29], %convert_element_type3A_14 {strides = array<i32>} : memref<256x1xf32, #tpu.memory_space<vmem>>, vector<256x1xf32>,
    %swap3A_31 = arith.constant 0 : index
    %swap3A_32 = arith.constant 0 : index
    %swap3A_33 = vector.load %arg10[%swap3A_31, %swap3A_32] : memref<256x256xf32, #tpu.memory_space<vmem>>, vector<256x256xf32>
    tpu.vector_store %arg10[%swap3A_31, %swap3A_32], %get3A_1 {strides = array<i32>} : memref<256x256xf32, #tpu.memory_space<vmem>>, vector<256x256xf32>,
    %swap3A_34 = arith.constant 0 : index
    %swap3A_35 = arith.constant 0 : index
    %swap3A_36 = vector.load %arg11[%swap3A_34, %swap3A_35] : memref<256x256xf32, #tpu.memory_space<vmem>>, vector<256x256xf32>
    tpu.vector_store %arg11[%swap3A_34, %swap3A_35], %get3A_4 {strides = array<i32>} : memref<256x256xf32, #tpu.memory_space<vmem>>, vector<256x256xf32>,
    return
  }
  func.func @transform_0(%arg0: i32) -> (i32, i32) {
    %c0_i32 = arith.constant 0 : i32
    %c0_i32_0 = arith.constant 0 : i32
    return %arg0, %c0_i32 : i32, i32
  }
  func.func @transform_1(%arg0: i32) -> (i32, i32) {
    %c0_i32 = arith.constant 0 : i32
    %c0_i32_0 = arith.constant 0 : i32
    return %arg0, %c0_i32 : i32, i32
  }
  func.func @transform_2(%arg0: i32) -> (i32, i32) {
    %c0_i32 = arith.constant 0 : i32
    %c0_i32_0 = arith.constant 0 : i32
    return %arg0, %c0_i32 : i32, i32
  }
  func.func @transform_3(%arg0: i32) -> (i32, i32) {
    %c0_i32 = arith.constant 0 : i32
    %c0_i32_0 = arith.constant 0 : i32
    return %arg0, %c0_i32 : i32, i32
  }
  func.func @transform_4(%arg0: i32) -> (i32, i32) {
    %c0_i32 = arith.constant 0 : i32
    %c0_i32_0 = arith.constant 0 : i32
    return %c0_i32, %arg0 : i32, i32
  }
  func.func @transform_5(%arg0: i32) -> (i32, i32) {
    %c0_i32 = arith.constant 0 : i32
    %c0_i32_0 = arith.constant 0 : i32
    %c0_i32_1 = arith.constant 0 : i32
    return %c0_i32, %c0_i32_0 : i32, i32
  }
  func.func @transform_6(%arg0: i32) -> (i32, i32) {
    %c0_i32 = arith.constant 0 : i32
    %c0_i32_0 = arith.constant 0 : i32
    return %c0_i32, %arg0 : i32, i32
  }
  func.func @transform_7(%arg0: i32) -> (i32, i32) {
    %c0_i32 = arith.constant 0 : i32
    %c0_i32_0 = arith.constant 0 : i32
    return %c0_i32, %arg0 : i32, i32
  }
  func.func @transform_8(%arg0: i32) -> (i32, i32) {
    %c0_i32 = arith.constant 0 : i32
    %c0_i32_0 = arith.constant 0 : i32
    return %arg0, %c0_i32 : i32, i32
  }
  func.func @transform_9(%arg0: i32) -> (i32, i32) {
    %c0_i32 = arith.constant 0 : i32
    %c0_i32_0 = arith.constant 0 : i32
    return %arg0, %c0_i32 : i32, i32
  }
  func.func @transform_10(%arg0: i32) -> (i32, i32) {
    %c0_i32 = arith.constant 0 : i32
    %c0_i32_0 = arith.constant 0 : i32
    return %arg0, %c0_i32 : i32, i32
  }
}

module attributes {stable_mosaic.version = 14 : i64} {
  func.func @_tc_step_kernel(%arg0: i32, %arg1: memref<256x256xf32, #tpu.memory_space<vmem>>, %arg2: memref<256x256xf32, #tpu.memory_space<vmem>>, %arg3: memref<256x256xf32, #tpu.memory_space<vmem>>, %arg4: memref<256x1xf32, #tpu.memory_space<vmem>>, %arg5: memref<1x256xi32, #tpu.memory_space<vmem>>, %arg6: memref<8192x256xbf16, #tpu.memory_space<vmem>>, %arg7: memref<1x256xi32, #tpu.memory_space<vmem>>, %arg8: memref<1x256xi32, #tpu.memory_space<vmem>>, %arg9: memref<256x1xf32, #tpu.memory_space<vmem>>, %arg10: memref<256x256xf32, #tpu.memory_space<vmem>>, %arg11: memref<256x256xf32, #tpu.memory_space<vmem>>) attributes {dimension_semantics = [#tpu.dimension_semantics<arbitrary>], iteration_bounds = array<i64: 4>, scalar_prefetch = 0 : i64, scratch_operands = 0 : i64, tpu.core_type = #tpu.core_type<tc>, window_params = [{transform_indices = @transform_0, window_bounds = array<i64: 256, 256>}, {transform_indices = @transform_1, window_bounds = array<i64: 256, 256>}, {transform_indices = @transform_2, window_bounds = array<i64: 256, 256>}, {transform_indices = @transform_3, window_bounds = array<i64: 256, 1>}, {transform_indices = @transform_4, window_bounds = array<i64: 1, 256>}, {pipeline_mode = #tpu.pipeline_mode<synchronous>, transform_indices = @transform_5, window_bounds = array<i64: 8192, 256>}, {transform_indices = @transform_6, window_bounds = array<i64: 1, 256>}, {transform_indices = @transform_7, window_bounds = array<i64: 1, 256>}, {transform_indices = @transform_8, window_bounds = array<i64: 256, 1>}, {transform_indices = @transform_9, window_bounds = array<i64: 256, 256>}, {transform_indices = @transform_10, window_bounds = array<i64: 256, 256>}]} {
    %get3A = arith.constant 0 : index
    %get3A_0 = arith.constant 0 : index
    %get3A_1 = vector.load %arg1[%get3A, %get3A_0] : memref<256x256xf32, #tpu.memory_space<vmem>>, vector<256x256xf32>
    %get3A_2 = arith.constant 0 : index
    %get3A_3 = arith.constant 0 : index
    %get3A_4 = vector.load %arg2[%get3A_2, %get3A_3] : memref<256x256xf32, #tpu.memory_space<vmem>>, vector<256x256xf32>
    %get3A_5 = arith.constant 0 : index
    %get3A_6 = arith.constant 0 : index
    %get3A_7 = vector.load %arg3[%get3A_5, %get3A_6] : memref<256x256xf32, #tpu.memory_space<vmem>>, vector<256x256xf32>
    %mul3A = arith.mulf %get3A_1, %get3A_7 : vector<256x256xf32>
    %reduce_sum3A = arith.constant dense<0.000000e+00> : vector<256xf32>
    %reduce_sum3A_8 = vector.multi_reduction <add>, %mul3A, %reduce_sum3A [1] : vector<256x256xf32> to vector<256xf32>
    %ge3A = arith.constant 0.000000e+00 : f32
    %ge3A_9 = vector.broadcast %ge3A : f32 to vector<256xf32>
    %ge3A_10 = arith.cmpf oge, %reduce_sum3A_8, %ge3A_9 : vector<256xf32>
    %jit3A = arith.constant 1.000000e+00 : f32
    %jit3A_11 = arith.constant -1.000000e+00 : f32
    %broadcast_in_dim3A = vector.broadcast %jit3A : f32 to vector<256xf32>
    %broadcast_in_dim3A_12 = vector.broadcast %jit3A_11 : f32 to vector<256xf32>
    %select_n3A = arith.select %ge3A_10, %broadcast_in_dim3A, %broadcast_in_dim3A_12 : vector<256xi1>, vector<256xf32>
    %get3A_13 = arith.constant 0 : index
    %get3A_14 = arith.constant 0 : index
    %get3A_15 = vector.load %arg5[%get3A_13, %get3A_14] : memref<1x256xi32, #tpu.memory_space<vmem>>, vector<1x256xi32>
    %get3A_16 = vector.shape_cast %get3A_15 : vector<1x256xi32> to vector<256xi32>
    %ge3A_17 = arith.constant 0.000000e+00 : f32
    %ge3A_18 = vector.broadcast %ge3A_17 : f32 to vector<256xf32>
    %ge3A_19 = arith.cmpf oge, %reduce_sum3A_8, %ge3A_18 : vector<256xf32>
    %add3A = arith.constant 1 : i32
    %add3A_20 = vector.broadcast %add3A : i32 to vector<256xi32>
    %add3A_21 = arith.addi %get3A_16, %add3A_20 : vector<256xi32>
    %neg3A = arith.constant 0 : i32
    %neg3A_22 = vector.broadcast %neg3A : i32 to vector<256xi32>
    %neg3A_23 = arith.subi %neg3A_22, %add3A_21 : vector<256xi32>
    %select_n3A_24 = arith.select %ge3A_19, %get3A_16, %neg3A_23 : vector<256xi1>, vector<256xi32>
    %get3A_25 = arith.constant 0 : index
    %get3A_26 = arith.constant 0 : index
    %get3A_27 = vector.load %arg4[%get3A_25, %get3A_26] : memref<256x1xf32, #tpu.memory_space<vmem>>, vector<256x1xf32>
    %get3A_28 = vector.shape_cast %get3A_27 : vector<256x1xf32> to vector<256xf32>
    %mul3A_29 = arith.mulf %get3A_28, %select_n3A : vector<256xf32>
    %mul3A_30 = arith.constant 8.100000e-01 : f32
    %mul3A_31 = vector.broadcast %mul3A_30 : f32 to vector<256xf32>
    %mul3A_32 = arith.mulf %mul3A_29, %mul3A_31 : vector<256xf32>
    %broadcast_in_dim3A_33 = vector.shape_cast %mul3A_32 : vector<256xf32> to vector<256x1xf32>
    %mul3A_34 = vector.broadcast %broadcast_in_dim3A_33 : vector<256x1xf32> to vector<256x256xf32>
    %mul3A_35 = arith.mulf %mul3A_34, %get3A_7 : vector<256x256xf32>
    %sub3A = arith.subf %get3A_1, %mul3A_35 : vector<256x256xf32>
    %add3A_36 = arith.addf %get3A_4, %mul3A_35 : vector<256x256xf32>
    %swap3A = arith.constant 0 : index
    %swap3A_37 = arith.constant 0 : index
    %swap3A_38 = vector.load %arg8[%swap3A, %swap3A_37] : memref<1x256xi32, #tpu.memory_space<vmem>>, vector<1x256xi32>
    %swap3A_39 = vector.shape_cast %swap3A_38 : vector<1x256xi32> to vector<256xi32>
    %swap3A_40 = vector.shape_cast %select_n3A_24 : vector<256xi32> to vector<1x256xi32>
    tpu.vector_store %arg8[%swap3A, %swap3A_37], %swap3A_40 {strides = array<i32>} : memref<1x256xi32, #tpu.memory_space<vmem>>, vector<1x256xi32>,
    %mul3A_41 = arith.mulf %sub3A, %sub3A : vector<256x256xf32>
    %reduce_sum3A_42 = arith.constant dense<0.000000e+00> : vector<256xf32>
    %reduce_sum3A_43 = vector.multi_reduction <add>, %mul3A_41, %reduce_sum3A_42 [1] : vector<256x256xf32> to vector<256xf32>
    %broadcast_in_dim3A_44 = vector.shape_cast %reduce_sum3A_43 : vector<256xf32> to vector<256x1xf32>
    %sqrt3A = math.sqrt %broadcast_in_dim3A_44 : vector<256x1xf32>
    %gt3A = arith.constant 9.99999974E-5 : f32
    %gt3A_45 = vector.broadcast %gt3A : f32 to vector<256x1xf32>
    %gt3A_46 = arith.cmpf ogt, %sqrt3A, %gt3A_45 : vector<256x1xf32>
    %convert_element_type3A = arith.extui %gt3A_46 : vector<256x1xi1> to vector<256x1xi32>
    %convert_element_type3A_47 = arith.sitofp %convert_element_type3A : vector<256x1xi32> to vector<256x1xf32>
    %max3A = arith.constant 9.99999993E-9 : f32
    %max3A_48 = vector.broadcast %max3A : f32 to vector<256x1xf32>
    %max3A_49 = arith.maximumf %sqrt3A, %max3A_48 : vector<256x1xf32>
    %div3A = vector.broadcast %max3A_49 : vector<256x1xf32> to vector<256x256xf32>
    %div3A_50 = arith.divf %sub3A, %div3A : vector<256x256xf32>
    %convert_element_type3A_51 = arith.truncf %div3A_50 : vector<256x256xf32> to vector<256x256xbf16>
    %get3A_52 = arith.constant 0 : index
    %get3A_53 = arith.constant 0 : index
    %get3A_54 = vector.load %arg6[%get3A_52, %get3A_53] : memref<8192x256xbf16, #tpu.memory_space<vmem>>, vector<8192x256xbf16>
    %dot_general3A = arith.constant dense<0.000000e+00> : vector<256x8192xf32>
    %dot_general3A_55 = tpu.matmul %convert_element_type3A_51, %get3A_54, %dot_general3A {dimension_numbers = #tpu.dot_dimension_numbers<[1], [1], [0], [0], [0, 0, 1, 0], [], []>, transpose_lhs_hint = false} : vector<256x256xbf16>, vector<8192x256xbf16>, vector<256x8192xf32> -> vector<256x8192xf32>
    %abs3A = math.absf %dot_general3A_55 : vector<256x8192xf32>
    %argmax3A = tpu.reduce_index %abs3A {axis = 1 : i32, kind = #tpu.reduction_kind<arg_max>} : vector<256x8192xf32> -> vector<256xi32>
    %swap3A_56 = arith.constant 0 : index
    %swap3A_57 = arith.constant 0 : index
    %swap3A_58 = vector.load %arg7[%swap3A_56, %swap3A_57] : memref<1x256xi32, #tpu.memory_space<vmem>>, vector<1x256xi32>
    %swap3A_59 = vector.shape_cast %swap3A_58 : vector<1x256xi32> to vector<256xi32>
    %swap3A_60 = vector.shape_cast %argmax3A : vector<256xi32> to vector<1x256xi32>
    tpu.vector_store %arg7[%swap3A_56, %swap3A_57], %swap3A_60 {strides = array<i32>} : memref<1x256xi32, #tpu.memory_space<vmem>>, vector<1x256xi32>,
    %swap3A_61 = arith.constant 0 : index
    %swap3A_62 = arith.constant 0 : index
    %swap3A_63 = vector.load %arg9[%swap3A_61, %swap3A_62] : memref<256x1xf32, #tpu.memory_space<vmem>>, vector<256x1xf32>
    tpu.vector_store %arg9[%swap3A_61, %swap3A_62], %convert_element_type3A_47 {strides = array<i32>} : memref<256x1xf32, #tpu.memory_space<vmem>>, vector<256x1xf32>,
    %swap3A_64 = arith.constant 0 : index
    %swap3A_65 = arith.constant 0 : index
    %swap3A_66 = vector.load %arg10[%swap3A_64, %swap3A_65] : memref<256x256xf32, #tpu.memory_space<vmem>>, vector<256x256xf32>
    tpu.vector_store %arg10[%swap3A_64, %swap3A_65], %sub3A {strides = array<i32>} : memref<256x256xf32, #tpu.memory_space<vmem>>, vector<256x256xf32>,
    %swap3A_67 = arith.constant 0 : index
    %swap3A_68 = arith.constant 0 : index
    %swap3A_69 = vector.load %arg11[%swap3A_67, %swap3A_68] : memref<256x256xf32, #tpu.memory_space<vmem>>, vector<256x256xf32>
    tpu.vector_store %arg11[%swap3A_67, %swap3A_68], %add3A_36 {strides = array<i32>} : memref<256x256xf32, #tpu.memory_space<vmem>>, vector<256x256xf32>,
    return
  }
  func.func @transform_0(%arg0: i32) -> (i32, i32) {
    %c0_i32 = arith.constant 0 : i32
    %c0_i32_0 = arith.constant 0 : i32
    return %arg0, %c0_i32 : i32, i32
  }
  func.func @transform_1(%arg0: i32) -> (i32, i32) {
    %c0_i32 = arith.constant 0 : i32
    %c0_i32_0 = arith.constant 0 : i32
    return %arg0, %c0_i32 : i32, i32
  }
  func.func @transform_2(%arg0: i32) -> (i32, i32) {
    %c0_i32 = arith.constant 0 : i32
    %c0_i32_0 = arith.constant 0 : i32
    return %arg0, %c0_i32 : i32, i32
  }
  func.func @transform_3(%arg0: i32) -> (i32, i32) {
    %c0_i32 = arith.constant 0 : i32
    %c0_i32_0 = arith.constant 0 : i32
    return %arg0, %c0_i32 : i32, i32
  }
  func.func @transform_4(%arg0: i32) -> (i32, i32) {
    %c0_i32 = arith.constant 0 : i32
    %c0_i32_0 = arith.constant 0 : i32
    return %c0_i32, %arg0 : i32, i32
  }
  func.func @transform_5(%arg0: i32) -> (i32, i32) {
    %c0_i32 = arith.constant 0 : i32
    %c0_i32_0 = arith.constant 0 : i32
    %c0_i32_1 = arith.constant 0 : i32
    return %c0_i32, %c0_i32_0 : i32, i32
  }
  func.func @transform_6(%arg0: i32) -> (i32, i32) {
    %c0_i32 = arith.constant 0 : i32
    %c0_i32_0 = arith.constant 0 : i32
    return %c0_i32, %arg0 : i32, i32
  }
  func.func @transform_7(%arg0: i32) -> (i32, i32) {
    %c0_i32 = arith.constant 0 : i32
    %c0_i32_0 = arith.constant 0 : i32
    return %c0_i32, %arg0 : i32, i32
  }
  func.func @transform_8(%arg0: i32) -> (i32, i32) {
    %c0_i32 = arith.constant 0 : i32
    %c0_i32_0 = arith.constant 0 : i32
    return %arg0, %c0_i32 : i32, i32
  }
  func.func @transform_9(%arg0: i32) -> (i32, i32) {
    %c0_i32 = arith.constant 0 : i32
    %c0_i32_0 = arith.constant 0 : i32
    return %arg0, %c0_i32 : i32, i32
  }
  func.func @transform_10(%arg0: i32) -> (i32, i32) {
    %c0_i32 = arith.constant 0 : i32
    %c0_i32_0 = arith.constant 0 : i32
    return %arg0, %c0_i32 : i32, i32
  }
}

module attributes {stable_mosaic.version = 14 : i64} {
  func.func @_tc_step_kernel(%arg0: i32, %arg1: memref<256x256xf32, #tpu.memory_space<vmem>>, %arg2: memref<256x256xf32, #tpu.memory_space<vmem>>, %arg3: memref<256x256xf32, #tpu.memory_space<vmem>>, %arg4: memref<256x1xf32, #tpu.memory_space<vmem>>, %arg5: memref<1x256xi32, #tpu.memory_space<vmem>>, %arg6: memref<8192x256xbf16, #tpu.memory_space<vmem>>, %arg7: memref<1x256xi32, #tpu.memory_space<vmem>>, %arg8: memref<1x256xi32, #tpu.memory_space<vmem>>, %arg9: memref<256x1xf32, #tpu.memory_space<vmem>>, %arg10: memref<256x256xf32, #tpu.memory_space<vmem>>, %arg11: memref<256x256xf32, #tpu.memory_space<vmem>>) attributes {dimension_semantics = [#tpu.dimension_semantics<arbitrary>], iteration_bounds = array<i64: 4>, scalar_prefetch = 0 : i64, scratch_operands = 0 : i64, tpu.core_type = #tpu.core_type<tc>, window_params = [{transform_indices = @transform_0, window_bounds = array<i64: 256, 256>}, {transform_indices = @transform_1, window_bounds = array<i64: 256, 256>}, {transform_indices = @transform_2, window_bounds = array<i64: 256, 256>}, {transform_indices = @transform_3, window_bounds = array<i64: 256, 1>}, {transform_indices = @transform_4, window_bounds = array<i64: 1, 256>}, {pipeline_mode = #tpu.pipeline_mode<synchronous>, transform_indices = @transform_5, window_bounds = array<i64: 8192, 256>}, {transform_indices = @transform_6, window_bounds = array<i64: 1, 256>}, {transform_indices = @transform_7, window_bounds = array<i64: 1, 256>}, {transform_indices = @transform_8, window_bounds = array<i64: 256, 1>}, {transform_indices = @transform_9, window_bounds = array<i64: 256, 256>}, {transform_indices = @transform_10, window_bounds = array<i64: 256, 256>}]} {
    %get3A = arith.constant 0 : index
    %get3A_0 = arith.constant 0 : index
    %get3A_1 = vector.load %arg1[%get3A, %get3A_0] : memref<256x256xf32, #tpu.memory_space<vmem>>, vector<256x256xf32>
    %get3A_2 = arith.constant 0 : index
    %get3A_3 = arith.constant 0 : index
    %get3A_4 = vector.load %arg2[%get3A_2, %get3A_3] : memref<256x256xf32, #tpu.memory_space<vmem>>, vector<256x256xf32>
    %get3A_5 = arith.constant 0 : index
    %get3A_6 = arith.constant 0 : index
    %get3A_7 = vector.load %arg3[%get3A_5, %get3A_6] : memref<256x256xf32, #tpu.memory_space<vmem>>, vector<256x256xf32>
    %mul3A = arith.mulf %get3A_1, %get3A_7 : vector<256x256xf32>
    %reduce_sum3A = arith.constant dense<0.000000e+00> : vector<256xf32>
    %reduce_sum3A_8 = vector.multi_reduction <add>, %mul3A, %reduce_sum3A [1] : vector<256x256xf32> to vector<256xf32>
    %ge3A = arith.constant 0.000000e+00 : f32
    %ge3A_9 = vector.broadcast %ge3A : f32 to vector<256xf32>
    %ge3A_10 = arith.cmpf oge, %reduce_sum3A_8, %ge3A_9 : vector<256xf32>
    %jit3A = arith.constant 1.000000e+00 : f32
    %jit3A_11 = arith.constant -1.000000e+00 : f32
    %broadcast_in_dim3A = vector.broadcast %jit3A : f32 to vector<256xf32>
    %broadcast_in_dim3A_12 = vector.broadcast %jit3A_11 : f32 to vector<256xf32>
    %select_n3A = arith.select %ge3A_10, %broadcast_in_dim3A, %broadcast_in_dim3A_12 : vector<256xi1>, vector<256xf32>
    %get3A_13 = arith.constant 0 : index
    %get3A_14 = arith.constant 0 : index
    %get3A_15 = vector.load %arg5[%get3A_13, %get3A_14] : memref<1x256xi32, #tpu.memory_space<vmem>>, vector<1x256xi32>
    %get3A_16 = vector.shape_cast %get3A_15 : vector<1x256xi32> to vector<256xi32>
    %ge3A_17 = arith.constant 0.000000e+00 : f32
    %ge3A_18 = vector.broadcast %ge3A_17 : f32 to vector<256xf32>
    %ge3A_19 = arith.cmpf oge, %reduce_sum3A_8, %ge3A_18 : vector<256xf32>
    %add3A = arith.constant 1 : i32
    %add3A_20 = vector.broadcast %add3A : i32 to vector<256xi32>
    %add3A_21 = arith.addi %get3A_16, %add3A_20 : vector<256xi32>
    %neg3A = arith.constant 0 : i32
    %neg3A_22 = vector.broadcast %neg3A : i32 to vector<256xi32>
    %neg3A_23 = arith.subi %neg3A_22, %add3A_21 : vector<256xi32>
    %select_n3A_24 = arith.select %ge3A_19, %get3A_16, %neg3A_23 : vector<256xi1>, vector<256xi32>
    %get3A_25 = arith.constant 0 : index
    %get3A_26 = arith.constant 0 : index
    %get3A_27 = vector.load %arg4[%get3A_25, %get3A_26] : memref<256x1xf32, #tpu.memory_space<vmem>>, vector<256x1xf32>
    %get3A_28 = vector.shape_cast %get3A_27 : vector<256x1xf32> to vector<256xf32>
    %mul3A_29 = arith.mulf %get3A_28, %select_n3A : vector<256xf32>
    %mul3A_30 = arith.constant 0.899999976 : f32
    %mul3A_31 = vector.broadcast %mul3A_30 : f32 to vector<256xf32>
    %mul3A_32 = arith.mulf %mul3A_29, %mul3A_31 : vector<256xf32>
    %broadcast_in_dim3A_33 = vector.shape_cast %mul3A_32 : vector<256xf32> to vector<256x1xf32>
    %mul3A_34 = vector.broadcast %broadcast_in_dim3A_33 : vector<256x1xf32> to vector<256x256xf32>
    %mul3A_35 = arith.mulf %mul3A_34, %get3A_7 : vector<256x256xf32>
    %sub3A = arith.subf %get3A_1, %mul3A_35 : vector<256x256xf32>
    %add3A_36 = arith.addf %get3A_4, %mul3A_35 : vector<256x256xf32>
    %swap3A = arith.constant 0 : index
    %swap3A_37 = arith.constant 0 : index
    %swap3A_38 = vector.load %arg8[%swap3A, %swap3A_37] : memref<1x256xi32, #tpu.memory_space<vmem>>, vector<1x256xi32>
    %swap3A_39 = vector.shape_cast %swap3A_38 : vector<1x256xi32> to vector<256xi32>
    %swap3A_40 = vector.shape_cast %select_n3A_24 : vector<256xi32> to vector<1x256xi32>
    tpu.vector_store %arg8[%swap3A, %swap3A_37], %swap3A_40 {strides = array<i32>} : memref<1x256xi32, #tpu.memory_space<vmem>>, vector<1x256xi32>,
    %mul3A_41 = arith.mulf %sub3A, %sub3A : vector<256x256xf32>
    %reduce_sum3A_42 = arith.constant dense<0.000000e+00> : vector<256xf32>
    %reduce_sum3A_43 = vector.multi_reduction <add>, %mul3A_41, %reduce_sum3A_42 [1] : vector<256x256xf32> to vector<256xf32>
    %broadcast_in_dim3A_44 = vector.shape_cast %reduce_sum3A_43 : vector<256xf32> to vector<256x1xf32>
    %sqrt3A = math.sqrt %broadcast_in_dim3A_44 : vector<256x1xf32>
    %gt3A = arith.constant 9.99999974E-5 : f32
    %gt3A_45 = vector.broadcast %gt3A : f32 to vector<256x1xf32>
    %gt3A_46 = arith.cmpf ogt, %sqrt3A, %gt3A_45 : vector<256x1xf32>
    %convert_element_type3A = arith.extui %gt3A_46 : vector<256x1xi1> to vector<256x1xi32>
    %convert_element_type3A_47 = arith.sitofp %convert_element_type3A : vector<256x1xi32> to vector<256x1xf32>
    %max3A = arith.constant 9.99999993E-9 : f32
    %max3A_48 = vector.broadcast %max3A : f32 to vector<256x1xf32>
    %max3A_49 = arith.maximumf %sqrt3A, %max3A_48 : vector<256x1xf32>
    %div3A = vector.broadcast %max3A_49 : vector<256x1xf32> to vector<256x256xf32>
    %div3A_50 = arith.divf %sub3A, %div3A : vector<256x256xf32>
    %convert_element_type3A_51 = arith.truncf %div3A_50 : vector<256x256xf32> to vector<256x256xbf16>
    %get3A_52 = arith.constant 0 : index
    %get3A_53 = arith.constant 0 : index
    %get3A_54 = vector.load %arg6[%get3A_52, %get3A_53] : memref<8192x256xbf16, #tpu.memory_space<vmem>>, vector<8192x256xbf16>
    %dot_general3A = arith.constant dense<0.000000e+00> : vector<256x8192xf32>
    %dot_general3A_55 = tpu.matmul %convert_element_type3A_51, %get3A_54, %dot_general3A {dimension_numbers = #tpu.dot_dimension_numbers<[1], [1], [0], [0], [0, 0, 1, 0], [], []>, transpose_lhs_hint = false} : vector<256x256xbf16>, vector<8192x256xbf16>, vector<256x8192xf32> -> vector<256x8192xf32>
    %abs3A = math.absf %dot_general3A_55 : vector<256x8192xf32>
    %argmax3A = tpu.reduce_index %abs3A {axis = 1 : i32, kind = #tpu.reduction_kind<arg_max>} : vector<256x8192xf32> -> vector<256xi32>
    %swap3A_56 = arith.constant 0 : index
    %swap3A_57 = arith.constant 0 : index
    %swap3A_58 = vector.load %arg7[%swap3A_56, %swap3A_57] : memref<1x256xi32, #tpu.memory_space<vmem>>, vector<1x256xi32>
    %swap3A_59 = vector.shape_cast %swap3A_58 : vector<1x256xi32> to vector<256xi32>
    %swap3A_60 = vector.shape_cast %argmax3A : vector<256xi32> to vector<1x256xi32>
    tpu.vector_store %arg7[%swap3A_56, %swap3A_57], %swap3A_60 {strides = array<i32>} : memref<1x256xi32, #tpu.memory_space<vmem>>, vector<1x256xi32>,
    %swap3A_61 = arith.constant 0 : index
    %swap3A_62 = arith.constant 0 : index
    %swap3A_63 = vector.load %arg9[%swap3A_61, %swap3A_62] : memref<256x1xf32, #tpu.memory_space<vmem>>, vector<256x1xf32>
    tpu.vector_store %arg9[%swap3A_61, %swap3A_62], %convert_element_type3A_47 {strides = array<i32>} : memref<256x1xf32, #tpu.memory_space<vmem>>, vector<256x1xf32>,
    %swap3A_64 = arith.constant 0 : index
    %swap3A_65 = arith.constant 0 : index
    %swap3A_66 = vector.load %arg10[%swap3A_64, %swap3A_65] : memref<256x256xf32, #tpu.memory_space<vmem>>, vector<256x256xf32>
    tpu.vector_store %arg10[%swap3A_64, %swap3A_65], %sub3A {strides = array<i32>} : memref<256x256xf32, #tpu.memory_space<vmem>>, vector<256x256xf32>,
    %swap3A_67 = arith.constant 0 : index
    %swap3A_68 = arith.constant 0 : index
    %swap3A_69 = vector.load %arg11[%swap3A_67, %swap3A_68] : memref<256x256xf32, #tpu.memory_space<vmem>>, vector<256x256xf32>
    tpu.vector_store %arg11[%swap3A_67, %swap3A_68], %add3A_36 {strides = array<i32>} : memref<256x256xf32, #tpu.memory_space<vmem>>, vector<256x256xf32>,
    return
  }
  func.func @transform_0(%arg0: i32) -> (i32, i32) {
    %c0_i32 = arith.constant 0 : i32
    %c0_i32_0 = arith.constant 0 : i32
    return %arg0, %c0_i32 : i32, i32
  }
  func.func @transform_1(%arg0: i32) -> (i32, i32) {
    %c0_i32 = arith.constant 0 : i32
    %c0_i32_0 = arith.constant 0 : i32
    return %arg0, %c0_i32 : i32, i32
  }
  func.func @transform_2(%arg0: i32) -> (i32, i32) {
    %c0_i32 = arith.constant 0 : i32
    %c0_i32_0 = arith.constant 0 : i32
    return %arg0, %c0_i32 : i32, i32
  }
  func.func @transform_3(%arg0: i32) -> (i32, i32) {
    %c0_i32 = arith.constant 0 : i32
    %c0_i32_0 = arith.constant 0 : i32
    return %arg0, %c0_i32 : i32, i32
  }
  func.func @transform_4(%arg0: i32) -> (i32, i32) {
    %c0_i32 = arith.constant 0 : i32
    %c0_i32_0 = arith.constant 0 : i32
    return %c0_i32, %arg0 : i32, i32
  }
  func.func @transform_5(%arg0: i32) -> (i32, i32) {
    %c0_i32 = arith.constant 0 : i32
    %c0_i32_0 = arith.constant 0 : i32
    %c0_i32_1 = arith.constant 0 : i32
    return %c0_i32, %c0_i32_0 : i32, i32
  }
  func.func @transform_6(%arg0: i32) -> (i32, i32) {
    %c0_i32 = arith.constant 0 : i32
    %c0_i32_0 = arith.constant 0 : i32
    return %c0_i32, %arg0 : i32, i32
  }
  func.func @transform_7(%arg0: i32) -> (i32, i32) {
    %c0_i32 = arith.constant 0 : i32
    %c0_i32_0 = arith.constant 0 : i32
    return %c0_i32, %arg0 : i32, i32
  }
  func.func @transform_8(%arg0: i32) -> (i32, i32) {
    %c0_i32 = arith.constant 0 : i32
    %c0_i32_0 = arith.constant 0 : i32
    return %arg0, %c0_i32 : i32, i32
  }
  func.func @transform_9(%arg0: i32) -> (i32, i32) {
    %c0_i32 = arith.constant 0 : i32
    %c0_i32_0 = arith.constant 0 : i32
    return %arg0, %c0_i32 : i32, i32
  }
  func.func @transform_10(%arg0: i32) -> (i32, i32) {
    %c0_i32 = arith.constant 0 : i32
    %c0_i32_0 = arith.constant 0 : i32
    return %arg0, %c0_i32 : i32, i32
  }
}

module attributes {stable_mosaic.version = 14 : i64} {
  func.func @_tc_step_kernel(%arg0: i32, %arg1: memref<256x256xf32, #tpu.memory_space<vmem>>, %arg2: memref<256x256xf32, #tpu.memory_space<vmem>>, %arg3: memref<256x256xf32, #tpu.memory_space<vmem>>, %arg4: memref<256x1xf32, #tpu.memory_space<vmem>>, %arg5: memref<1x256xi32, #tpu.memory_space<vmem>>, %arg6: memref<8192x256xbf16, #tpu.memory_space<vmem>>, %arg7: memref<1x256xi32, #tpu.memory_space<vmem>>, %arg8: memref<1x256xi32, #tpu.memory_space<vmem>>, %arg9: memref<256x1xf32, #tpu.memory_space<vmem>>, %arg10: memref<256x256xf32, #tpu.memory_space<vmem>>, %arg11: memref<256x256xf32, #tpu.memory_space<vmem>>) attributes {dimension_semantics = [#tpu.dimension_semantics<arbitrary>], iteration_bounds = array<i64: 4>, scalar_prefetch = 0 : i64, scratch_operands = 0 : i64, tpu.core_type = #tpu.core_type<tc>, window_params = [{transform_indices = @transform_0, window_bounds = array<i64: 256, 256>}, {transform_indices = @transform_1, window_bounds = array<i64: 256, 256>}, {transform_indices = @transform_2, window_bounds = array<i64: 256, 256>}, {transform_indices = @transform_3, window_bounds = array<i64: 256, 1>}, {transform_indices = @transform_4, window_bounds = array<i64: 1, 256>}, {pipeline_mode = #tpu.pipeline_mode<synchronous>, transform_indices = @transform_5, window_bounds = array<i64: 8192, 256>}, {transform_indices = @transform_6, window_bounds = array<i64: 1, 256>}, {transform_indices = @transform_7, window_bounds = array<i64: 1, 256>}, {transform_indices = @transform_8, window_bounds = array<i64: 256, 1>}, {transform_indices = @transform_9, window_bounds = array<i64: 256, 256>}, {transform_indices = @transform_10, window_bounds = array<i64: 256, 256>}]} {
    %get3A = arith.constant 0 : index
    %get3A_0 = arith.constant 0 : index
    %get3A_1 = vector.load %arg1[%get3A, %get3A_0] : memref<256x256xf32, #tpu.memory_space<vmem>>, vector<256x256xf32>
    %get3A_2 = arith.constant 0 : index
    %get3A_3 = arith.constant 0 : index
    %get3A_4 = vector.load %arg2[%get3A_2, %get3A_3] : memref<256x256xf32, #tpu.memory_space<vmem>>, vector<256x256xf32>
    %get3A_5 = arith.constant 0 : index
    %get3A_6 = arith.constant 0 : index
    %get3A_7 = vector.load %arg3[%get3A_5, %get3A_6] : memref<256x256xf32, #tpu.memory_space<vmem>>, vector<256x256xf32>
    %mul3A = arith.mulf %get3A_1, %get3A_7 : vector<256x256xf32>
    %reduce_sum3A = arith.constant dense<0.000000e+00> : vector<256xf32>
    %reduce_sum3A_8 = vector.multi_reduction <add>, %mul3A, %reduce_sum3A [1] : vector<256x256xf32> to vector<256xf32>
    %ge3A = arith.constant 0.000000e+00 : f32
    %ge3A_9 = vector.broadcast %ge3A : f32 to vector<256xf32>
    %ge3A_10 = arith.cmpf oge, %reduce_sum3A_8, %ge3A_9 : vector<256xf32>
    %jit3A = arith.constant 1.000000e+00 : f32
    %jit3A_11 = arith.constant -1.000000e+00 : f32
    %broadcast_in_dim3A = vector.broadcast %jit3A : f32 to vector<256xf32>
    %broadcast_in_dim3A_12 = vector.broadcast %jit3A_11 : f32 to vector<256xf32>
    %select_n3A = arith.select %ge3A_10, %broadcast_in_dim3A, %broadcast_in_dim3A_12 : vector<256xi1>, vector<256xf32>
    %get3A_13 = arith.constant 0 : index
    %get3A_14 = arith.constant 0 : index
    %get3A_15 = vector.load %arg5[%get3A_13, %get3A_14] : memref<1x256xi32, #tpu.memory_space<vmem>>, vector<1x256xi32>
    %get3A_16 = vector.shape_cast %get3A_15 : vector<1x256xi32> to vector<256xi32>
    %ge3A_17 = arith.constant 0.000000e+00 : f32
    %ge3A_18 = vector.broadcast %ge3A_17 : f32 to vector<256xf32>
    %ge3A_19 = arith.cmpf oge, %reduce_sum3A_8, %ge3A_18 : vector<256xf32>
    %add3A = arith.constant 1 : i32
    %add3A_20 = vector.broadcast %add3A : i32 to vector<256xi32>
    %add3A_21 = arith.addi %get3A_16, %add3A_20 : vector<256xi32>
    %neg3A = arith.constant 0 : i32
    %neg3A_22 = vector.broadcast %neg3A : i32 to vector<256xi32>
    %neg3A_23 = arith.subi %neg3A_22, %add3A_21 : vector<256xi32>
    %select_n3A_24 = arith.select %ge3A_19, %get3A_16, %neg3A_23 : vector<256xi1>, vector<256xi32>
    %get3A_25 = arith.constant 0 : index
    %get3A_26 = arith.constant 0 : index
    %get3A_27 = vector.load %arg4[%get3A_25, %get3A_26] : memref<256x1xf32, #tpu.memory_space<vmem>>, vector<256x1xf32>
    %get3A_28 = vector.shape_cast %get3A_27 : vector<256x1xf32> to vector<256xf32>
    %mul3A_29 = arith.mulf %get3A_28, %select_n3A : vector<256xf32>
    %mul3A_30 = arith.constant 7.290000e-01 : f32
    %mul3A_31 = vector.broadcast %mul3A_30 : f32 to vector<256xf32>
    %mul3A_32 = arith.mulf %mul3A_29, %mul3A_31 : vector<256xf32>
    %broadcast_in_dim3A_33 = vector.shape_cast %mul3A_32 : vector<256xf32> to vector<256x1xf32>
    %mul3A_34 = vector.broadcast %broadcast_in_dim3A_33 : vector<256x1xf32> to vector<256x256xf32>
    %mul3A_35 = arith.mulf %mul3A_34, %get3A_7 : vector<256x256xf32>
    %sub3A = arith.subf %get3A_1, %mul3A_35 : vector<256x256xf32>
    %add3A_36 = arith.addf %get3A_4, %mul3A_35 : vector<256x256xf32>
    %swap3A = arith.constant 0 : index
    %swap3A_37 = arith.constant 0 : index
    %swap3A_38 = vector.load %arg8[%swap3A, %swap3A_37] : memref<1x256xi32, #tpu.memory_space<vmem>>, vector<1x256xi32>
    %swap3A_39 = vector.shape_cast %swap3A_38 : vector<1x256xi32> to vector<256xi32>
    %swap3A_40 = vector.shape_cast %select_n3A_24 : vector<256xi32> to vector<1x256xi32>
    tpu.vector_store %arg8[%swap3A, %swap3A_37], %swap3A_40 {strides = array<i32>} : memref<1x256xi32, #tpu.memory_space<vmem>>, vector<1x256xi32>,
    %mul3A_41 = arith.mulf %sub3A, %sub3A : vector<256x256xf32>
    %reduce_sum3A_42 = arith.constant dense<0.000000e+00> : vector<256xf32>
    %reduce_sum3A_43 = vector.multi_reduction <add>, %mul3A_41, %reduce_sum3A_42 [1] : vector<256x256xf32> to vector<256xf32>
    %broadcast_in_dim3A_44 = vector.shape_cast %reduce_sum3A_43 : vector<256xf32> to vector<256x1xf32>
    %sqrt3A = math.sqrt %broadcast_in_dim3A_44 : vector<256x1xf32>
    %gt3A = arith.constant 9.99999974E-5 : f32
    %gt3A_45 = vector.broadcast %gt3A : f32 to vector<256x1xf32>
    %gt3A_46 = arith.cmpf ogt, %sqrt3A, %gt3A_45 : vector<256x1xf32>
    %convert_element_type3A = arith.extui %gt3A_46 : vector<256x1xi1> to vector<256x1xi32>
    %convert_element_type3A_47 = arith.sitofp %convert_element_type3A : vector<256x1xi32> to vector<256x1xf32>
    %max3A = arith.constant 9.99999993E-9 : f32
    %max3A_48 = vector.broadcast %max3A : f32 to vector<256x1xf32>
    %max3A_49 = arith.maximumf %sqrt3A, %max3A_48 : vector<256x1xf32>
    %div3A = vector.broadcast %max3A_49 : vector<256x1xf32> to vector<256x256xf32>
    %div3A_50 = arith.divf %sub3A, %div3A : vector<256x256xf32>
    %convert_element_type3A_51 = arith.truncf %div3A_50 : vector<256x256xf32> to vector<256x256xbf16>
    %get3A_52 = arith.constant 0 : index
    %get3A_53 = arith.constant 0 : index
    %get3A_54 = vector.load %arg6[%get3A_52, %get3A_53] : memref<8192x256xbf16, #tpu.memory_space<vmem>>, vector<8192x256xbf16>
    %dot_general3A = arith.constant dense<0.000000e+00> : vector<256x8192xf32>
    %dot_general3A_55 = tpu.matmul %convert_element_type3A_51, %get3A_54, %dot_general3A {dimension_numbers = #tpu.dot_dimension_numbers<[1], [1], [0], [0], [0, 0, 1, 0], [], []>, transpose_lhs_hint = false} : vector<256x256xbf16>, vector<8192x256xbf16>, vector<256x8192xf32> -> vector<256x8192xf32>
    %abs3A = math.absf %dot_general3A_55 : vector<256x8192xf32>
    %argmax3A = tpu.reduce_index %abs3A {axis = 1 : i32, kind = #tpu.reduction_kind<arg_max>} : vector<256x8192xf32> -> vector<256xi32>
    %swap3A_56 = arith.constant 0 : index
    %swap3A_57 = arith.constant 0 : index
    %swap3A_58 = vector.load %arg7[%swap3A_56, %swap3A_57] : memref<1x256xi32, #tpu.memory_space<vmem>>, vector<1x256xi32>
    %swap3A_59 = vector.shape_cast %swap3A_58 : vector<1x256xi32> to vector<256xi32>
    %swap3A_60 = vector.shape_cast %argmax3A : vector<256xi32> to vector<1x256xi32>
    tpu.vector_store %arg7[%swap3A_56, %swap3A_57], %swap3A_60 {strides = array<i32>} : memref<1x256xi32, #tpu.memory_space<vmem>>, vector<1x256xi32>,
    %swap3A_61 = arith.constant 0 : index
    %swap3A_62 = arith.constant 0 : index
    %swap3A_63 = vector.load %arg9[%swap3A_61, %swap3A_62] : memref<256x1xf32, #tpu.memory_space<vmem>>, vector<256x1xf32>
    tpu.vector_store %arg9[%swap3A_61, %swap3A_62], %convert_element_type3A_47 {strides = array<i32>} : memref<256x1xf32, #tpu.memory_space<vmem>>, vector<256x1xf32>,
    %swap3A_64 = arith.constant 0 : index
    %swap3A_65 = arith.constant 0 : index
    %swap3A_66 = vector.load %arg10[%swap3A_64, %swap3A_65] : memref<256x256xf32, #tpu.memory_space<vmem>>, vector<256x256xf32>
    tpu.vector_store %arg10[%swap3A_64, %swap3A_65], %sub3A {strides = array<i32>} : memref<256x256xf32, #tpu.memory_space<vmem>>, vector<256x256xf32>,
    %swap3A_67 = arith.constant 0 : index
    %swap3A_68 = arith.constant 0 : index
    %swap3A_69 = vector.load %arg11[%swap3A_67, %swap3A_68] : memref<256x256xf32, #tpu.memory_space<vmem>>, vector<256x256xf32>
    tpu.vector_store %arg11[%swap3A_67, %swap3A_68], %add3A_36 {strides = array<i32>} : memref<256x256xf32, #tpu.memory_space<vmem>>, vector<256x256xf32>,
    return
  }
  func.func @transform_0(%arg0: i32) -> (i32, i32) {
    %c0_i32 = arith.constant 0 : i32
    %c0_i32_0 = arith.constant 0 : i32
    return %arg0, %c0_i32 : i32, i32
  }
  func.func @transform_1(%arg0: i32) -> (i32, i32) {
    %c0_i32 = arith.constant 0 : i32
    %c0_i32_0 = arith.constant 0 : i32
    return %arg0, %c0_i32 : i32, i32
  }
  func.func @transform_2(%arg0: i32) -> (i32, i32) {
    %c0_i32 = arith.constant 0 : i32
    %c0_i32_0 = arith.constant 0 : i32
    return %arg0, %c0_i32 : i32, i32
  }
  func.func @transform_3(%arg0: i32) -> (i32, i32) {
    %c0_i32 = arith.constant 0 : i32
    %c0_i32_0 = arith.constant 0 : i32
    return %arg0, %c0_i32 : i32, i32
  }
  func.func @transform_4(%arg0: i32) -> (i32, i32) {
    %c0_i32 = arith.constant 0 : i32
    %c0_i32_0 = arith.constant 0 : i32
    return %c0_i32, %arg0 : i32, i32
  }
  func.func @transform_5(%arg0: i32) -> (i32, i32) {
    %c0_i32 = arith.constant 0 : i32
    %c0_i32_0 = arith.constant 0 : i32
    %c0_i32_1 = arith.constant 0 : i32
    return %c0_i32, %c0_i32_0 : i32, i32
  }
  func.func @transform_6(%arg0: i32) -> (i32, i32) {
    %c0_i32 = arith.constant 0 : i32
    %c0_i32_0 = arith.constant 0 : i32
    return %c0_i32, %arg0 : i32, i32
  }
  func.func @transform_7(%arg0: i32) -> (i32, i32) {
    %c0_i32 = arith.constant 0 : i32
    %c0_i32_0 = arith.constant 0 : i32
    return %c0_i32, %arg0 : i32, i32
  }
  func.func @transform_8(%arg0: i32) -> (i32, i32) {
    %c0_i32 = arith.constant 0 : i32
    %c0_i32_0 = arith.constant 0 : i32
    return %arg0, %c0_i32 : i32, i32
  }
  func.func @transform_9(%arg0: i32) -> (i32, i32) {
    %c0_i32 = arith.constant 0 : i32
    %c0_i32_0 = arith.constant 0 : i32
    return %arg0, %c0_i32 : i32, i32
  }
  func.func @transform_10(%arg0: i32) -> (i32, i32) {
    %c0_i32 = arith.constant 0 : i32
    %c0_i32_0 = arith.constant 0 : i32
    return %arg0, %c0_i32 : i32, i32
  }
}

module attributes {stable_mosaic.version = 14 : i64} {
  func.func @_tc_step_kernel(%arg0: i32, %arg1: memref<256x256xf32, #tpu.memory_space<vmem>>, %arg2: memref<256x256xf32, #tpu.memory_space<vmem>>, %arg3: memref<256x256xf32, #tpu.memory_space<vmem>>, %arg4: memref<256x1xf32, #tpu.memory_space<vmem>>, %arg5: memref<1x256xi32, #tpu.memory_space<vmem>>, %arg6: memref<8192x256xbf16, #tpu.memory_space<vmem>>, %arg7: memref<1x256xi32, #tpu.memory_space<vmem>>, %arg8: memref<1x256xi32, #tpu.memory_space<vmem>>, %arg9: memref<256x1xf32, #tpu.memory_space<vmem>>, %arg10: memref<256x256xf32, #tpu.memory_space<vmem>>, %arg11: memref<256x256xf32, #tpu.memory_space<vmem>>) attributes {dimension_semantics = [#tpu.dimension_semantics<arbitrary>], iteration_bounds = array<i64: 4>, scalar_prefetch = 0 : i64, scratch_operands = 0 : i64, tpu.core_type = #tpu.core_type<tc>, window_params = [{transform_indices = @transform_0, window_bounds = array<i64: 256, 256>}, {transform_indices = @transform_1, window_bounds = array<i64: 256, 256>}, {transform_indices = @transform_2, window_bounds = array<i64: 256, 256>}, {transform_indices = @transform_3, window_bounds = array<i64: 256, 1>}, {transform_indices = @transform_4, window_bounds = array<i64: 1, 256>}, {pipeline_mode = #tpu.pipeline_mode<synchronous>, transform_indices = @transform_5, window_bounds = array<i64: 8192, 256>}, {transform_indices = @transform_6, window_bounds = array<i64: 1, 256>}, {transform_indices = @transform_7, window_bounds = array<i64: 1, 256>}, {transform_indices = @transform_8, window_bounds = array<i64: 256, 1>}, {transform_indices = @transform_9, window_bounds = array<i64: 256, 256>}, {transform_indices = @transform_10, window_bounds = array<i64: 256, 256>}]} {
    %get3A = arith.constant 0 : index
    %get3A_0 = arith.constant 0 : index
    %get3A_1 = vector.load %arg1[%get3A, %get3A_0] : memref<256x256xf32, #tpu.memory_space<vmem>>, vector<256x256xf32>
    %get3A_2 = arith.constant 0 : index
    %get3A_3 = arith.constant 0 : index
    %get3A_4 = vector.load %arg2[%get3A_2, %get3A_3] : memref<256x256xf32, #tpu.memory_space<vmem>>, vector<256x256xf32>
    %get3A_5 = arith.constant 0 : index
    %get3A_6 = arith.constant 0 : index
    %get3A_7 = vector.load %arg3[%get3A_5, %get3A_6] : memref<256x256xf32, #tpu.memory_space<vmem>>, vector<256x256xf32>
    %mul3A = arith.mulf %get3A_1, %get3A_7 : vector<256x256xf32>
    %reduce_sum3A = arith.constant dense<0.000000e+00> : vector<256xf32>
    %reduce_sum3A_8 = vector.multi_reduction <add>, %mul3A, %reduce_sum3A [1] : vector<256x256xf32> to vector<256xf32>
    %ge3A = arith.constant 0.000000e+00 : f32
    %ge3A_9 = vector.broadcast %ge3A : f32 to vector<256xf32>
    %ge3A_10 = arith.cmpf oge, %reduce_sum3A_8, %ge3A_9 : vector<256xf32>
    %jit3A = arith.constant 1.000000e+00 : f32
    %jit3A_11 = arith.constant -1.000000e+00 : f32
    %broadcast_in_dim3A = vector.broadcast %jit3A : f32 to vector<256xf32>
    %broadcast_in_dim3A_12 = vector.broadcast %jit3A_11 : f32 to vector<256xf32>
    %select_n3A = arith.select %ge3A_10, %broadcast_in_dim3A, %broadcast_in_dim3A_12 : vector<256xi1>, vector<256xf32>
    %get3A_13 = arith.constant 0 : index
    %get3A_14 = arith.constant 0 : index
    %get3A_15 = vector.load %arg5[%get3A_13, %get3A_14] : memref<1x256xi32, #tpu.memory_space<vmem>>, vector<1x256xi32>
    %get3A_16 = vector.shape_cast %get3A_15 : vector<1x256xi32> to vector<256xi32>
    %ge3A_17 = arith.constant 0.000000e+00 : f32
    %ge3A_18 = vector.broadcast %ge3A_17 : f32 to vector<256xf32>
    %ge3A_19 = arith.cmpf oge, %reduce_sum3A_8, %ge3A_18 : vector<256xf32>
    %add3A = arith.constant 1 : i32
    %add3A_20 = vector.broadcast %add3A : i32 to vector<256xi32>
    %add3A_21 = arith.addi %get3A_16, %add3A_20 : vector<256xi32>
    %neg3A = arith.constant 0 : i32
    %neg3A_22 = vector.broadcast %neg3A : i32 to vector<256xi32>
    %neg3A_23 = arith.subi %neg3A_22, %add3A_21 : vector<256xi32>
    %select_n3A_24 = arith.select %ge3A_19, %get3A_16, %neg3A_23 : vector<256xi1>, vector<256xi32>
    %get3A_25 = arith.constant 0 : index
    %get3A_26 = arith.constant 0 : index
    %get3A_27 = vector.load %arg4[%get3A_25, %get3A_26] : memref<256x1xf32, #tpu.memory_space<vmem>>, vector<256x1xf32>
    %get3A_28 = vector.shape_cast %get3A_27 : vector<256x1xf32> to vector<256xf32>
    %mul3A_29 = arith.mulf %get3A_28, %select_n3A : vector<256xf32>
    %mul3A_30 = arith.constant 0.656099975 : f32
    %mul3A_31 = vector.broadcast %mul3A_30 : f32 to vector<256xf32>
    %mul3A_32 = arith.mulf %mul3A_29, %mul3A_31 : vector<256xf32>
    %broadcast_in_dim3A_33 = vector.shape_cast %mul3A_32 : vector<256xf32> to vector<256x1xf32>
    %mul3A_34 = vector.broadcast %broadcast_in_dim3A_33 : vector<256x1xf32> to vector<256x256xf32>
    %mul3A_35 = arith.mulf %mul3A_34, %get3A_7 : vector<256x256xf32>
    %sub3A = arith.subf %get3A_1, %mul3A_35 : vector<256x256xf32>
    %add3A_36 = arith.addf %get3A_4, %mul3A_35 : vector<256x256xf32>
    %swap3A = arith.constant 0 : index
    %swap3A_37 = arith.constant 0 : index
    %swap3A_38 = vector.load %arg8[%swap3A, %swap3A_37] : memref<1x256xi32, #tpu.memory_space<vmem>>, vector<1x256xi32>
    %swap3A_39 = vector.shape_cast %swap3A_38 : vector<1x256xi32> to vector<256xi32>
    %swap3A_40 = vector.shape_cast %select_n3A_24 : vector<256xi32> to vector<1x256xi32>
    tpu.vector_store %arg8[%swap3A, %swap3A_37], %swap3A_40 {strides = array<i32>} : memref<1x256xi32, #tpu.memory_space<vmem>>, vector<1x256xi32>,
    %mul3A_41 = arith.mulf %sub3A, %sub3A : vector<256x256xf32>
    %reduce_sum3A_42 = arith.constant dense<0.000000e+00> : vector<256xf32>
    %reduce_sum3A_43 = vector.multi_reduction <add>, %mul3A_41, %reduce_sum3A_42 [1] : vector<256x256xf32> to vector<256xf32>
    %broadcast_in_dim3A_44 = vector.shape_cast %reduce_sum3A_43 : vector<256xf32> to vector<256x1xf32>
    %sqrt3A = math.sqrt %broadcast_in_dim3A_44 : vector<256x1xf32>
    %gt3A = arith.constant 9.99999974E-5 : f32
    %gt3A_45 = vector.broadcast %gt3A : f32 to vector<256x1xf32>
    %gt3A_46 = arith.cmpf ogt, %sqrt3A, %gt3A_45 : vector<256x1xf32>
    %convert_element_type3A = arith.extui %gt3A_46 : vector<256x1xi1> to vector<256x1xi32>
    %convert_element_type3A_47 = arith.sitofp %convert_element_type3A : vector<256x1xi32> to vector<256x1xf32>
    %max3A = arith.constant 9.99999993E-9 : f32
    %max3A_48 = vector.broadcast %max3A : f32 to vector<256x1xf32>
    %max3A_49 = arith.maximumf %sqrt3A, %max3A_48 : vector<256x1xf32>
    %div3A = vector.broadcast %max3A_49 : vector<256x1xf32> to vector<256x256xf32>
    %div3A_50 = arith.divf %sub3A, %div3A : vector<256x256xf32>
    %convert_element_type3A_51 = arith.truncf %div3A_50 : vector<256x256xf32> to vector<256x256xbf16>
    %get3A_52 = arith.constant 0 : index
    %get3A_53 = arith.constant 0 : index
    %get3A_54 = vector.load %arg6[%get3A_52, %get3A_53] : memref<8192x256xbf16, #tpu.memory_space<vmem>>, vector<8192x256xbf16>
    %dot_general3A = arith.constant dense<0.000000e+00> : vector<256x8192xf32>
    %dot_general3A_55 = tpu.matmul %convert_element_type3A_51, %get3A_54, %dot_general3A {dimension_numbers = #tpu.dot_dimension_numbers<[1], [1], [0], [0], [0, 0, 1, 0], [], []>, transpose_lhs_hint = false} : vector<256x256xbf16>, vector<8192x256xbf16>, vector<256x8192xf32> -> vector<256x8192xf32>
    %abs3A = math.absf %dot_general3A_55 : vector<256x8192xf32>
    %argmax3A = tpu.reduce_index %abs3A {axis = 1 : i32, kind = #tpu.reduction_kind<arg_max>} : vector<256x8192xf32> -> vector<256xi32>
    %swap3A_56 = arith.constant 0 : index
    %swap3A_57 = arith.constant 0 : index
    %swap3A_58 = vector.load %arg7[%swap3A_56, %swap3A_57] : memref<1x256xi32, #tpu.memory_space<vmem>>, vector<1x256xi32>
    %swap3A_59 = vector.shape_cast %swap3A_58 : vector<1x256xi32> to vector<256xi32>
    %swap3A_60 = vector.shape_cast %argmax3A : vector<256xi32> to vector<1x256xi32>
    tpu.vector_store %arg7[%swap3A_56, %swap3A_57], %swap3A_60 {strides = array<i32>} : memref<1x256xi32, #tpu.memory_space<vmem>>, vector<1x256xi32>,
    %swap3A_61 = arith.constant 0 : index
    %swap3A_62 = arith.constant 0 : index
    %swap3A_63 = vector.load %arg9[%swap3A_61, %swap3A_62] : memref<256x1xf32, #tpu.memory_space<vmem>>, vector<256x1xf32>
    tpu.vector_store %arg9[%swap3A_61, %swap3A_62], %convert_element_type3A_47 {strides = array<i32>} : memref<256x1xf32, #tpu.memory_space<vmem>>, vector<256x1xf32>,
    %swap3A_64 = arith.constant 0 : index
    %swap3A_65 = arith.constant 0 : index
    %swap3A_66 = vector.load %arg10[%swap3A_64, %swap3A_65] : memref<256x256xf32, #tpu.memory_space<vmem>>, vector<256x256xf32>
    tpu.vector_store %arg10[%swap3A_64, %swap3A_65], %sub3A {strides = array<i32>} : memref<256x256xf32, #tpu.memory_space<vmem>>, vector<256x256xf32>,
    %swap3A_67 = arith.constant 0 : index
    %swap3A_68 = arith.constant 0 : index
    %swap3A_69 = vector.load %arg11[%swap3A_67, %swap3A_68] : memref<256x256xf32, #tpu.memory_space<vmem>>, vector<256x256xf32>
    tpu.vector_store %arg11[%swap3A_67, %swap3A_68], %add3A_36 {strides = array<i32>} : memref<256x256xf32, #tpu.memory_space<vmem>>, vector<256x256xf32>,
    return
  }
  func.func @transform_0(%arg0: i32) -> (i32, i32) {
    %c0_i32 = arith.constant 0 : i32
    %c0_i32_0 = arith.constant 0 : i32
    return %arg0, %c0_i32 : i32, i32
  }
  func.func @transform_1(%arg0: i32) -> (i32, i32) {
    %c0_i32 = arith.constant 0 : i32
    %c0_i32_0 = arith.constant 0 : i32
    return %arg0, %c0_i32 : i32, i32
  }
  func.func @transform_2(%arg0: i32) -> (i32, i32) {
    %c0_i32 = arith.constant 0 : i32
    %c0_i32_0 = arith.constant 0 : i32
    return %arg0, %c0_i32 : i32, i32
  }
  func.func @transform_3(%arg0: i32) -> (i32, i32) {
    %c0_i32 = arith.constant 0 : i32
    %c0_i32_0 = arith.constant 0 : i32
    return %arg0, %c0_i32 : i32, i32
  }
  func.func @transform_4(%arg0: i32) -> (i32, i32) {
    %c0_i32 = arith.constant 0 : i32
    %c0_i32_0 = arith.constant 0 : i32
    return %c0_i32, %arg0 : i32, i32
  }
  func.func @transform_5(%arg0: i32) -> (i32, i32) {
    %c0_i32 = arith.constant 0 : i32
    %c0_i32_0 = arith.constant 0 : i32
    %c0_i32_1 = arith.constant 0 : i32
    return %c0_i32, %c0_i32_0 : i32, i32
  }
  func.func @transform_6(%arg0: i32) -> (i32, i32) {
    %c0_i32 = arith.constant 0 : i32
    %c0_i32_0 = arith.constant 0 : i32
    return %c0_i32, %arg0 : i32, i32
  }
  func.func @transform_7(%arg0: i32) -> (i32, i32) {
    %c0_i32 = arith.constant 0 : i32
    %c0_i32_0 = arith.constant 0 : i32
    return %c0_i32, %arg0 : i32, i32
  }
  func.func @transform_8(%arg0: i32) -> (i32, i32) {
    %c0_i32 = arith.constant 0 : i32
    %c0_i32_0 = arith.constant 0 : i32
    return %arg0, %c0_i32 : i32, i32
  }
  func.func @transform_9(%arg0: i32) -> (i32, i32) {
    %c0_i32 = arith.constant 0 : i32
    %c0_i32_0 = arith.constant 0 : i32
    return %arg0, %c0_i32 : i32, i32
  }
  func.func @transform_10(%arg0: i32) -> (i32, i32) {
    %c0_i32 = arith.constant 0 : i32
    %c0_i32_0 = arith.constant 0 : i32
    return %arg0, %c0_i32 : i32, i32
  }
}

module attributes {stable_mosaic.version = 14 : i64} {
  func.func @_tc_step_kernel(%arg0: i32, %arg1: memref<256x256xf32, #tpu.memory_space<vmem>>, %arg2: memref<256x256xf32, #tpu.memory_space<vmem>>, %arg3: memref<256x256xf32, #tpu.memory_space<vmem>>, %arg4: memref<256x1xf32, #tpu.memory_space<vmem>>, %arg5: memref<1x256xi32, #tpu.memory_space<vmem>>, %arg6: memref<8192x256xbf16, #tpu.memory_space<vmem>>, %arg7: memref<1x256xi32, #tpu.memory_space<vmem>>, %arg8: memref<1x256xi32, #tpu.memory_space<vmem>>, %arg9: memref<256x1xf32, #tpu.memory_space<vmem>>, %arg10: memref<256x256xf32, #tpu.memory_space<vmem>>, %arg11: memref<256x256xf32, #tpu.memory_space<vmem>>) attributes {dimension_semantics = [#tpu.dimension_semantics<arbitrary>], iteration_bounds = array<i64: 4>, scalar_prefetch = 0 : i64, scratch_operands = 0 : i64, tpu.core_type = #tpu.core_type<tc>, window_params = [{transform_indices = @transform_0, window_bounds = array<i64: 256, 256>}, {transform_indices = @transform_1, window_bounds = array<i64: 256, 256>}, {transform_indices = @transform_2, window_bounds = array<i64: 256, 256>}, {transform_indices = @transform_3, window_bounds = array<i64: 256, 1>}, {transform_indices = @transform_4, window_bounds = array<i64: 1, 256>}, {pipeline_mode = #tpu.pipeline_mode<synchronous>, transform_indices = @transform_5, window_bounds = array<i64: 8192, 256>}, {transform_indices = @transform_6, window_bounds = array<i64: 1, 256>}, {transform_indices = @transform_7, window_bounds = array<i64: 1, 256>}, {transform_indices = @transform_8, window_bounds = array<i64: 256, 1>}, {transform_indices = @transform_9, window_bounds = array<i64: 256, 256>}, {transform_indices = @transform_10, window_bounds = array<i64: 256, 256>}]} {
    %get3A = arith.constant 0 : index
    %get3A_0 = arith.constant 0 : index
    %get3A_1 = vector.load %arg1[%get3A, %get3A_0] : memref<256x256xf32, #tpu.memory_space<vmem>>, vector<256x256xf32>
    %get3A_2 = arith.constant 0 : index
    %get3A_3 = arith.constant 0 : index
    %get3A_4 = vector.load %arg2[%get3A_2, %get3A_3] : memref<256x256xf32, #tpu.memory_space<vmem>>, vector<256x256xf32>
    %get3A_5 = arith.constant 0 : index
    %get3A_6 = arith.constant 0 : index
    %get3A_7 = vector.load %arg3[%get3A_5, %get3A_6] : memref<256x256xf32, #tpu.memory_space<vmem>>, vector<256x256xf32>
    %mul3A = arith.mulf %get3A_1, %get3A_7 : vector<256x256xf32>
    %reduce_sum3A = arith.constant dense<0.000000e+00> : vector<256xf32>
    %reduce_sum3A_8 = vector.multi_reduction <add>, %mul3A, %reduce_sum3A [1] : vector<256x256xf32> to vector<256xf32>
    %ge3A = arith.constant 0.000000e+00 : f32
    %ge3A_9 = vector.broadcast %ge3A : f32 to vector<256xf32>
    %ge3A_10 = arith.cmpf oge, %reduce_sum3A_8, %ge3A_9 : vector<256xf32>
    %jit3A = arith.constant 1.000000e+00 : f32
    %jit3A_11 = arith.constant -1.000000e+00 : f32
    %broadcast_in_dim3A = vector.broadcast %jit3A : f32 to vector<256xf32>
    %broadcast_in_dim3A_12 = vector.broadcast %jit3A_11 : f32 to vector<256xf32>
    %select_n3A = arith.select %ge3A_10, %broadcast_in_dim3A, %broadcast_in_dim3A_12 : vector<256xi1>, vector<256xf32>
    %get3A_13 = arith.constant 0 : index
    %get3A_14 = arith.constant 0 : index
    %get3A_15 = vector.load %arg5[%get3A_13, %get3A_14] : memref<1x256xi32, #tpu.memory_space<vmem>>, vector<1x256xi32>
    %get3A_16 = vector.shape_cast %get3A_15 : vector<1x256xi32> to vector<256xi32>
    %ge3A_17 = arith.constant 0.000000e+00 : f32
    %ge3A_18 = vector.broadcast %ge3A_17 : f32 to vector<256xf32>
    %ge3A_19 = arith.cmpf oge, %reduce_sum3A_8, %ge3A_18 : vector<256xf32>
    %add3A = arith.constant 1 : i32
    %add3A_20 = vector.broadcast %add3A : i32 to vector<256xi32>
    %add3A_21 = arith.addi %get3A_16, %add3A_20 : vector<256xi32>
    %neg3A = arith.constant 0 : i32
    %neg3A_22 = vector.broadcast %neg3A : i32 to vector<256xi32>
    %neg3A_23 = arith.subi %neg3A_22, %add3A_21 : vector<256xi32>
    %select_n3A_24 = arith.select %ge3A_19, %get3A_16, %neg3A_23 : vector<256xi1>, vector<256xi32>
    %get3A_25 = arith.constant 0 : index
    %get3A_26 = arith.constant 0 : index
    %get3A_27 = vector.load %arg4[%get3A_25, %get3A_26] : memref<256x1xf32, #tpu.memory_space<vmem>>, vector<256x1xf32>
    %get3A_28 = vector.shape_cast %get3A_27 : vector<256x1xf32> to vector<256xf32>
    %mul3A_29 = arith.mulf %get3A_28, %select_n3A : vector<256xf32>
    %mul3A_30 = arith.constant 5.904900e-01 : f32
    %mul3A_31 = vector.broadcast %mul3A_30 : f32 to vector<256xf32>
    %mul3A_32 = arith.mulf %mul3A_29, %mul3A_31 : vector<256xf32>
    %broadcast_in_dim3A_33 = vector.shape_cast %mul3A_32 : vector<256xf32> to vector<256x1xf32>
    %mul3A_34 = vector.broadcast %broadcast_in_dim3A_33 : vector<256x1xf32> to vector<256x256xf32>
    %mul3A_35 = arith.mulf %mul3A_34, %get3A_7 : vector<256x256xf32>
    %sub3A = arith.subf %get3A_1, %mul3A_35 : vector<256x256xf32>
    %add3A_36 = arith.addf %get3A_4, %mul3A_35 : vector<256x256xf32>
    %swap3A = arith.constant 0 : index
    %swap3A_37 = arith.constant 0 : index
    %swap3A_38 = vector.load %arg8[%swap3A, %swap3A_37] : memref<1x256xi32, #tpu.memory_space<vmem>>, vector<1x256xi32>
    %swap3A_39 = vector.shape_cast %swap3A_38 : vector<1x256xi32> to vector<256xi32>
    %swap3A_40 = vector.shape_cast %select_n3A_24 : vector<256xi32> to vector<1x256xi32>
    tpu.vector_store %arg8[%swap3A, %swap3A_37], %swap3A_40 {strides = array<i32>} : memref<1x256xi32, #tpu.memory_space<vmem>>, vector<1x256xi32>,
    %mul3A_41 = arith.mulf %sub3A, %sub3A : vector<256x256xf32>
    %reduce_sum3A_42 = arith.constant dense<0.000000e+00> : vector<256xf32>
    %reduce_sum3A_43 = vector.multi_reduction <add>, %mul3A_41, %reduce_sum3A_42 [1] : vector<256x256xf32> to vector<256xf32>
    %broadcast_in_dim3A_44 = vector.shape_cast %reduce_sum3A_43 : vector<256xf32> to vector<256x1xf32>
    %sqrt3A = math.sqrt %broadcast_in_dim3A_44 : vector<256x1xf32>
    %gt3A = arith.constant 9.99999974E-5 : f32
    %gt3A_45 = vector.broadcast %gt3A : f32 to vector<256x1xf32>
    %gt3A_46 = arith.cmpf ogt, %sqrt3A, %gt3A_45 : vector<256x1xf32>
    %convert_element_type3A = arith.extui %gt3A_46 : vector<256x1xi1> to vector<256x1xi32>
    %convert_element_type3A_47 = arith.sitofp %convert_element_type3A : vector<256x1xi32> to vector<256x1xf32>
    %max3A = arith.constant 9.99999993E-9 : f32
    %max3A_48 = vector.broadcast %max3A : f32 to vector<256x1xf32>
    %max3A_49 = arith.maximumf %sqrt3A, %max3A_48 : vector<256x1xf32>
    %div3A = vector.broadcast %max3A_49 : vector<256x1xf32> to vector<256x256xf32>
    %div3A_50 = arith.divf %sub3A, %div3A : vector<256x256xf32>
    %convert_element_type3A_51 = arith.truncf %div3A_50 : vector<256x256xf32> to vector<256x256xbf16>
    %get3A_52 = arith.constant 0 : index
    %get3A_53 = arith.constant 0 : index
    %get3A_54 = vector.load %arg6[%get3A_52, %get3A_53] : memref<8192x256xbf16, #tpu.memory_space<vmem>>, vector<8192x256xbf16>
    %dot_general3A = arith.constant dense<0.000000e+00> : vector<256x8192xf32>
    %dot_general3A_55 = tpu.matmul %convert_element_type3A_51, %get3A_54, %dot_general3A {dimension_numbers = #tpu.dot_dimension_numbers<[1], [1], [0], [0], [0, 0, 1, 0], [], []>, transpose_lhs_hint = false} : vector<256x256xbf16>, vector<8192x256xbf16>, vector<256x8192xf32> -> vector<256x8192xf32>
    %abs3A = math.absf %dot_general3A_55 : vector<256x8192xf32>
    %argmax3A = tpu.reduce_index %abs3A {axis = 1 : i32, kind = #tpu.reduction_kind<arg_max>} : vector<256x8192xf32> -> vector<256xi32>
    %swap3A_56 = arith.constant 0 : index
    %swap3A_57 = arith.constant 0 : index
    %swap3A_58 = vector.load %arg7[%swap3A_56, %swap3A_57] : memref<1x256xi32, #tpu.memory_space<vmem>>, vector<1x256xi32>
    %swap3A_59 = vector.shape_cast %swap3A_58 : vector<1x256xi32> to vector<256xi32>
    %swap3A_60 = vector.shape_cast %argmax3A : vector<256xi32> to vector<1x256xi32>
    tpu.vector_store %arg7[%swap3A_56, %swap3A_57], %swap3A_60 {strides = array<i32>} : memref<1x256xi32, #tpu.memory_space<vmem>>, vector<1x256xi32>,
    %swap3A_61 = arith.constant 0 : index
    %swap3A_62 = arith.constant 0 : index
    %swap3A_63 = vector.load %arg9[%swap3A_61, %swap3A_62] : memref<256x1xf32, #tpu.memory_space<vmem>>, vector<256x1xf32>
    tpu.vector_store %arg9[%swap3A_61, %swap3A_62], %convert_element_type3A_47 {strides = array<i32>} : memref<256x1xf32, #tpu.memory_space<vmem>>, vector<256x1xf32>,
    %swap3A_64 = arith.constant 0 : index
    %swap3A_65 = arith.constant 0 : index
    %swap3A_66 = vector.load %arg10[%swap3A_64, %swap3A_65] : memref<256x256xf32, #tpu.memory_space<vmem>>, vector<256x256xf32>
    tpu.vector_store %arg10[%swap3A_64, %swap3A_65], %sub3A {strides = array<i32>} : memref<256x256xf32, #tpu.memory_space<vmem>>, vector<256x256xf32>,
    %swap3A_67 = arith.constant 0 : index
    %swap3A_68 = arith.constant 0 : index
    %swap3A_69 = vector.load %arg11[%swap3A_67, %swap3A_68] : memref<256x256xf32, #tpu.memory_space<vmem>>, vector<256x256xf32>
    tpu.vector_store %arg11[%swap3A_67, %swap3A_68], %add3A_36 {strides = array<i32>} : memref<256x256xf32, #tpu.memory_space<vmem>>, vector<256x256xf32>,
    return
  }
  func.func @transform_0(%arg0: i32) -> (i32, i32) {
    %c0_i32 = arith.constant 0 : i32
    %c0_i32_0 = arith.constant 0 : i32
    return %arg0, %c0_i32 : i32, i32
  }
  func.func @transform_1(%arg0: i32) -> (i32, i32) {
    %c0_i32 = arith.constant 0 : i32
    %c0_i32_0 = arith.constant 0 : i32
    return %arg0, %c0_i32 : i32, i32
  }
  func.func @transform_2(%arg0: i32) -> (i32, i32) {
    %c0_i32 = arith.constant 0 : i32
    %c0_i32_0 = arith.constant 0 : i32
    return %arg0, %c0_i32 : i32, i32
  }
  func.func @transform_3(%arg0: i32) -> (i32, i32) {
    %c0_i32 = arith.constant 0 : i32
    %c0_i32_0 = arith.constant 0 : i32
    return %arg0, %c0_i32 : i32, i32
  }
  func.func @transform_4(%arg0: i32) -> (i32, i32) {
    %c0_i32 = arith.constant 0 : i32
    %c0_i32_0 = arith.constant 0 : i32
    return %c0_i32, %arg0 : i32, i32
  }
  func.func @transform_5(%arg0: i32) -> (i32, i32) {
    %c0_i32 = arith.constant 0 : i32
    %c0_i32_0 = arith.constant 0 : i32
    %c0_i32_1 = arith.constant 0 : i32
    return %c0_i32, %c0_i32_0 : i32, i32
  }
  func.func @transform_6(%arg0: i32) -> (i32, i32) {
    %c0_i32 = arith.constant 0 : i32
    %c0_i32_0 = arith.constant 0 : i32
    return %c0_i32, %arg0 : i32, i32
  }
  func.func @transform_7(%arg0: i32) -> (i32, i32) {
    %c0_i32 = arith.constant 0 : i32
    %c0_i32_0 = arith.constant 0 : i32
    return %c0_i32, %arg0 : i32, i32
  }
  func.func @transform_8(%arg0: i32) -> (i32, i32) {
    %c0_i32 = arith.constant 0 : i32
    %c0_i32_0 = arith.constant 0 : i32
    return %arg0, %c0_i32 : i32, i32
  }
  func.func @transform_9(%arg0: i32) -> (i32, i32) {
    %c0_i32 = arith.constant 0 : i32
    %c0_i32_0 = arith.constant 0 : i32
    return %arg0, %c0_i32 : i32, i32
  }
  func.func @transform_10(%arg0: i32) -> (i32, i32) {
    %c0_i32 = arith.constant 0 : i32
    %c0_i32_0 = arith.constant 0 : i32
    return %arg0, %c0_i32 : i32, i32
  }
}

module attributes {stable_mosaic.version = 14 : i64} {
  func.func @_tc_step_kernel(%arg0: i32, %arg1: memref<256x256xf32, #tpu.memory_space<vmem>>, %arg2: memref<256x256xf32, #tpu.memory_space<vmem>>, %arg3: memref<256x256xf32, #tpu.memory_space<vmem>>, %arg4: memref<256x1xf32, #tpu.memory_space<vmem>>, %arg5: memref<1x256xi32, #tpu.memory_space<vmem>>, %arg6: memref<8192x256xbf16, #tpu.memory_space<vmem>>, %arg7: memref<1x256xi32, #tpu.memory_space<vmem>>, %arg8: memref<1x256xi32, #tpu.memory_space<vmem>>, %arg9: memref<256x1xf32, #tpu.memory_space<vmem>>, %arg10: memref<256x256xf32, #tpu.memory_space<vmem>>, %arg11: memref<256x256xf32, #tpu.memory_space<vmem>>) attributes {dimension_semantics = [#tpu.dimension_semantics<arbitrary>], iteration_bounds = array<i64: 4>, scalar_prefetch = 0 : i64, scratch_operands = 0 : i64, tpu.core_type = #tpu.core_type<tc>, window_params = [{transform_indices = @transform_0, window_bounds = array<i64: 256, 256>}, {transform_indices = @transform_1, window_bounds = array<i64: 256, 256>}, {transform_indices = @transform_2, window_bounds = array<i64: 256, 256>}, {transform_indices = @transform_3, window_bounds = array<i64: 256, 1>}, {transform_indices = @transform_4, window_bounds = array<i64: 1, 256>}, {pipeline_mode = #tpu.pipeline_mode<synchronous>, transform_indices = @transform_5, window_bounds = array<i64: 8192, 256>}, {transform_indices = @transform_6, window_bounds = array<i64: 1, 256>}, {transform_indices = @transform_7, window_bounds = array<i64: 1, 256>}, {transform_indices = @transform_8, window_bounds = array<i64: 256, 1>}, {transform_indices = @transform_9, window_bounds = array<i64: 256, 256>}, {transform_indices = @transform_10, window_bounds = array<i64: 256, 256>}]} {
    %get3A = arith.constant 0 : index
    %get3A_0 = arith.constant 0 : index
    %get3A_1 = vector.load %arg1[%get3A, %get3A_0] : memref<256x256xf32, #tpu.memory_space<vmem>>, vector<256x256xf32>
    %get3A_2 = arith.constant 0 : index
    %get3A_3 = arith.constant 0 : index
    %get3A_4 = vector.load %arg2[%get3A_2, %get3A_3] : memref<256x256xf32, #tpu.memory_space<vmem>>, vector<256x256xf32>
    %get3A_5 = arith.constant 0 : index
    %get3A_6 = arith.constant 0 : index
    %get3A_7 = vector.load %arg3[%get3A_5, %get3A_6] : memref<256x256xf32, #tpu.memory_space<vmem>>, vector<256x256xf32>
    %mul3A = arith.mulf %get3A_1, %get3A_7 : vector<256x256xf32>
    %reduce_sum3A = arith.constant dense<0.000000e+00> : vector<256xf32>
    %reduce_sum3A_8 = vector.multi_reduction <add>, %mul3A, %reduce_sum3A [1] : vector<256x256xf32> to vector<256xf32>
    %ge3A = arith.constant 0.000000e+00 : f32
    %ge3A_9 = vector.broadcast %ge3A : f32 to vector<256xf32>
    %ge3A_10 = arith.cmpf oge, %reduce_sum3A_8, %ge3A_9 : vector<256xf32>
    %jit3A = arith.constant 1.000000e+00 : f32
    %jit3A_11 = arith.constant -1.000000e+00 : f32
    %broadcast_in_dim3A = vector.broadcast %jit3A : f32 to vector<256xf32>
    %broadcast_in_dim3A_12 = vector.broadcast %jit3A_11 : f32 to vector<256xf32>
    %select_n3A = arith.select %ge3A_10, %broadcast_in_dim3A, %broadcast_in_dim3A_12 : vector<256xi1>, vector<256xf32>
    %get3A_13 = arith.constant 0 : index
    %get3A_14 = arith.constant 0 : index
    %get3A_15 = vector.load %arg5[%get3A_13, %get3A_14] : memref<1x256xi32, #tpu.memory_space<vmem>>, vector<1x256xi32>
    %get3A_16 = vector.shape_cast %get3A_15 : vector<1x256xi32> to vector<256xi32>
    %ge3A_17 = arith.constant 0.000000e+00 : f32
    %ge3A_18 = vector.broadcast %ge3A_17 : f32 to vector<256xf32>
    %ge3A_19 = arith.cmpf oge, %reduce_sum3A_8, %ge3A_18 : vector<256xf32>
    %add3A = arith.constant 1 : i32
    %add3A_20 = vector.broadcast %add3A : i32 to vector<256xi32>
    %add3A_21 = arith.addi %get3A_16, %add3A_20 : vector<256xi32>
    %neg3A = arith.constant 0 : i32
    %neg3A_22 = vector.broadcast %neg3A : i32 to vector<256xi32>
    %neg3A_23 = arith.subi %neg3A_22, %add3A_21 : vector<256xi32>
    %select_n3A_24 = arith.select %ge3A_19, %get3A_16, %neg3A_23 : vector<256xi1>, vector<256xi32>
    %get3A_25 = arith.constant 0 : index
    %get3A_26 = arith.constant 0 : index
    %get3A_27 = vector.load %arg4[%get3A_25, %get3A_26] : memref<256x1xf32, #tpu.memory_space<vmem>>, vector<256x1xf32>
    %get3A_28 = vector.shape_cast %get3A_27 : vector<256x1xf32> to vector<256xf32>
    %mul3A_29 = arith.mulf %get3A_28, %select_n3A : vector<256xf32>
    %mul3A_30 = arith.constant 5.314410e-01 : f32
    %mul3A_31 = vector.broadcast %mul3A_30 : f32 to vector<256xf32>
    %mul3A_32 = arith.mulf %mul3A_29, %mul3A_31 : vector<256xf32>
    %broadcast_in_dim3A_33 = vector.shape_cast %mul3A_32 : vector<256xf32> to vector<256x1xf32>
    %mul3A_34 = vector.broadcast %broadcast_in_dim3A_33 : vector<256x1xf32> to vector<256x256xf32>
    %mul3A_35 = arith.mulf %mul3A_34, %get3A_7 : vector<256x256xf32>
    %sub3A = arith.subf %get3A_1, %mul3A_35 : vector<256x256xf32>
    %add3A_36 = arith.addf %get3A_4, %mul3A_35 : vector<256x256xf32>
    %swap3A = arith.constant 0 : index
    %swap3A_37 = arith.constant 0 : index
    %swap3A_38 = vector.load %arg8[%swap3A, %swap3A_37] : memref<1x256xi32, #tpu.memory_space<vmem>>, vector<1x256xi32>
    %swap3A_39 = vector.shape_cast %swap3A_38 : vector<1x256xi32> to vector<256xi32>
    %swap3A_40 = vector.shape_cast %select_n3A_24 : vector<256xi32> to vector<1x256xi32>
    tpu.vector_store %arg8[%swap3A, %swap3A_37], %swap3A_40 {strides = array<i32>} : memref<1x256xi32, #tpu.memory_space<vmem>>, vector<1x256xi32>,
    %mul3A_41 = arith.mulf %sub3A, %sub3A : vector<256x256xf32>
    %reduce_sum3A_42 = arith.constant dense<0.000000e+00> : vector<256xf32>
    %reduce_sum3A_43 = vector.multi_reduction <add>, %mul3A_41, %reduce_sum3A_42 [1] : vector<256x256xf32> to vector<256xf32>
    %broadcast_in_dim3A_44 = vector.shape_cast %reduce_sum3A_43 : vector<256xf32> to vector<256x1xf32>
    %sqrt3A = math.sqrt %broadcast_in_dim3A_44 : vector<256x1xf32>
    %gt3A = arith.constant 9.99999974E-5 : f32
    %gt3A_45 = vector.broadcast %gt3A : f32 to vector<256x1xf32>
    %gt3A_46 = arith.cmpf ogt, %sqrt3A, %gt3A_45 : vector<256x1xf32>
    %convert_element_type3A = arith.extui %gt3A_46 : vector<256x1xi1> to vector<256x1xi32>
    %convert_element_type3A_47 = arith.sitofp %convert_element_type3A : vector<256x1xi32> to vector<256x1xf32>
    %max3A = arith.constant 9.99999993E-9 : f32
    %max3A_48 = vector.broadcast %max3A : f32 to vector<256x1xf32>
    %max3A_49 = arith.maximumf %sqrt3A, %max3A_48 : vector<256x1xf32>
    %div3A = vector.broadcast %max3A_49 : vector<256x1xf32> to vector<256x256xf32>
    %div3A_50 = arith.divf %sub3A, %div3A : vector<256x256xf32>
    %convert_element_type3A_51 = arith.truncf %div3A_50 : vector<256x256xf32> to vector<256x256xbf16>
    %get3A_52 = arith.constant 0 : index
    %get3A_53 = arith.constant 0 : index
    %get3A_54 = vector.load %arg6[%get3A_52, %get3A_53] : memref<8192x256xbf16, #tpu.memory_space<vmem>>, vector<8192x256xbf16>
    %dot_general3A = arith.constant dense<0.000000e+00> : vector<256x8192xf32>
    %dot_general3A_55 = tpu.matmul %convert_element_type3A_51, %get3A_54, %dot_general3A {dimension_numbers = #tpu.dot_dimension_numbers<[1], [1], [0], [0], [0, 0, 1, 0], [], []>, transpose_lhs_hint = false} : vector<256x256xbf16>, vector<8192x256xbf16>, vector<256x8192xf32> -> vector<256x8192xf32>
    %abs3A = math.absf %dot_general3A_55 : vector<256x8192xf32>
    %argmax3A = tpu.reduce_index %abs3A {axis = 1 : i32, kind = #tpu.reduction_kind<arg_max>} : vector<256x8192xf32> -> vector<256xi32>
    %swap3A_56 = arith.constant 0 : index
    %swap3A_57 = arith.constant 0 : index
    %swap3A_58 = vector.load %arg7[%swap3A_56, %swap3A_57] : memref<1x256xi32, #tpu.memory_space<vmem>>, vector<1x256xi32>
    %swap3A_59 = vector.shape_cast %swap3A_58 : vector<1x256xi32> to vector<256xi32>
    %swap3A_60 = vector.shape_cast %argmax3A : vector<256xi32> to vector<1x256xi32>
    tpu.vector_store %arg7[%swap3A_56, %swap3A_57], %swap3A_60 {strides = array<i32>} : memref<1x256xi32, #tpu.memory_space<vmem>>, vector<1x256xi32>,
    %swap3A_61 = arith.constant 0 : index
    %swap3A_62 = arith.constant 0 : index
    %swap3A_63 = vector.load %arg9[%swap3A_61, %swap3A_62] : memref<256x1xf32, #tpu.memory_space<vmem>>, vector<256x1xf32>
    tpu.vector_store %arg9[%swap3A_61, %swap3A_62], %convert_element_type3A_47 {strides = array<i32>} : memref<256x1xf32, #tpu.memory_space<vmem>>, vector<256x1xf32>,
    %swap3A_64 = arith.constant 0 : index
    %swap3A_65 = arith.constant 0 : index
    %swap3A_66 = vector.load %arg10[%swap3A_64, %swap3A_65] : memref<256x256xf32, #tpu.memory_space<vmem>>, vector<256x256xf32>
    tpu.vector_store %arg10[%swap3A_64, %swap3A_65], %sub3A {strides = array<i32>} : memref<256x256xf32, #tpu.memory_space<vmem>>, vector<256x256xf32>,
    %swap3A_67 = arith.constant 0 : index
    %swap3A_68 = arith.constant 0 : index
    %swap3A_69 = vector.load %arg11[%swap3A_67, %swap3A_68] : memref<256x256xf32, #tpu.memory_space<vmem>>, vector<256x256xf32>
    tpu.vector_store %arg11[%swap3A_67, %swap3A_68], %add3A_36 {strides = array<i32>} : memref<256x256xf32, #tpu.memory_space<vmem>>, vector<256x256xf32>,
    return
  }
  func.func @transform_0(%arg0: i32) -> (i32, i32) {
    %c0_i32 = arith.constant 0 : i32
    %c0_i32_0 = arith.constant 0 : i32
    return %arg0, %c0_i32 : i32, i32
  }
  func.func @transform_1(%arg0: i32) -> (i32, i32) {
    %c0_i32 = arith.constant 0 : i32
    %c0_i32_0 = arith.constant 0 : i32
    return %arg0, %c0_i32 : i32, i32
  }
  func.func @transform_2(%arg0: i32) -> (i32, i32) {
    %c0_i32 = arith.constant 0 : i32
    %c0_i32_0 = arith.constant 0 : i32
    return %arg0, %c0_i32 : i32, i32
  }
  func.func @transform_3(%arg0: i32) -> (i32, i32) {
    %c0_i32 = arith.constant 0 : i32
    %c0_i32_0 = arith.constant 0 : i32
    return %arg0, %c0_i32 : i32, i32
  }
  func.func @transform_4(%arg0: i32) -> (i32, i32) {
    %c0_i32 = arith.constant 0 : i32
    %c0_i32_0 = arith.constant 0 : i32
    return %c0_i32, %arg0 : i32, i32
  }
  func.func @transform_5(%arg0: i32) -> (i32, i32) {
    %c0_i32 = arith.constant 0 : i32
    %c0_i32_0 = arith.constant 0 : i32
    %c0_i32_1 = arith.constant 0 : i32
    return %c0_i32, %c0_i32_0 : i32, i32
  }
  func.func @transform_6(%arg0: i32) -> (i32, i32) {
    %c0_i32 = arith.constant 0 : i32
    %c0_i32_0 = arith.constant 0 : i32
    return %c0_i32, %arg0 : i32, i32
  }
  func.func @transform_7(%arg0: i32) -> (i32, i32) {
    %c0_i32 = arith.constant 0 : i32
    %c0_i32_0 = arith.constant 0 : i32
    return %c0_i32, %arg0 : i32, i32
  }
  func.func @transform_8(%arg0: i32) -> (i32, i32) {
    %c0_i32 = arith.constant 0 : i32
    %c0_i32_0 = arith.constant 0 : i32
    return %arg0, %c0_i32 : i32, i32
  }
  func.func @transform_9(%arg0: i32) -> (i32, i32) {
    %c0_i32 = arith.constant 0 : i32
    %c0_i32_0 = arith.constant 0 : i32
    return %arg0, %c0_i32 : i32, i32
  }
  func.func @transform_10(%arg0: i32) -> (i32, i32) {
    %c0_i32 = arith.constant 0 : i32
    %c0_i32_0 = arith.constant 0 : i32
    return %arg0, %c0_i32 : i32, i32
  }
}

module attributes {stable_mosaic.version = 14 : i64} {
  func.func @_tc_step_kernel(%arg0: i32, %arg1: memref<256x256xf32, #tpu.memory_space<vmem>>, %arg2: memref<256x256xf32, #tpu.memory_space<vmem>>, %arg3: memref<256x256xf32, #tpu.memory_space<vmem>>, %arg4: memref<256x1xf32, #tpu.memory_space<vmem>>, %arg5: memref<1x256xi32, #tpu.memory_space<vmem>>, %arg6: memref<8192x256xbf16, #tpu.memory_space<vmem>>, %arg7: memref<1x256xi32, #tpu.memory_space<vmem>>, %arg8: memref<1x256xi32, #tpu.memory_space<vmem>>, %arg9: memref<256x1xf32, #tpu.memory_space<vmem>>, %arg10: memref<256x256xf32, #tpu.memory_space<vmem>>, %arg11: memref<256x256xf32, #tpu.memory_space<vmem>>) attributes {dimension_semantics = [#tpu.dimension_semantics<arbitrary>], iteration_bounds = array<i64: 4>, scalar_prefetch = 0 : i64, scratch_operands = 0 : i64, tpu.core_type = #tpu.core_type<tc>, window_params = [{transform_indices = @transform_0, window_bounds = array<i64: 256, 256>}, {transform_indices = @transform_1, window_bounds = array<i64: 256, 256>}, {transform_indices = @transform_2, window_bounds = array<i64: 256, 256>}, {transform_indices = @transform_3, window_bounds = array<i64: 256, 1>}, {transform_indices = @transform_4, window_bounds = array<i64: 1, 256>}, {pipeline_mode = #tpu.pipeline_mode<synchronous>, transform_indices = @transform_5, window_bounds = array<i64: 8192, 256>}, {transform_indices = @transform_6, window_bounds = array<i64: 1, 256>}, {transform_indices = @transform_7, window_bounds = array<i64: 1, 256>}, {transform_indices = @transform_8, window_bounds = array<i64: 256, 1>}, {transform_indices = @transform_9, window_bounds = array<i64: 256, 256>}, {transform_indices = @transform_10, window_bounds = array<i64: 256, 256>}]} {
    %get3A = arith.constant 0 : index
    %get3A_0 = arith.constant 0 : index
    %get3A_1 = vector.load %arg1[%get3A, %get3A_0] : memref<256x256xf32, #tpu.memory_space<vmem>>, vector<256x256xf32>
    %get3A_2 = arith.constant 0 : index
    %get3A_3 = arith.constant 0 : index
    %get3A_4 = vector.load %arg2[%get3A_2, %get3A_3] : memref<256x256xf32, #tpu.memory_space<vmem>>, vector<256x256xf32>
    %get3A_5 = arith.constant 0 : index
    %get3A_6 = arith.constant 0 : index
    %get3A_7 = vector.load %arg3[%get3A_5, %get3A_6] : memref<256x256xf32, #tpu.memory_space<vmem>>, vector<256x256xf32>
    %mul3A = arith.mulf %get3A_1, %get3A_7 : vector<256x256xf32>
    %reduce_sum3A = arith.constant dense<0.000000e+00> : vector<256xf32>
    %reduce_sum3A_8 = vector.multi_reduction <add>, %mul3A, %reduce_sum3A [1] : vector<256x256xf32> to vector<256xf32>
    %ge3A = arith.constant 0.000000e+00 : f32
    %ge3A_9 = vector.broadcast %ge3A : f32 to vector<256xf32>
    %ge3A_10 = arith.cmpf oge, %reduce_sum3A_8, %ge3A_9 : vector<256xf32>
    %jit3A = arith.constant 1.000000e+00 : f32
    %jit3A_11 = arith.constant -1.000000e+00 : f32
    %broadcast_in_dim3A = vector.broadcast %jit3A : f32 to vector<256xf32>
    %broadcast_in_dim3A_12 = vector.broadcast %jit3A_11 : f32 to vector<256xf32>
    %select_n3A = arith.select %ge3A_10, %broadcast_in_dim3A, %broadcast_in_dim3A_12 : vector<256xi1>, vector<256xf32>
    %get3A_13 = arith.constant 0 : index
    %get3A_14 = arith.constant 0 : index
    %get3A_15 = vector.load %arg5[%get3A_13, %get3A_14] : memref<1x256xi32, #tpu.memory_space<vmem>>, vector<1x256xi32>
    %get3A_16 = vector.shape_cast %get3A_15 : vector<1x256xi32> to vector<256xi32>
    %ge3A_17 = arith.constant 0.000000e+00 : f32
    %ge3A_18 = vector.broadcast %ge3A_17 : f32 to vector<256xf32>
    %ge3A_19 = arith.cmpf oge, %reduce_sum3A_8, %ge3A_18 : vector<256xf32>
    %add3A = arith.constant 1 : i32
    %add3A_20 = vector.broadcast %add3A : i32 to vector<256xi32>
    %add3A_21 = arith.addi %get3A_16, %add3A_20 : vector<256xi32>
    %neg3A = arith.constant 0 : i32
    %neg3A_22 = vector.broadcast %neg3A : i32 to vector<256xi32>
    %neg3A_23 = arith.subi %neg3A_22, %add3A_21 : vector<256xi32>
    %select_n3A_24 = arith.select %ge3A_19, %get3A_16, %neg3A_23 : vector<256xi1>, vector<256xi32>
    %get3A_25 = arith.constant 0 : index
    %get3A_26 = arith.constant 0 : index
    %get3A_27 = vector.load %arg4[%get3A_25, %get3A_26] : memref<256x1xf32, #tpu.memory_space<vmem>>, vector<256x1xf32>
    %get3A_28 = vector.shape_cast %get3A_27 : vector<256x1xf32> to vector<256xf32>
    %mul3A_29 = arith.mulf %get3A_28, %select_n3A : vector<256xf32>
    %mul3A_30 = arith.constant 0.478296906 : f32
    %mul3A_31 = vector.broadcast %mul3A_30 : f32 to vector<256xf32>
    %mul3A_32 = arith.mulf %mul3A_29, %mul3A_31 : vector<256xf32>
    %broadcast_in_dim3A_33 = vector.shape_cast %mul3A_32 : vector<256xf32> to vector<256x1xf32>
    %mul3A_34 = vector.broadcast %broadcast_in_dim3A_33 : vector<256x1xf32> to vector<256x256xf32>
    %mul3A_35 = arith.mulf %mul3A_34, %get3A_7 : vector<256x256xf32>
    %sub3A = arith.subf %get3A_1, %mul3A_35 : vector<256x256xf32>
    %add3A_36 = arith.addf %get3A_4, %mul3A_35 : vector<256x256xf32>
    %swap3A = arith.constant 0 : index
    %swap3A_37 = arith.constant 0 : index
    %swap3A_38 = vector.load %arg8[%swap3A, %swap3A_37] : memref<1x256xi32, #tpu.memory_space<vmem>>, vector<1x256xi32>
    %swap3A_39 = vector.shape_cast %swap3A_38 : vector<1x256xi32> to vector<256xi32>
    %swap3A_40 = vector.shape_cast %select_n3A_24 : vector<256xi32> to vector<1x256xi32>
    tpu.vector_store %arg8[%swap3A, %swap3A_37], %swap3A_40 {strides = array<i32>} : memref<1x256xi32, #tpu.memory_space<vmem>>, vector<1x256xi32>,
    %mul3A_41 = arith.mulf %sub3A, %sub3A : vector<256x256xf32>
    %reduce_sum3A_42 = arith.constant dense<0.000000e+00> : vector<256xf32>
    %reduce_sum3A_43 = vector.multi_reduction <add>, %mul3A_41, %reduce_sum3A_42 [1] : vector<256x256xf32> to vector<256xf32>
    %broadcast_in_dim3A_44 = vector.shape_cast %reduce_sum3A_43 : vector<256xf32> to vector<256x1xf32>
    %sqrt3A = math.sqrt %broadcast_in_dim3A_44 : vector<256x1xf32>
    %gt3A = arith.constant 9.99999974E-5 : f32
    %gt3A_45 = vector.broadcast %gt3A : f32 to vector<256x1xf32>
    %gt3A_46 = arith.cmpf ogt, %sqrt3A, %gt3A_45 : vector<256x1xf32>
    %convert_element_type3A = arith.extui %gt3A_46 : vector<256x1xi1> to vector<256x1xi32>
    %convert_element_type3A_47 = arith.sitofp %convert_element_type3A : vector<256x1xi32> to vector<256x1xf32>
    %max3A = arith.constant 9.99999993E-9 : f32
    %max3A_48 = vector.broadcast %max3A : f32 to vector<256x1xf32>
    %max3A_49 = arith.maximumf %sqrt3A, %max3A_48 : vector<256x1xf32>
    %div3A = vector.broadcast %max3A_49 : vector<256x1xf32> to vector<256x256xf32>
    %div3A_50 = arith.divf %sub3A, %div3A : vector<256x256xf32>
    %convert_element_type3A_51 = arith.truncf %div3A_50 : vector<256x256xf32> to vector<256x256xbf16>
    %get3A_52 = arith.constant 0 : index
    %get3A_53 = arith.constant 0 : index
    %get3A_54 = vector.load %arg6[%get3A_52, %get3A_53] : memref<8192x256xbf16, #tpu.memory_space<vmem>>, vector<8192x256xbf16>
    %dot_general3A = arith.constant dense<0.000000e+00> : vector<256x8192xf32>
    %dot_general3A_55 = tpu.matmul %convert_element_type3A_51, %get3A_54, %dot_general3A {dimension_numbers = #tpu.dot_dimension_numbers<[1], [1], [0], [0], [0, 0, 1, 0], [], []>, transpose_lhs_hint = false} : vector<256x256xbf16>, vector<8192x256xbf16>, vector<256x8192xf32> -> vector<256x8192xf32>
    %abs3A = math.absf %dot_general3A_55 : vector<256x8192xf32>
    %argmax3A = tpu.reduce_index %abs3A {axis = 1 : i32, kind = #tpu.reduction_kind<arg_max>} : vector<256x8192xf32> -> vector<256xi32>
    %swap3A_56 = arith.constant 0 : index
    %swap3A_57 = arith.constant 0 : index
    %swap3A_58 = vector.load %arg7[%swap3A_56, %swap3A_57] : memref<1x256xi32, #tpu.memory_space<vmem>>, vector<1x256xi32>
    %swap3A_59 = vector.shape_cast %swap3A_58 : vector<1x256xi32> to vector<256xi32>
    %swap3A_60 = vector.shape_cast %argmax3A : vector<256xi32> to vector<1x256xi32>
    tpu.vector_store %arg7[%swap3A_56, %swap3A_57], %swap3A_60 {strides = array<i32>} : memref<1x256xi32, #tpu.memory_space<vmem>>, vector<1x256xi32>,
    %swap3A_61 = arith.constant 0 : index
    %swap3A_62 = arith.constant 0 : index
    %swap3A_63 = vector.load %arg9[%swap3A_61, %swap3A_62] : memref<256x1xf32, #tpu.memory_space<vmem>>, vector<256x1xf32>
    tpu.vector_store %arg9[%swap3A_61, %swap3A_62], %convert_element_type3A_47 {strides = array<i32>} : memref<256x1xf32, #tpu.memory_space<vmem>>, vector<256x1xf32>,
    %swap3A_64 = arith.constant 0 : index
    %swap3A_65 = arith.constant 0 : index
    %swap3A_66 = vector.load %arg10[%swap3A_64, %swap3A_65] : memref<256x256xf32, #tpu.memory_space<vmem>>, vector<256x256xf32>
    tpu.vector_store %arg10[%swap3A_64, %swap3A_65], %sub3A {strides = array<i32>} : memref<256x256xf32, #tpu.memory_space<vmem>>, vector<256x256xf32>,
    %swap3A_67 = arith.constant 0 : index
    %swap3A_68 = arith.constant 0 : index
    %swap3A_69 = vector.load %arg11[%swap3A_67, %swap3A_68] : memref<256x256xf32, #tpu.memory_space<vmem>>, vector<256x256xf32>
    tpu.vector_store %arg11[%swap3A_67, %swap3A_68], %add3A_36 {strides = array<i32>} : memref<256x256xf32, #tpu.memory_space<vmem>>, vector<256x256xf32>,
    return
  }
  func.func @transform_0(%arg0: i32) -> (i32, i32) {
    %c0_i32 = arith.constant 0 : i32
    %c0_i32_0 = arith.constant 0 : i32
    return %arg0, %c0_i32 : i32, i32
  }
  func.func @transform_1(%arg0: i32) -> (i32, i32) {
    %c0_i32 = arith.constant 0 : i32
    %c0_i32_0 = arith.constant 0 : i32
    return %arg0, %c0_i32 : i32, i32
  }
  func.func @transform_2(%arg0: i32) -> (i32, i32) {
    %c0_i32 = arith.constant 0 : i32
    %c0_i32_0 = arith.constant 0 : i32
    return %arg0, %c0_i32 : i32, i32
  }
  func.func @transform_3(%arg0: i32) -> (i32, i32) {
    %c0_i32 = arith.constant 0 : i32
    %c0_i32_0 = arith.constant 0 : i32
    return %arg0, %c0_i32 : i32, i32
  }
  func.func @transform_4(%arg0: i32) -> (i32, i32) {
    %c0_i32 = arith.constant 0 : i32
    %c0_i32_0 = arith.constant 0 : i32
    return %c0_i32, %arg0 : i32, i32
  }
  func.func @transform_5(%arg0: i32) -> (i32, i32) {
    %c0_i32 = arith.constant 0 : i32
    %c0_i32_0 = arith.constant 0 : i32
    %c0_i32_1 = arith.constant 0 : i32
    return %c0_i32, %c0_i32_0 : i32, i32
  }
  func.func @transform_6(%arg0: i32) -> (i32, i32) {
    %c0_i32 = arith.constant 0 : i32
    %c0_i32_0 = arith.constant 0 : i32
    return %c0_i32, %arg0 : i32, i32
  }
  func.func @transform_7(%arg0: i32) -> (i32, i32) {
    %c0_i32 = arith.constant 0 : i32
    %c0_i32_0 = arith.constant 0 : i32
    return %c0_i32, %arg0 : i32, i32
  }
  func.func @transform_8(%arg0: i32) -> (i32, i32) {
    %c0_i32 = arith.constant 0 : i32
    %c0_i32_0 = arith.constant 0 : i32
    return %arg0, %c0_i32 : i32, i32
  }
  func.func @transform_9(%arg0: i32) -> (i32, i32) {
    %c0_i32 = arith.constant 0 : i32
    %c0_i32_0 = arith.constant 0 : i32
    return %arg0, %c0_i32 : i32, i32
  }
  func.func @transform_10(%arg0: i32) -> (i32, i32) {
    %c0_i32 = arith.constant 0 : i32
    %c0_i32_0 = arith.constant 0 : i32
    return %arg0, %c0_i32 : i32, i32
  }
}

module attributes {stable_mosaic.version = 14 : i64} {
  func.func @_tc_step_kernel(%arg0: i32, %arg1: memref<256x256xf32, #tpu.memory_space<vmem>>, %arg2: memref<256x256xf32, #tpu.memory_space<vmem>>, %arg3: memref<256x256xf32, #tpu.memory_space<vmem>>, %arg4: memref<256x1xf32, #tpu.memory_space<vmem>>, %arg5: memref<1x256xi32, #tpu.memory_space<vmem>>, %arg6: memref<8192x256xbf16, #tpu.memory_space<vmem>>, %arg7: memref<1x256xi32, #tpu.memory_space<vmem>>, %arg8: memref<1x256xi32, #tpu.memory_space<vmem>>, %arg9: memref<256x1xf32, #tpu.memory_space<vmem>>, %arg10: memref<256x256xf32, #tpu.memory_space<vmem>>, %arg11: memref<256x256xf32, #tpu.memory_space<vmem>>) attributes {dimension_semantics = [#tpu.dimension_semantics<arbitrary>], iteration_bounds = array<i64: 4>, scalar_prefetch = 0 : i64, scratch_operands = 0 : i64, tpu.core_type = #tpu.core_type<tc>, window_params = [{transform_indices = @transform_0, window_bounds = array<i64: 256, 256>}, {transform_indices = @transform_1, window_bounds = array<i64: 256, 256>}, {transform_indices = @transform_2, window_bounds = array<i64: 256, 256>}, {transform_indices = @transform_3, window_bounds = array<i64: 256, 1>}, {transform_indices = @transform_4, window_bounds = array<i64: 1, 256>}, {pipeline_mode = #tpu.pipeline_mode<synchronous>, transform_indices = @transform_5, window_bounds = array<i64: 8192, 256>}, {transform_indices = @transform_6, window_bounds = array<i64: 1, 256>}, {transform_indices = @transform_7, window_bounds = array<i64: 1, 256>}, {transform_indices = @transform_8, window_bounds = array<i64: 256, 1>}, {transform_indices = @transform_9, window_bounds = array<i64: 256, 256>}, {transform_indices = @transform_10, window_bounds = array<i64: 256, 256>}]} {
    %get3A = arith.constant 0 : index
    %get3A_0 = arith.constant 0 : index
    %get3A_1 = vector.load %arg1[%get3A, %get3A_0] : memref<256x256xf32, #tpu.memory_space<vmem>>, vector<256x256xf32>
    %get3A_2 = arith.constant 0 : index
    %get3A_3 = arith.constant 0 : index
    %get3A_4 = vector.load %arg2[%get3A_2, %get3A_3] : memref<256x256xf32, #tpu.memory_space<vmem>>, vector<256x256xf32>
    %get3A_5 = arith.constant 0 : index
    %get3A_6 = arith.constant 0 : index
    %get3A_7 = vector.load %arg3[%get3A_5, %get3A_6] : memref<256x256xf32, #tpu.memory_space<vmem>>, vector<256x256xf32>
    %mul3A = arith.mulf %get3A_1, %get3A_7 : vector<256x256xf32>
    %reduce_sum3A = arith.constant dense<0.000000e+00> : vector<256xf32>
    %reduce_sum3A_8 = vector.multi_reduction <add>, %mul3A, %reduce_sum3A [1] : vector<256x256xf32> to vector<256xf32>
    %ge3A = arith.constant 0.000000e+00 : f32
    %ge3A_9 = vector.broadcast %ge3A : f32 to vector<256xf32>
    %ge3A_10 = arith.cmpf oge, %reduce_sum3A_8, %ge3A_9 : vector<256xf32>
    %jit3A = arith.constant 1.000000e+00 : f32
    %jit3A_11 = arith.constant -1.000000e+00 : f32
    %broadcast_in_dim3A = vector.broadcast %jit3A : f32 to vector<256xf32>
    %broadcast_in_dim3A_12 = vector.broadcast %jit3A_11 : f32 to vector<256xf32>
    %select_n3A = arith.select %ge3A_10, %broadcast_in_dim3A, %broadcast_in_dim3A_12 : vector<256xi1>, vector<256xf32>
    %get3A_13 = arith.constant 0 : index
    %get3A_14 = arith.constant 0 : index
    %get3A_15 = vector.load %arg5[%get3A_13, %get3A_14] : memref<1x256xi32, #tpu.memory_space<vmem>>, vector<1x256xi32>
    %get3A_16 = vector.shape_cast %get3A_15 : vector<1x256xi32> to vector<256xi32>
    %ge3A_17 = arith.constant 0.000000e+00 : f32
    %ge3A_18 = vector.broadcast %ge3A_17 : f32 to vector<256xf32>
    %ge3A_19 = arith.cmpf oge, %reduce_sum3A_8, %ge3A_18 : vector<256xf32>
    %add3A = arith.constant 1 : i32
    %add3A_20 = vector.broadcast %add3A : i32 to vector<256xi32>
    %add3A_21 = arith.addi %get3A_16, %add3A_20 : vector<256xi32>
    %neg3A = arith.constant 0 : i32
    %neg3A_22 = vector.broadcast %neg3A : i32 to vector<256xi32>
    %neg3A_23 = arith.subi %neg3A_22, %add3A_21 : vector<256xi32>
    %select_n3A_24 = arith.select %ge3A_19, %get3A_16, %neg3A_23 : vector<256xi1>, vector<256xi32>
    %get3A_25 = arith.constant 0 : index
    %get3A_26 = arith.constant 0 : index
    %get3A_27 = vector.load %arg4[%get3A_25, %get3A_26] : memref<256x1xf32, #tpu.memory_space<vmem>>, vector<256x1xf32>
    %get3A_28 = vector.shape_cast %get3A_27 : vector<256x1xf32> to vector<256xf32>
    %mul3A_29 = arith.mulf %get3A_28, %select_n3A : vector<256xf32>
    %mul3A_30 = arith.constant 0.430467218 : f32
    %mul3A_31 = vector.broadcast %mul3A_30 : f32 to vector<256xf32>
    %mul3A_32 = arith.mulf %mul3A_29, %mul3A_31 : vector<256xf32>
    %broadcast_in_dim3A_33 = vector.shape_cast %mul3A_32 : vector<256xf32> to vector<256x1xf32>
    %mul3A_34 = vector.broadcast %broadcast_in_dim3A_33 : vector<256x1xf32> to vector<256x256xf32>
    %mul3A_35 = arith.mulf %mul3A_34, %get3A_7 : vector<256x256xf32>
    %sub3A = arith.subf %get3A_1, %mul3A_35 : vector<256x256xf32>
    %add3A_36 = arith.addf %get3A_4, %mul3A_35 : vector<256x256xf32>
    %swap3A = arith.constant 0 : index
    %swap3A_37 = arith.constant 0 : index
    %swap3A_38 = vector.load %arg8[%swap3A, %swap3A_37] : memref<1x256xi32, #tpu.memory_space<vmem>>, vector<1x256xi32>
    %swap3A_39 = vector.shape_cast %swap3A_38 : vector<1x256xi32> to vector<256xi32>
    %swap3A_40 = vector.shape_cast %select_n3A_24 : vector<256xi32> to vector<1x256xi32>
    tpu.vector_store %arg8[%swap3A, %swap3A_37], %swap3A_40 {strides = array<i32>} : memref<1x256xi32, #tpu.memory_space<vmem>>, vector<1x256xi32>,
    %mul3A_41 = arith.mulf %sub3A, %sub3A : vector<256x256xf32>
    %reduce_sum3A_42 = arith.constant dense<0.000000e+00> : vector<256xf32>
    %reduce_sum3A_43 = vector.multi_reduction <add>, %mul3A_41, %reduce_sum3A_42 [1] : vector<256x256xf32> to vector<256xf32>
    %broadcast_in_dim3A_44 = vector.shape_cast %reduce_sum3A_43 : vector<256xf32> to vector<256x1xf32>
    %sqrt3A = math.sqrt %broadcast_in_dim3A_44 : vector<256x1xf32>
    %gt3A = arith.constant 9.99999974E-5 : f32
    %gt3A_45 = vector.broadcast %gt3A : f32 to vector<256x1xf32>
    %gt3A_46 = arith.cmpf ogt, %sqrt3A, %gt3A_45 : vector<256x1xf32>
    %convert_element_type3A = arith.extui %gt3A_46 : vector<256x1xi1> to vector<256x1xi32>
    %convert_element_type3A_47 = arith.sitofp %convert_element_type3A : vector<256x1xi32> to vector<256x1xf32>
    %max3A = arith.constant 9.99999993E-9 : f32
    %max3A_48 = vector.broadcast %max3A : f32 to vector<256x1xf32>
    %max3A_49 = arith.maximumf %sqrt3A, %max3A_48 : vector<256x1xf32>
    %div3A = vector.broadcast %max3A_49 : vector<256x1xf32> to vector<256x256xf32>
    %div3A_50 = arith.divf %sub3A, %div3A : vector<256x256xf32>
    %convert_element_type3A_51 = arith.truncf %div3A_50 : vector<256x256xf32> to vector<256x256xbf16>
    %get3A_52 = arith.constant 0 : index
    %get3A_53 = arith.constant 0 : index
    %get3A_54 = vector.load %arg6[%get3A_52, %get3A_53] : memref<8192x256xbf16, #tpu.memory_space<vmem>>, vector<8192x256xbf16>
    %dot_general3A = arith.constant dense<0.000000e+00> : vector<256x8192xf32>
    %dot_general3A_55 = tpu.matmul %convert_element_type3A_51, %get3A_54, %dot_general3A {dimension_numbers = #tpu.dot_dimension_numbers<[1], [1], [0], [0], [0, 0, 1, 0], [], []>, transpose_lhs_hint = false} : vector<256x256xbf16>, vector<8192x256xbf16>, vector<256x8192xf32> -> vector<256x8192xf32>
    %abs3A = math.absf %dot_general3A_55 : vector<256x8192xf32>
    %argmax3A = tpu.reduce_index %abs3A {axis = 1 : i32, kind = #tpu.reduction_kind<arg_max>} : vector<256x8192xf32> -> vector<256xi32>
    %swap3A_56 = arith.constant 0 : index
    %swap3A_57 = arith.constant 0 : index
    %swap3A_58 = vector.load %arg7[%swap3A_56, %swap3A_57] : memref<1x256xi32, #tpu.memory_space<vmem>>, vector<1x256xi32>
    %swap3A_59 = vector.shape_cast %swap3A_58 : vector<1x256xi32> to vector<256xi32>
    %swap3A_60 = vector.shape_cast %argmax3A : vector<256xi32> to vector<1x256xi32>
    tpu.vector_store %arg7[%swap3A_56, %swap3A_57], %swap3A_60 {strides = array<i32>} : memref<1x256xi32, #tpu.memory_space<vmem>>, vector<1x256xi32>,
    %swap3A_61 = arith.constant 0 : index
    %swap3A_62 = arith.constant 0 : index
    %swap3A_63 = vector.load %arg9[%swap3A_61, %swap3A_62] : memref<256x1xf32, #tpu.memory_space<vmem>>, vector<256x1xf32>
    tpu.vector_store %arg9[%swap3A_61, %swap3A_62], %convert_element_type3A_47 {strides = array<i32>} : memref<256x1xf32, #tpu.memory_space<vmem>>, vector<256x1xf32>,
    %swap3A_64 = arith.constant 0 : index
    %swap3A_65 = arith.constant 0 : index
    %swap3A_66 = vector.load %arg10[%swap3A_64, %swap3A_65] : memref<256x256xf32, #tpu.memory_space<vmem>>, vector<256x256xf32>
    tpu.vector_store %arg10[%swap3A_64, %swap3A_65], %sub3A {strides = array<i32>} : memref<256x256xf32, #tpu.memory_space<vmem>>, vector<256x256xf32>,
    %swap3A_67 = arith.constant 0 : index
    %swap3A_68 = arith.constant 0 : index
    %swap3A_69 = vector.load %arg11[%swap3A_67, %swap3A_68] : memref<256x256xf32, #tpu.memory_space<vmem>>, vector<256x256xf32>
    tpu.vector_store %arg11[%swap3A_67, %swap3A_68], %add3A_36 {strides = array<i32>} : memref<256x256xf32, #tpu.memory_space<vmem>>, vector<256x256xf32>,
    return
  }
  func.func @transform_0(%arg0: i32) -> (i32, i32) {
    %c0_i32 = arith.constant 0 : i32
    %c0_i32_0 = arith.constant 0 : i32
    return %arg0, %c0_i32 : i32, i32
  }
  func.func @transform_1(%arg0: i32) -> (i32, i32) {
    %c0_i32 = arith.constant 0 : i32
    %c0_i32_0 = arith.constant 0 : i32
    return %arg0, %c0_i32 : i32, i32
  }
  func.func @transform_2(%arg0: i32) -> (i32, i32) {
    %c0_i32 = arith.constant 0 : i32
    %c0_i32_0 = arith.constant 0 : i32
    return %arg0, %c0_i32 : i32, i32
  }
  func.func @transform_3(%arg0: i32) -> (i32, i32) {
    %c0_i32 = arith.constant 0 : i32
    %c0_i32_0 = arith.constant 0 : i32
    return %arg0, %c0_i32 : i32, i32
  }
  func.func @transform_4(%arg0: i32) -> (i32, i32) {
    %c0_i32 = arith.constant 0 : i32
    %c0_i32_0 = arith.constant 0 : i32
    return %c0_i32, %arg0 : i32, i32
  }
  func.func @transform_5(%arg0: i32) -> (i32, i32) {
    %c0_i32 = arith.constant 0 : i32
    %c0_i32_0 = arith.constant 0 : i32
    %c0_i32_1 = arith.constant 0 : i32
    return %c0_i32, %c0_i32_0 : i32, i32
  }
  func.func @transform_6(%arg0: i32) -> (i32, i32) {
    %c0_i32 = arith.constant 0 : i32
    %c0_i32_0 = arith.constant 0 : i32
    return %c0_i32, %arg0 : i32, i32
  }
  func.func @transform_7(%arg0: i32) -> (i32, i32) {
    %c0_i32 = arith.constant 0 : i32
    %c0_i32_0 = arith.constant 0 : i32
    return %c0_i32, %arg0 : i32, i32
  }
  func.func @transform_8(%arg0: i32) -> (i32, i32) {
    %c0_i32 = arith.constant 0 : i32
    %c0_i32_0 = arith.constant 0 : i32
    return %arg0, %c0_i32 : i32, i32
  }
  func.func @transform_9(%arg0: i32) -> (i32, i32) {
    %c0_i32 = arith.constant 0 : i32
    %c0_i32_0 = arith.constant 0 : i32
    return %arg0, %c0_i32 : i32, i32
  }
  func.func @transform_10(%arg0: i32) -> (i32, i32) {
    %c0_i32 = arith.constant 0 : i32
    %c0_i32_0 = arith.constant 0 : i32
    return %arg0, %c0_i32 : i32, i32
  }
}

module attributes {stable_mosaic.version = 14 : i64} {
  func.func @_tc_step_kernel(%arg0: i32, %arg1: memref<256x256xf32, #tpu.memory_space<vmem>>, %arg2: memref<256x256xf32, #tpu.memory_space<vmem>>, %arg3: memref<256x256xf32, #tpu.memory_space<vmem>>, %arg4: memref<256x1xf32, #tpu.memory_space<vmem>>, %arg5: memref<1x256xi32, #tpu.memory_space<vmem>>, %arg6: memref<8192x256xbf16, #tpu.memory_space<vmem>>, %arg7: memref<1x256xi32, #tpu.memory_space<vmem>>, %arg8: memref<1x256xi32, #tpu.memory_space<vmem>>, %arg9: memref<256x1xf32, #tpu.memory_space<vmem>>, %arg10: memref<256x256xf32, #tpu.memory_space<vmem>>, %arg11: memref<256x256xf32, #tpu.memory_space<vmem>>) attributes {dimension_semantics = [#tpu.dimension_semantics<arbitrary>], iteration_bounds = array<i64: 4>, scalar_prefetch = 0 : i64, scratch_operands = 0 : i64, tpu.core_type = #tpu.core_type<tc>, window_params = [{transform_indices = @transform_0, window_bounds = array<i64: 256, 256>}, {transform_indices = @transform_1, window_bounds = array<i64: 256, 256>}, {transform_indices = @transform_2, window_bounds = array<i64: 256, 256>}, {transform_indices = @transform_3, window_bounds = array<i64: 256, 1>}, {transform_indices = @transform_4, window_bounds = array<i64: 1, 256>}, {pipeline_mode = #tpu.pipeline_mode<synchronous>, transform_indices = @transform_5, window_bounds = array<i64: 8192, 256>}, {transform_indices = @transform_6, window_bounds = array<i64: 1, 256>}, {transform_indices = @transform_7, window_bounds = array<i64: 1, 256>}, {transform_indices = @transform_8, window_bounds = array<i64: 256, 1>}, {transform_indices = @transform_9, window_bounds = array<i64: 256, 256>}, {transform_indices = @transform_10, window_bounds = array<i64: 256, 256>}]} {
    %get3A = arith.constant 0 : index
    %get3A_0 = arith.constant 0 : index
    %get3A_1 = vector.load %arg1[%get3A, %get3A_0] : memref<256x256xf32, #tpu.memory_space<vmem>>, vector<256x256xf32>
    %get3A_2 = arith.constant 0 : index
    %get3A_3 = arith.constant 0 : index
    %get3A_4 = vector.load %arg2[%get3A_2, %get3A_3] : memref<256x256xf32, #tpu.memory_space<vmem>>, vector<256x256xf32>
    %get3A_5 = arith.constant 0 : index
    %get3A_6 = arith.constant 0 : index
    %get3A_7 = vector.load %arg3[%get3A_5, %get3A_6] : memref<256x256xf32, #tpu.memory_space<vmem>>, vector<256x256xf32>
    %mul3A = arith.mulf %get3A_1, %get3A_7 : vector<256x256xf32>
    %reduce_sum3A = arith.constant dense<0.000000e+00> : vector<256xf32>
    %reduce_sum3A_8 = vector.multi_reduction <add>, %mul3A, %reduce_sum3A [1] : vector<256x256xf32> to vector<256xf32>
    %ge3A = arith.constant 0.000000e+00 : f32
    %ge3A_9 = vector.broadcast %ge3A : f32 to vector<256xf32>
    %ge3A_10 = arith.cmpf oge, %reduce_sum3A_8, %ge3A_9 : vector<256xf32>
    %jit3A = arith.constant 1.000000e+00 : f32
    %jit3A_11 = arith.constant -1.000000e+00 : f32
    %broadcast_in_dim3A = vector.broadcast %jit3A : f32 to vector<256xf32>
    %broadcast_in_dim3A_12 = vector.broadcast %jit3A_11 : f32 to vector<256xf32>
    %select_n3A = arith.select %ge3A_10, %broadcast_in_dim3A, %broadcast_in_dim3A_12 : vector<256xi1>, vector<256xf32>
    %get3A_13 = arith.constant 0 : index
    %get3A_14 = arith.constant 0 : index
    %get3A_15 = vector.load %arg5[%get3A_13, %get3A_14] : memref<1x256xi32, #tpu.memory_space<vmem>>, vector<1x256xi32>
    %get3A_16 = vector.shape_cast %get3A_15 : vector<1x256xi32> to vector<256xi32>
    %ge3A_17 = arith.constant 0.000000e+00 : f32
    %ge3A_18 = vector.broadcast %ge3A_17 : f32 to vector<256xf32>
    %ge3A_19 = arith.cmpf oge, %reduce_sum3A_8, %ge3A_18 : vector<256xf32>
    %add3A = arith.constant 1 : i32
    %add3A_20 = vector.broadcast %add3A : i32 to vector<256xi32>
    %add3A_21 = arith.addi %get3A_16, %add3A_20 : vector<256xi32>
    %neg3A = arith.constant 0 : i32
    %neg3A_22 = vector.broadcast %neg3A : i32 to vector<256xi32>
    %neg3A_23 = arith.subi %neg3A_22, %add3A_21 : vector<256xi32>
    %select_n3A_24 = arith.select %ge3A_19, %get3A_16, %neg3A_23 : vector<256xi1>, vector<256xi32>
    %get3A_25 = arith.constant 0 : index
    %get3A_26 = arith.constant 0 : index
    %get3A_27 = vector.load %arg4[%get3A_25, %get3A_26] : memref<256x1xf32, #tpu.memory_space<vmem>>, vector<256x1xf32>
    %get3A_28 = vector.shape_cast %get3A_27 : vector<256x1xf32> to vector<256xf32>
    %mul3A_29 = arith.mulf %get3A_28, %select_n3A : vector<256xf32>
    %mul3A_30 = arith.constant 0.387420475 : f32
    %mul3A_31 = vector.broadcast %mul3A_30 : f32 to vector<256xf32>
    %mul3A_32 = arith.mulf %mul3A_29, %mul3A_31 : vector<256xf32>
    %broadcast_in_dim3A_33 = vector.shape_cast %mul3A_32 : vector<256xf32> to vector<256x1xf32>
    %mul3A_34 = vector.broadcast %broadcast_in_dim3A_33 : vector<256x1xf32> to vector<256x256xf32>
    %mul3A_35 = arith.mulf %mul3A_34, %get3A_7 : vector<256x256xf32>
    %sub3A = arith.subf %get3A_1, %mul3A_35 : vector<256x256xf32>
    %add3A_36 = arith.addf %get3A_4, %mul3A_35 : vector<256x256xf32>
    %swap3A = arith.constant 0 : index
    %swap3A_37 = arith.constant 0 : index
    %swap3A_38 = vector.load %arg8[%swap3A, %swap3A_37] : memref<1x256xi32, #tpu.memory_space<vmem>>, vector<1x256xi32>
    %swap3A_39 = vector.shape_cast %swap3A_38 : vector<1x256xi32> to vector<256xi32>
    %swap3A_40 = vector.shape_cast %select_n3A_24 : vector<256xi32> to vector<1x256xi32>
    tpu.vector_store %arg8[%swap3A, %swap3A_37], %swap3A_40 {strides = array<i32>} : memref<1x256xi32, #tpu.memory_space<vmem>>, vector<1x256xi32>,
    %mul3A_41 = arith.mulf %sub3A, %sub3A : vector<256x256xf32>
    %reduce_sum3A_42 = arith.constant dense<0.000000e+00> : vector<256xf32>
    %reduce_sum3A_43 = vector.multi_reduction <add>, %mul3A_41, %reduce_sum3A_42 [1] : vector<256x256xf32> to vector<256xf32>
    %broadcast_in_dim3A_44 = vector.shape_cast %reduce_sum3A_43 : vector<256xf32> to vector<256x1xf32>
    %sqrt3A = math.sqrt %broadcast_in_dim3A_44 : vector<256x1xf32>
    %gt3A = arith.constant 9.99999974E-5 : f32
    %gt3A_45 = vector.broadcast %gt3A : f32 to vector<256x1xf32>
    %gt3A_46 = arith.cmpf ogt, %sqrt3A, %gt3A_45 : vector<256x1xf32>
    %convert_element_type3A = arith.extui %gt3A_46 : vector<256x1xi1> to vector<256x1xi32>
    %convert_element_type3A_47 = arith.sitofp %convert_element_type3A : vector<256x1xi32> to vector<256x1xf32>
    %max3A = arith.constant 9.99999993E-9 : f32
    %max3A_48 = vector.broadcast %max3A : f32 to vector<256x1xf32>
    %max3A_49 = arith.maximumf %sqrt3A, %max3A_48 : vector<256x1xf32>
    %div3A = vector.broadcast %max3A_49 : vector<256x1xf32> to vector<256x256xf32>
    %div3A_50 = arith.divf %sub3A, %div3A : vector<256x256xf32>
    %convert_element_type3A_51 = arith.truncf %div3A_50 : vector<256x256xf32> to vector<256x256xbf16>
    %get3A_52 = arith.constant 0 : index
    %get3A_53 = arith.constant 0 : index
    %get3A_54 = vector.load %arg6[%get3A_52, %get3A_53] : memref<8192x256xbf16, #tpu.memory_space<vmem>>, vector<8192x256xbf16>
    %dot_general3A = arith.constant dense<0.000000e+00> : vector<256x8192xf32>
    %dot_general3A_55 = tpu.matmul %convert_element_type3A_51, %get3A_54, %dot_general3A {dimension_numbers = #tpu.dot_dimension_numbers<[1], [1], [0], [0], [0, 0, 1, 0], [], []>, transpose_lhs_hint = false} : vector<256x256xbf16>, vector<8192x256xbf16>, vector<256x8192xf32> -> vector<256x8192xf32>
    %abs3A = math.absf %dot_general3A_55 : vector<256x8192xf32>
    %argmax3A = tpu.reduce_index %abs3A {axis = 1 : i32, kind = #tpu.reduction_kind<arg_max>} : vector<256x8192xf32> -> vector<256xi32>
    %swap3A_56 = arith.constant 0 : index
    %swap3A_57 = arith.constant 0 : index
    %swap3A_58 = vector.load %arg7[%swap3A_56, %swap3A_57] : memref<1x256xi32, #tpu.memory_space<vmem>>, vector<1x256xi32>
    %swap3A_59 = vector.shape_cast %swap3A_58 : vector<1x256xi32> to vector<256xi32>
    %swap3A_60 = vector.shape_cast %argmax3A : vector<256xi32> to vector<1x256xi32>
    tpu.vector_store %arg7[%swap3A_56, %swap3A_57], %swap3A_60 {strides = array<i32>} : memref<1x256xi32, #tpu.memory_space<vmem>>, vector<1x256xi32>,
    %swap3A_61 = arith.constant 0 : index
    %swap3A_62 = arith.constant 0 : index
    %swap3A_63 = vector.load %arg9[%swap3A_61, %swap3A_62] : memref<256x1xf32, #tpu.memory_space<vmem>>, vector<256x1xf32>
    tpu.vector_store %arg9[%swap3A_61, %swap3A_62], %convert_element_type3A_47 {strides = array<i32>} : memref<256x1xf32, #tpu.memory_space<vmem>>, vector<256x1xf32>,
    %swap3A_64 = arith.constant 0 : index
    %swap3A_65 = arith.constant 0 : index
    %swap3A_66 = vector.load %arg10[%swap3A_64, %swap3A_65] : memref<256x256xf32, #tpu.memory_space<vmem>>, vector<256x256xf32>
    tpu.vector_store %arg10[%swap3A_64, %swap3A_65], %sub3A {strides = array<i32>} : memref<256x256xf32, #tpu.memory_space<vmem>>, vector<256x256xf32>,
    %swap3A_67 = arith.constant 0 : index
    %swap3A_68 = arith.constant 0 : index
    %swap3A_69 = vector.load %arg11[%swap3A_67, %swap3A_68] : memref<256x256xf32, #tpu.memory_space<vmem>>, vector<256x256xf32>
    tpu.vector_store %arg11[%swap3A_67, %swap3A_68], %add3A_36 {strides = array<i32>} : memref<256x256xf32, #tpu.memory_space<vmem>>, vector<256x256xf32>,
    return
  }
  func.func @transform_0(%arg0: i32) -> (i32, i32) {
    %c0_i32 = arith.constant 0 : i32
    %c0_i32_0 = arith.constant 0 : i32
    return %arg0, %c0_i32 : i32, i32
  }
  func.func @transform_1(%arg0: i32) -> (i32, i32) {
    %c0_i32 = arith.constant 0 : i32
    %c0_i32_0 = arith.constant 0 : i32
    return %arg0, %c0_i32 : i32, i32
  }
  func.func @transform_2(%arg0: i32) -> (i32, i32) {
    %c0_i32 = arith.constant 0 : i32
    %c0_i32_0 = arith.constant 0 : i32
    return %arg0, %c0_i32 : i32, i32
  }
  func.func @transform_3(%arg0: i32) -> (i32, i32) {
    %c0_i32 = arith.constant 0 : i32
    %c0_i32_0 = arith.constant 0 : i32
    return %arg0, %c0_i32 : i32, i32
  }
  func.func @transform_4(%arg0: i32) -> (i32, i32) {
    %c0_i32 = arith.constant 0 : i32
    %c0_i32_0 = arith.constant 0 : i32
    return %c0_i32, %arg0 : i32, i32
  }
  func.func @transform_5(%arg0: i32) -> (i32, i32) {
    %c0_i32 = arith.constant 0 : i32
    %c0_i32_0 = arith.constant 0 : i32
    %c0_i32_1 = arith.constant 0 : i32
    return %c0_i32, %c0_i32_0 : i32, i32
  }
  func.func @transform_6(%arg0: i32) -> (i32, i32) {
    %c0_i32 = arith.constant 0 : i32
    %c0_i32_0 = arith.constant 0 : i32
    return %c0_i32, %arg0 : i32, i32
  }
  func.func @transform_7(%arg0: i32) -> (i32, i32) {
    %c0_i32 = arith.constant 0 : i32
    %c0_i32_0 = arith.constant 0 : i32
    return %c0_i32, %arg0 : i32, i32
  }
  func.func @transform_8(%arg0: i32) -> (i32, i32) {
    %c0_i32 = arith.constant 0 : i32
    %c0_i32_0 = arith.constant 0 : i32
    return %arg0, %c0_i32 : i32, i32
  }
  func.func @transform_9(%arg0: i32) -> (i32, i32) {
    %c0_i32 = arith.constant 0 : i32
    %c0_i32_0 = arith.constant 0 : i32
    return %arg0, %c0_i32 : i32, i32
  }
  func.func @transform_10(%arg0: i32) -> (i32, i32) {
    %c0_i32 = arith.constant 0 : i32
    %c0_i32_0 = arith.constant 0 : i32
    return %arg0, %c0_i32 : i32, i32
  }
}

module attributes {stable_mosaic.version = 14 : i64} {
  func.func @_tc_step_kernel(%arg0: i32, %arg1: memref<256x256xf32, #tpu.memory_space<vmem>>, %arg2: memref<256x256xf32, #tpu.memory_space<vmem>>, %arg3: memref<256x256xf32, #tpu.memory_space<vmem>>, %arg4: memref<256x1xf32, #tpu.memory_space<vmem>>, %arg5: memref<1x256xi32, #tpu.memory_space<vmem>>, %arg6: memref<8192x256xbf16, #tpu.memory_space<vmem>>, %arg7: memref<1x256xi32, #tpu.memory_space<vmem>>, %arg8: memref<1x256xi32, #tpu.memory_space<vmem>>, %arg9: memref<256x1xf32, #tpu.memory_space<vmem>>, %arg10: memref<256x256xf32, #tpu.memory_space<vmem>>, %arg11: memref<256x256xf32, #tpu.memory_space<vmem>>) attributes {dimension_semantics = [#tpu.dimension_semantics<arbitrary>], iteration_bounds = array<i64: 4>, scalar_prefetch = 0 : i64, scratch_operands = 0 : i64, tpu.core_type = #tpu.core_type<tc>, window_params = [{transform_indices = @transform_0, window_bounds = array<i64: 256, 256>}, {transform_indices = @transform_1, window_bounds = array<i64: 256, 256>}, {transform_indices = @transform_2, window_bounds = array<i64: 256, 256>}, {transform_indices = @transform_3, window_bounds = array<i64: 256, 1>}, {transform_indices = @transform_4, window_bounds = array<i64: 1, 256>}, {pipeline_mode = #tpu.pipeline_mode<synchronous>, transform_indices = @transform_5, window_bounds = array<i64: 8192, 256>}, {transform_indices = @transform_6, window_bounds = array<i64: 1, 256>}, {transform_indices = @transform_7, window_bounds = array<i64: 1, 256>}, {transform_indices = @transform_8, window_bounds = array<i64: 256, 1>}, {transform_indices = @transform_9, window_bounds = array<i64: 256, 256>}, {transform_indices = @transform_10, window_bounds = array<i64: 256, 256>}]} {
    %get3A = arith.constant 0 : index
    %get3A_0 = arith.constant 0 : index
    %get3A_1 = vector.load %arg1[%get3A, %get3A_0] : memref<256x256xf32, #tpu.memory_space<vmem>>, vector<256x256xf32>
    %get3A_2 = arith.constant 0 : index
    %get3A_3 = arith.constant 0 : index
    %get3A_4 = vector.load %arg2[%get3A_2, %get3A_3] : memref<256x256xf32, #tpu.memory_space<vmem>>, vector<256x256xf32>
    %get3A_5 = arith.constant 0 : index
    %get3A_6 = arith.constant 0 : index
    %get3A_7 = vector.load %arg3[%get3A_5, %get3A_6] : memref<256x256xf32, #tpu.memory_space<vmem>>, vector<256x256xf32>
    %mul3A = arith.mulf %get3A_1, %get3A_7 : vector<256x256xf32>
    %reduce_sum3A = arith.constant dense<0.000000e+00> : vector<256xf32>
    %reduce_sum3A_8 = vector.multi_reduction <add>, %mul3A, %reduce_sum3A [1] : vector<256x256xf32> to vector<256xf32>
    %ge3A = arith.constant 0.000000e+00 : f32
    %ge3A_9 = vector.broadcast %ge3A : f32 to vector<256xf32>
    %ge3A_10 = arith.cmpf oge, %reduce_sum3A_8, %ge3A_9 : vector<256xf32>
    %jit3A = arith.constant 1.000000e+00 : f32
    %jit3A_11 = arith.constant -1.000000e+00 : f32
    %broadcast_in_dim3A = vector.broadcast %jit3A : f32 to vector<256xf32>
    %broadcast_in_dim3A_12 = vector.broadcast %jit3A_11 : f32 to vector<256xf32>
    %select_n3A = arith.select %ge3A_10, %broadcast_in_dim3A, %broadcast_in_dim3A_12 : vector<256xi1>, vector<256xf32>
    %get3A_13 = arith.constant 0 : index
    %get3A_14 = arith.constant 0 : index
    %get3A_15 = vector.load %arg5[%get3A_13, %get3A_14] : memref<1x256xi32, #tpu.memory_space<vmem>>, vector<1x256xi32>
    %get3A_16 = vector.shape_cast %get3A_15 : vector<1x256xi32> to vector<256xi32>
    %ge3A_17 = arith.constant 0.000000e+00 : f32
    %ge3A_18 = vector.broadcast %ge3A_17 : f32 to vector<256xf32>
    %ge3A_19 = arith.cmpf oge, %reduce_sum3A_8, %ge3A_18 : vector<256xf32>
    %add3A = arith.constant 1 : i32
    %add3A_20 = vector.broadcast %add3A : i32 to vector<256xi32>
    %add3A_21 = arith.addi %get3A_16, %add3A_20 : vector<256xi32>
    %neg3A = arith.constant 0 : i32
    %neg3A_22 = vector.broadcast %neg3A : i32 to vector<256xi32>
    %neg3A_23 = arith.subi %neg3A_22, %add3A_21 : vector<256xi32>
    %select_n3A_24 = arith.select %ge3A_19, %get3A_16, %neg3A_23 : vector<256xi1>, vector<256xi32>
    %get3A_25 = arith.constant 0 : index
    %get3A_26 = arith.constant 0 : index
    %get3A_27 = vector.load %arg4[%get3A_25, %get3A_26] : memref<256x1xf32, #tpu.memory_space<vmem>>, vector<256x1xf32>
    %get3A_28 = vector.shape_cast %get3A_27 : vector<256x1xf32> to vector<256xf32>
    %mul3A_29 = arith.mulf %get3A_28, %select_n3A : vector<256xf32>
    %mul3A_30 = arith.constant 0.34867844 : f32
    %mul3A_31 = vector.broadcast %mul3A_30 : f32 to vector<256xf32>
    %mul3A_32 = arith.mulf %mul3A_29, %mul3A_31 : vector<256xf32>
    %broadcast_in_dim3A_33 = vector.shape_cast %mul3A_32 : vector<256xf32> to vector<256x1xf32>
    %mul3A_34 = vector.broadcast %broadcast_in_dim3A_33 : vector<256x1xf32> to vector<256x256xf32>
    %mul3A_35 = arith.mulf %mul3A_34, %get3A_7 : vector<256x256xf32>
    %sub3A = arith.subf %get3A_1, %mul3A_35 : vector<256x256xf32>
    %add3A_36 = arith.addf %get3A_4, %mul3A_35 : vector<256x256xf32>
    %swap3A = arith.constant 0 : index
    %swap3A_37 = arith.constant 0 : index
    %swap3A_38 = vector.load %arg8[%swap3A, %swap3A_37] : memref<1x256xi32, #tpu.memory_space<vmem>>, vector<1x256xi32>
    %swap3A_39 = vector.shape_cast %swap3A_38 : vector<1x256xi32> to vector<256xi32>
    %swap3A_40 = vector.shape_cast %select_n3A_24 : vector<256xi32> to vector<1x256xi32>
    tpu.vector_store %arg8[%swap3A, %swap3A_37], %swap3A_40 {strides = array<i32>} : memref<1x256xi32, #tpu.memory_space<vmem>>, vector<1x256xi32>,
    %mul3A_41 = arith.mulf %sub3A, %sub3A : vector<256x256xf32>
    %reduce_sum3A_42 = arith.constant dense<0.000000e+00> : vector<256xf32>
    %reduce_sum3A_43 = vector.multi_reduction <add>, %mul3A_41, %reduce_sum3A_42 [1] : vector<256x256xf32> to vector<256xf32>
    %broadcast_in_dim3A_44 = vector.shape_cast %reduce_sum3A_43 : vector<256xf32> to vector<256x1xf32>
    %sqrt3A = math.sqrt %broadcast_in_dim3A_44 : vector<256x1xf32>
    %gt3A = arith.constant 9.99999974E-5 : f32
    %gt3A_45 = vector.broadcast %gt3A : f32 to vector<256x1xf32>
    %gt3A_46 = arith.cmpf ogt, %sqrt3A, %gt3A_45 : vector<256x1xf32>
    %convert_element_type3A = arith.extui %gt3A_46 : vector<256x1xi1> to vector<256x1xi32>
    %convert_element_type3A_47 = arith.sitofp %convert_element_type3A : vector<256x1xi32> to vector<256x1xf32>
    %max3A = arith.constant 9.99999993E-9 : f32
    %max3A_48 = vector.broadcast %max3A : f32 to vector<256x1xf32>
    %max3A_49 = arith.maximumf %sqrt3A, %max3A_48 : vector<256x1xf32>
    %div3A = vector.broadcast %max3A_49 : vector<256x1xf32> to vector<256x256xf32>
    %div3A_50 = arith.divf %sub3A, %div3A : vector<256x256xf32>
    %convert_element_type3A_51 = arith.truncf %div3A_50 : vector<256x256xf32> to vector<256x256xbf16>
    %get3A_52 = arith.constant 0 : index
    %get3A_53 = arith.constant 0 : index
    %get3A_54 = vector.load %arg6[%get3A_52, %get3A_53] : memref<8192x256xbf16, #tpu.memory_space<vmem>>, vector<8192x256xbf16>
    %dot_general3A = arith.constant dense<0.000000e+00> : vector<256x8192xf32>
    %dot_general3A_55 = tpu.matmul %convert_element_type3A_51, %get3A_54, %dot_general3A {dimension_numbers = #tpu.dot_dimension_numbers<[1], [1], [0], [0], [0, 0, 1, 0], [], []>, transpose_lhs_hint = false} : vector<256x256xbf16>, vector<8192x256xbf16>, vector<256x8192xf32> -> vector<256x8192xf32>
    %abs3A = math.absf %dot_general3A_55 : vector<256x8192xf32>
    %argmax3A = tpu.reduce_index %abs3A {axis = 1 : i32, kind = #tpu.reduction_kind<arg_max>} : vector<256x8192xf32> -> vector<256xi32>
    %swap3A_56 = arith.constant 0 : index
    %swap3A_57 = arith.constant 0 : index
    %swap3A_58 = vector.load %arg7[%swap3A_56, %swap3A_57] : memref<1x256xi32, #tpu.memory_space<vmem>>, vector<1x256xi32>
    %swap3A_59 = vector.shape_cast %swap3A_58 : vector<1x256xi32> to vector<256xi32>
    %swap3A_60 = vector.shape_cast %argmax3A : vector<256xi32> to vector<1x256xi32>
    tpu.vector_store %arg7[%swap3A_56, %swap3A_57], %swap3A_60 {strides = array<i32>} : memref<1x256xi32, #tpu.memory_space<vmem>>, vector<1x256xi32>,
    %swap3A_61 = arith.constant 0 : index
    %swap3A_62 = arith.constant 0 : index
    %swap3A_63 = vector.load %arg9[%swap3A_61, %swap3A_62] : memref<256x1xf32, #tpu.memory_space<vmem>>, vector<256x1xf32>
    tpu.vector_store %arg9[%swap3A_61, %swap3A_62], %convert_element_type3A_47 {strides = array<i32>} : memref<256x1xf32, #tpu.memory_space<vmem>>, vector<256x1xf32>,
    %swap3A_64 = arith.constant 0 : index
    %swap3A_65 = arith.constant 0 : index
    %swap3A_66 = vector.load %arg10[%swap3A_64, %swap3A_65] : memref<256x256xf32, #tpu.memory_space<vmem>>, vector<256x256xf32>
    tpu.vector_store %arg10[%swap3A_64, %swap3A_65], %sub3A {strides = array<i32>} : memref<256x256xf32, #tpu.memory_space<vmem>>, vector<256x256xf32>,
    %swap3A_67 = arith.constant 0 : index
    %swap3A_68 = arith.constant 0 : index
    %swap3A_69 = vector.load %arg11[%swap3A_67, %swap3A_68] : memref<256x256xf32, #tpu.memory_space<vmem>>, vector<256x256xf32>
    tpu.vector_store %arg11[%swap3A_67, %swap3A_68], %add3A_36 {strides = array<i32>} : memref<256x256xf32, #tpu.memory_space<vmem>>, vector<256x256xf32>,
    return
  }
  func.func @transform_0(%arg0: i32) -> (i32, i32) {
    %c0_i32 = arith.constant 0 : i32
    %c0_i32_0 = arith.constant 0 : i32
    return %arg0, %c0_i32 : i32, i32
  }
  func.func @transform_1(%arg0: i32) -> (i32, i32) {
    %c0_i32 = arith.constant 0 : i32
    %c0_i32_0 = arith.constant 0 : i32
    return %arg0, %c0_i32 : i32, i32
  }
  func.func @transform_2(%arg0: i32) -> (i32, i32) {
    %c0_i32 = arith.constant 0 : i32
    %c0_i32_0 = arith.constant 0 : i32
    return %arg0, %c0_i32 : i32, i32
  }
  func.func @transform_3(%arg0: i32) -> (i32, i32) {
    %c0_i32 = arith.constant 0 : i32
    %c0_i32_0 = arith.constant 0 : i32
    return %arg0, %c0_i32 : i32, i32
  }
  func.func @transform_4(%arg0: i32) -> (i32, i32) {
    %c0_i32 = arith.constant 0 : i32
    %c0_i32_0 = arith.constant 0 : i32
    return %c0_i32, %arg0 : i32, i32
  }
  func.func @transform_5(%arg0: i32) -> (i32, i32) {
    %c0_i32 = arith.constant 0 : i32
    %c0_i32_0 = arith.constant 0 : i32
    %c0_i32_1 = arith.constant 0 : i32
    return %c0_i32, %c0_i32_0 : i32, i32
  }
  func.func @transform_6(%arg0: i32) -> (i32, i32) {
    %c0_i32 = arith.constant 0 : i32
    %c0_i32_0 = arith.constant 0 : i32
    return %c0_i32, %arg0 : i32, i32
  }
  func.func @transform_7(%arg0: i32) -> (i32, i32) {
    %c0_i32 = arith.constant 0 : i32
    %c0_i32_0 = arith.constant 0 : i32
    return %c0_i32, %arg0 : i32, i32
  }
  func.func @transform_8(%arg0: i32) -> (i32, i32) {
    %c0_i32 = arith.constant 0 : i32
    %c0_i32_0 = arith.constant 0 : i32
    return %arg0, %c0_i32 : i32, i32
  }
  func.func @transform_9(%arg0: i32) -> (i32, i32) {
    %c0_i32 = arith.constant 0 : i32
    %c0_i32_0 = arith.constant 0 : i32
    return %arg0, %c0_i32 : i32, i32
  }
  func.func @transform_10(%arg0: i32) -> (i32, i32) {
    %c0_i32 = arith.constant 0 : i32
    %c0_i32_0 = arith.constant 0 : i32
    return %arg0, %c0_i32 : i32, i32
  }
}

module attributes {stable_mosaic.version = 14 : i64} {
  func.func @_tc_step_kernel(%arg0: i32, %arg1: memref<256x256xf32, #tpu.memory_space<vmem>>, %arg2: memref<256x256xf32, #tpu.memory_space<vmem>>, %arg3: memref<256x256xf32, #tpu.memory_space<vmem>>, %arg4: memref<256x1xf32, #tpu.memory_space<vmem>>, %arg5: memref<1x256xi32, #tpu.memory_space<vmem>>, %arg6: memref<8192x256xbf16, #tpu.memory_space<vmem>>, %arg7: memref<1x256xi32, #tpu.memory_space<vmem>>, %arg8: memref<1x256xi32, #tpu.memory_space<vmem>>, %arg9: memref<256x1xf32, #tpu.memory_space<vmem>>, %arg10: memref<256x256xf32, #tpu.memory_space<vmem>>, %arg11: memref<256x256xf32, #tpu.memory_space<vmem>>) attributes {dimension_semantics = [#tpu.dimension_semantics<arbitrary>], iteration_bounds = array<i64: 4>, scalar_prefetch = 0 : i64, scratch_operands = 0 : i64, tpu.core_type = #tpu.core_type<tc>, window_params = [{transform_indices = @transform_0, window_bounds = array<i64: 256, 256>}, {transform_indices = @transform_1, window_bounds = array<i64: 256, 256>}, {transform_indices = @transform_2, window_bounds = array<i64: 256, 256>}, {transform_indices = @transform_3, window_bounds = array<i64: 256, 1>}, {transform_indices = @transform_4, window_bounds = array<i64: 1, 256>}, {pipeline_mode = #tpu.pipeline_mode<synchronous>, transform_indices = @transform_5, window_bounds = array<i64: 8192, 256>}, {transform_indices = @transform_6, window_bounds = array<i64: 1, 256>}, {transform_indices = @transform_7, window_bounds = array<i64: 1, 256>}, {transform_indices = @transform_8, window_bounds = array<i64: 256, 1>}, {transform_indices = @transform_9, window_bounds = array<i64: 256, 256>}, {transform_indices = @transform_10, window_bounds = array<i64: 256, 256>}]} {
    %get3A = arith.constant 0 : index
    %get3A_0 = arith.constant 0 : index
    %get3A_1 = vector.load %arg1[%get3A, %get3A_0] : memref<256x256xf32, #tpu.memory_space<vmem>>, vector<256x256xf32>
    %get3A_2 = arith.constant 0 : index
    %get3A_3 = arith.constant 0 : index
    %get3A_4 = vector.load %arg2[%get3A_2, %get3A_3] : memref<256x256xf32, #tpu.memory_space<vmem>>, vector<256x256xf32>
    %get3A_5 = arith.constant 0 : index
    %get3A_6 = arith.constant 0 : index
    %get3A_7 = vector.load %arg3[%get3A_5, %get3A_6] : memref<256x256xf32, #tpu.memory_space<vmem>>, vector<256x256xf32>
    %mul3A = arith.mulf %get3A_1, %get3A_7 : vector<256x256xf32>
    %reduce_sum3A = arith.constant dense<0.000000e+00> : vector<256xf32>
    %reduce_sum3A_8 = vector.multi_reduction <add>, %mul3A, %reduce_sum3A [1] : vector<256x256xf32> to vector<256xf32>
    %ge3A = arith.constant 0.000000e+00 : f32
    %ge3A_9 = vector.broadcast %ge3A : f32 to vector<256xf32>
    %ge3A_10 = arith.cmpf oge, %reduce_sum3A_8, %ge3A_9 : vector<256xf32>
    %jit3A = arith.constant 1.000000e+00 : f32
    %jit3A_11 = arith.constant -1.000000e+00 : f32
    %broadcast_in_dim3A = vector.broadcast %jit3A : f32 to vector<256xf32>
    %broadcast_in_dim3A_12 = vector.broadcast %jit3A_11 : f32 to vector<256xf32>
    %select_n3A = arith.select %ge3A_10, %broadcast_in_dim3A, %broadcast_in_dim3A_12 : vector<256xi1>, vector<256xf32>
    %get3A_13 = arith.constant 0 : index
    %get3A_14 = arith.constant 0 : index
    %get3A_15 = vector.load %arg5[%get3A_13, %get3A_14] : memref<1x256xi32, #tpu.memory_space<vmem>>, vector<1x256xi32>
    %get3A_16 = vector.shape_cast %get3A_15 : vector<1x256xi32> to vector<256xi32>
    %ge3A_17 = arith.constant 0.000000e+00 : f32
    %ge3A_18 = vector.broadcast %ge3A_17 : f32 to vector<256xf32>
    %ge3A_19 = arith.cmpf oge, %reduce_sum3A_8, %ge3A_18 : vector<256xf32>
    %add3A = arith.constant 1 : i32
    %add3A_20 = vector.broadcast %add3A : i32 to vector<256xi32>
    %add3A_21 = arith.addi %get3A_16, %add3A_20 : vector<256xi32>
    %neg3A = arith.constant 0 : i32
    %neg3A_22 = vector.broadcast %neg3A : i32 to vector<256xi32>
    %neg3A_23 = arith.subi %neg3A_22, %add3A_21 : vector<256xi32>
    %select_n3A_24 = arith.select %ge3A_19, %get3A_16, %neg3A_23 : vector<256xi1>, vector<256xi32>
    %get3A_25 = arith.constant 0 : index
    %get3A_26 = arith.constant 0 : index
    %get3A_27 = vector.load %arg4[%get3A_25, %get3A_26] : memref<256x1xf32, #tpu.memory_space<vmem>>, vector<256x1xf32>
    %get3A_28 = vector.shape_cast %get3A_27 : vector<256x1xf32> to vector<256xf32>
    %mul3A_29 = arith.mulf %get3A_28, %select_n3A : vector<256xf32>
    %mul3A_30 = arith.constant 0.313810587 : f32
    %mul3A_31 = vector.broadcast %mul3A_30 : f32 to vector<256xf32>
    %mul3A_32 = arith.mulf %mul3A_29, %mul3A_31 : vector<256xf32>
    %broadcast_in_dim3A_33 = vector.shape_cast %mul3A_32 : vector<256xf32> to vector<256x1xf32>
    %mul3A_34 = vector.broadcast %broadcast_in_dim3A_33 : vector<256x1xf32> to vector<256x256xf32>
    %mul3A_35 = arith.mulf %mul3A_34, %get3A_7 : vector<256x256xf32>
    %sub3A = arith.subf %get3A_1, %mul3A_35 : vector<256x256xf32>
    %add3A_36 = arith.addf %get3A_4, %mul3A_35 : vector<256x256xf32>
    %swap3A = arith.constant 0 : index
    %swap3A_37 = arith.constant 0 : index
    %swap3A_38 = vector.load %arg8[%swap3A, %swap3A_37] : memref<1x256xi32, #tpu.memory_space<vmem>>, vector<1x256xi32>
    %swap3A_39 = vector.shape_cast %swap3A_38 : vector<1x256xi32> to vector<256xi32>
    %swap3A_40 = vector.shape_cast %select_n3A_24 : vector<256xi32> to vector<1x256xi32>
    tpu.vector_store %arg8[%swap3A, %swap3A_37], %swap3A_40 {strides = array<i32>} : memref<1x256xi32, #tpu.memory_space<vmem>>, vector<1x256xi32>,
    %mul3A_41 = arith.mulf %sub3A, %sub3A : vector<256x256xf32>
    %reduce_sum3A_42 = arith.constant dense<0.000000e+00> : vector<256xf32>
    %reduce_sum3A_43 = vector.multi_reduction <add>, %mul3A_41, %reduce_sum3A_42 [1] : vector<256x256xf32> to vector<256xf32>
    %broadcast_in_dim3A_44 = vector.shape_cast %reduce_sum3A_43 : vector<256xf32> to vector<256x1xf32>
    %sqrt3A = math.sqrt %broadcast_in_dim3A_44 : vector<256x1xf32>
    %gt3A = arith.constant 9.99999974E-5 : f32
    %gt3A_45 = vector.broadcast %gt3A : f32 to vector<256x1xf32>
    %gt3A_46 = arith.cmpf ogt, %sqrt3A, %gt3A_45 : vector<256x1xf32>
    %convert_element_type3A = arith.extui %gt3A_46 : vector<256x1xi1> to vector<256x1xi32>
    %convert_element_type3A_47 = arith.sitofp %convert_element_type3A : vector<256x1xi32> to vector<256x1xf32>
    %max3A = arith.constant 9.99999993E-9 : f32
    %max3A_48 = vector.broadcast %max3A : f32 to vector<256x1xf32>
    %max3A_49 = arith.maximumf %sqrt3A, %max3A_48 : vector<256x1xf32>
    %div3A = vector.broadcast %max3A_49 : vector<256x1xf32> to vector<256x256xf32>
    %div3A_50 = arith.divf %sub3A, %div3A : vector<256x256xf32>
    %convert_element_type3A_51 = arith.truncf %div3A_50 : vector<256x256xf32> to vector<256x256xbf16>
    %get3A_52 = arith.constant 0 : index
    %get3A_53 = arith.constant 0 : index
    %get3A_54 = vector.load %arg6[%get3A_52, %get3A_53] : memref<8192x256xbf16, #tpu.memory_space<vmem>>, vector<8192x256xbf16>
    %dot_general3A = arith.constant dense<0.000000e+00> : vector<256x8192xf32>
    %dot_general3A_55 = tpu.matmul %convert_element_type3A_51, %get3A_54, %dot_general3A {dimension_numbers = #tpu.dot_dimension_numbers<[1], [1], [0], [0], [0, 0, 1, 0], [], []>, transpose_lhs_hint = false} : vector<256x256xbf16>, vector<8192x256xbf16>, vector<256x8192xf32> -> vector<256x8192xf32>
    %abs3A = math.absf %dot_general3A_55 : vector<256x8192xf32>
    %argmax3A = tpu.reduce_index %abs3A {axis = 1 : i32, kind = #tpu.reduction_kind<arg_max>} : vector<256x8192xf32> -> vector<256xi32>
    %swap3A_56 = arith.constant 0 : index
    %swap3A_57 = arith.constant 0 : index
    %swap3A_58 = vector.load %arg7[%swap3A_56, %swap3A_57] : memref<1x256xi32, #tpu.memory_space<vmem>>, vector<1x256xi32>
    %swap3A_59 = vector.shape_cast %swap3A_58 : vector<1x256xi32> to vector<256xi32>
    %swap3A_60 = vector.shape_cast %argmax3A : vector<256xi32> to vector<1x256xi32>
    tpu.vector_store %arg7[%swap3A_56, %swap3A_57], %swap3A_60 {strides = array<i32>} : memref<1x256xi32, #tpu.memory_space<vmem>>, vector<1x256xi32>,
    %swap3A_61 = arith.constant 0 : index
    %swap3A_62 = arith.constant 0 : index
    %swap3A_63 = vector.load %arg9[%swap3A_61, %swap3A_62] : memref<256x1xf32, #tpu.memory_space<vmem>>, vector<256x1xf32>
    tpu.vector_store %arg9[%swap3A_61, %swap3A_62], %convert_element_type3A_47 {strides = array<i32>} : memref<256x1xf32, #tpu.memory_space<vmem>>, vector<256x1xf32>,
    %swap3A_64 = arith.constant 0 : index
    %swap3A_65 = arith.constant 0 : index
    %swap3A_66 = vector.load %arg10[%swap3A_64, %swap3A_65] : memref<256x256xf32, #tpu.memory_space<vmem>>, vector<256x256xf32>
    tpu.vector_store %arg10[%swap3A_64, %swap3A_65], %sub3A {strides = array<i32>} : memref<256x256xf32, #tpu.memory_space<vmem>>, vector<256x256xf32>,
    %swap3A_67 = arith.constant 0 : index
    %swap3A_68 = arith.constant 0 : index
    %swap3A_69 = vector.load %arg11[%swap3A_67, %swap3A_68] : memref<256x256xf32, #tpu.memory_space<vmem>>, vector<256x256xf32>
    tpu.vector_store %arg11[%swap3A_67, %swap3A_68], %add3A_36 {strides = array<i32>} : memref<256x256xf32, #tpu.memory_space<vmem>>, vector<256x256xf32>,
    return
  }
  func.func @transform_0(%arg0: i32) -> (i32, i32) {
    %c0_i32 = arith.constant 0 : i32
    %c0_i32_0 = arith.constant 0 : i32
    return %arg0, %c0_i32 : i32, i32
  }
  func.func @transform_1(%arg0: i32) -> (i32, i32) {
    %c0_i32 = arith.constant 0 : i32
    %c0_i32_0 = arith.constant 0 : i32
    return %arg0, %c0_i32 : i32, i32
  }
  func.func @transform_2(%arg0: i32) -> (i32, i32) {
    %c0_i32 = arith.constant 0 : i32
    %c0_i32_0 = arith.constant 0 : i32
    return %arg0, %c0_i32 : i32, i32
  }
  func.func @transform_3(%arg0: i32) -> (i32, i32) {
    %c0_i32 = arith.constant 0 : i32
    %c0_i32_0 = arith.constant 0 : i32
    return %arg0, %c0_i32 : i32, i32
  }
  func.func @transform_4(%arg0: i32) -> (i32, i32) {
    %c0_i32 = arith.constant 0 : i32
    %c0_i32_0 = arith.constant 0 : i32
    return %c0_i32, %arg0 : i32, i32
  }
  func.func @transform_5(%arg0: i32) -> (i32, i32) {
    %c0_i32 = arith.constant 0 : i32
    %c0_i32_0 = arith.constant 0 : i32
    %c0_i32_1 = arith.constant 0 : i32
    return %c0_i32, %c0_i32_0 : i32, i32
  }
  func.func @transform_6(%arg0: i32) -> (i32, i32) {
    %c0_i32 = arith.constant 0 : i32
    %c0_i32_0 = arith.constant 0 : i32
    return %c0_i32, %arg0 : i32, i32
  }
  func.func @transform_7(%arg0: i32) -> (i32, i32) {
    %c0_i32 = arith.constant 0 : i32
    %c0_i32_0 = arith.constant 0 : i32
    return %c0_i32, %arg0 : i32, i32
  }
  func.func @transform_8(%arg0: i32) -> (i32, i32) {
    %c0_i32 = arith.constant 0 : i32
    %c0_i32_0 = arith.constant 0 : i32
    return %arg0, %c0_i32 : i32, i32
  }
  func.func @transform_9(%arg0: i32) -> (i32, i32) {
    %c0_i32 = arith.constant 0 : i32
    %c0_i32_0 = arith.constant 0 : i32
    return %arg0, %c0_i32 : i32, i32
  }
  func.func @transform_10(%arg0: i32) -> (i32, i32) {
    %c0_i32 = arith.constant 0 : i32
    %c0_i32_0 = arith.constant 0 : i32
    return %arg0, %c0_i32 : i32, i32
  }
}

module attributes {stable_mosaic.version = 14 : i64} {
  func.func @_tc_step_kernel(%arg0: i32, %arg1: memref<256x256xf32, #tpu.memory_space<vmem>>, %arg2: memref<256x256xf32, #tpu.memory_space<vmem>>, %arg3: memref<256x256xf32, #tpu.memory_space<vmem>>, %arg4: memref<256x1xf32, #tpu.memory_space<vmem>>, %arg5: memref<1x256xi32, #tpu.memory_space<vmem>>, %arg6: memref<8192x256xbf16, #tpu.memory_space<vmem>>, %arg7: memref<1x256xi32, #tpu.memory_space<vmem>>, %arg8: memref<1x256xi32, #tpu.memory_space<vmem>>, %arg9: memref<256x1xf32, #tpu.memory_space<vmem>>, %arg10: memref<256x256xf32, #tpu.memory_space<vmem>>, %arg11: memref<256x256xf32, #tpu.memory_space<vmem>>) attributes {dimension_semantics = [#tpu.dimension_semantics<arbitrary>], iteration_bounds = array<i64: 4>, scalar_prefetch = 0 : i64, scratch_operands = 0 : i64, tpu.core_type = #tpu.core_type<tc>, window_params = [{transform_indices = @transform_0, window_bounds = array<i64: 256, 256>}, {transform_indices = @transform_1, window_bounds = array<i64: 256, 256>}, {transform_indices = @transform_2, window_bounds = array<i64: 256, 256>}, {transform_indices = @transform_3, window_bounds = array<i64: 256, 1>}, {transform_indices = @transform_4, window_bounds = array<i64: 1, 256>}, {pipeline_mode = #tpu.pipeline_mode<synchronous>, transform_indices = @transform_5, window_bounds = array<i64: 8192, 256>}, {transform_indices = @transform_6, window_bounds = array<i64: 1, 256>}, {transform_indices = @transform_7, window_bounds = array<i64: 1, 256>}, {transform_indices = @transform_8, window_bounds = array<i64: 256, 1>}, {transform_indices = @transform_9, window_bounds = array<i64: 256, 256>}, {transform_indices = @transform_10, window_bounds = array<i64: 256, 256>}]} {
    %get3A = arith.constant 0 : index
    %get3A_0 = arith.constant 0 : index
    %get3A_1 = vector.load %arg1[%get3A, %get3A_0] : memref<256x256xf32, #tpu.memory_space<vmem>>, vector<256x256xf32>
    %get3A_2 = arith.constant 0 : index
    %get3A_3 = arith.constant 0 : index
    %get3A_4 = vector.load %arg2[%get3A_2, %get3A_3] : memref<256x256xf32, #tpu.memory_space<vmem>>, vector<256x256xf32>
    %get3A_5 = arith.constant 0 : index
    %get3A_6 = arith.constant 0 : index
    %get3A_7 = vector.load %arg3[%get3A_5, %get3A_6] : memref<256x256xf32, #tpu.memory_space<vmem>>, vector<256x256xf32>
    %mul3A = arith.mulf %get3A_1, %get3A_7 : vector<256x256xf32>
    %reduce_sum3A = arith.constant dense<0.000000e+00> : vector<256xf32>
    %reduce_sum3A_8 = vector.multi_reduction <add>, %mul3A, %reduce_sum3A [1] : vector<256x256xf32> to vector<256xf32>
    %ge3A = arith.constant 0.000000e+00 : f32
    %ge3A_9 = vector.broadcast %ge3A : f32 to vector<256xf32>
    %ge3A_10 = arith.cmpf oge, %reduce_sum3A_8, %ge3A_9 : vector<256xf32>
    %jit3A = arith.constant 1.000000e+00 : f32
    %jit3A_11 = arith.constant -1.000000e+00 : f32
    %broadcast_in_dim3A = vector.broadcast %jit3A : f32 to vector<256xf32>
    %broadcast_in_dim3A_12 = vector.broadcast %jit3A_11 : f32 to vector<256xf32>
    %select_n3A = arith.select %ge3A_10, %broadcast_in_dim3A, %broadcast_in_dim3A_12 : vector<256xi1>, vector<256xf32>
    %get3A_13 = arith.constant 0 : index
    %get3A_14 = arith.constant 0 : index
    %get3A_15 = vector.load %arg5[%get3A_13, %get3A_14] : memref<1x256xi32, #tpu.memory_space<vmem>>, vector<1x256xi32>
    %get3A_16 = vector.shape_cast %get3A_15 : vector<1x256xi32> to vector<256xi32>
    %ge3A_17 = arith.constant 0.000000e+00 : f32
    %ge3A_18 = vector.broadcast %ge3A_17 : f32 to vector<256xf32>
    %ge3A_19 = arith.cmpf oge, %reduce_sum3A_8, %ge3A_18 : vector<256xf32>
    %add3A = arith.constant 1 : i32
    %add3A_20 = vector.broadcast %add3A : i32 to vector<256xi32>
    %add3A_21 = arith.addi %get3A_16, %add3A_20 : vector<256xi32>
    %neg3A = arith.constant 0 : i32
    %neg3A_22 = vector.broadcast %neg3A : i32 to vector<256xi32>
    %neg3A_23 = arith.subi %neg3A_22, %add3A_21 : vector<256xi32>
    %select_n3A_24 = arith.select %ge3A_19, %get3A_16, %neg3A_23 : vector<256xi1>, vector<256xi32>
    %get3A_25 = arith.constant 0 : index
    %get3A_26 = arith.constant 0 : index
    %get3A_27 = vector.load %arg4[%get3A_25, %get3A_26] : memref<256x1xf32, #tpu.memory_space<vmem>>, vector<256x1xf32>
    %get3A_28 = vector.shape_cast %get3A_27 : vector<256x1xf32> to vector<256xf32>
    %mul3A_29 = arith.mulf %get3A_28, %select_n3A : vector<256xf32>
    %mul3A_30 = arith.constant 0.282429546 : f32
    %mul3A_31 = vector.broadcast %mul3A_30 : f32 to vector<256xf32>
    %mul3A_32 = arith.mulf %mul3A_29, %mul3A_31 : vector<256xf32>
    %broadcast_in_dim3A_33 = vector.shape_cast %mul3A_32 : vector<256xf32> to vector<256x1xf32>
    %mul3A_34 = vector.broadcast %broadcast_in_dim3A_33 : vector<256x1xf32> to vector<256x256xf32>
    %mul3A_35 = arith.mulf %mul3A_34, %get3A_7 : vector<256x256xf32>
    %sub3A = arith.subf %get3A_1, %mul3A_35 : vector<256x256xf32>
    %add3A_36 = arith.addf %get3A_4, %mul3A_35 : vector<256x256xf32>
    %swap3A = arith.constant 0 : index
    %swap3A_37 = arith.constant 0 : index
    %swap3A_38 = vector.load %arg8[%swap3A, %swap3A_37] : memref<1x256xi32, #tpu.memory_space<vmem>>, vector<1x256xi32>
    %swap3A_39 = vector.shape_cast %swap3A_38 : vector<1x256xi32> to vector<256xi32>
    %swap3A_40 = vector.shape_cast %select_n3A_24 : vector<256xi32> to vector<1x256xi32>
    tpu.vector_store %arg8[%swap3A, %swap3A_37], %swap3A_40 {strides = array<i32>} : memref<1x256xi32, #tpu.memory_space<vmem>>, vector<1x256xi32>,
    %mul3A_41 = arith.mulf %sub3A, %sub3A : vector<256x256xf32>
    %reduce_sum3A_42 = arith.constant dense<0.000000e+00> : vector<256xf32>
    %reduce_sum3A_43 = vector.multi_reduction <add>, %mul3A_41, %reduce_sum3A_42 [1] : vector<256x256xf32> to vector<256xf32>
    %broadcast_in_dim3A_44 = vector.shape_cast %reduce_sum3A_43 : vector<256xf32> to vector<256x1xf32>
    %sqrt3A = math.sqrt %broadcast_in_dim3A_44 : vector<256x1xf32>
    %gt3A = arith.constant 9.99999974E-5 : f32
    %gt3A_45 = vector.broadcast %gt3A : f32 to vector<256x1xf32>
    %gt3A_46 = arith.cmpf ogt, %sqrt3A, %gt3A_45 : vector<256x1xf32>
    %convert_element_type3A = arith.extui %gt3A_46 : vector<256x1xi1> to vector<256x1xi32>
    %convert_element_type3A_47 = arith.sitofp %convert_element_type3A : vector<256x1xi32> to vector<256x1xf32>
    %max3A = arith.constant 9.99999993E-9 : f32
    %max3A_48 = vector.broadcast %max3A : f32 to vector<256x1xf32>
    %max3A_49 = arith.maximumf %sqrt3A, %max3A_48 : vector<256x1xf32>
    %div3A = vector.broadcast %max3A_49 : vector<256x1xf32> to vector<256x256xf32>
    %div3A_50 = arith.divf %sub3A, %div3A : vector<256x256xf32>
    %convert_element_type3A_51 = arith.truncf %div3A_50 : vector<256x256xf32> to vector<256x256xbf16>
    %get3A_52 = arith.constant 0 : index
    %get3A_53 = arith.constant 0 : index
    %get3A_54 = vector.load %arg6[%get3A_52, %get3A_53] : memref<8192x256xbf16, #tpu.memory_space<vmem>>, vector<8192x256xbf16>
    %dot_general3A = arith.constant dense<0.000000e+00> : vector<256x8192xf32>
    %dot_general3A_55 = tpu.matmul %convert_element_type3A_51, %get3A_54, %dot_general3A {dimension_numbers = #tpu.dot_dimension_numbers<[1], [1], [0], [0], [0, 0, 1, 0], [], []>, transpose_lhs_hint = false} : vector<256x256xbf16>, vector<8192x256xbf16>, vector<256x8192xf32> -> vector<256x8192xf32>
    %abs3A = math.absf %dot_general3A_55 : vector<256x8192xf32>
    %argmax3A = tpu.reduce_index %abs3A {axis = 1 : i32, kind = #tpu.reduction_kind<arg_max>} : vector<256x8192xf32> -> vector<256xi32>
    %swap3A_56 = arith.constant 0 : index
    %swap3A_57 = arith.constant 0 : index
    %swap3A_58 = vector.load %arg7[%swap3A_56, %swap3A_57] : memref<1x256xi32, #tpu.memory_space<vmem>>, vector<1x256xi32>
    %swap3A_59 = vector.shape_cast %swap3A_58 : vector<1x256xi32> to vector<256xi32>
    %swap3A_60 = vector.shape_cast %argmax3A : vector<256xi32> to vector<1x256xi32>
    tpu.vector_store %arg7[%swap3A_56, %swap3A_57], %swap3A_60 {strides = array<i32>} : memref<1x256xi32, #tpu.memory_space<vmem>>, vector<1x256xi32>,
    %swap3A_61 = arith.constant 0 : index
    %swap3A_62 = arith.constant 0 : index
    %swap3A_63 = vector.load %arg9[%swap3A_61, %swap3A_62] : memref<256x1xf32, #tpu.memory_space<vmem>>, vector<256x1xf32>
    tpu.vector_store %arg9[%swap3A_61, %swap3A_62], %convert_element_type3A_47 {strides = array<i32>} : memref<256x1xf32, #tpu.memory_space<vmem>>, vector<256x1xf32>,
    %swap3A_64 = arith.constant 0 : index
    %swap3A_65 = arith.constant 0 : index
    %swap3A_66 = vector.load %arg10[%swap3A_64, %swap3A_65] : memref<256x256xf32, #tpu.memory_space<vmem>>, vector<256x256xf32>
    tpu.vector_store %arg10[%swap3A_64, %swap3A_65], %sub3A {strides = array<i32>} : memref<256x256xf32, #tpu.memory_space<vmem>>, vector<256x256xf32>,
    %swap3A_67 = arith.constant 0 : index
    %swap3A_68 = arith.constant 0 : index
    %swap3A_69 = vector.load %arg11[%swap3A_67, %swap3A_68] : memref<256x256xf32, #tpu.memory_space<vmem>>, vector<256x256xf32>
    tpu.vector_store %arg11[%swap3A_67, %swap3A_68], %add3A_36 {strides = array<i32>} : memref<256x256xf32, #tpu.memory_space<vmem>>, vector<256x256xf32>,
    return
  }
  func.func @transform_0(%arg0: i32) -> (i32, i32) {
    %c0_i32 = arith.constant 0 : i32
    %c0_i32_0 = arith.constant 0 : i32
    return %arg0, %c0_i32 : i32, i32
  }
  func.func @transform_1(%arg0: i32) -> (i32, i32) {
    %c0_i32 = arith.constant 0 : i32
    %c0_i32_0 = arith.constant 0 : i32
    return %arg0, %c0_i32 : i32, i32
  }
  func.func @transform_2(%arg0: i32) -> (i32, i32) {
    %c0_i32 = arith.constant 0 : i32
    %c0_i32_0 = arith.constant 0 : i32
    return %arg0, %c0_i32 : i32, i32
  }
  func.func @transform_3(%arg0: i32) -> (i32, i32) {
    %c0_i32 = arith.constant 0 : i32
    %c0_i32_0 = arith.constant 0 : i32
    return %arg0, %c0_i32 : i32, i32
  }
  func.func @transform_4(%arg0: i32) -> (i32, i32) {
    %c0_i32 = arith.constant 0 : i32
    %c0_i32_0 = arith.constant 0 : i32
    return %c0_i32, %arg0 : i32, i32
  }
  func.func @transform_5(%arg0: i32) -> (i32, i32) {
    %c0_i32 = arith.constant 0 : i32
    %c0_i32_0 = arith.constant 0 : i32
    %c0_i32_1 = arith.constant 0 : i32
    return %c0_i32, %c0_i32_0 : i32, i32
  }
  func.func @transform_6(%arg0: i32) -> (i32, i32) {
    %c0_i32 = arith.constant 0 : i32
    %c0_i32_0 = arith.constant 0 : i32
    return %c0_i32, %arg0 : i32, i32
  }
  func.func @transform_7(%arg0: i32) -> (i32, i32) {
    %c0_i32 = arith.constant 0 : i32
    %c0_i32_0 = arith.constant 0 : i32
    return %c0_i32, %arg0 : i32, i32
  }
  func.func @transform_8(%arg0: i32) -> (i32, i32) {
    %c0_i32 = arith.constant 0 : i32
    %c0_i32_0 = arith.constant 0 : i32
    return %arg0, %c0_i32 : i32, i32
  }
  func.func @transform_9(%arg0: i32) -> (i32, i32) {
    %c0_i32 = arith.constant 0 : i32
    %c0_i32_0 = arith.constant 0 : i32
    return %arg0, %c0_i32 : i32, i32
  }
  func.func @transform_10(%arg0: i32) -> (i32, i32) {
    %c0_i32 = arith.constant 0 : i32
    %c0_i32_0 = arith.constant 0 : i32
    return %arg0, %c0_i32 : i32, i32
  }
}

module attributes {stable_mosaic.version = 14 : i64} {
  func.func @_tc_step_kernel(%arg0: i32, %arg1: memref<256x256xf32, #tpu.memory_space<vmem>>, %arg2: memref<256x256xf32, #tpu.memory_space<vmem>>, %arg3: memref<256x256xf32, #tpu.memory_space<vmem>>, %arg4: memref<256x1xf32, #tpu.memory_space<vmem>>, %arg5: memref<1x256xi32, #tpu.memory_space<vmem>>, %arg6: memref<8192x256xbf16, #tpu.memory_space<vmem>>, %arg7: memref<1x256xi32, #tpu.memory_space<vmem>>, %arg8: memref<1x256xi32, #tpu.memory_space<vmem>>, %arg9: memref<256x1xf32, #tpu.memory_space<vmem>>, %arg10: memref<256x256xf32, #tpu.memory_space<vmem>>, %arg11: memref<256x256xf32, #tpu.memory_space<vmem>>) attributes {dimension_semantics = [#tpu.dimension_semantics<arbitrary>], iteration_bounds = array<i64: 4>, scalar_prefetch = 0 : i64, scratch_operands = 0 : i64, tpu.core_type = #tpu.core_type<tc>, window_params = [{transform_indices = @transform_0, window_bounds = array<i64: 256, 256>}, {transform_indices = @transform_1, window_bounds = array<i64: 256, 256>}, {transform_indices = @transform_2, window_bounds = array<i64: 256, 256>}, {transform_indices = @transform_3, window_bounds = array<i64: 256, 1>}, {transform_indices = @transform_4, window_bounds = array<i64: 1, 256>}, {pipeline_mode = #tpu.pipeline_mode<synchronous>, transform_indices = @transform_5, window_bounds = array<i64: 8192, 256>}, {transform_indices = @transform_6, window_bounds = array<i64: 1, 256>}, {transform_indices = @transform_7, window_bounds = array<i64: 1, 256>}, {transform_indices = @transform_8, window_bounds = array<i64: 256, 1>}, {transform_indices = @transform_9, window_bounds = array<i64: 256, 256>}, {transform_indices = @transform_10, window_bounds = array<i64: 256, 256>}]} {
    %get3A = arith.constant 0 : index
    %get3A_0 = arith.constant 0 : index
    %get3A_1 = vector.load %arg1[%get3A, %get3A_0] : memref<256x256xf32, #tpu.memory_space<vmem>>, vector<256x256xf32>
    %get3A_2 = arith.constant 0 : index
    %get3A_3 = arith.constant 0 : index
    %get3A_4 = vector.load %arg2[%get3A_2, %get3A_3] : memref<256x256xf32, #tpu.memory_space<vmem>>, vector<256x256xf32>
    %get3A_5 = arith.constant 0 : index
    %get3A_6 = arith.constant 0 : index
    %get3A_7 = vector.load %arg3[%get3A_5, %get3A_6] : memref<256x256xf32, #tpu.memory_space<vmem>>, vector<256x256xf32>
    %mul3A = arith.mulf %get3A_1, %get3A_7 : vector<256x256xf32>
    %reduce_sum3A = arith.constant dense<0.000000e+00> : vector<256xf32>
    %reduce_sum3A_8 = vector.multi_reduction <add>, %mul3A, %reduce_sum3A [1] : vector<256x256xf32> to vector<256xf32>
    %ge3A = arith.constant 0.000000e+00 : f32
    %ge3A_9 = vector.broadcast %ge3A : f32 to vector<256xf32>
    %ge3A_10 = arith.cmpf oge, %reduce_sum3A_8, %ge3A_9 : vector<256xf32>
    %jit3A = arith.constant 1.000000e+00 : f32
    %jit3A_11 = arith.constant -1.000000e+00 : f32
    %broadcast_in_dim3A = vector.broadcast %jit3A : f32 to vector<256xf32>
    %broadcast_in_dim3A_12 = vector.broadcast %jit3A_11 : f32 to vector<256xf32>
    %select_n3A = arith.select %ge3A_10, %broadcast_in_dim3A, %broadcast_in_dim3A_12 : vector<256xi1>, vector<256xf32>
    %get3A_13 = arith.constant 0 : index
    %get3A_14 = arith.constant 0 : index
    %get3A_15 = vector.load %arg5[%get3A_13, %get3A_14] : memref<1x256xi32, #tpu.memory_space<vmem>>, vector<1x256xi32>
    %get3A_16 = vector.shape_cast %get3A_15 : vector<1x256xi32> to vector<256xi32>
    %ge3A_17 = arith.constant 0.000000e+00 : f32
    %ge3A_18 = vector.broadcast %ge3A_17 : f32 to vector<256xf32>
    %ge3A_19 = arith.cmpf oge, %reduce_sum3A_8, %ge3A_18 : vector<256xf32>
    %add3A = arith.constant 1 : i32
    %add3A_20 = vector.broadcast %add3A : i32 to vector<256xi32>
    %add3A_21 = arith.addi %get3A_16, %add3A_20 : vector<256xi32>
    %neg3A = arith.constant 0 : i32
    %neg3A_22 = vector.broadcast %neg3A : i32 to vector<256xi32>
    %neg3A_23 = arith.subi %neg3A_22, %add3A_21 : vector<256xi32>
    %select_n3A_24 = arith.select %ge3A_19, %get3A_16, %neg3A_23 : vector<256xi1>, vector<256xi32>
    %get3A_25 = arith.constant 0 : index
    %get3A_26 = arith.constant 0 : index
    %get3A_27 = vector.load %arg4[%get3A_25, %get3A_26] : memref<256x1xf32, #tpu.memory_space<vmem>>, vector<256x1xf32>
    %get3A_28 = vector.shape_cast %get3A_27 : vector<256x1xf32> to vector<256xf32>
    %mul3A_29 = arith.mulf %get3A_28, %select_n3A : vector<256xf32>
    %mul3A_30 = arith.constant 0.254186571 : f32
    %mul3A_31 = vector.broadcast %mul3A_30 : f32 to vector<256xf32>
    %mul3A_32 = arith.mulf %mul3A_29, %mul3A_31 : vector<256xf32>
    %broadcast_in_dim3A_33 = vector.shape_cast %mul3A_32 : vector<256xf32> to vector<256x1xf32>
    %mul3A_34 = vector.broadcast %broadcast_in_dim3A_33 : vector<256x1xf32> to vector<256x256xf32>
    %mul3A_35 = arith.mulf %mul3A_34, %get3A_7 : vector<256x256xf32>
    %sub3A = arith.subf %get3A_1, %mul3A_35 : vector<256x256xf32>
    %add3A_36 = arith.addf %get3A_4, %mul3A_35 : vector<256x256xf32>
    %swap3A = arith.constant 0 : index
    %swap3A_37 = arith.constant 0 : index
    %swap3A_38 = vector.load %arg8[%swap3A, %swap3A_37] : memref<1x256xi32, #tpu.memory_space<vmem>>, vector<1x256xi32>
    %swap3A_39 = vector.shape_cast %swap3A_38 : vector<1x256xi32> to vector<256xi32>
    %swap3A_40 = vector.shape_cast %select_n3A_24 : vector<256xi32> to vector<1x256xi32>
    tpu.vector_store %arg8[%swap3A, %swap3A_37], %swap3A_40 {strides = array<i32>} : memref<1x256xi32, #tpu.memory_space<vmem>>, vector<1x256xi32>,
    %mul3A_41 = arith.mulf %sub3A, %sub3A : vector<256x256xf32>
    %reduce_sum3A_42 = arith.constant dense<0.000000e+00> : vector<256xf32>
    %reduce_sum3A_43 = vector.multi_reduction <add>, %mul3A_41, %reduce_sum3A_42 [1] : vector<256x256xf32> to vector<256xf32>
    %broadcast_in_dim3A_44 = vector.shape_cast %reduce_sum3A_43 : vector<256xf32> to vector<256x1xf32>
    %sqrt3A = math.sqrt %broadcast_in_dim3A_44 : vector<256x1xf32>
    %gt3A = arith.constant 9.99999974E-5 : f32
    %gt3A_45 = vector.broadcast %gt3A : f32 to vector<256x1xf32>
    %gt3A_46 = arith.cmpf ogt, %sqrt3A, %gt3A_45 : vector<256x1xf32>
    %convert_element_type3A = arith.extui %gt3A_46 : vector<256x1xi1> to vector<256x1xi32>
    %convert_element_type3A_47 = arith.sitofp %convert_element_type3A : vector<256x1xi32> to vector<256x1xf32>
    %max3A = arith.constant 9.99999993E-9 : f32
    %max3A_48 = vector.broadcast %max3A : f32 to vector<256x1xf32>
    %max3A_49 = arith.maximumf %sqrt3A, %max3A_48 : vector<256x1xf32>
    %div3A = vector.broadcast %max3A_49 : vector<256x1xf32> to vector<256x256xf32>
    %div3A_50 = arith.divf %sub3A, %div3A : vector<256x256xf32>
    %convert_element_type3A_51 = arith.truncf %div3A_50 : vector<256x256xf32> to vector<256x256xbf16>
    %get3A_52 = arith.constant 0 : index
    %get3A_53 = arith.constant 0 : index
    %get3A_54 = vector.load %arg6[%get3A_52, %get3A_53] : memref<8192x256xbf16, #tpu.memory_space<vmem>>, vector<8192x256xbf16>
    %dot_general3A = arith.constant dense<0.000000e+00> : vector<256x8192xf32>
    %dot_general3A_55 = tpu.matmul %convert_element_type3A_51, %get3A_54, %dot_general3A {dimension_numbers = #tpu.dot_dimension_numbers<[1], [1], [0], [0], [0, 0, 1, 0], [], []>, transpose_lhs_hint = false} : vector<256x256xbf16>, vector<8192x256xbf16>, vector<256x8192xf32> -> vector<256x8192xf32>
    %abs3A = math.absf %dot_general3A_55 : vector<256x8192xf32>
    %argmax3A = tpu.reduce_index %abs3A {axis = 1 : i32, kind = #tpu.reduction_kind<arg_max>} : vector<256x8192xf32> -> vector<256xi32>
    %swap3A_56 = arith.constant 0 : index
    %swap3A_57 = arith.constant 0 : index
    %swap3A_58 = vector.load %arg7[%swap3A_56, %swap3A_57] : memref<1x256xi32, #tpu.memory_space<vmem>>, vector<1x256xi32>
    %swap3A_59 = vector.shape_cast %swap3A_58 : vector<1x256xi32> to vector<256xi32>
    %swap3A_60 = vector.shape_cast %argmax3A : vector<256xi32> to vector<1x256xi32>
    tpu.vector_store %arg7[%swap3A_56, %swap3A_57], %swap3A_60 {strides = array<i32>} : memref<1x256xi32, #tpu.memory_space<vmem>>, vector<1x256xi32>,
    %swap3A_61 = arith.constant 0 : index
    %swap3A_62 = arith.constant 0 : index
    %swap3A_63 = vector.load %arg9[%swap3A_61, %swap3A_62] : memref<256x1xf32, #tpu.memory_space<vmem>>, vector<256x1xf32>
    tpu.vector_store %arg9[%swap3A_61, %swap3A_62], %convert_element_type3A_47 {strides = array<i32>} : memref<256x1xf32, #tpu.memory_space<vmem>>, vector<256x1xf32>,
    %swap3A_64 = arith.constant 0 : index
    %swap3A_65 = arith.constant 0 : index
    %swap3A_66 = vector.load %arg10[%swap3A_64, %swap3A_65] : memref<256x256xf32, #tpu.memory_space<vmem>>, vector<256x256xf32>
    tpu.vector_store %arg10[%swap3A_64, %swap3A_65], %sub3A {strides = array<i32>} : memref<256x256xf32, #tpu.memory_space<vmem>>, vector<256x256xf32>,
    %swap3A_67 = arith.constant 0 : index
    %swap3A_68 = arith.constant 0 : index
    %swap3A_69 = vector.load %arg11[%swap3A_67, %swap3A_68] : memref<256x256xf32, #tpu.memory_space<vmem>>, vector<256x256xf32>
    tpu.vector_store %arg11[%swap3A_67, %swap3A_68], %add3A_36 {strides = array<i32>} : memref<256x256xf32, #tpu.memory_space<vmem>>, vector<256x256xf32>,
    return
  }
  func.func @transform_0(%arg0: i32) -> (i32, i32) {
    %c0_i32 = arith.constant 0 : i32
    %c0_i32_0 = arith.constant 0 : i32
    return %arg0, %c0_i32 : i32, i32
  }
  func.func @transform_1(%arg0: i32) -> (i32, i32) {
    %c0_i32 = arith.constant 0 : i32
    %c0_i32_0 = arith.constant 0 : i32
    return %arg0, %c0_i32 : i32, i32
  }
  func.func @transform_2(%arg0: i32) -> (i32, i32) {
    %c0_i32 = arith.constant 0 : i32
    %c0_i32_0 = arith.constant 0 : i32
    return %arg0, %c0_i32 : i32, i32
  }
  func.func @transform_3(%arg0: i32) -> (i32, i32) {
    %c0_i32 = arith.constant 0 : i32
    %c0_i32_0 = arith.constant 0 : i32
    return %arg0, %c0_i32 : i32, i32
  }
  func.func @transform_4(%arg0: i32) -> (i32, i32) {
    %c0_i32 = arith.constant 0 : i32
    %c0_i32_0 = arith.constant 0 : i32
    return %c0_i32, %arg0 : i32, i32
  }
  func.func @transform_5(%arg0: i32) -> (i32, i32) {
    %c0_i32 = arith.constant 0 : i32
    %c0_i32_0 = arith.constant 0 : i32
    %c0_i32_1 = arith.constant 0 : i32
    return %c0_i32, %c0_i32_0 : i32, i32
  }
  func.func @transform_6(%arg0: i32) -> (i32, i32) {
    %c0_i32 = arith.constant 0 : i32
    %c0_i32_0 = arith.constant 0 : i32
    return %c0_i32, %arg0 : i32, i32
  }
  func.func @transform_7(%arg0: i32) -> (i32, i32) {
    %c0_i32 = arith.constant 0 : i32
    %c0_i32_0 = arith.constant 0 : i32
    return %c0_i32, %arg0 : i32, i32
  }
  func.func @transform_8(%arg0: i32) -> (i32, i32) {
    %c0_i32 = arith.constant 0 : i32
    %c0_i32_0 = arith.constant 0 : i32
    return %arg0, %c0_i32 : i32, i32
  }
  func.func @transform_9(%arg0: i32) -> (i32, i32) {
    %c0_i32 = arith.constant 0 : i32
    %c0_i32_0 = arith.constant 0 : i32
    return %arg0, %c0_i32 : i32, i32
  }
  func.func @transform_10(%arg0: i32) -> (i32, i32) {
    %c0_i32 = arith.constant 0 : i32
    %c0_i32_0 = arith.constant 0 : i32
    return %arg0, %c0_i32 : i32, i32
  }
}

module attributes {stable_mosaic.version = 14 : i64} {
  func.func @_tc_step_kernel(%arg0: i32, %arg1: memref<256x256xf32, #tpu.memory_space<vmem>>, %arg2: memref<256x256xf32, #tpu.memory_space<vmem>>, %arg3: memref<256x256xf32, #tpu.memory_space<vmem>>, %arg4: memref<256x1xf32, #tpu.memory_space<vmem>>, %arg5: memref<1x256xi32, #tpu.memory_space<vmem>>, %arg6: memref<8192x256xbf16, #tpu.memory_space<vmem>>, %arg7: memref<1x256xi32, #tpu.memory_space<vmem>>, %arg8: memref<1x256xi32, #tpu.memory_space<vmem>>, %arg9: memref<256x1xf32, #tpu.memory_space<vmem>>, %arg10: memref<256x256xf32, #tpu.memory_space<vmem>>, %arg11: memref<256x256xf32, #tpu.memory_space<vmem>>) attributes {dimension_semantics = [#tpu.dimension_semantics<arbitrary>], iteration_bounds = array<i64: 4>, scalar_prefetch = 0 : i64, scratch_operands = 0 : i64, tpu.core_type = #tpu.core_type<tc>, window_params = [{transform_indices = @transform_0, window_bounds = array<i64: 256, 256>}, {transform_indices = @transform_1, window_bounds = array<i64: 256, 256>}, {transform_indices = @transform_2, window_bounds = array<i64: 256, 256>}, {transform_indices = @transform_3, window_bounds = array<i64: 256, 1>}, {transform_indices = @transform_4, window_bounds = array<i64: 1, 256>}, {pipeline_mode = #tpu.pipeline_mode<synchronous>, transform_indices = @transform_5, window_bounds = array<i64: 8192, 256>}, {transform_indices = @transform_6, window_bounds = array<i64: 1, 256>}, {transform_indices = @transform_7, window_bounds = array<i64: 1, 256>}, {transform_indices = @transform_8, window_bounds = array<i64: 256, 1>}, {transform_indices = @transform_9, window_bounds = array<i64: 256, 256>}, {transform_indices = @transform_10, window_bounds = array<i64: 256, 256>}]} {
    %get3A = arith.constant 0 : index
    %get3A_0 = arith.constant 0 : index
    %get3A_1 = vector.load %arg1[%get3A, %get3A_0] : memref<256x256xf32, #tpu.memory_space<vmem>>, vector<256x256xf32>
    %get3A_2 = arith.constant 0 : index
    %get3A_3 = arith.constant 0 : index
    %get3A_4 = vector.load %arg2[%get3A_2, %get3A_3] : memref<256x256xf32, #tpu.memory_space<vmem>>, vector<256x256xf32>
    %get3A_5 = arith.constant 0 : index
    %get3A_6 = arith.constant 0 : index
    %get3A_7 = vector.load %arg3[%get3A_5, %get3A_6] : memref<256x256xf32, #tpu.memory_space<vmem>>, vector<256x256xf32>
    %mul3A = arith.mulf %get3A_1, %get3A_7 : vector<256x256xf32>
    %reduce_sum3A = arith.constant dense<0.000000e+00> : vector<256xf32>
    %reduce_sum3A_8 = vector.multi_reduction <add>, %mul3A, %reduce_sum3A [1] : vector<256x256xf32> to vector<256xf32>
    %ge3A = arith.constant 0.000000e+00 : f32
    %ge3A_9 = vector.broadcast %ge3A : f32 to vector<256xf32>
    %ge3A_10 = arith.cmpf oge, %reduce_sum3A_8, %ge3A_9 : vector<256xf32>
    %jit3A = arith.constant 1.000000e+00 : f32
    %jit3A_11 = arith.constant -1.000000e+00 : f32
    %broadcast_in_dim3A = vector.broadcast %jit3A : f32 to vector<256xf32>
    %broadcast_in_dim3A_12 = vector.broadcast %jit3A_11 : f32 to vector<256xf32>
    %select_n3A = arith.select %ge3A_10, %broadcast_in_dim3A, %broadcast_in_dim3A_12 : vector<256xi1>, vector<256xf32>
    %get3A_13 = arith.constant 0 : index
    %get3A_14 = arith.constant 0 : index
    %get3A_15 = vector.load %arg5[%get3A_13, %get3A_14] : memref<1x256xi32, #tpu.memory_space<vmem>>, vector<1x256xi32>
    %get3A_16 = vector.shape_cast %get3A_15 : vector<1x256xi32> to vector<256xi32>
    %ge3A_17 = arith.constant 0.000000e+00 : f32
    %ge3A_18 = vector.broadcast %ge3A_17 : f32 to vector<256xf32>
    %ge3A_19 = arith.cmpf oge, %reduce_sum3A_8, %ge3A_18 : vector<256xf32>
    %add3A = arith.constant 1 : i32
    %add3A_20 = vector.broadcast %add3A : i32 to vector<256xi32>
    %add3A_21 = arith.addi %get3A_16, %add3A_20 : vector<256xi32>
    %neg3A = arith.constant 0 : i32
    %neg3A_22 = vector.broadcast %neg3A : i32 to vector<256xi32>
    %neg3A_23 = arith.subi %neg3A_22, %add3A_21 : vector<256xi32>
    %select_n3A_24 = arith.select %ge3A_19, %get3A_16, %neg3A_23 : vector<256xi1>, vector<256xi32>
    %get3A_25 = arith.constant 0 : index
    %get3A_26 = arith.constant 0 : index
    %get3A_27 = vector.load %arg4[%get3A_25, %get3A_26] : memref<256x1xf32, #tpu.memory_space<vmem>>, vector<256x1xf32>
    %get3A_28 = vector.shape_cast %get3A_27 : vector<256x1xf32> to vector<256xf32>
    %mul3A_29 = arith.mulf %get3A_28, %select_n3A : vector<256xf32>
    %mul3A_30 = arith.constant 0.228767931 : f32
    %mul3A_31 = vector.broadcast %mul3A_30 : f32 to vector<256xf32>
    %mul3A_32 = arith.mulf %mul3A_29, %mul3A_31 : vector<256xf32>
    %broadcast_in_dim3A_33 = vector.shape_cast %mul3A_32 : vector<256xf32> to vector<256x1xf32>
    %mul3A_34 = vector.broadcast %broadcast_in_dim3A_33 : vector<256x1xf32> to vector<256x256xf32>
    %mul3A_35 = arith.mulf %mul3A_34, %get3A_7 : vector<256x256xf32>
    %sub3A = arith.subf %get3A_1, %mul3A_35 : vector<256x256xf32>
    %add3A_36 = arith.addf %get3A_4, %mul3A_35 : vector<256x256xf32>
    %swap3A = arith.constant 0 : index
    %swap3A_37 = arith.constant 0 : index
    %swap3A_38 = vector.load %arg8[%swap3A, %swap3A_37] : memref<1x256xi32, #tpu.memory_space<vmem>>, vector<1x256xi32>
    %swap3A_39 = vector.shape_cast %swap3A_38 : vector<1x256xi32> to vector<256xi32>
    %swap3A_40 = vector.shape_cast %select_n3A_24 : vector<256xi32> to vector<1x256xi32>
    tpu.vector_store %arg8[%swap3A, %swap3A_37], %swap3A_40 {strides = array<i32>} : memref<1x256xi32, #tpu.memory_space<vmem>>, vector<1x256xi32>,
    %mul3A_41 = arith.mulf %sub3A, %sub3A : vector<256x256xf32>
    %reduce_sum3A_42 = arith.constant dense<0.000000e+00> : vector<256xf32>
    %reduce_sum3A_43 = vector.multi_reduction <add>, %mul3A_41, %reduce_sum3A_42 [1] : vector<256x256xf32> to vector<256xf32>
    %broadcast_in_dim3A_44 = vector.shape_cast %reduce_sum3A_43 : vector<256xf32> to vector<256x1xf32>
    %sqrt3A = math.sqrt %broadcast_in_dim3A_44 : vector<256x1xf32>
    %gt3A = arith.constant 9.99999974E-5 : f32
    %gt3A_45 = vector.broadcast %gt3A : f32 to vector<256x1xf32>
    %gt3A_46 = arith.cmpf ogt, %sqrt3A, %gt3A_45 : vector<256x1xf32>
    %convert_element_type3A = arith.extui %gt3A_46 : vector<256x1xi1> to vector<256x1xi32>
    %convert_element_type3A_47 = arith.sitofp %convert_element_type3A : vector<256x1xi32> to vector<256x1xf32>
    %max3A = arith.constant 9.99999993E-9 : f32
    %max3A_48 = vector.broadcast %max3A : f32 to vector<256x1xf32>
    %max3A_49 = arith.maximumf %sqrt3A, %max3A_48 : vector<256x1xf32>
    %div3A = vector.broadcast %max3A_49 : vector<256x1xf32> to vector<256x256xf32>
    %div3A_50 = arith.divf %sub3A, %div3A : vector<256x256xf32>
    %convert_element_type3A_51 = arith.truncf %div3A_50 : vector<256x256xf32> to vector<256x256xbf16>
    %get3A_52 = arith.constant 0 : index
    %get3A_53 = arith.constant 0 : index
    %get3A_54 = vector.load %arg6[%get3A_52, %get3A_53] : memref<8192x256xbf16, #tpu.memory_space<vmem>>, vector<8192x256xbf16>
    %dot_general3A = arith.constant dense<0.000000e+00> : vector<256x8192xf32>
    %dot_general3A_55 = tpu.matmul %convert_element_type3A_51, %get3A_54, %dot_general3A {dimension_numbers = #tpu.dot_dimension_numbers<[1], [1], [0], [0], [0, 0, 1, 0], [], []>, transpose_lhs_hint = false} : vector<256x256xbf16>, vector<8192x256xbf16>, vector<256x8192xf32> -> vector<256x8192xf32>
    %abs3A = math.absf %dot_general3A_55 : vector<256x8192xf32>
    %argmax3A = tpu.reduce_index %abs3A {axis = 1 : i32, kind = #tpu.reduction_kind<arg_max>} : vector<256x8192xf32> -> vector<256xi32>
    %swap3A_56 = arith.constant 0 : index
    %swap3A_57 = arith.constant 0 : index
    %swap3A_58 = vector.load %arg7[%swap3A_56, %swap3A_57] : memref<1x256xi32, #tpu.memory_space<vmem>>, vector<1x256xi32>
    %swap3A_59 = vector.shape_cast %swap3A_58 : vector<1x256xi32> to vector<256xi32>
    %swap3A_60 = vector.shape_cast %argmax3A : vector<256xi32> to vector<1x256xi32>
    tpu.vector_store %arg7[%swap3A_56, %swap3A_57], %swap3A_60 {strides = array<i32>} : memref<1x256xi32, #tpu.memory_space<vmem>>, vector<1x256xi32>,
    %swap3A_61 = arith.constant 0 : index
    %swap3A_62 = arith.constant 0 : index
    %swap3A_63 = vector.load %arg9[%swap3A_61, %swap3A_62] : memref<256x1xf32, #tpu.memory_space<vmem>>, vector<256x1xf32>
    tpu.vector_store %arg9[%swap3A_61, %swap3A_62], %convert_element_type3A_47 {strides = array<i32>} : memref<256x1xf32, #tpu.memory_space<vmem>>, vector<256x1xf32>,
    %swap3A_64 = arith.constant 0 : index
    %swap3A_65 = arith.constant 0 : index
    %swap3A_66 = vector.load %arg10[%swap3A_64, %swap3A_65] : memref<256x256xf32, #tpu.memory_space<vmem>>, vector<256x256xf32>
    tpu.vector_store %arg10[%swap3A_64, %swap3A_65], %sub3A {strides = array<i32>} : memref<256x256xf32, #tpu.memory_space<vmem>>, vector<256x256xf32>,
    %swap3A_67 = arith.constant 0 : index
    %swap3A_68 = arith.constant 0 : index
    %swap3A_69 = vector.load %arg11[%swap3A_67, %swap3A_68] : memref<256x256xf32, #tpu.memory_space<vmem>>, vector<256x256xf32>
    tpu.vector_store %arg11[%swap3A_67, %swap3A_68], %add3A_36 {strides = array<i32>} : memref<256x256xf32, #tpu.memory_space<vmem>>, vector<256x256xf32>,
    return
  }
  func.func @transform_0(%arg0: i32) -> (i32, i32) {
    %c0_i32 = arith.constant 0 : i32
    %c0_i32_0 = arith.constant 0 : i32
    return %arg0, %c0_i32 : i32, i32
  }
  func.func @transform_1(%arg0: i32) -> (i32, i32) {
    %c0_i32 = arith.constant 0 : i32
    %c0_i32_0 = arith.constant 0 : i32
    return %arg0, %c0_i32 : i32, i32
  }
  func.func @transform_2(%arg0: i32) -> (i32, i32) {
    %c0_i32 = arith.constant 0 : i32
    %c0_i32_0 = arith.constant 0 : i32
    return %arg0, %c0_i32 : i32, i32
  }
  func.func @transform_3(%arg0: i32) -> (i32, i32) {
    %c0_i32 = arith.constant 0 : i32
    %c0_i32_0 = arith.constant 0 : i32
    return %arg0, %c0_i32 : i32, i32
  }
  func.func @transform_4(%arg0: i32) -> (i32, i32) {
    %c0_i32 = arith.constant 0 : i32
    %c0_i32_0 = arith.constant 0 : i32
    return %c0_i32, %arg0 : i32, i32
  }
  func.func @transform_5(%arg0: i32) -> (i32, i32) {
    %c0_i32 = arith.constant 0 : i32
    %c0_i32_0 = arith.constant 0 : i32
    %c0_i32_1 = arith.constant 0 : i32
    return %c0_i32, %c0_i32_0 : i32, i32
  }
  func.func @transform_6(%arg0: i32) -> (i32, i32) {
    %c0_i32 = arith.constant 0 : i32
    %c0_i32_0 = arith.constant 0 : i32
    return %c0_i32, %arg0 : i32, i32
  }
  func.func @transform_7(%arg0: i32) -> (i32, i32) {
    %c0_i32 = arith.constant 0 : i32
    %c0_i32_0 = arith.constant 0 : i32
    return %c0_i32, %arg0 : i32, i32
  }
  func.func @transform_8(%arg0: i32) -> (i32, i32) {
    %c0_i32 = arith.constant 0 : i32
    %c0_i32_0 = arith.constant 0 : i32
    return %arg0, %c0_i32 : i32, i32
  }
  func.func @transform_9(%arg0: i32) -> (i32, i32) {
    %c0_i32 = arith.constant 0 : i32
    %c0_i32_0 = arith.constant 0 : i32
    return %arg0, %c0_i32 : i32, i32
  }
  func.func @transform_10(%arg0: i32) -> (i32, i32) {
    %c0_i32 = arith.constant 0 : i32
    %c0_i32_0 = arith.constant 0 : i32
    return %arg0, %c0_i32 : i32, i32
  }
}

module attributes {stable_mosaic.version = 14 : i64} {
  func.func @_tc_step_kernel(%arg0: i32, %arg1: memref<256x256xf32, #tpu.memory_space<vmem>>, %arg2: memref<256x256xf32, #tpu.memory_space<vmem>>, %arg3: memref<256x256xf32, #tpu.memory_space<vmem>>, %arg4: memref<256x1xf32, #tpu.memory_space<vmem>>, %arg5: memref<1x256xi32, #tpu.memory_space<vmem>>, %arg6: memref<8192x256xbf16, #tpu.memory_space<vmem>>, %arg7: memref<1x256xi32, #tpu.memory_space<vmem>>, %arg8: memref<1x256xi32, #tpu.memory_space<vmem>>, %arg9: memref<256x1xf32, #tpu.memory_space<vmem>>, %arg10: memref<256x256xf32, #tpu.memory_space<vmem>>, %arg11: memref<256x256xf32, #tpu.memory_space<vmem>>) attributes {dimension_semantics = [#tpu.dimension_semantics<arbitrary>], iteration_bounds = array<i64: 4>, scalar_prefetch = 0 : i64, scratch_operands = 0 : i64, tpu.core_type = #tpu.core_type<tc>, window_params = [{transform_indices = @transform_0, window_bounds = array<i64: 256, 256>}, {transform_indices = @transform_1, window_bounds = array<i64: 256, 256>}, {transform_indices = @transform_2, window_bounds = array<i64: 256, 256>}, {transform_indices = @transform_3, window_bounds = array<i64: 256, 1>}, {transform_indices = @transform_4, window_bounds = array<i64: 1, 256>}, {pipeline_mode = #tpu.pipeline_mode<synchronous>, transform_indices = @transform_5, window_bounds = array<i64: 8192, 256>}, {transform_indices = @transform_6, window_bounds = array<i64: 1, 256>}, {transform_indices = @transform_7, window_bounds = array<i64: 1, 256>}, {transform_indices = @transform_8, window_bounds = array<i64: 256, 1>}, {transform_indices = @transform_9, window_bounds = array<i64: 256, 256>}, {transform_indices = @transform_10, window_bounds = array<i64: 256, 256>}]} {
    %get3A = arith.constant 0 : index
    %get3A_0 = arith.constant 0 : index
    %get3A_1 = vector.load %arg1[%get3A, %get3A_0] : memref<256x256xf32, #tpu.memory_space<vmem>>, vector<256x256xf32>
    %get3A_2 = arith.constant 0 : index
    %get3A_3 = arith.constant 0 : index
    %get3A_4 = vector.load %arg2[%get3A_2, %get3A_3] : memref<256x256xf32, #tpu.memory_space<vmem>>, vector<256x256xf32>
    %get3A_5 = arith.constant 0 : index
    %get3A_6 = arith.constant 0 : index
    %get3A_7 = vector.load %arg3[%get3A_5, %get3A_6] : memref<256x256xf32, #tpu.memory_space<vmem>>, vector<256x256xf32>
    %mul3A = arith.mulf %get3A_1, %get3A_7 : vector<256x256xf32>
    %reduce_sum3A = arith.constant dense<0.000000e+00> : vector<256xf32>
    %reduce_sum3A_8 = vector.multi_reduction <add>, %mul3A, %reduce_sum3A [1] : vector<256x256xf32> to vector<256xf32>
    %ge3A = arith.constant 0.000000e+00 : f32
    %ge3A_9 = vector.broadcast %ge3A : f32 to vector<256xf32>
    %ge3A_10 = arith.cmpf oge, %reduce_sum3A_8, %ge3A_9 : vector<256xf32>
    %jit3A = arith.constant 1.000000e+00 : f32
    %jit3A_11 = arith.constant -1.000000e+00 : f32
    %broadcast_in_dim3A = vector.broadcast %jit3A : f32 to vector<256xf32>
    %broadcast_in_dim3A_12 = vector.broadcast %jit3A_11 : f32 to vector<256xf32>
    %select_n3A = arith.select %ge3A_10, %broadcast_in_dim3A, %broadcast_in_dim3A_12 : vector<256xi1>, vector<256xf32>
    %get3A_13 = arith.constant 0 : index
    %get3A_14 = arith.constant 0 : index
    %get3A_15 = vector.load %arg5[%get3A_13, %get3A_14] : memref<1x256xi32, #tpu.memory_space<vmem>>, vector<1x256xi32>
    %get3A_16 = vector.shape_cast %get3A_15 : vector<1x256xi32> to vector<256xi32>
    %ge3A_17 = arith.constant 0.000000e+00 : f32
    %ge3A_18 = vector.broadcast %ge3A_17 : f32 to vector<256xf32>
    %ge3A_19 = arith.cmpf oge, %reduce_sum3A_8, %ge3A_18 : vector<256xf32>
    %add3A = arith.constant 1 : i32
    %add3A_20 = vector.broadcast %add3A : i32 to vector<256xi32>
    %add3A_21 = arith.addi %get3A_16, %add3A_20 : vector<256xi32>
    %neg3A = arith.constant 0 : i32
    %neg3A_22 = vector.broadcast %neg3A : i32 to vector<256xi32>
    %neg3A_23 = arith.subi %neg3A_22, %add3A_21 : vector<256xi32>
    %select_n3A_24 = arith.select %ge3A_19, %get3A_16, %neg3A_23 : vector<256xi1>, vector<256xi32>
    %get3A_25 = arith.constant 0 : index
    %get3A_26 = arith.constant 0 : index
    %get3A_27 = vector.load %arg4[%get3A_25, %get3A_26] : memref<256x1xf32, #tpu.memory_space<vmem>>, vector<256x1xf32>
    %get3A_28 = vector.shape_cast %get3A_27 : vector<256x1xf32> to vector<256xf32>
    %mul3A_29 = arith.mulf %get3A_28, %select_n3A : vector<256xf32>
    %mul3A_30 = arith.constant 0.205891132 : f32
    %mul3A_31 = vector.broadcast %mul3A_30 : f32 to vector<256xf32>
    %mul3A_32 = arith.mulf %mul3A_29, %mul3A_31 : vector<256xf32>
    %broadcast_in_dim3A_33 = vector.shape_cast %mul3A_32 : vector<256xf32> to vector<256x1xf32>
    %mul3A_34 = vector.broadcast %broadcast_in_dim3A_33 : vector<256x1xf32> to vector<256x256xf32>
    %mul3A_35 = arith.mulf %mul3A_34, %get3A_7 : vector<256x256xf32>
    %sub3A = arith.subf %get3A_1, %mul3A_35 : vector<256x256xf32>
    %add3A_36 = arith.addf %get3A_4, %mul3A_35 : vector<256x256xf32>
    %swap3A = arith.constant 0 : index
    %swap3A_37 = arith.constant 0 : index
    %swap3A_38 = vector.load %arg8[%swap3A, %swap3A_37] : memref<1x256xi32, #tpu.memory_space<vmem>>, vector<1x256xi32>
    %swap3A_39 = vector.shape_cast %swap3A_38 : vector<1x256xi32> to vector<256xi32>
    %swap3A_40 = vector.shape_cast %select_n3A_24 : vector<256xi32> to vector<1x256xi32>
    tpu.vector_store %arg8[%swap3A, %swap3A_37], %swap3A_40 {strides = array<i32>} : memref<1x256xi32, #tpu.memory_space<vmem>>, vector<1x256xi32>,
    %mul3A_41 = arith.mulf %sub3A, %sub3A : vector<256x256xf32>
    %reduce_sum3A_42 = arith.constant dense<0.000000e+00> : vector<256xf32>
    %reduce_sum3A_43 = vector.multi_reduction <add>, %mul3A_41, %reduce_sum3A_42 [1] : vector<256x256xf32> to vector<256xf32>
    %broadcast_in_dim3A_44 = vector.shape_cast %reduce_sum3A_43 : vector<256xf32> to vector<256x1xf32>
    %sqrt3A = math.sqrt %broadcast_in_dim3A_44 : vector<256x1xf32>
    %gt3A = arith.constant 9.99999974E-5 : f32
    %gt3A_45 = vector.broadcast %gt3A : f32 to vector<256x1xf32>
    %gt3A_46 = arith.cmpf ogt, %sqrt3A, %gt3A_45 : vector<256x1xf32>
    %convert_element_type3A = arith.extui %gt3A_46 : vector<256x1xi1> to vector<256x1xi32>
    %convert_element_type3A_47 = arith.sitofp %convert_element_type3A : vector<256x1xi32> to vector<256x1xf32>
    %max3A = arith.constant 9.99999993E-9 : f32
    %max3A_48 = vector.broadcast %max3A : f32 to vector<256x1xf32>
    %max3A_49 = arith.maximumf %sqrt3A, %max3A_48 : vector<256x1xf32>
    %div3A = vector.broadcast %max3A_49 : vector<256x1xf32> to vector<256x256xf32>
    %div3A_50 = arith.divf %sub3A, %div3A : vector<256x256xf32>
    %convert_element_type3A_51 = arith.truncf %div3A_50 : vector<256x256xf32> to vector<256x256xbf16>
    %get3A_52 = arith.constant 0 : index
    %get3A_53 = arith.constant 0 : index
    %get3A_54 = vector.load %arg6[%get3A_52, %get3A_53] : memref<8192x256xbf16, #tpu.memory_space<vmem>>, vector<8192x256xbf16>
    %dot_general3A = arith.constant dense<0.000000e+00> : vector<256x8192xf32>
    %dot_general3A_55 = tpu.matmul %convert_element_type3A_51, %get3A_54, %dot_general3A {dimension_numbers = #tpu.dot_dimension_numbers<[1], [1], [0], [0], [0, 0, 1, 0], [], []>, transpose_lhs_hint = false} : vector<256x256xbf16>, vector<8192x256xbf16>, vector<256x8192xf32> -> vector<256x8192xf32>
    %abs3A = math.absf %dot_general3A_55 : vector<256x8192xf32>
    %argmax3A = tpu.reduce_index %abs3A {axis = 1 : i32, kind = #tpu.reduction_kind<arg_max>} : vector<256x8192xf32> -> vector<256xi32>
    %swap3A_56 = arith.constant 0 : index
    %swap3A_57 = arith.constant 0 : index
    %swap3A_58 = vector.load %arg7[%swap3A_56, %swap3A_57] : memref<1x256xi32, #tpu.memory_space<vmem>>, vector<1x256xi32>
    %swap3A_59 = vector.shape_cast %swap3A_58 : vector<1x256xi32> to vector<256xi32>
    %swap3A_60 = vector.shape_cast %argmax3A : vector<256xi32> to vector<1x256xi32>
    tpu.vector_store %arg7[%swap3A_56, %swap3A_57], %swap3A_60 {strides = array<i32>} : memref<1x256xi32, #tpu.memory_space<vmem>>, vector<1x256xi32>,
    %swap3A_61 = arith.constant 0 : index
    %swap3A_62 = arith.constant 0 : index
    %swap3A_63 = vector.load %arg9[%swap3A_61, %swap3A_62] : memref<256x1xf32, #tpu.memory_space<vmem>>, vector<256x1xf32>
    tpu.vector_store %arg9[%swap3A_61, %swap3A_62], %convert_element_type3A_47 {strides = array<i32>} : memref<256x1xf32, #tpu.memory_space<vmem>>, vector<256x1xf32>,
    %swap3A_64 = arith.constant 0 : index
    %swap3A_65 = arith.constant 0 : index
    %swap3A_66 = vector.load %arg10[%swap3A_64, %swap3A_65] : memref<256x256xf32, #tpu.memory_space<vmem>>, vector<256x256xf32>
    tpu.vector_store %arg10[%swap3A_64, %swap3A_65], %sub3A {strides = array<i32>} : memref<256x256xf32, #tpu.memory_space<vmem>>, vector<256x256xf32>,
    %swap3A_67 = arith.constant 0 : index
    %swap3A_68 = arith.constant 0 : index
    %swap3A_69 = vector.load %arg11[%swap3A_67, %swap3A_68] : memref<256x256xf32, #tpu.memory_space<vmem>>, vector<256x256xf32>
    tpu.vector_store %arg11[%swap3A_67, %swap3A_68], %add3A_36 {strides = array<i32>} : memref<256x256xf32, #tpu.memory_space<vmem>>, vector<256x256xf32>,
    return
  }
  func.func @transform_0(%arg0: i32) -> (i32, i32) {
    %c0_i32 = arith.constant 0 : i32
    %c0_i32_0 = arith.constant 0 : i32
    return %arg0, %c0_i32 : i32, i32
  }
  func.func @transform_1(%arg0: i32) -> (i32, i32) {
    %c0_i32 = arith.constant 0 : i32
    %c0_i32_0 = arith.constant 0 : i32
    return %arg0, %c0_i32 : i32, i32
  }
  func.func @transform_2(%arg0: i32) -> (i32, i32) {
    %c0_i32 = arith.constant 0 : i32
    %c0_i32_0 = arith.constant 0 : i32
    return %arg0, %c0_i32 : i32, i32
  }
  func.func @transform_3(%arg0: i32) -> (i32, i32) {
    %c0_i32 = arith.constant 0 : i32
    %c0_i32_0 = arith.constant 0 : i32
    return %arg0, %c0_i32 : i32, i32
  }
  func.func @transform_4(%arg0: i32) -> (i32, i32) {
    %c0_i32 = arith.constant 0 : i32
    %c0_i32_0 = arith.constant 0 : i32
    return %c0_i32, %arg0 : i32, i32
  }
  func.func @transform_5(%arg0: i32) -> (i32, i32) {
    %c0_i32 = arith.constant 0 : i32
    %c0_i32_0 = arith.constant 0 : i32
    %c0_i32_1 = arith.constant 0 : i32
    return %c0_i32, %c0_i32_0 : i32, i32
  }
  func.func @transform_6(%arg0: i32) -> (i32, i32) {
    %c0_i32 = arith.constant 0 : i32
    %c0_i32_0 = arith.constant 0 : i32
    return %c0_i32, %arg0 : i32, i32
  }
  func.func @transform_7(%arg0: i32) -> (i32, i32) {
    %c0_i32 = arith.constant 0 : i32
    %c0_i32_0 = arith.constant 0 : i32
    return %c0_i32, %arg0 : i32, i32
  }
  func.func @transform_8(%arg0: i32) -> (i32, i32) {
    %c0_i32 = arith.constant 0 : i32
    %c0_i32_0 = arith.constant 0 : i32
    return %arg0, %c0_i32 : i32, i32
  }
  func.func @transform_9(%arg0: i32) -> (i32, i32) {
    %c0_i32 = arith.constant 0 : i32
    %c0_i32_0 = arith.constant 0 : i32
    return %arg0, %c0_i32 : i32, i32
  }
  func.func @transform_10(%arg0: i32) -> (i32, i32) {
    %c0_i32 = arith.constant 0 : i32
    %c0_i32_0 = arith.constant 0 : i32
    return %arg0, %c0_i32 : i32, i32
  }
}

module attributes {stable_mosaic.version = 14 : i64} {
  func.func @_tc_final_kernel(%arg0: i32, %arg1: memref<256x256xf32, #tpu.memory_space<vmem>>, %arg2: memref<256x256xf32, #tpu.memory_space<vmem>>, %arg3: memref<256x256xf32, #tpu.memory_space<vmem>>, %arg4: memref<256x1xf32, #tpu.memory_space<vmem>>, %arg5: memref<1x256xi32, #tpu.memory_space<vmem>>, %arg6: memref<1x256xi32, #tpu.memory_space<vmem>>, %arg7: memref<256x256xf32, #tpu.memory_space<vmem>>) attributes {dimension_semantics = [#tpu.dimension_semantics<arbitrary>], iteration_bounds = array<i64: 4>, scalar_prefetch = 0 : i64, scratch_operands = 0 : i64, tpu.core_type = #tpu.core_type<tc>, window_params = [{transform_indices = @transform_0, window_bounds = array<i64: 256, 256>}, {transform_indices = @transform_1, window_bounds = array<i64: 256, 256>}, {transform_indices = @transform_2, window_bounds = array<i64: 256, 256>}, {transform_indices = @transform_3, window_bounds = array<i64: 256, 1>}, {transform_indices = @transform_4, window_bounds = array<i64: 1, 256>}, {transform_indices = @transform_5, window_bounds = array<i64: 1, 256>}, {transform_indices = @transform_6, window_bounds = array<i64: 256, 256>}]} {
    %get3A = arith.constant 0 : index
    %get3A_0 = arith.constant 0 : index
    %get3A_1 = vector.load %arg1[%get3A, %get3A_0] : memref<256x256xf32, #tpu.memory_space<vmem>>, vector<256x256xf32>
    %get3A_2 = arith.constant 0 : index
    %get3A_3 = arith.constant 0 : index
    %get3A_4 = vector.load %arg2[%get3A_2, %get3A_3] : memref<256x256xf32, #tpu.memory_space<vmem>>, vector<256x256xf32>
    %get3A_5 = arith.constant 0 : index
    %get3A_6 = arith.constant 0 : index
    %get3A_7 = vector.load %arg3[%get3A_5, %get3A_6] : memref<256x256xf32, #tpu.memory_space<vmem>>, vector<256x256xf32>
    %mul3A = arith.mulf %get3A_1, %get3A_7 : vector<256x256xf32>
    %reduce_sum3A = arith.constant dense<0.000000e+00> : vector<256xf32>
    %reduce_sum3A_8 = vector.multi_reduction <add>, %mul3A, %reduce_sum3A [1] : vector<256x256xf32> to vector<256xf32>
    %ge3A = arith.constant 0.000000e+00 : f32
    %ge3A_9 = vector.broadcast %ge3A : f32 to vector<256xf32>
    %ge3A_10 = arith.cmpf oge, %reduce_sum3A_8, %ge3A_9 : vector<256xf32>
    %jit3A = arith.constant 1.000000e+00 : f32
    %jit3A_11 = arith.constant -1.000000e+00 : f32
    %broadcast_in_dim3A = vector.broadcast %jit3A : f32 to vector<256xf32>
    %broadcast_in_dim3A_12 = vector.broadcast %jit3A_11 : f32 to vector<256xf32>
    %select_n3A = arith.select %ge3A_10, %broadcast_in_dim3A, %broadcast_in_dim3A_12 : vector<256xi1>, vector<256xf32>
    %get3A_13 = arith.constant 0 : index
    %get3A_14 = arith.constant 0 : index
    %get3A_15 = vector.load %arg5[%get3A_13, %get3A_14] : memref<1x256xi32, #tpu.memory_space<vmem>>, vector<1x256xi32>
    %get3A_16 = vector.shape_cast %get3A_15 : vector<1x256xi32> to vector<256xi32>
    %ge3A_17 = arith.constant 0.000000e+00 : f32
    %ge3A_18 = vector.broadcast %ge3A_17 : f32 to vector<256xf32>
    %ge3A_19 = arith.cmpf oge, %reduce_sum3A_8, %ge3A_18 : vector<256xf32>
    %add3A = arith.constant 1 : i32
    %add3A_20 = vector.broadcast %add3A : i32 to vector<256xi32>
    %add3A_21 = arith.addi %get3A_16, %add3A_20 : vector<256xi32>
    %neg3A = arith.constant 0 : i32
    %neg3A_22 = vector.broadcast %neg3A : i32 to vector<256xi32>
    %neg3A_23 = arith.subi %neg3A_22, %add3A_21 : vector<256xi32>
    %select_n3A_24 = arith.select %ge3A_19, %get3A_16, %neg3A_23 : vector<256xi1>, vector<256xi32>
    %get3A_25 = arith.constant 0 : index
    %get3A_26 = arith.constant 0 : index
    %get3A_27 = vector.load %arg4[%get3A_25, %get3A_26] : memref<256x1xf32, #tpu.memory_space<vmem>>, vector<256x1xf32>
    %get3A_28 = vector.shape_cast %get3A_27 : vector<256x1xf32> to vector<256xf32>
    %mul3A_29 = arith.mulf %get3A_28, %select_n3A : vector<256xf32>
    %mul3A_30 = arith.constant 0.185302019 : f32
    %mul3A_31 = vector.broadcast %mul3A_30 : f32 to vector<256xf32>
    %mul3A_32 = arith.mulf %mul3A_29, %mul3A_31 : vector<256xf32>
    %broadcast_in_dim3A_33 = vector.shape_cast %mul3A_32 : vector<256xf32> to vector<256x1xf32>
    %mul3A_34 = vector.broadcast %broadcast_in_dim3A_33 : vector<256x1xf32> to vector<256x256xf32>
    %mul3A_35 = arith.mulf %mul3A_34, %get3A_7 : vector<256x256xf32>
    %add3A_36 = arith.addf %get3A_4, %mul3A_35 : vector<256x256xf32>
    %swap3A = arith.constant 0 : index
    %swap3A_37 = arith.constant 0 : index
    %swap3A_38 = vector.load %arg6[%swap3A, %swap3A_37] : memref<1x256xi32, #tpu.memory_space<vmem>>, vector<1x256xi32>
    %swap3A_39 = vector.shape_cast %swap3A_38 : vector<1x256xi32> to vector<256xi32>
    %swap3A_40 = vector.shape_cast %select_n3A_24 : vector<256xi32> to vector<1x256xi32>
    tpu.vector_store %arg6[%swap3A, %swap3A_37], %swap3A_40 {strides = array<i32>} : memref<1x256xi32, #tpu.memory_space<vmem>>, vector<1x256xi32>,
    %swap3A_41 = arith.constant 0 : index
    %swap3A_42 = arith.constant 0 : index
    %swap3A_43 = vector.load %arg7[%swap3A_41, %swap3A_42] : memref<256x256xf32, #tpu.memory_space<vmem>>, vector<256x256xf32>
    tpu.vector_store %arg7[%swap3A_41, %swap3A_42], %add3A_36 {strides = array<i32>} : memref<256x256xf32, #tpu.memory_space<vmem>>, vector<256x256xf32>,
    return
  }
  func.func @transform_0(%arg0: i32) -> (i32, i32) {
    %c0_i32 = arith.constant 0 : i32
    %c0_i32_0 = arith.constant 0 : i32
    return %arg0, %c0_i32 : i32, i32
  }
  func.func @transform_1(%arg0: i32) -> (i32, i32) {
    %c0_i32 = arith.constant 0 : i32
    %c0_i32_0 = arith.constant 0 : i32
    return %arg0, %c0_i32 : i32, i32
  }
  func.func @transform_2(%arg0: i32) -> (i32, i32) {
    %c0_i32 = arith.constant 0 : i32
    %c0_i32_0 = arith.constant 0 : i32
    return %arg0, %c0_i32 : i32, i32
  }
  func.func @transform_3(%arg0: i32) -> (i32, i32) {
    %c0_i32 = arith.constant 0 : i32
    %c0_i32_0 = arith.constant 0 : i32
    return %arg0, %c0_i32 : i32, i32
  }
  func.func @transform_4(%arg0: i32) -> (i32, i32) {
    %c0_i32 = arith.constant 0 : i32
    %c0_i32_0 = arith.constant 0 : i32
    return %c0_i32, %arg0 : i32, i32
  }
  func.func @transform_5(%arg0: i32) -> (i32, i32) {
    %c0_i32 = arith.constant 0 : i32
    %c0_i32_0 = arith.constant 0 : i32
    return %c0_i32, %arg0 : i32, i32
  }
  func.func @transform_6(%arg0: i32) -> (i32, i32) {
    %c0_i32 = arith.constant 0 : i32
    %c0_i32_0 = arith.constant 0 : i32
    return %arg0, %c0_i32 : i32, i32
  }
}

</mosaic_0001>

<sc_bundles>
// kernel: kernel.35.cloned.1.call-start
scs
__scs_entry_jumppad:
0x0: {  	(pc) =	sbr.rel $0x88, $3  }
0x1: {  	(tag) =	ssettag $0x0;
	lr =	simm.s32 $0x1  }
0x2: {  	[smem:$0x3F9F] =	sst lr;
	_ =	strace $0xD0000000  }
0x3: {  	_ = 	snop  }
0x4: {  	_ = 	snop  }
0x5: {  	_ = 	snop  }
0x6: {  	_ = 	snop  }
0x7: {  	_ = 	snop  }
__scs_overlays_trampoline_lowered:
0x8: {  	[smem:$0x3FAE] =	sst s0  }
0x9: {  	[smem:$0x3FAF] =	sst s1  }
0xa: {  	[smem:$0x3FB0] =	sst s2  }
0xb: {  	[smem:$0x3FB1] =	sst s3  }
0xc: {  	[smem:$0x3FB2] =	sst s4  }
0xd: {  	[smem:$0x3FB3] =	sst s5  }
0xe: {  	[smem:$0x3FB4] =	sst s6  }
0xf: {  	[smem:$0x3FB5] =	sst s7  }
0x10: {  	[smem:$0x3FB6] =	sst s8  }
0x11: {  	[smem:$0x3FB7] =	sst s9;
	s0 =	simm.s32 @!p0 $0x0  }
0x12: {  	s1 =	sld [smem:$0x3F9D];
	s0 =	simm.s32 @p0 $0x1  }
0x13: {  	[smem:$0x3FB8] =	sst s0;
	s0 =	simm.s32 @!p1 $0x0  }
0x14: {  	s2 =	sld [smem:$0x3F9C];
	s0 =	simm.s32 @p1 $0x1  }
0x15: {  	[smem:$0x3FB9] =	sst s0;
	s0 =	simm.s32 @!p2 $0x0  }
0x16: {  	s3 =	sld [smem:$0x3FDB];
	s0 =	simm.s32 @p2 $0x1  }
0x17: {  	s4 =	simm.s32 $0x1BF5;
	[smem:$0x3FBB] =	sst s0  }
0x18: {  	s0 =	sld [smem:$0x3F9E];
	_ =	swait.ge [sflag:s4], $0x0  }
0x19: {  	s7 =	sld [smem:$0x3F9F]  }
0x1a: {  	s8 =	sadd.s32 $0xFFFFE003, lr  }
0x1b: {  	s9 =	sadd.s32 $0xFFFFFEF7, lr;
	s5 =	simm.s32 $0xFFFFFFFF;
	p2 =	slt.u32 s8, $0xFFFFF086  }
0x1c: {  	p1 =	slt.u32 s9, $0xF7A;
	s5 =	simm.s32 @!p2 $0x0  }
0x1d: {  	s5 =	simm.s32 @p1 $0x1;
	p0 =	seq.s32 s7, s2  }
0x1e: {  	s7 =	smul.u32 @!p0 $0xF7A, s2;
	p2 =	seq.s32 @!p0 s5, $0x0  }
0x1f: {  	s9 =	smul.u32 $0xF7A, s1;
	s8 =	simm.s32 @!p0 $0x1BF5;
	p2 =	por !p2, p0  }
0x20: {  	[sflag:s8] =	ssyncset.s32 @!p0 $0xFFFFF086;
	s6 =	sadd.s32 @!p0 s3, s7;
	s7 =	simm.s32 @!p0 $0x108  }
0x21: {  	s3 =	sadd.s32 s3, s9;
	s6 =	sadd.s32 @!p0 $0x88, s6;
	s7 =	simm.s32 @p2 $0x1082  }
0x22: {  	[simem:s7], [sflag:s8] =	dma.local @!p0 [hbm:s6], $0xF7A  }
0x23: {  	s9 =	sor.u32 $0xD0000000, s2;
	s6 =	simm.s32 $0x108;
	_ =	swait.ge @!p0 [sflag:s8], $0x0  }
0x24: {  	s3 =	sadd.s32 $0x88, s3;
	s6 =	simm.s32 @!p1 $0x1082;
	[sflag:s4] =	ssyncset.s32 $0xFFFFF086  }
0x25: {  	[simem:s6], [sflag:s4] =	dma.local [hbm:s3], $0xF7A  }
0x26: {  	[smem:$0x3F9F] =	sst s1;
	(tag) =	ssettag s2;
	_ =	strace s9  }
0x27: {  	s1 =	sld [smem:$0x3FAF]  }
0x28: {  	s2 =	sld [smem:$0x3FB0]  }
0x29: {  	s4 =	sld [smem:$0x3FB2]  }
0x2a: {  	p0 =	seq.s32 s5, $0x0;
	s5 =	sld [smem:$0x3FB3]  }
0x2b: {  	s6 =	sld [smem:$0x3FB4]  }
0x2c: {  	s7 =	sld [smem:$0x3FB5]  }
0x2d: {  	s3 =	simm.s32 $0x108;
	s8 =	sld [smem:$0x3FB6]  }
0x2e: {  	s3 =	simm.s32 @!p0 $0x1082;
	s9 =	sld [smem:$0x3FB7]  }
0x2f: {  	lr =	sadd.s32 s0, s3;
	s0 =	sld [smem:$0x3FAE]  }
0x30: {  	s3 =	sld [smem:$0x3FB1]  }
0x31: {  	[smem:$0x3FBA] =	sst s10  }
0x32: {  	s10 =	sld [smem:$0x3FB8];
	_ =	sdelay $0x3  }
0x33: {  	p0 =	seq.s32 s10, $0x1;
	s10 =	sld [smem:$0x3FBA];
	_ =	sdelay $0x3  }
0x34: {  	[smem:$0x3FBA] =	sst s10  }
0x35: {  	s10 =	sld [smem:$0x3FB9];
	_ =	sdelay $0x3  }
0x36: {  	p1 =	seq.s32 s10, $0x1;
	s10 =	sld [smem:$0x3FBA];
	_ =	sdelay $0x3  }
0x37: {  	[smem:$0x3FBA] =	sst s10  }
0x38: {  	s10 =	sld [smem:$0x3FBB]  }
0x39: {  	_ = 	snop;
	(pc) =	sbr.ind lr, $3  }
0x3a: {  	_ = 	snop  }
0x3b: {  	_ = 	snop  }
0x3c: {  	p2 =	seq.s32 s10, $0x1;
	s10 =	sld [smem:$0x3FBA]  }
0x3d: {  	_ =	shalt  }
0x3e: {  	_ =	shalt  }
0x3f: {  	_ =	shalt  }
0x40: {  	_ =	shalt  }
0x41: {  	_ =	shalt  }
0x42: {  	_ =	shalt  }
0x43: {  	_ =	shalt  }
0x44: {  	_ =	shalt  }
0x45: {  	_ =	shalt  }
0x46: {  	_ =	shalt  }
0x47: {  	_ =	shalt  }
0x48: {  	_ =	shalt  }
0x49: {  	_ =	shalt  }
0x4a: {  	_ =	shalt  }
0x4b: {  	_ =	shalt  }
0x4c: {  	_ =	shalt  }
0x4d: {  	_ =	shalt  }
0x4e: {  	_ =	shalt  }
0x4f: {  	_ =	shalt  }
0x50: {  	_ =	shalt  }
0x51: {  	_ =	shalt  }
0x52: {  	_ =	shalt  }
0x53: {  	_ =	shalt  }
0x54: {  	_ =	shalt  }
0x55: {  	_ =	shalt  }
0x56: {  	_ =	shalt  }
0x57: {  	_ =	shalt  }
0x58: {  	_ =	shalt  }
0x59: {  	_ =	shalt  }
0x5a: {  	_ =	shalt  }
0x5b: {  	_ =	shalt  }
0x5c: {  	_ =	shalt  }
0x5d: {  	_ =	shalt  }
0x5e: {  	_ =	shalt  }
0x5f: {  	_ =	shalt  }
0x60: {  	_ =	shalt  }
0x61: {  	_ =	shalt  }
0x62: {  	_ =	shalt  }
0x63: {  	_ =	shalt  }
0x64: {  	_ =	shalt  }
0x65: {  	_ =	shalt  }
0x66: {  	_ =	shalt  }
0x67: {  	_ =	shalt  }
0x68: {  	_ =	shalt  }
0x69: {  	_ =	shalt  }
0x6a: {  	_ =	shalt  }
0x6b: {  	_ =	shalt  }
0x6c: {  	_ =	shalt  }
0x6d: {  	_ =	shalt  }
0x6e: {  	_ =	shalt  }
0x6f: {  	_ =	shalt  }
0x70: {  	_ =	shalt  }
0x71: {  	_ =	shalt  }
0x72: {  	_ =	shalt  }
0x73: {  	_ =	shalt  }
0x74: {  	_ =	shalt  }
0x75: {  	_ =	shalt  }
0x76: {  	_ =	shalt  }
0x77: {  	_ =	shalt  }
0x78: {  	_ =	shalt  }
0x79: {  	_ =	shalt  }
0x7a: {  	_ =	shalt  }
0x7b: {  	_ =	shalt  }
0x7c: {  	_ =	shalt  }
0x7d: {  	_ =	shalt  }
0x7e: {  	_ =	shalt  }
0x7f: {  	_ =	shalt  }
0x80: {  	_ =	shalt  }
0x81: {  	_ =	shalt  }
0x82: {  	_ =	shalt  }
0x83: {  	_ =	shalt  }
0x84: {  	_ =	shalt  }
0x85: {  	_ =	shalt  }
0x86: {  	_ =	shalt  }
0x87: {  	_ =	shalt  }
.Lfunc_end0:
.L_simem_size_0:
called_computation_lowered:
.L_overlay_start_0:
0x88: {  	s2 =	sld [smem:$0x3FD9]  }
0x89: {  	s3 =	sld [smem:$0x3FFE];
	_ =	sdelay $0x1  }
0x8a: {  	s1 =	srdreg.scid  }
0x8b: {  	s0 =	sand.u32 $0x1, s1  }
0x8c: {  	s15 =	sshll.u32 s0, $0xA;
	s2 =	sadd.s32 s3, s2  }
0x8d: {  	s2 =	sadd.s32 s2, s15  }
0x8e: {  	[smem:$0x3FC6] =	sst s2  }
0x8f: {  	_ = 	snop  }
0x90: {  	s2 =	sld [smem:$0x3FD0];
	_ =	sdelay $0x2  }
0x91: {  	s4 =	simm.s32 $0xA;
	s5 =	simm.s32 $0x10;
	s16 =	sld [smem:$0x3FC8]  }
0x92: {  	[smem:s5], [sflag:s4] =	dma.local [hbm:s2], $0x1  }
0x93: {  	_ =	swait.eq [sflag:s4], $0x1  }
0x94: {  	[sflag:s4] =	ssyncset.done $0x0  }
0x95: {  	s17 =	sld [smem:$0x10];
	[sflag:s4] =	ssyncadd.s32 $0xFFFFFFFF  }
0x96: {  	s18 =	sld [smem:$0x11];
	(tm) =	ssettm $0x1  }
0x97: {  	s19 =	sld [smem:$0x3FFB];
	_ =	sdelay $0x3  }
0x98: {  	_ =	strace s19  }
0x99: {  	s5 =	sld [smem:$0x3FFC];
	_ =	sdelay $0x3  }
0x9a: {  	_ =	strace s5  }
0x9b: {  	s5 =	sld [smem:$0x3FFD];
	_ =	sdelay $0x3  }
0x9c: {  	_ =	strace s5  }
0x9d: {  	_ =	strace $0x8FFFFFFF  }
0x9e: {  	s20 =	sld [smem:$0x3FDB];
	_ =	sdelay $0x1  }
0x9f: {  	s6 =	simm.s32 $_scs_section_size  }
0xa0: {  	s7 =	simm.s32 $_size__tile_overlayer_lowered;
	s8 =	simm.s32 $_tile_overlayer_lowered  }
0xa1: {  	s23 =	simm.s32 $0x1BFF;
	s22 =	sshll.u32 s8, $0x1;
	s5 =	sadd.s32 s6, s20  }
0xa2: {  	s9 =	simm.s32 $0x0;
	s21 =	sshll.u32 s7, $0x1;
	s7 =	sadd.s32 s22, s5  }
0xa3: {  	[timem:s9], [sflag:s23] =	dma.local [hbm:s7], s21  }
0xa4: {  	_ =	swait.ge [sflag:s23], s21  }
0xa5: {  	s6 =	ssub.s32 $0x0, s21;
	[sflag:s23] =	ssyncset.done $0x0  }
0xa6: {  	[sflag:s23] =	ssyncadd.s32 s6;
	_ =	sdelay $0x1  }
0xa7: {  	s24 =	simm.s32 $0x1B8B  }
0xa8: {  	_ =	swait.ge [sflag:s24], $0x1  }
0xa9: {  	[sflag:s24] =	ssyncset.done $0x0  }
0xaa: {  	s25 =	simm.s32 $0x1B8E;
	[sflag:s24] =	ssyncadd.s32 $0xFFFFFFFF  }
0xab: {  	s26 =	simm.s32 $execute0_lowered;
	[smem:$0x3FD2] =	sst s25  }
0xac: {  	s6 =	sshll.u32 s26, $0x1;
	_ =	strace $0x80000046;
	[dreg:$0x1] =	wrdreg $0xFFFFFFFF  }
0xad: {  	s28 =	simm.s32 $_size_execute0_lowered;
	s5 =	sadd.s32 s5, s6;
	[dreg:$0x0] =	wrdreg $0x0  }
0xae: {  	s6 =	sshll.u32 s28, $0x1;
	[dreg:$0x2] =	wrdreg s5  }
0xaf: {  	[dreg:$0x3] =	wrdreg s6  }
0xb0: {  	[dreg:$0x4] =	wrdreg $0xC0  }
0xb1: {  	_ =	task [dreg:s9], $0x5FFFF  }
0xb2: {  	[dreg:$0x1] =	wrdreg $0xFFFFFFFF  }
0xb3: {  	[dreg:$0x0] =	wrdreg $0x60  }
0xb4: {  	[dreg:$0x2] =	wrdreg s16  }
0xb5: {  	[dreg:$0x3] =	wrdreg s17  }
0xb6: {  	[dreg:$0x4] =	wrdreg s18  }
0xb7: {  	[dreg:$0x5] =	wrdreg $0x9  }
0xb8: {  	_ =	task.clear_ibuf [dreg:s9], $0x6FFFF;
	_ =	strace $0x90000046  }
0xb9: {  	s29 =	simm.s32 $0x9;
	_ =	strace $0x80000048  }
0xba: {  	_ =	swait.ge [sflag:s29], $0x1  }
0xbb: {  	[sflag:s29] =	ssyncadd.s32 $0xFFFFFFFF  }
0xbc: {  	_ =	strace $0x90000048  }
0xbd: {  	_ =	sfence  }
0xbe: {  	s30 =	sld [smem:$0x0];
	_ =	sdelay $0x2  }
0xbf: {  	s31 =	sshll.u32 s1, $0xD;
	s1 =	sshrl.u32 s1, $0x2  }
0xc0: {  	s3 =	sand.u32 $0x4000, s31;
	s1 =	sadd.s32 s1, s30  }
0xc1: {  	s0 =	sor.u32 s3, s0;
	s1 =	sshll.u32 s1, $0x11  }
0xc2: {  	s0 =	sor.u32 s1, s0  }
0xc3: {  	s0 =	sadd.s32 $0x8F2B, s0  }
0xc4: {  	[sflag:s0] =	ssyncadd.remote.s32 $0x1  }
0xc5: {  	_ =	sfence.sel $0xFFFF  }
0xc6: {  	[dreg:$0x0] =	wrdreg $0xFFFFFFFF;
	(pc) =	sbr.abs _section_cstart, $3  }
0xc7: {  	[dreg:$0x1] =	wrdreg $0xFFFFFFFF  }
0xc8: {  	_ =	task.clear_ibuf [dreg:s9], $0x2FFFF;
	_ =	strace $0x9FFFFFFF  }
0xc9: {  	(tm) =	ssettm $0x7FFFFFFF  }
tec
execute0_lowered:
.L_overlay_start_1:
0x0: {  	(tag) =	ssettag $0x1  }
0x1: {  	s1 =	rddreg [dreg:$0x0]  }
0x2: {  	s4 =	rddreg [dreg:$0x1]  }
0x3: {  	s5 =	rddreg [dreg:$0x2]  }
0x4: {  	s0 =	rddreg [dreg:$0x3];
	s3 =	simm.s32 $0x0;
	s6 =	srdreg.scid  }
0x5: {  	s2 =	stileid.u32;
	s10 =	simm.s32 $0x1080;
	s11 =	simm.s32 $0x1880  }
0x6: {  	s12 =	simm.s32 $0x1;
	[smem:$0x7FF] =	sst s3;
	s6 =	sand.u32 $0x1, s6  }
0x7: {  	s8 =	sshll.u32 s2, $0x6;
	s7 =	ssub.s32 $0x2, s6;
	s6 =	sshll.u32 s6, $0x5  }
0x8: {  	_ =	strace $0x80000047;
	s9 =	sshrl.u32 s7, $0x1;
	s6 =	sor.u32 s6, s8  }
0x9: {  	v2 =	vlaneseq.u32;
	s7 =	ssub.s32 s7, s9;
	s8 =	sshrl.u32 s6, $0x3;
	s6 =	sshll.u32 s6, $0x5  }
0xa: {  	vm0 =	vmmov $0xffff;
	v1 =	vshrl.u32 v2, $0x3;
	s9 =	simm.s32 $0x880;
	s4 =	sadd.s32 s4, s8;
	s5 =	sadd.s32 s5, s6  }
0xb: {  	v0 =	vand.u32 $0x7, v2;
	v2 =	vor.u32 $0x8, v2;
	v1 =	vmul.u32 $0x8, v1;
	s6 =	smax.u32 s7, $0x1;
	s7 =	simm.s32 $0x2;
	s8 =	simm.s32 $0x80  }
.LBB2_1:
0xc: {  	[tilespmem:s3], [sflag:$0x2] =	stream.linear.gather [hbm4b:s4+s3], $0x20, $0x38;
	[tilespmem:$0x2080] =	vst v63  }
0xd: {  	_ =	swait.ge [sflag:s7], $0x20  }
0xe: {  	[sflag:s7] =	ssyncset.done $0x0  }
0xf: {  	[sflag:s7] =	ssyncadd.s32 $0xFFFFFFE0  }
0x10: {  	v3 =	vld [tilespmem:$0x0];
	_ =	sdelay $0x4  }
0x11: {  	v4 =	vshll.u32 v3, $0x1  }
0x12: {  	v3 =	vand.u32 $0x7, v3;
	v4 =	vand.u32 $0xFFFFFFF0, v4  }
0x13: {  	v3 =	vor.u32 v3, v4  }
0x14: {  	v4 =	vperm.xlane v3, v0;
	_ =	sdelay $0x1  }
0x15: {  	v3 =	vperm.xlane v3, v2;
	v4 =	vadd.s32 v1, v4;
	_ =	sdelay $0x1  }
0x16: {  	v3 =	vadd.s32 v1, v3;
	_ =	sdelay $0x2  }
0x17: {  	[tilespmem:s8], [sflag:$0x1] =	stream.indirect_vreg.gather [hbm4b:s1+s3], $0x80, v4, vm0, $0xb8;
	[tilespmem:$0x2080] =	vst v63  }
0x18: {  	_ = 	snop  }
0x19: {  	[tilespmem:s9], [sflag:$0x1] =	stream.indirect_vreg.gather [hbm4b:s1+s3], $0x80, v3, vm0, $0xb8;
	[tilespmem:$0x2080] =	vst v63  }
0x1a: {  	v3 =	vld [tilespmem:$0x10];
	_ =	sdelay $0x4  }
0x1b: {  	v63 =	vshll.u32 v3, $0x1  }
0x1c: {  	v3 =	vand.u32 $0x7, v3;
	v4 =	vand.u32 $0xFFFFFFF0, v63  }
0x1d: {  	v3 =	vor.u32 v3, v4  }
0x1e: {  	v4 =	vperm.xlane v3, v0;
	_ =	sdelay $0x1  }
0x1f: {  	v3 =	vperm.xlane v3, v2;
	v4 =	vadd.s32 v1, v4;
	_ =	sdelay $0x1  }
0x20: {  	v3 =	vadd.s32 v1, v3;
	_ =	sdelay $0x2  }
0x21: {  	[tilespmem:s10], [sflag:$0x1] =	stream.indirect_vreg.gather [hbm4b:s1+s3], $0x80, v4, vm0, $0xb8;
	[tilespmem:$0x2080] =	vst v63  }
0x22: {  	_ = 	snop  }
0x23: {  	[tilespmem:s11], [sflag:$0x1] =	stream.indirect_vreg.gather [hbm4b:s1+s3], $0x80, v3, vm0, $0xb8;
	[tilespmem:$0x2080] =	vst v63  }
0x24: {  	_ =	swait.ge [sflag:s12], $0x2000  }
0x25: {  	p0 =	sne.s32 s6, $0x1;
	[sflag:s12] =	ssyncset.done $0x0  }
.Ltmp0:
0x26: {  	[sflag:s12] =	ssyncadd.s32 $0xFFFFE000;
	(pc) =	sbr.rel @p0 .LBB2_1-.Ltmp0, $4  }
0x27: {  	[hbm4b:s5+s3] =	stream.linear.scatter [tilespmem:s8], [sflag:$0x2], $0x2000, $0x38;
	[tilespmem:$0x2080] =	vst v63  }
0x28: {  	_ =	swait.ge [sflag:s7], $0x2000  }
0x29: {  	[sflag:s7] =	ssyncset.done $0x0  }
0x2a: {  	s6 =	sadd.s32 $0xFFFFFFFF, s6;
	[sflag:s7] =	ssyncadd.s32 $0xFFFFE000  }
0x2b: {  	_ =	sfence.sel $0x180000  }
0x2c: {  	[bflag:$0x0] =	sbarrier.arrive $0xFFFF  }
0x2d: {  	p0 =	sne.s32 s2, $0x0;
	_ =	strace $0x90000047  }
0x2e: {  	s0 =	sadd.s32 @!p0 $0x100000, s0;
	[bflag:$0x2] =	sbarrier.arrive $0xFFFF  }
0x2f: {  	[sflag:s0] =	ssyncadd.tile.s32 @!p0 $0x1;
	_ =	shalt  }
.Lfunc_end2:
_tile_overlayer_lowered:
.L_overlay_start_2:
0x30: {  	(tag) =	ssettag $0x2  }
0x31: {  	s0 =	rddreg [dreg:$0x0];
	s2 =	stileid.u32  }
0x32: {  	s1 =	rddreg [dreg:$0x1];
	p0 =	sne.s32 s2, $0x0  }
0x33: {  	s3 =	rddreg [dreg:$0x2];
	[bflag:$0x3] =	sbarrier.arrive $0xFFFF;
	s2 =	simm.s32 @!p0 $0x1C02  }
0x34: {  	[timem:s3], [sflag:s2] =	dma.local @!p0 [hbm:s0], s1  }
0x35: {  	s0 =	simm.s32 @!p0 $0x2  }
0x36: {  	_ =	swait.ge @!p0 [sflag:s0], s1  }
0x37: {  	s1 =	ssub.s32 @!p0 $0x0, s1;
	[sflag:s0] =	ssyncset.done @!p0 $0x0  }
0x38: {  	[sflag:s0] =	ssyncadd.s32 @!p0 s1  }
0x39: {  	[bflag:$0x3] =	sbarrier.arrive $0xFFFF  }
0x3a: {  	_ =	shalt  }

// kernel: kernel.38.cloned.1.call-start
scs
__scs_entry_jumppad:
0x0: {  	(pc) =	sbr.rel $0x88, $3  }
0x1: {  	(tag) =	ssettag $0x0;
	lr =	simm.s32 $0x1  }
0x2: {  	[smem:$0x3F9F] =	sst lr;
	_ =	strace $0xD0000000  }
0x3: {  	_ = 	snop  }
0x4: {  	_ = 	snop  }
0x5: {  	_ = 	snop  }
0x6: {  	_ = 	snop  }
0x7: {  	_ = 	snop  }
__scs_overlays_trampoline_lowered:
0x8: {  	[smem:$0x3FAE] =	sst s0  }
0x9: {  	[smem:$0x3FAF] =	sst s1  }
0xa: {  	[smem:$0x3FB0] =	sst s2  }
0xb: {  	[smem:$0x3FB1] =	sst s3  }
0xc: {  	[smem:$0x3FB2] =	sst s4  }
0xd: {  	[smem:$0x3FB3] =	sst s5  }
0xe: {  	[smem:$0x3FB4] =	sst s6  }
0xf: {  	[smem:$0x3FB5] =	sst s7  }
0x10: {  	[smem:$0x3FB6] =	sst s8  }
0x11: {  	[smem:$0x3FB7] =	sst s9;
	s0 =	simm.s32 @!p0 $0x0  }
0x12: {  	s1 =	sld [smem:$0x3F9D];
	s0 =	simm.s32 @p0 $0x1  }
0x13: {  	[smem:$0x3FB8] =	sst s0;
	s0 =	simm.s32 @!p1 $0x0  }
0x14: {  	s2 =	sld [smem:$0x3F9C];
	s0 =	simm.s32 @p1 $0x1  }
0x15: {  	[smem:$0x3FB9] =	sst s0;
	s0 =	simm.s32 @!p2 $0x0  }
0x16: {  	s3 =	sld [smem:$0x3FDB];
	s0 =	simm.s32 @p2 $0x1  }
0x17: {  	s4 =	simm.s32 $0x1BF5;
	[smem:$0x3FBB] =	sst s0  }
0x18: {  	s0 =	sld [smem:$0x3F9E];
	_ =	swait.ge [sflag:s4], $0x0  }
0x19: {  	s7 =	sld [smem:$0x3F9F]  }
0x1a: {  	s8 =	sadd.s32 $0xFFFFE003, lr  }
0x1b: {  	s9 =	sadd.s32 $0xFFFFFEF7, lr;
	s5 =	simm.s32 $0xFFFFFFFF;
	p2 =	slt.u32 s8, $0xFFFFF086  }
0x1c: {  	p1 =	slt.u32 s9, $0xF7A;
	s5 =	simm.s32 @!p2 $0x0  }
0x1d: {  	s5 =	simm.s32 @p1 $0x1;
	p0 =	seq.s32 s7, s2  }
0x1e: {  	s7 =	smul.u32 @!p0 $0xF7A, s2;
	p2 =	seq.s32 @!p0 s5, $0x0  }
0x1f: {  	s9 =	smul.u32 $0xF7A, s1;
	s8 =	simm.s32 @!p0 $0x1BF5;
	p2 =	por !p2, p0  }
0x20: {  	[sflag:s8] =	ssyncset.s32 @!p0 $0xFFFFF086;
	s6 =	sadd.s32 @!p0 s3, s7;
	s7 =	simm.s32 @!p0 $0x108  }
0x21: {  	s3 =	sadd.s32 s3, s9;
	s6 =	sadd.s32 @!p0 $0x88, s6;
	s7 =	simm.s32 @p2 $0x1082  }
0x22: {  	[simem:s7], [sflag:s8] =	dma.local @!p0 [hbm:s6], $0xF7A  }
0x23: {  	s9 =	sor.u32 $0xD0000000, s2;
	s6 =	simm.s32 $0x108;
	_ =	swait.ge @!p0 [sflag:s8], $0x0  }
0x24: {  	s3 =	sadd.s32 $0x88, s3;
	s6 =	simm.s32 @!p1 $0x1082;
	[sflag:s4] =	ssyncset.s32 $0xFFFFF086  }
0x25: {  	[simem:s6], [sflag:s4] =	dma.local [hbm:s3], $0xF7A  }
0x26: {  	[smem:$0x3F9F] =	sst s1;
	(tag) =	ssettag s2;
	_ =	strace s9  }
0x27: {  	s1 =	sld [smem:$0x3FAF]  }
0x28: {  	s2 =	sld [smem:$0x3FB0]  }
0x29: {  	s4 =	sld [smem:$0x3FB2]  }
0x2a: {  	p0 =	seq.s32 s5, $0x0;
	s5 =	sld [smem:$0x3FB3]  }
0x2b: {  	s6 =	sld [smem:$0x3FB4]  }
0x2c: {  	s7 =	sld [smem:$0x3FB5]  }
0x2d: {  	s3 =	simm.s32 $0x108;
	s8 =	sld [smem:$0x3FB6]  }
0x2e: {  	s3 =	simm.s32 @!p0 $0x1082;
	s9 =	sld [smem:$0x3FB7]  }
0x2f: {  	lr =	sadd.s32 s0, s3;
	s0 =	sld [smem:$0x3FAE]  }
0x30: {  	s3 =	sld [smem:$0x3FB1]  }
0x31: {  	[smem:$0x3FBA] =	sst s10  }
0x32: {  	s10 =	sld [smem:$0x3FB8];
	_ =	sdelay $0x3  }
0x33: {  	p0 =	seq.s32 s10, $0x1;
	s10 =	sld [smem:$0x3FBA];
	_ =	sdelay $0x3  }
0x34: {  	[smem:$0x3FBA] =	sst s10  }
0x35: {  	s10 =	sld [smem:$0x3FB9];
	_ =	sdelay $0x3  }
0x36: {  	p1 =	seq.s32 s10, $0x1;
	s10 =	sld [smem:$0x3FBA];
	_ =	sdelay $0x3  }
0x37: {  	[smem:$0x3FBA] =	sst s10  }
0x38: {  	s10 =	sld [smem:$0x3FBB]  }
0x39: {  	_ = 	snop;
	(pc) =	sbr.ind lr, $3  }
0x3a: {  	_ = 	snop  }
0x3b: {  	_ = 	snop  }
0x3c: {  	p2 =	seq.s32 s10, $0x1;
	s10 =	sld [smem:$0x3FBA]  }
0x3d: {  	_ =	shalt  }
0x3e: {  	_ =	shalt  }
0x3f: {  	_ =	shalt  }
0x40: {  	_ =	shalt  }
0x41: {  	_ =	shalt  }
0x42: {  	_ =	shalt  }
0x43: {  	_ =	shalt  }
0x44: {  	_ =	shalt  }
0x45: {  	_ =	shalt  }
0x46: {  	_ =	shalt  }
0x47: {  	_ =	shalt  }
0x48: {  	_ =	shalt  }
0x49: {  	_ =	shalt  }
0x4a: {  	_ =	shalt  }
0x4b: {  	_ =	shalt  }
0x4c: {  	_ =	shalt  }
0x4d: {  	_ =	shalt  }
0x4e: {  	_ =	shalt  }
0x4f: {  	_ =	shalt  }
0x50: {  	_ =	shalt  }
0x51: {  	_ =	shalt  }
0x52: {  	_ =	shalt  }
0x53: {  	_ =	shalt  }
0x54: {  	_ =	shalt  }
0x55: {  	_ =	shalt  }
0x56: {  	_ =	shalt  }
0x57: {  	_ =	shalt  }
0x58: {  	_ =	shalt  }
0x59: {  	_ =	shalt  }
0x5a: {  	_ =	shalt  }
0x5b: {  	_ =	shalt  }
0x5c: {  	_ =	shalt  }
0x5d: {  	_ =	shalt  }
0x5e: {  	_ =	shalt  }
0x5f: {  	_ =	shalt  }
0x60: {  	_ =	shalt  }
0x61: {  	_ =	shalt  }
0x62: {  	_ =	shalt  }
0x63: {  	_ =	shalt  }
0x64: {  	_ =	shalt  }
0x65: {  	_ =	shalt  }
0x66: {  	_ =	shalt  }
0x67: {  	_ =	shalt  }
0x68: {  	_ =	shalt  }
0x69: {  	_ =	shalt  }
0x6a: {  	_ =	shalt  }
0x6b: {  	_ =	shalt  }
0x6c: {  	_ =	shalt  }
0x6d: {  	_ =	shalt  }
0x6e: {  	_ =	shalt  }
0x6f: {  	_ =	shalt  }
0x70: {  	_ =	shalt  }
0x71: {  	_ =	shalt  }
0x72: {  	_ =	shalt  }
0x73: {  	_ =	shalt  }
0x74: {  	_ =	shalt  }
0x75: {  	_ =	shalt  }
0x76: {  	_ =	shalt  }
0x77: {  	_ =	shalt  }
0x78: {  	_ =	shalt  }
0x79: {  	_ =	shalt  }
0x7a: {  	_ =	shalt  }
0x7b: {  	_ =	shalt  }
0x7c: {  	_ =	shalt  }
0x7d: {  	_ =	shalt  }
0x7e: {  	_ =	shalt  }
0x7f: {  	_ =	shalt  }
0x80: {  	_ =	shalt  }
0x81: {  	_ =	shalt  }
0x82: {  	_ =	shalt  }
0x83: {  	_ =	shalt  }
0x84: {  	_ =	shalt  }
0x85: {  	_ =	shalt  }
0x86: {  	_ =	shalt  }
0x87: {  	_ =	shalt  }
.Lfunc_end0:
.L_simem_size_0:
called_computation.1_lowered:
.L_overlay_start_0:
0x88: {  	s2 =	sld [smem:$0x3FD9]  }
0x89: {  	s3 =	sld [smem:$0x3FFE];
	_ =	sdelay $0x1  }
0x8a: {  	s1 =	srdreg.scid  }
0x8b: {  	s0 =	sand.u32 $0x1, s1  }
0x8c: {  	s14 =	sshll.u32 s0, $0xA;
	s2 =	sadd.s32 s3, s2  }
0x8d: {  	s2 =	sadd.s32 s2, s14  }
0x8e: {  	[smem:$0x3FC6] =	sst s2  }
0x8f: {  	_ = 	snop  }
0x90: {  	s2 =	sld [smem:$0x3FD0];
	_ =	sdelay $0x2  }
0x91: {  	s4 =	simm.s32 $0xA;
	s5 =	simm.s32 $0x10;
	s15 =	sld [smem:$0x3FC8]  }
0x92: {  	[smem:s5], [sflag:s4] =	dma.local [hbm:s2], $0x1  }
0x93: {  	_ =	swait.eq [sflag:s4], $0x1  }
0x94: {  	[sflag:s4] =	ssyncset.done $0x0  }
0x95: {  	[sflag:s4] =	ssyncadd.s32 $0xFFFFFFFF  }
0x96: {  	s16 =	sld [smem:$0x11];
	(tm) =	ssettm $0x1  }
0x97: {  	s17 =	sld [smem:$0x3FFB];
	_ =	sdelay $0x3  }
0x98: {  	_ =	strace s17  }
0x99: {  	s4 =	sld [smem:$0x3FFC];
	_ =	sdelay $0x3  }
0x9a: {  	_ =	strace s4  }
0x9b: {  	s4 =	sld [smem:$0x3FFD];
	_ =	sdelay $0x3  }
0x9c: {  	_ =	strace s4  }
0x9d: {  	_ =	strace $0x8FFFFFFF  }
0x9e: {  	s18 =	sld [smem:$0x3FDB];
	_ =	sdelay $0x1  }
0x9f: {  	s19 =	simm.s32 $_scs_section_size  }
0xa0: {  	s6 =	simm.s32 $_size__tile_overlayer_lowered;
	s7 =	simm.s32 $_tile_overlayer_lowered  }
0xa1: {  	s22 =	simm.s32 $0x1BFF;
	s21 =	sshll.u32 s7, $0x1;
	s4 =	sadd.s32 s19, s18  }
0xa2: {  	s8 =	simm.s32 $0x0;
	s20 =	sshll.u32 s6, $0x1;
	s6 =	sadd.s32 s21, s4  }
0xa3: {  	[timem:s8], [sflag:s22] =	dma.local [hbm:s6], s20  }
0xa4: {  	_ =	swait.ge [sflag:s22], s20  }
0xa5: {  	s5 =	ssub.s32 $0x0, s20;
	[sflag:s22] =	ssyncset.done $0x0  }
0xa6: {  	[sflag:s22] =	ssyncadd.s32 s5;
	_ =	sdelay $0x1  }
0xa7: {  	s23 =	simm.s32 $0x1B8B  }
0xa8: {  	_ =	swait.ge [sflag:s23], $0x1  }
0xa9: {  	[sflag:s23] =	ssyncset.done $0x0  }
0xaa: {  	s25 =	simm.s32 $0x1B8E;
	s24 =	sld [smem:$0x3FFE];
	[sflag:s23] =	ssyncadd.s32 $0xFFFFFFFF  }
0xab: {  	s26 =	simm.s32 $execute0_lowered;
	[smem:$0x3FD2] =	sst s25  }
0xac: {  	s6 =	sshll.u32 s26, $0x1;
	_ =	strace $0x80000049;
	[dreg:$0x1] =	wrdreg $0xFFFFFFFF  }
0xad: {  	s28 =	simm.s32 $_size_execute0_lowered;
	s4 =	sadd.s32 s4, s6;
	[dreg:$0x0] =	wrdreg $0x0  }
0xae: {  	s6 =	sshll.u32 s28, $0x1;
	[dreg:$0x2] =	wrdreg s4  }
0xaf: {  	[dreg:$0x3] =	wrdreg s6  }
0xb0: {  	[dreg:$0x4] =	wrdreg $0xC0  }
0xb1: {  	_ =	task [dreg:s8], $0x5FFFF  }
0xb2: {  	[dreg:$0x1] =	wrdreg $0xFFFFFFFF  }
0xb3: {  	[dreg:$0x0] =	wrdreg $0x60  }
0xb4: {  	[dreg:$0x2] =	wrdreg s15  }
0xb5: {  	[dreg:$0x3] =	wrdreg s24  }
0xb6: {  	[dreg:$0x4] =	wrdreg s16  }
0xb7: {  	[dreg:$0x5] =	wrdreg $0x9  }
0xb8: {  	_ =	task.clear_ibuf [dreg:s8], $0x6FFFF;
	_ =	strace $0x90000049  }
0xb9: {  	s29 =	simm.s32 $0x9;
	_ =	strace $0x8000004B  }
0xba: {  	_ =	swait.ge [sflag:s29], $0x1  }
0xbb: {  	[sflag:s29] =	ssyncadd.s32 $0xFFFFFFFF  }
0xbc: {  	_ =	strace $0x9000004B  }
0xbd: {  	_ =	sfence  }
0xbe: {  	s30 =	sld [smem:$0x0];
	_ =	sdelay $0x2  }
0xbf: {  	s31 =	sshll.u32 s1, $0xD;
	s1 =	sshrl.u32 s1, $0x2  }
0xc0: {  	s3 =	sand.u32 $0x4000, s31;
	s1 =	sadd.s32 s1, s30  }
0xc1: {  	s0 =	sor.u32 s3, s0;
	s1 =	sshll.u32 s1, $0x11  }
0xc2: {  	s0 =	sor.u32 s1, s0  }
0xc3: {  	s0 =	sadd.s32 $0x8F2B, s0  }
0xc4: {  	[sflag:s0] =	ssyncadd.remote.s32 $0x1  }
0xc5: {  	_ =	sfence.sel $0xFFFF  }
0xc6: {  	[dreg:$0x0] =	wrdreg $0xFFFFFFFF;
	(pc) =	sbr.abs _section_cstart, $3  }
0xc7: {  	[dreg:$0x1] =	wrdreg $0xFFFFFFFF  }
0xc8: {  	_ =	task.clear_ibuf [dreg:s8], $0x2FFFF;
	_ =	strace $0x9FFFFFFF  }
0xc9: {  	(tm) =	ssettm $0x7FFFFFFF  }
tec
execute0_lowered:
.L_overlay_start_1:
0x0: {  	(tag) =	ssettag $0x1  }
0x1: {  	s1 =	rddreg [dreg:$0x0]  }
0x2: {  	s4 =	rddreg [dreg:$0x1]  }
0x3: {  	s5 =	rddreg [dreg:$0x2];
	s3 =	srdreg.scid  }
0x4: {  	s0 =	rddreg [dreg:$0x3];
	s2 =	stileid.u32;
	s10 =	simm.s32 $0x1080  }
0x5: {  	s11 =	simm.s32 $0x1880;
	s12 =	simm.s32 $0x1;
	s6 =	sand.u32 $0x1, s3  }
0x6: {  	s3 =	simm.s32 $0x0;
	s7 =	sshll.u32 s2, $0x6;
	s8 =	sshll.u32 s6, $0x5  }
0x7: {  	[smem:$0x7FF] =	sst s3;
	s6 =	ssub.s32 $0x2, s6;
	s7 =	sor.u32 s8, s7  }
0x8: {  	_ =	strace $0x8000004A;
	s9 =	sshrl.u32 s6, $0x1;
	s8 =	sshrl.u32 s7, $0x3  }
0x9: {  	v2 =	vlaneseq.u32;
	s6 =	ssub.s32 s6, s9;
	s7 =	sshll.u32 s7, $0x5;
	s9 =	simm.s32 $0x880  }
0xa: {  	vm0 =	vmmov $0xffff;
	v1 =	vshrl.u32 v2, $0x3;
	s4 =	sadd.s32 s8, s4;
	s5 =	sadd.s32 s5, s7;
	s6 =	smax.u32 s6, $0x1  }
0xb: {  	v0 =	vand.u32 $0x7, v2;
	v2 =	vor.u32 $0x8, v2;
	v1 =	vmul.u32 $0x8, v1;
	s7 =	simm.s32 $0x2;
	s8 =	simm.s32 $0x80;
	s4 =	sadd.s32 $0xC800, s4  }
.LBB2_1:
0xc: {  	[tilespmem:s3], [sflag:$0x2] =	stream.linear.gather [hbm4b:s4+s3], $0x20, $0x38;
	[tilespmem:$0x2080] =	vst v63  }
0xd: {  	_ =	swait.ge [sflag:s7], $0x20  }
0xe: {  	[sflag:s7] =	ssyncset.done $0x0  }
0xf: {  	[sflag:s7] =	ssyncadd.s32 $0xFFFFFFE0  }
0x10: {  	v3 =	vld [tilespmem:$0x0];
	_ =	sdelay $0x4  }
0x11: {  	v4 =	vshll.u32 v3, $0x1  }
0x12: {  	v3 =	vand.u32 $0x7, v3;
	v4 =	vand.u32 $0xFFFFFFF0, v4  }
0x13: {  	v3 =	vor.u32 v3, v4  }
0x14: {  	v4 =	vperm.xlane v3, v0;
	_ =	sdelay $0x1  }
0x15: {  	v3 =	vperm.xlane v3, v2;
	v4 =	vadd.s32 v1, v4;
	_ =	sdelay $0x1  }
0x16: {  	v3 =	vadd.s32 v1, v3;
	_ =	sdelay $0x2  }
0x17: {  	[tilespmem:s8], [sflag:$0x1] =	stream.indirect_vreg.gather [hbm4b:s1+s3], $0x80, v4, vm0, $0xb8;
	[tilespmem:$0x2080] =	vst v63  }
0x18: {  	_ = 	snop  }
0x19: {  	[tilespmem:s9], [sflag:$0x1] =	stream.indirect_vreg.gather [hbm4b:s1+s3], $0x80, v3, vm0, $0xb8;
	[tilespmem:$0x2080] =	vst v63  }
0x1a: {  	v3 =	vld [tilespmem:$0x10];
	_ =	sdelay $0x4  }
0x1b: {  	v63 =	vshll.u32 v3, $0x1  }
0x1c: {  	v3 =	vand.u32 $0x7, v3;
	v4 =	vand.u32 $0xFFFFFFF0, v63  }
0x1d: {  	v3 =	vor.u32 v3, v4  }
0x1e: {  	v4 =	vperm.xlane v3, v0;
	_ =	sdelay $0x1  }
0x1f: {  	v3 =	vperm.xlane v3, v2;
	v4 =	vadd.s32 v1, v4;
	_ =	sdelay $0x1  }
0x20: {  	v3 =	vadd.s32 v1, v3;
	_ =	sdelay $0x2  }
0x21: {  	[tilespmem:s10], [sflag:$0x1] =	stream.indirect_vreg.gather [hbm4b:s1+s3], $0x80, v4, vm0, $0xb8;
	[tilespmem:$0x2080] =	vst v63  }
0x22: {  	_ = 	snop  }
0x23: {  	[tilespmem:s11], [sflag:$0x1] =	stream.indirect_vreg.gather [hbm4b:s1+s3], $0x80, v3, vm0, $0xb8;
	[tilespmem:$0x2080] =	vst v63  }
0x24: {  	_ =	swait.ge [sflag:s12], $0x2000  }
0x25: {  	p0 =	sne.s32 s6, $0x1;
	[sflag:s12] =	ssyncset.done $0x0  }
.Ltmp0:
0x26: {  	[sflag:s12] =	ssyncadd.s32 $0xFFFFE000;
	(pc) =	sbr.rel @p0 .LBB2_1-.Ltmp0, $4  }
0x27: {  	[hbm4b:s5+s3] =	stream.linear.scatter [tilespmem:s8], [sflag:$0x2], $0x2000, $0x38;
	[tilespmem:$0x2080] =	vst v63  }
0x28: {  	_ =	swait.ge [sflag:s7], $0x2000  }
0x29: {  	[sflag:s7] =	ssyncset.done $0x0  }
0x2a: {  	s6 =	sadd.s32 $0xFFFFFFFF, s6;
	[sflag:s7] =	ssyncadd.s32 $0xFFFFE000  }
0x2b: {  	_ =	sfence.sel $0x180000  }
0x2c: {  	[bflag:$0x0] =	sbarrier.arrive $0xFFFF  }
0x2d: {  	p0 =	sne.s32 s2, $0x0;
	_ =	strace $0x9000004A  }
0x2e: {  	s0 =	sadd.s32 @!p0 $0x100000, s0;
	[bflag:$0x2] =	sbarrier.arrive $0xFFFF  }
0x2f: {  	[sflag:s0] =	ssyncadd.tile.s32 @!p0 $0x1;
	_ =	shalt  }
.Lfunc_end2:
_tile_overlayer_lowered:
.L_overlay_start_2:
0x30: {  	(tag) =	ssettag $0x2  }
0x31: {  	s0 =	rddreg [dreg:$0x0];
	s2 =	stileid.u32  }
0x32: {  	s1 =	rddreg [dreg:$0x1];
	p0 =	sne.s32 s2, $0x0  }
0x33: {  	s3 =	rddreg [dreg:$0x2];
	[bflag:$0x3] =	sbarrier.arrive $0xFFFF;
	s2 =	simm.s32 @!p0 $0x1C02  }
0x34: {  	[timem:s3], [sflag:s2] =	dma.local @!p0 [hbm:s0], s1  }
0x35: {  	s0 =	simm.s32 @!p0 $0x2  }
0x36: {  	_ =	swait.ge @!p0 [sflag:s0], s1  }
0x37: {  	s1 =	ssub.s32 @!p0 $0x0, s1;
	[sflag:s0] =	ssyncset.done @!p0 $0x0  }
0x38: {  	[sflag:s0] =	ssyncadd.s32 @!p0 s1  }
0x39: {  	[bflag:$0x3] =	sbarrier.arrive $0xFFFF  }
0x3a: {  	_ =	shalt  }

// kernel: kernel.41.cloned.1.call-start
scs
__scs_entry_jumppad:
0x0: {  	(pc) =	sbr.rel $0x88, $3  }
0x1: {  	(tag) =	ssettag $0x0;
	lr =	simm.s32 $0x1  }
0x2: {  	[smem:$0x3F9F] =	sst lr;
	_ =	strace $0xD0000000  }
0x3: {  	_ = 	snop  }
0x4: {  	_ = 	snop  }
0x5: {  	_ = 	snop  }
0x6: {  	_ = 	snop  }
0x7: {  	_ = 	snop  }
__scs_overlays_trampoline_lowered:
0x8: {  	[smem:$0x3FAE] =	sst s0  }
0x9: {  	[smem:$0x3FAF] =	sst s1  }
0xa: {  	[smem:$0x3FB0] =	sst s2  }
0xb: {  	[smem:$0x3FB1] =	sst s3  }
0xc: {  	[smem:$0x3FB2] =	sst s4  }
0xd: {  	[smem:$0x3FB3] =	sst s5  }
0xe: {  	[smem:$0x3FB4] =	sst s6  }
0xf: {  	[smem:$0x3FB5] =	sst s7  }
0x10: {  	[smem:$0x3FB6] =	sst s8  }
0x11: {  	[smem:$0x3FB7] =	sst s9;
	s0 =	simm.s32 @!p0 $0x0  }
0x12: {  	s1 =	sld [smem:$0x3F9D];
	s0 =	simm.s32 @p0 $0x1  }
0x13: {  	[smem:$0x3FB8] =	sst s0;
	s0 =	simm.s32 @!p1 $0x0  }
0x14: {  	s2 =	sld [smem:$0x3F9C];
	s0 =	simm.s32 @p1 $0x1  }
0x15: {  	[smem:$0x3FB9] =	sst s0;
	s0 =	simm.s32 @!p2 $0x0  }
0x16: {  	s3 =	sld [smem:$0x3FDB];
	s0 =	simm.s32 @p2 $0x1  }
0x17: {  	s4 =	simm.s32 $0x1BF5;
	[smem:$0x3FBB] =	sst s0  }
0x18: {  	s0 =	sld [smem:$0x3F9E];
	_ =	swait.ge [sflag:s4], $0x0  }
0x19: {  	s7 =	sld [smem:$0x3F9F]  }
0x1a: {  	s8 =	sadd.s32 $0xFFFFE003, lr  }
0x1b: {  	s9 =	sadd.s32 $0xFFFFFEF7, lr;
	s5 =	simm.s32 $0xFFFFFFFF;
	p2 =	slt.u32 s8, $0xFFFFF086  }
0x1c: {  	p1 =	slt.u32 s9, $0xF7A;
	s5 =	simm.s32 @!p2 $0x0  }
0x1d: {  	s5 =	simm.s32 @p1 $0x1;
	p0 =	seq.s32 s7, s2  }
0x1e: {  	s7 =	smul.u32 @!p0 $0xF7A, s2;
	p2 =	seq.s32 @!p0 s5, $0x0  }
0x1f: {  	s9 =	smul.u32 $0xF7A, s1;
	s8 =	simm.s32 @!p0 $0x1BF5;
	p2 =	por !p2, p0  }
0x20: {  	[sflag:s8] =	ssyncset.s32 @!p0 $0xFFFFF086;
	s6 =	sadd.s32 @!p0 s3, s7;
	s7 =	simm.s32 @!p0 $0x108  }
0x21: {  	s3 =	sadd.s32 s3, s9;
	s6 =	sadd.s32 @!p0 $0x88, s6;
	s7 =	simm.s32 @p2 $0x1082  }
0x22: {  	[simem:s7], [sflag:s8] =	dma.local @!p0 [hbm:s6], $0xF7A  }
0x23: {  	s9 =	sor.u32 $0xD0000000, s2;
	s6 =	simm.s32 $0x108;
	_ =	swait.ge @!p0 [sflag:s8], $0x0  }
0x24: {  	s3 =	sadd.s32 $0x88, s3;
	s6 =	simm.s32 @!p1 $0x1082;
	[sflag:s4] =	ssyncset.s32 $0xFFFFF086  }
0x25: {  	[simem:s6], [sflag:s4] =	dma.local [hbm:s3], $0xF7A  }
0x26: {  	[smem:$0x3F9F] =	sst s1;
	(tag) =	ssettag s2;
	_ =	strace s9  }
0x27: {  	s1 =	sld [smem:$0x3FAF]  }
0x28: {  	s2 =	sld [smem:$0x3FB0]  }
0x29: {  	s4 =	sld [smem:$0x3FB2]  }
0x2a: {  	p0 =	seq.s32 s5, $0x0;
	s5 =	sld [smem:$0x3FB3]  }
0x2b: {  	s6 =	sld [smem:$0x3FB4]  }
0x2c: {  	s7 =	sld [smem:$0x3FB5]  }
0x2d: {  	s3 =	simm.s32 $0x108;
	s8 =	sld [smem:$0x3FB6]  }
0x2e: {  	s3 =	simm.s32 @!p0 $0x1082;
	s9 =	sld [smem:$0x3FB7]  }
0x2f: {  	lr =	sadd.s32 s0, s3;
	s0 =	sld [smem:$0x3FAE]  }
0x30: {  	s3 =	sld [smem:$0x3FB1]  }
0x31: {  	[smem:$0x3FBA] =	sst s10  }
0x32: {  	s10 =	sld [smem:$0x3FB8];
	_ =	sdelay $0x3  }
0x33: {  	p0 =	seq.s32 s10, $0x1;
	s10 =	sld [smem:$0x3FBA];
	_ =	sdelay $0x3  }
0x34: {  	[smem:$0x3FBA] =	sst s10  }
0x35: {  	s10 =	sld [smem:$0x3FB9];
	_ =	sdelay $0x3  }
0x36: {  	p1 =	seq.s32 s10, $0x1;
	s10 =	sld [smem:$0x3FBA];
	_ =	sdelay $0x3  }
0x37: {  	[smem:$0x3FBA] =	sst s10  }
0x38: {  	s10 =	sld [smem:$0x3FBB]  }
0x39: {  	_ = 	snop;
	(pc) =	sbr.ind lr, $3  }
0x3a: {  	_ = 	snop  }
0x3b: {  	_ = 	snop  }
0x3c: {  	p2 =	seq.s32 s10, $0x1;
	s10 =	sld [smem:$0x3FBA]  }
0x3d: {  	_ =	shalt  }
0x3e: {  	_ =	shalt  }
0x3f: {  	_ =	shalt  }
0x40: {  	_ =	shalt  }
0x41: {  	_ =	shalt  }
0x42: {  	_ =	shalt  }
0x43: {  	_ =	shalt  }
0x44: {  	_ =	shalt  }
0x45: {  	_ =	shalt  }
0x46: {  	_ =	shalt  }
0x47: {  	_ =	shalt  }
0x48: {  	_ =	shalt  }
0x49: {  	_ =	shalt  }
0x4a: {  	_ =	shalt  }
0x4b: {  	_ =	shalt  }
0x4c: {  	_ =	shalt  }
0x4d: {  	_ =	shalt  }
0x4e: {  	_ =	shalt  }
0x4f: {  	_ =	shalt  }
0x50: {  	_ =	shalt  }
0x51: {  	_ =	shalt  }
0x52: {  	_ =	shalt  }
0x53: {  	_ =	shalt  }
0x54: {  	_ =	shalt  }
0x55: {  	_ =	shalt  }
0x56: {  	_ =	shalt  }
0x57: {  	_ =	shalt  }
0x58: {  	_ =	shalt  }
0x59: {  	_ =	shalt  }
0x5a: {  	_ =	shalt  }
0x5b: {  	_ =	shalt  }
0x5c: {  	_ =	shalt  }
0x5d: {  	_ =	shalt  }
0x5e: {  	_ =	shalt  }
0x5f: {  	_ =	shalt  }
0x60: {  	_ =	shalt  }
0x61: {  	_ =	shalt  }
0x62: {  	_ =	shalt  }
0x63: {  	_ =	shalt  }
0x64: {  	_ =	shalt  }
0x65: {  	_ =	shalt  }
0x66: {  	_ =	shalt  }
0x67: {  	_ =	shalt  }
0x68: {  	_ =	shalt  }
0x69: {  	_ =	shalt  }
0x6a: {  	_ =	shalt  }
0x6b: {  	_ =	shalt  }
0x6c: {  	_ =	shalt  }
0x6d: {  	_ =	shalt  }
0x6e: {  	_ =	shalt  }
0x6f: {  	_ =	shalt  }
0x70: {  	_ =	shalt  }
0x71: {  	_ =	shalt  }
0x72: {  	_ =	shalt  }
0x73: {  	_ =	shalt  }
0x74: {  	_ =	shalt  }
0x75: {  	_ =	shalt  }
0x76: {  	_ =	shalt  }
0x77: {  	_ =	shalt  }
0x78: {  	_ =	shalt  }
0x79: {  	_ =	shalt  }
0x7a: {  	_ =	shalt  }
0x7b: {  	_ =	shalt  }
0x7c: {  	_ =	shalt  }
0x7d: {  	_ =	shalt  }
0x7e: {  	_ =	shalt  }
0x7f: {  	_ =	shalt  }
0x80: {  	_ =	shalt  }
0x81: {  	_ =	shalt  }
0x82: {  	_ =	shalt  }
0x83: {  	_ =	shalt  }
0x84: {  	_ =	shalt  }
0x85: {  	_ =	shalt  }
0x86: {  	_ =	shalt  }
0x87: {  	_ =	shalt  }
.Lfunc_end0:
.L_simem_size_0:
called_computation.2_lowered:
.L_overlay_start_0:
0x88: {  	s2 =	sld [smem:$0x3FD9]  }
0x89: {  	s3 =	sld [smem:$0x3FFE];
	_ =	sdelay $0x1  }
0x8a: {  	s1 =	srdreg.scid  }
0x8b: {  	s0 =	sand.u32 $0x1, s1  }
0x8c: {  	s14 =	sshll.u32 s0, $0xA;
	s2 =	sadd.s32 s3, s2  }
0x8d: {  	s2 =	sadd.s32 s2, s14  }
0x8e: {  	[smem:$0x3FC6] =	sst s2  }
0x8f: {  	_ = 	snop  }
0x90: {  	s2 =	sld [smem:$0x3FD0];
	_ =	sdelay $0x2  }
0x91: {  	s4 =	simm.s32 $0xA;
	s5 =	simm.s32 $0x10;
	s15 =	sld [smem:$0x3FC8]  }
0x92: {  	[smem:s5], [sflag:s4] =	dma.local [hbm:s2], $0x1  }
0x93: {  	_ =	swait.eq [sflag:s4], $0x1  }
0x94: {  	[sflag:s4] =	ssyncset.done $0x0  }
0x95: {  	[sflag:s4] =	ssyncadd.s32 $0xFFFFFFFF  }
0x96: {  	s16 =	sld [smem:$0x11];
	(tm) =	ssettm $0x1  }
0x97: {  	s17 =	sld [smem:$0x3FFB];
	_ =	sdelay $0x3  }
0x98: {  	_ =	strace s17  }
0x99: {  	s4 =	sld [smem:$0x3FFC];
	_ =	sdelay $0x3  }
0x9a: {  	_ =	strace s4  }
0x9b: {  	s4 =	sld [smem:$0x3FFD];
	_ =	sdelay $0x3  }
0x9c: {  	_ =	strace s4  }
0x9d: {  	_ =	strace $0x8FFFFFFF  }
0x9e: {  	s18 =	sld [smem:$0x3FDB];
	_ =	sdelay $0x1  }
0x9f: {  	s19 =	simm.s32 $_scs_section_size  }
0xa0: {  	s6 =	simm.s32 $_size__tile_overlayer_lowered;
	s7 =	simm.s32 $_tile_overlayer_lowered  }
0xa1: {  	s22 =	simm.s32 $0x1BFF;
	s21 =	sshll.u32 s7, $0x1;
	s4 =	sadd.s32 s19, s18  }
0xa2: {  	s8 =	simm.s32 $0x0;
	s20 =	sshll.u32 s6, $0x1;
	s6 =	sadd.s32 s21, s4  }
0xa3: {  	[timem:s8], [sflag:s22] =	dma.local [hbm:s6], s20  }
0xa4: {  	_ =	swait.ge [sflag:s22], s20  }
0xa5: {  	s5 =	ssub.s32 $0x0, s20;
	[sflag:s22] =	ssyncset.done $0x0  }
0xa6: {  	[sflag:s22] =	ssyncadd.s32 s5;
	_ =	sdelay $0x1  }
0xa7: {  	s23 =	simm.s32 $0x1B8B  }
0xa8: {  	_ =	swait.ge [sflag:s23], $0x1  }
0xa9: {  	[sflag:s23] =	ssyncset.done $0x0  }
0xaa: {  	s25 =	simm.s32 $0x1B8E;
	s24 =	sld [smem:$0x3FFE];
	[sflag:s23] =	ssyncadd.s32 $0xFFFFFFFF  }
0xab: {  	s26 =	simm.s32 $execute0_lowered;
	[smem:$0x3FD2] =	sst s25  }
0xac: {  	s6 =	sshll.u32 s26, $0x1;
	_ =	strace $0x8000004C;
	[dreg:$0x1] =	wrdreg $0xFFFFFFFF  }
0xad: {  	s28 =	simm.s32 $_size_execute0_lowered;
	s4 =	sadd.s32 s4, s6;
	[dreg:$0x0] =	wrdreg $0x0  }
0xae: {  	s6 =	sshll.u32 s28, $0x1;
	[dreg:$0x2] =	wrdreg s4  }
0xaf: {  	[dreg:$0x3] =	wrdreg s6  }
0xb0: {  	[dreg:$0x4] =	wrdreg $0xC0  }
0xb1: {  	_ =	task [dreg:s8], $0x5FFFF  }
0xb2: {  	[dreg:$0x1] =	wrdreg $0xFFFFFFFF  }
0xb3: {  	[dreg:$0x0] =	wrdreg $0x60  }
0xb4: {  	[dreg:$0x2] =	wrdreg s15  }
0xb5: {  	[dreg:$0x3] =	wrdreg s24  }
0xb6: {  	[dreg:$0x4] =	wrdreg s16  }
0xb7: {  	[dreg:$0x5] =	wrdreg $0x9  }
0xb8: {  	_ =	task.clear_ibuf [dreg:s8], $0x6FFFF;
	_ =	strace $0x9000004C  }
0xb9: {  	s29 =	simm.s32 $0x9;
	_ =	strace $0x8000004E  }
0xba: {  	_ =	swait.ge [sflag:s29], $0x1  }
0xbb: {  	[sflag:s29] =	ssyncadd.s32 $0xFFFFFFFF  }
0xbc: {  	_ =	strace $0x9000004E  }
0xbd: {  	_ =	sfence  }
0xbe: {  	s30 =	sld [smem:$0x0];
	_ =	sdelay $0x2  }
0xbf: {  	s31 =	sshll.u32 s1, $0xD;
	s1 =	sshrl.u32 s1, $0x2  }
0xc0: {  	s3 =	sand.u32 $0x4000, s31;
	s1 =	sadd.s32 s1, s30  }
0xc1: {  	s0 =	sor.u32 s3, s0;
	s1 =	sshll.u32 s1, $0x11  }
0xc2: {  	s0 =	sor.u32 s1, s0  }
0xc3: {  	s0 =	sadd.s32 $0x8F2B, s0  }
0xc4: {  	[sflag:s0] =	ssyncadd.remote.s32 $0x1  }
0xc5: {  	_ =	sfence.sel $0xFFFF  }
0xc6: {  	[dreg:$0x0] =	wrdreg $0xFFFFFFFF;
	(pc) =	sbr.abs _section_cstart, $3  }
0xc7: {  	[dreg:$0x1] =	wrdreg $0xFFFFFFFF  }
0xc8: {  	_ =	task.clear_ibuf [dreg:s8], $0x2FFFF;
	_ =	strace $0x9FFFFFFF  }
0xc9: {  	(tm) =	ssettm $0x7FFFFFFF  }
tec
execute0_lowered:
.L_overlay_start_1:
0x0: {  	(tag) =	ssettag $0x1  }
0x1: {  	s1 =	rddreg [dreg:$0x0]  }
0x2: {  	s4 =	rddreg [dreg:$0x1]  }
0x3: {  	s5 =	rddreg [dreg:$0x2];
	s3 =	srdreg.scid  }
0x4: {  	s0 =	rddreg [dreg:$0x3];
	s2 =	stileid.u32;
	s10 =	simm.s32 $0x1080  }
0x5: {  	s11 =	simm.s32 $0x1880;
	s12 =	simm.s32 $0x1;
	s6 =	sand.u32 $0x1, s3  }
0x6: {  	s3 =	simm.s32 $0x0;
	s7 =	sshll.u32 s2, $0x6;
	s8 =	sshll.u32 s6, $0x5  }
0x7: {  	[smem:$0x7FF] =	sst s3;
	s6 =	ssub.s32 $0x2, s6;
	s7 =	sor.u32 s8, s7  }
0x8: {  	_ =	strace $0x8000004D;
	s9 =	sshrl.u32 s6, $0x1;
	s8 =	sshrl.u32 s7, $0x3  }
0x9: {  	v2 =	vlaneseq.u32;
	s6 =	ssub.s32 s6, s9;
	s7 =	sshll.u32 s7, $0x5;
	s9 =	simm.s32 $0x880  }
0xa: {  	vm0 =	vmmov $0xffff;
	v1 =	vshrl.u32 v2, $0x3;
	s4 =	sadd.s32 s8, s4;
	s5 =	sadd.s32 s5, s7;
	s6 =	smax.u32 s6, $0x1  }
0xb: {  	v0 =	vand.u32 $0x7, v2;
	v2 =	vor.u32 $0x8, v2;
	v1 =	vmul.u32 $0x8, v1;
	s7 =	simm.s32 $0x2;
	s8 =	simm.s32 $0x80;
	s4 =	sadd.s32 $0xC800, s4  }
.LBB2_1:
0xc: {  	[tilespmem:s3], [sflag:$0x2] =	stream.linear.gather [hbm4b:s4+s3], $0x20, $0x38;
	[tilespmem:$0x2080] =	vst v63  }
0xd: {  	_ =	swait.ge [sflag:s7], $0x20  }
0xe: {  	[sflag:s7] =	ssyncset.done $0x0  }
0xf: {  	[sflag:s7] =	ssyncadd.s32 $0xFFFFFFE0  }
0x10: {  	v3 =	vld [tilespmem:$0x0];
	_ =	sdelay $0x4  }
0x11: {  	v4 =	vshll.u32 v3, $0x1  }
0x12: {  	v3 =	vand.u32 $0x7, v3;
	v4 =	vand.u32 $0xFFFFFFF0, v4  }
0x13: {  	v3 =	vor.u32 v3, v4  }
0x14: {  	v4 =	vperm.xlane v3, v0;
	_ =	sdelay $0x1  }
0x15: {  	v3 =	vperm.xlane v3, v2;
	v4 =	vadd.s32 v1, v4;
	_ =	sdelay $0x1  }
0x16: {  	v3 =	vadd.s32 v1, v3;
	_ =	sdelay $0x2  }
0x17: {  	[tilespmem:s8], [sflag:$0x1] =	stream.indirect_vreg.gather [hbm4b:s1+s3], $0x80, v4, vm0, $0xb8;
	[tilespmem:$0x2080] =	vst v63  }
0x18: {  	_ = 	snop  }
0x19: {  	[tilespmem:s9], [sflag:$0x1] =	stream.indirect_vreg.gather [hbm4b:s1+s3], $0x80, v3, vm0, $0xb8;
	[tilespmem:$0x2080] =	vst v63  }
0x1a: {  	v3 =	vld [tilespmem:$0x10];
	_ =	sdelay $0x4  }
0x1b: {  	v63 =	vshll.u32 v3, $0x1  }
0x1c: {  	v3 =	vand.u32 $0x7, v3;
	v4 =	vand.u32 $0xFFFFFFF0, v63  }
0x1d: {  	v3 =	vor.u32 v3, v4  }
0x1e: {  	v4 =	vperm.xlane v3, v0;
	_ =	sdelay $0x1  }
0x1f: {  	v3 =	vperm.xlane v3, v2;
	v4 =	vadd.s32 v1, v4;
	_ =	sdelay $0x1  }
0x20: {  	v3 =	vadd.s32 v1, v3;
	_ =	sdelay $0x2  }
0x21: {  	[tilespmem:s10], [sflag:$0x1] =	stream.indirect_vreg.gather [hbm4b:s1+s3], $0x80, v4, vm0, $0xb8;
	[tilespmem:$0x2080] =	vst v63  }
0x22: {  	_ = 	snop  }
0x23: {  	[tilespmem:s11], [sflag:$0x1] =	stream.indirect_vreg.gather [hbm4b:s1+s3], $0x80, v3, vm0, $0xb8;
	[tilespmem:$0x2080] =	vst v63  }
0x24: {  	_ =	swait.ge [sflag:s12], $0x2000  }
0x25: {  	p0 =	sne.s32 s6, $0x1;
	[sflag:s12] =	ssyncset.done $0x0  }
.Ltmp0:
0x26: {  	[sflag:s12] =	ssyncadd.s32 $0xFFFFE000;
	(pc) =	sbr.rel @p0 .LBB2_1-.Ltmp0, $4  }
0x27: {  	[hbm4b:s5+s3] =	stream.linear.scatter [tilespmem:s8], [sflag:$0x2], $0x2000, $0x38;
	[tilespmem:$0x2080] =	vst v63  }
0x28: {  	_ =	swait.ge [sflag:s7], $0x2000  }
0x29: {  	[sflag:s7] =	ssyncset.done $0x0  }
0x2a: {  	s6 =	sadd.s32 $0xFFFFFFFF, s6;
	[sflag:s7] =	ssyncadd.s32 $0xFFFFE000  }
0x2b: {  	_ =	sfence.sel $0x180000  }
0x2c: {  	[bflag:$0x0] =	sbarrier.arrive $0xFFFF  }
0x2d: {  	p0 =	sne.s32 s2, $0x0;
	_ =	strace $0x9000004D  }
0x2e: {  	s0 =	sadd.s32 @!p0 $0x100000, s0;
	[bflag:$0x2] =	sbarrier.arrive $0xFFFF  }
0x2f: {  	[sflag:s0] =	ssyncadd.tile.s32 @!p0 $0x1;
	_ =	shalt  }
.Lfunc_end2:
_tile_overlayer_lowered:
.L_overlay_start_2:
0x30: {  	(tag) =	ssettag $0x2  }
0x31: {  	s0 =	rddreg [dreg:$0x0];
	s2 =	stileid.u32  }
0x32: {  	s1 =	rddreg [dreg:$0x1];
	p0 =	sne.s32 s2, $0x0  }
0x33: {  	s3 =	rddreg [dreg:$0x2];
	[bflag:$0x3] =	sbarrier.arrive $0xFFFF;
	s2 =	simm.s32 @!p0 $0x1C02  }
0x34: {  	[timem:s3], [sflag:s2] =	dma.local @!p0 [hbm:s0], s1  }
0x35: {  	s0 =	simm.s32 @!p0 $0x2  }
0x36: {  	_ =	swait.ge @!p0 [sflag:s0], s1  }
0x37: {  	s1 =	ssub.s32 @!p0 $0x0, s1;
	[sflag:s0] =	ssyncset.done @!p0 $0x0  }
0x38: {  	[sflag:s0] =	ssyncadd.s32 @!p0 s1  }
0x39: {  	[bflag:$0x3] =	sbarrier.arrive $0xFFFF  }
0x3a: {  	_ =	shalt  }

// kernel: kernel.44.cloned.1.call-start
scs
__scs_entry_jumppad:
0x0: {  	(pc) =	sbr.rel $0x88, $3  }
0x1: {  	(tag) =	ssettag $0x0;
	lr =	simm.s32 $0x1  }
0x2: {  	[smem:$0x3F9F] =	sst lr;
	_ =	strace $0xD0000000  }
0x3: {  	_ = 	snop  }
0x4: {  	_ = 	snop  }
0x5: {  	_ = 	snop  }
0x6: {  	_ = 	snop  }
0x7: {  	_ = 	snop  }
__scs_overlays_trampoline_lowered:
0x8: {  	[smem:$0x3FAE] =	sst s0  }
0x9: {  	[smem:$0x3FAF] =	sst s1  }
0xa: {  	[smem:$0x3FB0] =	sst s2  }
0xb: {  	[smem:$0x3FB1] =	sst s3  }
0xc: {  	[smem:$0x3FB2] =	sst s4  }
0xd: {  	[smem:$0x3FB3] =	sst s5  }
0xe: {  	[smem:$0x3FB4] =	sst s6  }
0xf: {  	[smem:$0x3FB5] =	sst s7  }
0x10: {  	[smem:$0x3FB6] =	sst s8  }
0x11: {  	[smem:$0x3FB7] =	sst s9;
	s0 =	simm.s32 @!p0 $0x0  }
0x12: {  	s1 =	sld [smem:$0x3F9D];
	s0 =	simm.s32 @p0 $0x1  }
0x13: {  	[smem:$0x3FB8] =	sst s0;
	s0 =	simm.s32 @!p1 $0x0  }
0x14: {  	s2 =	sld [smem:$0x3F9C];
	s0 =	simm.s32 @p1 $0x1  }
0x15: {  	[smem:$0x3FB9] =	sst s0;
	s0 =	simm.s32 @!p2 $0x0  }
0x16: {  	s3 =	sld [smem:$0x3FDB];
	s0 =	simm.s32 @p2 $0x1  }
0x17: {  	s4 =	simm.s32 $0x1BF5;
	[smem:$0x3FBB] =	sst s0  }
0x18: {  	s0 =	sld [smem:$0x3F9E];
	_ =	swait.ge [sflag:s4], $0x0  }
0x19: {  	s7 =	sld [smem:$0x3F9F]  }
0x1a: {  	s8 =	sadd.s32 $0xFFFFE003, lr  }
0x1b: {  	s9 =	sadd.s32 $0xFFFFFEF7, lr;
	s5 =	simm.s32 $0xFFFFFFFF;
	p2 =	slt.u32 s8, $0xFFFFF086  }
0x1c: {  	p1 =	slt.u32 s9, $0xF7A;
	s5 =	simm.s32 @!p2 $0x0  }
0x1d: {  	s5 =	simm.s32 @p1 $0x1;
	p0 =	seq.s32 s7, s2  }
0x1e: {  	s7 =	smul.u32 @!p0 $0xF7A, s2;
	p2 =	seq.s32 @!p0 s5, $0x0  }
0x1f: {  	s9 =	smul.u32 $0xF7A, s1;
	s8 =	simm.s32 @!p0 $0x1BF5;
	p2 =	por !p2, p0  }
0x20: {  	[sflag:s8] =	ssyncset.s32 @!p0 $0xFFFFF086;
	s6 =	sadd.s32 @!p0 s3, s7;
	s7 =	simm.s32 @!p0 $0x108  }
0x21: {  	s3 =	sadd.s32 s3, s9;
	s6 =	sadd.s32 @!p0 $0x88, s6;
	s7 =	simm.s32 @p2 $0x1082  }
0x22: {  	[simem:s7], [sflag:s8] =	dma.local @!p0 [hbm:s6], $0xF7A  }
0x23: {  	s9 =	sor.u32 $0xD0000000, s2;
	s6 =	simm.s32 $0x108;
	_ =	swait.ge @!p0 [sflag:s8], $0x0  }
0x24: {  	s3 =	sadd.s32 $0x88, s3;
	s6 =	simm.s32 @!p1 $0x1082;
	[sflag:s4] =	ssyncset.s32 $0xFFFFF086  }
0x25: {  	[simem:s6], [sflag:s4] =	dma.local [hbm:s3], $0xF7A  }
0x26: {  	[smem:$0x3F9F] =	sst s1;
	(tag) =	ssettag s2;
	_ =	strace s9  }
0x27: {  	s1 =	sld [smem:$0x3FAF]  }
0x28: {  	s2 =	sld [smem:$0x3FB0]  }
0x29: {  	s4 =	sld [smem:$0x3FB2]  }
0x2a: {  	p0 =	seq.s32 s5, $0x0;
	s5 =	sld [smem:$0x3FB3]  }
0x2b: {  	s6 =	sld [smem:$0x3FB4]  }
0x2c: {  	s7 =	sld [smem:$0x3FB5]  }
0x2d: {  	s3 =	simm.s32 $0x108;
	s8 =	sld [smem:$0x3FB6]  }
0x2e: {  	s3 =	simm.s32 @!p0 $0x1082;
	s9 =	sld [smem:$0x3FB7]  }
0x2f: {  	lr =	sadd.s32 s0, s3;
	s0 =	sld [smem:$0x3FAE]  }
0x30: {  	s3 =	sld [smem:$0x3FB1]  }
0x31: {  	[smem:$0x3FBA] =	sst s10  }
0x32: {  	s10 =	sld [smem:$0x3FB8];
	_ =	sdelay $0x3  }
0x33: {  	p0 =	seq.s32 s10, $0x1;
	s10 =	sld [smem:$0x3FBA];
	_ =	sdelay $0x3  }
0x34: {  	[smem:$0x3FBA] =	sst s10  }
0x35: {  	s10 =	sld [smem:$0x3FB9];
	_ =	sdelay $0x3  }
0x36: {  	p1 =	seq.s32 s10, $0x1;
	s10 =	sld [smem:$0x3FBA];
	_ =	sdelay $0x3  }
0x37: {  	[smem:$0x3FBA] =	sst s10  }
0x38: {  	s10 =	sld [smem:$0x3FBB]  }
0x39: {  	_ = 	snop;
	(pc) =	sbr.ind lr, $3  }
0x3a: {  	_ = 	snop  }
0x3b: {  	_ = 	snop  }
0x3c: {  	p2 =	seq.s32 s10, $0x1;
	s10 =	sld [smem:$0x3FBA]  }
0x3d: {  	_ =	shalt  }
0x3e: {  	_ =	shalt  }
0x3f: {  	_ =	shalt  }
0x40: {  	_ =	shalt  }
0x41: {  	_ =	shalt  }
0x42: {  	_ =	shalt  }
0x43: {  	_ =	shalt  }
0x44: {  	_ =	shalt  }
0x45: {  	_ =	shalt  }
0x46: {  	_ =	shalt  }
0x47: {  	_ =	shalt  }
0x48: {  	_ =	shalt  }
0x49: {  	_ =	shalt  }
0x4a: {  	_ =	shalt  }
0x4b: {  	_ =	shalt  }
0x4c: {  	_ =	shalt  }
0x4d: {  	_ =	shalt  }
0x4e: {  	_ =	shalt  }
0x4f: {  	_ =	shalt  }
0x50: {  	_ =	shalt  }
0x51: {  	_ =	shalt  }
0x52: {  	_ =	shalt  }
0x53: {  	_ =	shalt  }
0x54: {  	_ =	shalt  }
0x55: {  	_ =	shalt  }
0x56: {  	_ =	shalt  }
0x57: {  	_ =	shalt  }
0x58: {  	_ =	shalt  }
0x59: {  	_ =	shalt  }
0x5a: {  	_ =	shalt  }
0x5b: {  	_ =	shalt  }
0x5c: {  	_ =	shalt  }
0x5d: {  	_ =	shalt  }
0x5e: {  	_ =	shalt  }
0x5f: {  	_ =	shalt  }
0x60: {  	_ =	shalt  }
0x61: {  	_ =	shalt  }
0x62: {  	_ =	shalt  }
0x63: {  	_ =	shalt  }
0x64: {  	_ =	shalt  }
0x65: {  	_ =	shalt  }
0x66: {  	_ =	shalt  }
0x67: {  	_ =	shalt  }
0x68: {  	_ =	shalt  }
0x69: {  	_ =	shalt  }
0x6a: {  	_ =	shalt  }
0x6b: {  	_ =	shalt  }
0x6c: {  	_ =	shalt  }
0x6d: {  	_ =	shalt  }
0x6e: {  	_ =	shalt  }
0x6f: {  	_ =	shalt  }
0x70: {  	_ =	shalt  }
0x71: {  	_ =	shalt  }
0x72: {  	_ =	shalt  }
0x73: {  	_ =	shalt  }
0x74: {  	_ =	shalt  }
0x75: {  	_ =	shalt  }
0x76: {  	_ =	shalt  }
0x77: {  	_ =	shalt  }
0x78: {  	_ =	shalt  }
0x79: {  	_ =	shalt  }
0x7a: {  	_ =	shalt  }
0x7b: {  	_ =	shalt  }
0x7c: {  	_ =	shalt  }
0x7d: {  	_ =	shalt  }
0x7e: {  	_ =	shalt  }
0x7f: {  	_ =	shalt  }
0x80: {  	_ =	shalt  }
0x81: {  	_ =	shalt  }
0x82: {  	_ =	shalt  }
0x83: {  	_ =	shalt  }
0x84: {  	_ =	shalt  }
0x85: {  	_ =	shalt  }
0x86: {  	_ =	shalt  }
0x87: {  	_ =	shalt  }
.Lfunc_end0:
.L_simem_size_0:
called_computation.3_lowered:
.L_overlay_start_0:
0x88: {  	s2 =	sld [smem:$0x3FD9]  }
0x89: {  	s3 =	sld [smem:$0x3FFE];
	_ =	sdelay $0x1  }
0x8a: {  	s1 =	srdreg.scid  }
0x8b: {  	s0 =	sand.u32 $0x1, s1  }
0x8c: {  	s14 =	sshll.u32 s0, $0xA;
	s2 =	sadd.s32 s3, s2  }
0x8d: {  	s2 =	sadd.s32 s2, s14  }
0x8e: {  	[smem:$0x3FC6] =	sst s2  }
0x8f: {  	_ = 	snop  }
0x90: {  	s2 =	sld [smem:$0x3FD0];
	_ =	sdelay $0x2  }
0x91: {  	s4 =	simm.s32 $0xA;
	s5 =	simm.s32 $0x10;
	s15 =	sld [smem:$0x3FC8]  }
0x92: {  	[smem:s5], [sflag:s4] =	dma.local [hbm:s2], $0x1  }
0x93: {  	_ =	swait.eq [sflag:s4], $0x1  }
0x94: {  	[sflag:s4] =	ssyncset.done $0x0  }
0x95: {  	[sflag:s4] =	ssyncadd.s32 $0xFFFFFFFF  }
0x96: {  	s16 =	sld [smem:$0x11];
	(tm) =	ssettm $0x1  }
0x97: {  	s17 =	sld [smem:$0x3FFB];
	_ =	sdelay $0x3  }
0x98: {  	_ =	strace s17  }
0x99: {  	s4 =	sld [smem:$0x3FFC];
	_ =	sdelay $0x3  }
0x9a: {  	_ =	strace s4  }
0x9b: {  	s4 =	sld [smem:$0x3FFD];
	_ =	sdelay $0x3  }
0x9c: {  	_ =	strace s4  }
0x9d: {  	_ =	strace $0x8FFFFFFF  }
0x9e: {  	s18 =	sld [smem:$0x3FDB];
	_ =	sdelay $0x1  }
0x9f: {  	s19 =	simm.s32 $_scs_section_size  }
0xa0: {  	s6 =	simm.s32 $_size__tile_overlayer_lowered;
	s7 =	simm.s32 $_tile_overlayer_lowered  }
0xa1: {  	s22 =	simm.s32 $0x1BFF;
	s21 =	sshll.u32 s7, $0x1;
	s4 =	sadd.s32 s19, s18  }
0xa2: {  	s8 =	simm.s32 $0x0;
	s20 =	sshll.u32 s6, $0x1;
	s6 =	sadd.s32 s21, s4  }
0xa3: {  	[timem:s8], [sflag:s22] =	dma.local [hbm:s6], s20  }
0xa4: {  	_ =	swait.ge [sflag:s22], s20  }
0xa5: {  	s5 =	ssub.s32 $0x0, s20;
	[sflag:s22] =	ssyncset.done $0x0  }
0xa6: {  	[sflag:s22] =	ssyncadd.s32 s5;
	_ =	sdelay $0x1  }
0xa7: {  	s23 =	simm.s32 $0x1B8B  }
0xa8: {  	_ =	swait.ge [sflag:s23], $0x1  }
0xa9: {  	[sflag:s23] =	ssyncset.done $0x0  }
0xaa: {  	s25 =	simm.s32 $0x1B8E;
	s24 =	sld [smem:$0x3FFE];
	[sflag:s23] =	ssyncadd.s32 $0xFFFFFFFF  }
0xab: {  	s26 =	simm.s32 $execute0_lowered;
	[smem:$0x3FD2] =	sst s25  }
0xac: {  	s6 =	sshll.u32 s26, $0x1;
	_ =	strace $0x8000004F;
	[dreg:$0x1] =	wrdreg $0xFFFFFFFF  }
0xad: {  	s28 =	simm.s32 $_size_execute0_lowered;
	s4 =	sadd.s32 s4, s6;
	[dreg:$0x0] =	wrdreg $0x0  }
0xae: {  	s6 =	sshll.u32 s28, $0x1;
	[dreg:$0x2] =	wrdreg s4  }
0xaf: {  	[dreg:$0x3] =	wrdreg s6  }
0xb0: {  	[dreg:$0x4] =	wrdreg $0xC0  }
0xb1: {  	_ =	task [dreg:s8], $0x5FFFF  }
0xb2: {  	[dreg:$0x1] =	wrdreg $0xFFFFFFFF  }
0xb3: {  	[dreg:$0x0] =	wrdreg $0x60  }
0xb4: {  	[dreg:$0x2] =	wrdreg s15  }
0xb5: {  	[dreg:$0x3] =	wrdreg s24  }
0xb6: {  	[dreg:$0x4] =	wrdreg s16  }
0xb7: {  	[dreg:$0x5] =	wrdreg $0x9  }
0xb8: {  	_ =	task.clear_ibuf [dreg:s8], $0x6FFFF;
	_ =	strace $0x9000004F  }
0xb9: {  	s29 =	simm.s32 $0x9;
	_ =	strace $0x80000051  }
0xba: {  	_ =	swait.ge [sflag:s29], $0x1  }
0xbb: {  	[sflag:s29] =	ssyncadd.s32 $0xFFFFFFFF  }
0xbc: {  	_ =	strace $0x90000051  }
0xbd: {  	_ =	sfence  }
0xbe: {  	s30 =	sld [smem:$0x0];
	_ =	sdelay $0x2  }
0xbf: {  	s31 =	sshll.u32 s1, $0xD;
	s1 =	sshrl.u32 s1, $0x2  }
0xc0: {  	s3 =	sand.u32 $0x4000, s31;
	s1 =	sadd.s32 s1, s30  }
0xc1: {  	s0 =	sor.u32 s3, s0;
	s1 =	sshll.u32 s1, $0x11  }
0xc2: {  	s0 =	sor.u32 s1, s0  }
0xc3: {  	s0 =	sadd.s32 $0x8F2B, s0  }
0xc4: {  	[sflag:s0] =	ssyncadd.remote.s32 $0x1  }
0xc5: {  	_ =	sfence.sel $0xFFFF  }
0xc6: {  	[dreg:$0x0] =	wrdreg $0xFFFFFFFF;
	(pc) =	sbr.abs _section_cstart, $3  }
0xc7: {  	[dreg:$0x1] =	wrdreg $0xFFFFFFFF  }
0xc8: {  	_ =	task.clear_ibuf [dreg:s8], $0x2FFFF;
	_ =	strace $0x9FFFFFFF  }
0xc9: {  	(tm) =	ssettm $0x7FFFFFFF  }
tec
execute0_lowered:
.L_overlay_start_1:
0x0: {  	(tag) =	ssettag $0x1  }
0x1: {  	s1 =	rddreg [dreg:$0x0]  }
0x2: {  	s4 =	rddreg [dreg:$0x1]  }
0x3: {  	s5 =	rddreg [dreg:$0x2];
	s3 =	srdreg.scid  }
0x4: {  	s0 =	rddreg [dreg:$0x3];
	s2 =	stileid.u32;
	s10 =	simm.s32 $0x1080  }
0x5: {  	s11 =	simm.s32 $0x1880;
	s12 =	simm.s32 $0x1;
	s6 =	sand.u32 $0x1, s3  }
0x6: {  	s3 =	simm.s32 $0x0;
	s7 =	sshll.u32 s2, $0x6;
	s8 =	sshll.u32 s6, $0x5  }
0x7: {  	[smem:$0x7FF] =	sst s3;
	s6 =	ssub.s32 $0x2, s6;
	s7 =	sor.u32 s8, s7  }
0x8: {  	_ =	strace $0x80000050;
	s9 =	sshrl.u32 s6, $0x1;
	s8 =	sshrl.u32 s7, $0x3  }
0x9: {  	v2 =	vlaneseq.u32;
	s6 =	ssub.s32 s6, s9;
	s7 =	sshll.u32 s7, $0x5;
	s9 =	simm.s32 $0x880  }
0xa: {  	vm0 =	vmmov $0xffff;
	v1 =	vshrl.u32 v2, $0x3;
	s4 =	sadd.s32 s8, s4;
	s5 =	sadd.s32 s5, s7;
	s6 =	smax.u32 s6, $0x1  }
0xb: {  	v0 =	vand.u32 $0x7, v2;
	v2 =	vor.u32 $0x8, v2;
	v1 =	vmul.u32 $0x8, v1;
	s7 =	simm.s32 $0x2;
	s8 =	simm.s32 $0x80;
	s4 =	sadd.s32 $0xC800, s4  }
.LBB2_1:
0xc: {  	[tilespmem:s3], [sflag:$0x2] =	stream.linear.gather [hbm4b:s4+s3], $0x20, $0x38;
	[tilespmem:$0x2080] =	vst v63  }
0xd: {  	_ =	swait.ge [sflag:s7], $0x20  }
0xe: {  	[sflag:s7] =	ssyncset.done $0x0  }
0xf: {  	[sflag:s7] =	ssyncadd.s32 $0xFFFFFFE0  }
0x10: {  	v3 =	vld [tilespmem:$0x0];
	_ =	sdelay $0x4  }
0x11: {  	v4 =	vshll.u32 v3, $0x1  }
0x12: {  	v3 =	vand.u32 $0x7, v3;
	v4 =	vand.u32 $0xFFFFFFF0, v4  }
0x13: {  	v3 =	vor.u32 v3, v4  }
0x14: {  	v4 =	vperm.xlane v3, v0;
	_ =	sdelay $0x1  }
0x15: {  	v3 =	vperm.xlane v3, v2;
	v4 =	vadd.s32 v1, v4;
	_ =	sdelay $0x1  }
0x16: {  	v3 =	vadd.s32 v1, v3;
	_ =	sdelay $0x2  }
0x17: {  	[tilespmem:s8], [sflag:$0x1] =	stream.indirect_vreg.gather [hbm4b:s1+s3], $0x80, v4, vm0, $0xb8;
	[tilespmem:$0x2080] =	vst v63  }
0x18: {  	_ = 	snop  }
0x19: {  	[tilespmem:s9], [sflag:$0x1] =	stream.indirect_vreg.gather [hbm4b:s1+s3], $0x80, v3, vm0, $0xb8;
	[tilespmem:$0x2080] =	vst v63  }
0x1a: {  	v3 =	vld [tilespmem:$0x10];
	_ =	sdelay $0x4  }
0x1b: {  	v63 =	vshll.u32 v3, $0x1  }
0x1c: {  	v3 =	vand.u32 $0x7, v3;
	v4 =	vand.u32 $0xFFFFFFF0, v63  }
0x1d: {  	v3 =	vor.u32 v3, v4  }
0x1e: {  	v4 =	vperm.xlane v3, v0;
	_ =	sdelay $0x1  }
0x1f: {  	v3 =	vperm.xlane v3, v2;
	v4 =	vadd.s32 v1, v4;
	_ =	sdelay $0x1  }
0x20: {  	v3 =	vadd.s32 v1, v3;
	_ =	sdelay $0x2  }
0x21: {  	[tilespmem:s10], [sflag:$0x1] =	stream.indirect_vreg.gather [hbm4b:s1+s3], $0x80, v4, vm0, $0xb8;
	[tilespmem:$0x2080] =	vst v63  }
0x22: {  	_ = 	snop  }
0x23: {  	[tilespmem:s11], [sflag:$0x1] =	stream.indirect_vreg.gather [hbm4b:s1+s3], $0x80, v3, vm0, $0xb8;
	[tilespmem:$0x2080] =	vst v63  }
0x24: {  	_ =	swait.ge [sflag:s12], $0x2000  }
0x25: {  	p0 =	sne.s32 s6, $0x1;
	[sflag:s12] =	ssyncset.done $0x0  }
.Ltmp0:
0x26: {  	[sflag:s12] =	ssyncadd.s32 $0xFFFFE000;
	(pc) =	sbr.rel @p0 .LBB2_1-.Ltmp0, $4  }
0x27: {  	[hbm4b:s5+s3] =	stream.linear.scatter [tilespmem:s8], [sflag:$0x2], $0x2000, $0x38;
	[tilespmem:$0x2080] =	vst v63  }
0x28: {  	_ =	swait.ge [sflag:s7], $0x2000  }
0x29: {  	[sflag:s7] =	ssyncset.done $0x0  }
0x2a: {  	s6 =	sadd.s32 $0xFFFFFFFF, s6;
	[sflag:s7] =	ssyncadd.s32 $0xFFFFE000  }
0x2b: {  	_ =	sfence.sel $0x180000  }
0x2c: {  	[bflag:$0x0] =	sbarrier.arrive $0xFFFF  }
0x2d: {  	p0 =	sne.s32 s2, $0x0;
	_ =	strace $0x90000050  }
0x2e: {  	s0 =	sadd.s32 @!p0 $0x100000, s0;
	[bflag:$0x2] =	sbarrier.arrive $0xFFFF  }
0x2f: {  	[sflag:s0] =	ssyncadd.tile.s32 @!p0 $0x1;
	_ =	shalt  }
.Lfunc_end2:
_tile_overlayer_lowered:
.L_overlay_start_2:
0x30: {  	(tag) =	ssettag $0x2  }
0x31: {  	s0 =	rddreg [dreg:$0x0];
	s2 =	stileid.u32  }
0x32: {  	s1 =	rddreg [dreg:$0x1];
	p0 =	sne.s32 s2, $0x0  }
0x33: {  	s3 =	rddreg [dreg:$0x2];
	[bflag:$0x3] =	sbarrier.arrive $0xFFFF;
	s2 =	simm.s32 @!p0 $0x1C02  }
0x34: {  	[timem:s3], [sflag:s2] =	dma.local @!p0 [hbm:s0], s1  }
0x35: {  	s0 =	simm.s32 @!p0 $0x2  }
0x36: {  	_ =	swait.ge @!p0 [sflag:s0], s1  }
0x37: {  	s1 =	ssub.s32 @!p0 $0x0, s1;
	[sflag:s0] =	ssyncset.done @!p0 $0x0  }
0x38: {  	[sflag:s0] =	ssyncadd.s32 @!p0 s1  }
0x39: {  	[bflag:$0x3] =	sbarrier.arrive $0xFFFF  }
0x3a: {  	_ =	shalt  }

// kernel: kernel.47.cloned.1.call-start
scs
__scs_entry_jumppad:
0x0: {  	(pc) =	sbr.rel $0x88, $3  }
0x1: {  	(tag) =	ssettag $0x0;
	lr =	simm.s32 $0x1  }
0x2: {  	[smem:$0x3F9F] =	sst lr;
	_ =	strace $0xD0000000  }
0x3: {  	_ = 	snop  }
0x4: {  	_ = 	snop  }
0x5: {  	_ = 	snop  }
0x6: {  	_ = 	snop  }
0x7: {  	_ = 	snop  }
__scs_overlays_trampoline_lowered:
0x8: {  	[smem:$0x3FAE] =	sst s0  }
0x9: {  	[smem:$0x3FAF] =	sst s1  }
0xa: {  	[smem:$0x3FB0] =	sst s2  }
0xb: {  	[smem:$0x3FB1] =	sst s3  }
0xc: {  	[smem:$0x3FB2] =	sst s4  }
0xd: {  	[smem:$0x3FB3] =	sst s5  }
0xe: {  	[smem:$0x3FB4] =	sst s6  }
0xf: {  	[smem:$0x3FB5] =	sst s7  }
0x10: {  	[smem:$0x3FB6] =	sst s8  }
0x11: {  	[smem:$0x3FB7] =	sst s9;
	s0 =	simm.s32 @!p0 $0x0  }
0x12: {  	s1 =	sld [smem:$0x3F9D];
	s0 =	simm.s32 @p0 $0x1  }
0x13: {  	[smem:$0x3FB8] =	sst s0;
	s0 =	simm.s32 @!p1 $0x0  }
0x14: {  	s2 =	sld [smem:$0x3F9C];
	s0 =	simm.s32 @p1 $0x1  }
0x15: {  	[smem:$0x3FB9] =	sst s0;
	s0 =	simm.s32 @!p2 $0x0  }
0x16: {  	s3 =	sld [smem:$0x3FDB];
	s0 =	simm.s32 @p2 $0x1  }
0x17: {  	s4 =	simm.s32 $0x1BF5;
	[smem:$0x3FBB] =	sst s0  }
0x18: {  	s0 =	sld [smem:$0x3F9E];
	_ =	swait.ge [sflag:s4], $0x0  }
0x19: {  	s7 =	sld [smem:$0x3F9F]  }
0x1a: {  	s8 =	sadd.s32 $0xFFFFE003, lr  }
0x1b: {  	s9 =	sadd.s32 $0xFFFFFEF7, lr;
	s5 =	simm.s32 $0xFFFFFFFF;
	p2 =	slt.u32 s8, $0xFFFFF086  }
0x1c: {  	p1 =	slt.u32 s9, $0xF7A;
	s5 =	simm.s32 @!p2 $0x0  }
0x1d: {  	s5 =	simm.s32 @p1 $0x1;
	p0 =	seq.s32 s7, s2  }
0x1e: {  	s7 =	smul.u32 @!p0 $0xF7A, s2;
	p2 =	seq.s32 @!p0 s5, $0x0  }
0x1f: {  	s9 =	smul.u32 $0xF7A, s1;
	s8 =	simm.s32 @!p0 $0x1BF5;
	p2 =	por !p2, p0  }
0x20: {  	[sflag:s8] =	ssyncset.s32 @!p0 $0xFFFFF086;
	s6 =	sadd.s32 @!p0 s3, s7;
	s7 =	simm.s32 @!p0 $0x108  }
0x21: {  	s3 =	sadd.s32 s3, s9;
	s6 =	sadd.s32 @!p0 $0x88, s6;
	s7 =	simm.s32 @p2 $0x1082  }
0x22: {  	[simem:s7], [sflag:s8] =	dma.local @!p0 [hbm:s6], $0xF7A  }
0x23: {  	s9 =	sor.u32 $0xD0000000, s2;
	s6 =	simm.s32 $0x108;
	_ =	swait.ge @!p0 [sflag:s8], $0x0  }
0x24: {  	s3 =	sadd.s32 $0x88, s3;
	s6 =	simm.s32 @!p1 $0x1082;
	[sflag:s4] =	ssyncset.s32 $0xFFFFF086  }
0x25: {  	[simem:s6], [sflag:s4] =	dma.local [hbm:s3], $0xF7A  }
0x26: {  	[smem:$0x3F9F] =	sst s1;
	(tag) =	ssettag s2;
	_ =	strace s9  }
0x27: {  	s1 =	sld [smem:$0x3FAF]  }
0x28: {  	s2 =	sld [smem:$0x3FB0]  }
0x29: {  	s4 =	sld [smem:$0x3FB2]  }
0x2a: {  	p0 =	seq.s32 s5, $0x0;
	s5 =	sld [smem:$0x3FB3]  }
0x2b: {  	s6 =	sld [smem:$0x3FB4]  }
0x2c: {  	s7 =	sld [smem:$0x3FB5]  }
0x2d: {  	s3 =	simm.s32 $0x108;
	s8 =	sld [smem:$0x3FB6]  }
0x2e: {  	s3 =	simm.s32 @!p0 $0x1082;
	s9 =	sld [smem:$0x3FB7]  }
0x2f: {  	lr =	sadd.s32 s0, s3;
	s0 =	sld [smem:$0x3FAE]  }
0x30: {  	s3 =	sld [smem:$0x3FB1]  }
0x31: {  	[smem:$0x3FBA] =	sst s10  }
0x32: {  	s10 =	sld [smem:$0x3FB8];
	_ =	sdelay $0x3  }
0x33: {  	p0 =	seq.s32 s10, $0x1;
	s10 =	sld [smem:$0x3FBA];
	_ =	sdelay $0x3  }
0x34: {  	[smem:$0x3FBA] =	sst s10  }
0x35: {  	s10 =	sld [smem:$0x3FB9];
	_ =	sdelay $0x3  }
0x36: {  	p1 =	seq.s32 s10, $0x1;
	s10 =	sld [smem:$0x3FBA];
	_ =	sdelay $0x3  }
0x37: {  	[smem:$0x3FBA] =	sst s10  }
0x38: {  	s10 =	sld [smem:$0x3FBB]  }
0x39: {  	_ = 	snop;
	(pc) =	sbr.ind lr, $3  }
0x3a: {  	_ = 	snop  }
0x3b: {  	_ = 	snop  }
0x3c: {  	p2 =	seq.s32 s10, $0x1;
	s10 =	sld [smem:$0x3FBA]  }
0x3d: {  	_ =	shalt  }
0x3e: {  	_ =	shalt  }
0x3f: {  	_ =	shalt  }
0x40: {  	_ =	shalt  }
0x41: {  	_ =	shalt  }
0x42: {  	_ =	shalt  }
0x43: {  	_ =	shalt  }
0x44: {  	_ =	shalt  }
0x45: {  	_ =	shalt  }
0x46: {  	_ =	shalt  }
0x47: {  	_ =	shalt  }
0x48: {  	_ =	shalt  }
0x49: {  	_ =	shalt  }
0x4a: {  	_ =	shalt  }
0x4b: {  	_ =	shalt  }
0x4c: {  	_ =	shalt  }
0x4d: {  	_ =	shalt  }
0x4e: {  	_ =	shalt  }
0x4f: {  	_ =	shalt  }
0x50: {  	_ =	shalt  }
0x51: {  	_ =	shalt  }
0x52: {  	_ =	shalt  }
0x53: {  	_ =	shalt  }
0x54: {  	_ =	shalt  }
0x55: {  	_ =	shalt  }
0x56: {  	_ =	shalt  }
0x57: {  	_ =	shalt  }
0x58: {  	_ =	shalt  }
0x59: {  	_ =	shalt  }
0x5a: {  	_ =	shalt  }
0x5b: {  	_ =	shalt  }
0x5c: {  	_ =	shalt  }
0x5d: {  	_ =	shalt  }
0x5e: {  	_ =	shalt  }
0x5f: {  	_ =	shalt  }
0x60: {  	_ =	shalt  }
0x61: {  	_ =	shalt  }
0x62: {  	_ =	shalt  }
0x63: {  	_ =	shalt  }
0x64: {  	_ =	shalt  }
0x65: {  	_ =	shalt  }
0x66: {  	_ =	shalt  }
0x67: {  	_ =	shalt  }
0x68: {  	_ =	shalt  }
0x69: {  	_ =	shalt  }
0x6a: {  	_ =	shalt  }
0x6b: {  	_ =	shalt  }
0x6c: {  	_ =	shalt  }
0x6d: {  	_ =	shalt  }
0x6e: {  	_ =	shalt  }
0x6f: {  	_ =	shalt  }
0x70: {  	_ =	shalt  }
0x71: {  	_ =	shalt  }
0x72: {  	_ =	shalt  }
0x73: {  	_ =	shalt  }
0x74: {  	_ =	shalt  }
0x75: {  	_ =	shalt  }
0x76: {  	_ =	shalt  }
0x77: {  	_ =	shalt  }
0x78: {  	_ =	shalt  }
0x79: {  	_ =	shalt  }
0x7a: {  	_ =	shalt  }
0x7b: {  	_ =	shalt  }
0x7c: {  	_ =	shalt  }
0x7d: {  	_ =	shalt  }
0x7e: {  	_ =	shalt  }
0x7f: {  	_ =	shalt  }
0x80: {  	_ =	shalt  }
0x81: {  	_ =	shalt  }
0x82: {  	_ =	shalt  }
0x83: {  	_ =	shalt  }
0x84: {  	_ =	shalt  }
0x85: {  	_ =	shalt  }
0x86: {  	_ =	shalt  }
0x87: {  	_ =	shalt  }
.Lfunc_end0:
.L_simem_size_0:
called_computation.4_lowered:
.L_overlay_start_0:
0x88: {  	s2 =	sld [smem:$0x3FD9]  }
0x89: {  	s3 =	sld [smem:$0x3FFE];
	_ =	sdelay $0x1  }
0x8a: {  	s1 =	srdreg.scid  }
0x8b: {  	s0 =	sand.u32 $0x1, s1  }
0x8c: {  	s14 =	sshll.u32 s0, $0xA;
	s2 =	sadd.s32 s3, s2  }
0x8d: {  	s2 =	sadd.s32 s2, s14  }
0x8e: {  	[smem:$0x3FC6] =	sst s2  }
0x8f: {  	_ = 	snop  }
0x90: {  	s2 =	sld [smem:$0x3FD0];
	_ =	sdelay $0x2  }
0x91: {  	s4 =	simm.s32 $0xA;
	s5 =	simm.s32 $0x10;
	s15 =	sld [smem:$0x3FC8]  }
0x92: {  	[smem:s5], [sflag:s4] =	dma.local [hbm:s2], $0x1  }
0x93: {  	_ =	swait.eq [sflag:s4], $0x1  }
0x94: {  	[sflag:s4] =	ssyncset.done $0x0  }
0x95: {  	[sflag:s4] =	ssyncadd.s32 $0xFFFFFFFF  }
0x96: {  	s16 =	sld [smem:$0x11];
	(tm) =	ssettm $0x1  }
0x97: {  	s17 =	sld [smem:$0x3FFB];
	_ =	sdelay $0x3  }
0x98: {  	_ =	strace s17  }
0x99: {  	s4 =	sld [smem:$0x3FFC];
	_ =	sdelay $0x3  }
0x9a: {  	_ =	strace s4  }
0x9b: {  	s4 =	sld [smem:$0x3FFD];
	_ =	sdelay $0x3  }
0x9c: {  	_ =	strace s4  }
0x9d: {  	_ =	strace $0x8FFFFFFF  }
0x9e: {  	s18 =	sld [smem:$0x3FDB];
	_ =	sdelay $0x1  }
0x9f: {  	s19 =	simm.s32 $_scs_section_size  }
0xa0: {  	s6 =	simm.s32 $_size__tile_overlayer_lowered;
	s7 =	simm.s32 $_tile_overlayer_lowered  }
0xa1: {  	s22 =	simm.s32 $0x1BFF;
	s21 =	sshll.u32 s7, $0x1;
	s4 =	sadd.s32 s19, s18  }
0xa2: {  	s8 =	simm.s32 $0x0;
	s20 =	sshll.u32 s6, $0x1;
	s6 =	sadd.s32 s21, s4  }
0xa3: {  	[timem:s8], [sflag:s22] =	dma.local [hbm:s6], s20  }
0xa4: {  	_ =	swait.ge [sflag:s22], s20  }
0xa5: {  	s5 =	ssub.s32 $0x0, s20;
	[sflag:s22] =	ssyncset.done $0x0  }
0xa6: {  	[sflag:s22] =	ssyncadd.s32 s5;
	_ =	sdelay $0x1  }
0xa7: {  	s23 =	simm.s32 $0x1B8B  }
0xa8: {  	_ =	swait.ge [sflag:s23], $0x1  }
0xa9: {  	[sflag:s23] =	ssyncset.done $0x0  }
0xaa: {  	s25 =	simm.s32 $0x1B8E;
	s24 =	sld [smem:$0x3FFE];
	[sflag:s23] =	ssyncadd.s32 $0xFFFFFFFF  }
0xab: {  	s26 =	simm.s32 $execute0_lowered;
	[smem:$0x3FD2] =	sst s25  }
0xac: {  	s6 =	sshll.u32 s26, $0x1;
	_ =	strace $0x80000052;
	[dreg:$0x1] =	wrdreg $0xFFFFFFFF  }
0xad: {  	s28 =	simm.s32 $_size_execute0_lowered;
	s4 =	sadd.s32 s4, s6;
	[dreg:$0x0] =	wrdreg $0x0  }
0xae: {  	s6 =	sshll.u32 s28, $0x1;
	[dreg:$0x2] =	wrdreg s4  }
0xaf: {  	[dreg:$0x3] =	wrdreg s6  }
0xb0: {  	[dreg:$0x4] =	wrdreg $0xC0  }
0xb1: {  	_ =	task [dreg:s8], $0x5FFFF  }
0xb2: {  	[dreg:$0x1] =	wrdreg $0xFFFFFFFF  }
0xb3: {  	[dreg:$0x0] =	wrdreg $0x60  }
0xb4: {  	[dreg:$0x2] =	wrdreg s15  }
0xb5: {  	[dreg:$0x3] =	wrdreg s24  }
0xb6: {  	[dreg:$0x4] =	wrdreg s16  }
0xb7: {  	[dreg:$0x5] =	wrdreg $0x9  }
0xb8: {  	_ =	task.clear_ibuf [dreg:s8], $0x6FFFF;
	_ =	strace $0x90000052  }
0xb9: {  	s29 =	simm.s32 $0x9;
	_ =	strace $0x80000054  }
0xba: {  	_ =	swait.ge [sflag:s29], $0x1  }
0xbb: {  	[sflag:s29] =	ssyncadd.s32 $0xFFFFFFFF  }
0xbc: {  	_ =	strace $0x90000054  }
0xbd: {  	_ =	sfence  }
0xbe: {  	s30 =	sld [smem:$0x0];
	_ =	sdelay $0x2  }
0xbf: {  	s31 =	sshll.u32 s1, $0xD;
	s1 =	sshrl.u32 s1, $0x2  }
0xc0: {  	s3 =	sand.u32 $0x4000, s31;
	s1 =	sadd.s32 s1, s30  }
0xc1: {  	s0 =	sor.u32 s3, s0;
	s1 =	sshll.u32 s1, $0x11  }
0xc2: {  	s0 =	sor.u32 s1, s0  }
0xc3: {  	s0 =	sadd.s32 $0x8F2B, s0  }
0xc4: {  	[sflag:s0] =	ssyncadd.remote.s32 $0x1  }
0xc5: {  	_ =	sfence.sel $0xFFFF  }
0xc6: {  	[dreg:$0x0] =	wrdreg $0xFFFFFFFF;
	(pc) =	sbr.abs _section_cstart, $3  }
0xc7: {  	[dreg:$0x1] =	wrdreg $0xFFFFFFFF  }
0xc8: {  	_ =	task.clear_ibuf [dreg:s8], $0x2FFFF;
	_ =	strace $0x9FFFFFFF  }
0xc9: {  	(tm) =	ssettm $0x7FFFFFFF  }
tec
execute0_lowered:
.L_overlay_start_1:
0x0: {  	(tag) =	ssettag $0x1  }
0x1: {  	s1 =	rddreg [dreg:$0x0]  }
0x2: {  	s4 =	rddreg [dreg:$0x1]  }
0x3: {  	s5 =	rddreg [dreg:$0x2];
	s3 =	srdreg.scid  }
0x4: {  	s0 =	rddreg [dreg:$0x3];
	s2 =	stileid.u32;
	s10 =	simm.s32 $0x1080  }
0x5: {  	s11 =	simm.s32 $0x1880;
	s12 =	simm.s32 $0x1;
	s6 =	sand.u32 $0x1, s3  }
0x6: {  	s3 =	simm.s32 $0x0;
	s7 =	sshll.u32 s2, $0x6;
	s8 =	sshll.u32 s6, $0x5  }
0x7: {  	[smem:$0x7FF] =	sst s3;
	s6 =	ssub.s32 $0x2, s6;
	s7 =	sor.u32 s8, s7  }
0x8: {  	_ =	strace $0x80000053;
	s9 =	sshrl.u32 s6, $0x1;
	s8 =	sshrl.u32 s7, $0x3  }
0x9: {  	v2 =	vlaneseq.u32;
	s6 =	ssub.s32 s6, s9;
	s7 =	sshll.u32 s7, $0x5;
	s9 =	simm.s32 $0x880  }
0xa: {  	vm0 =	vmmov $0xffff;
	v1 =	vshrl.u32 v2, $0x3;
	s4 =	sadd.s32 s8, s4;
	s5 =	sadd.s32 s5, s7;
	s6 =	smax.u32 s6, $0x1  }
0xb: {  	v0 =	vand.u32 $0x7, v2;
	v2 =	vor.u32 $0x8, v2;
	v1 =	vmul.u32 $0x8, v1;
	s7 =	simm.s32 $0x2;
	s8 =	simm.s32 $0x80;
	s4 =	sadd.s32 $0xC800, s4  }
.LBB2_1:
0xc: {  	[tilespmem:s3], [sflag:$0x2] =	stream.linear.gather [hbm4b:s4+s3], $0x20, $0x38;
	[tilespmem:$0x2080] =	vst v63  }
0xd: {  	_ =	swait.ge [sflag:s7], $0x20  }
0xe: {  	[sflag:s7] =	ssyncset.done $0x0  }
0xf: {  	[sflag:s7] =	ssyncadd.s32 $0xFFFFFFE0  }
0x10: {  	v3 =	vld [tilespmem:$0x0];
	_ =	sdelay $0x4  }
0x11: {  	v4 =	vshll.u32 v3, $0x1  }
0x12: {  	v3 =	vand.u32 $0x7, v3;
	v4 =	vand.u32 $0xFFFFFFF0, v4  }
0x13: {  	v3 =	vor.u32 v3, v4  }
0x14: {  	v4 =	vperm.xlane v3, v0;
	_ =	sdelay $0x1  }
0x15: {  	v3 =	vperm.xlane v3, v2;
	v4 =	vadd.s32 v1, v4;
	_ =	sdelay $0x1  }
0x16: {  	v3 =	vadd.s32 v1, v3;
	_ =	sdelay $0x2  }
0x17: {  	[tilespmem:s8], [sflag:$0x1] =	stream.indirect_vreg.gather [hbm4b:s1+s3], $0x80, v4, vm0, $0xb8;
	[tilespmem:$0x2080] =	vst v63  }
0x18: {  	_ = 	snop  }
0x19: {  	[tilespmem:s9], [sflag:$0x1] =	stream.indirect_vreg.gather [hbm4b:s1+s3], $0x80, v3, vm0, $0xb8;
	[tilespmem:$0x2080] =	vst v63  }
0x1a: {  	v3 =	vld [tilespmem:$0x10];
	_ =	sdelay $0x4  }
0x1b: {  	v63 =	vshll.u32 v3, $0x1  }
0x1c: {  	v3 =	vand.u32 $0x7, v3;
	v4 =	vand.u32 $0xFFFFFFF0, v63  }
0x1d: {  	v3 =	vor.u32 v3, v4  }
0x1e: {  	v4 =	vperm.xlane v3, v0;
	_ =	sdelay $0x1  }
0x1f: {  	v3 =	vperm.xlane v3, v2;
	v4 =	vadd.s32 v1, v4;
	_ =	sdelay $0x1  }
0x20: {  	v3 =	vadd.s32 v1, v3;
	_ =	sdelay $0x2  }
0x21: {  	[tilespmem:s10], [sflag:$0x1] =	stream.indirect_vreg.gather [hbm4b:s1+s3], $0x80, v4, vm0, $0xb8;
	[tilespmem:$0x2080] =	vst v63  }
0x22: {  	_ = 	snop  }
0x23: {  	[tilespmem:s11], [sflag:$0x1] =	stream.indirect_vreg.gather [hbm4b:s1+s3], $0x80, v3, vm0, $0xb8;
	[tilespmem:$0x2080] =	vst v63  }
0x24: {  	_ =	swait.ge [sflag:s12], $0x2000  }
0x25: {  	p0 =	sne.s32 s6, $0x1;
	[sflag:s12] =	ssyncset.done $0x0  }
.Ltmp0:
0x26: {  	[sflag:s12] =	ssyncadd.s32 $0xFFFFE000;
	(pc) =	sbr.rel @p0 .LBB2_1-.Ltmp0, $4  }
0x27: {  	[hbm4b:s5+s3] =	stream.linear.scatter [tilespmem:s8], [sflag:$0x2], $0x2000, $0x38;
	[tilespmem:$0x2080] =	vst v63  }
0x28: {  	_ =	swait.ge [sflag:s7], $0x2000  }
0x29: {  	[sflag:s7] =	ssyncset.done $0x0  }
0x2a: {  	s6 =	sadd.s32 $0xFFFFFFFF, s6;
	[sflag:s7] =	ssyncadd.s32 $0xFFFFE000  }
0x2b: {  	_ =	sfence.sel $0x180000  }
0x2c: {  	[bflag:$0x0] =	sbarrier.arrive $0xFFFF  }
0x2d: {  	p0 =	sne.s32 s2, $0x0;
	_ =	strace $0x90000053  }
0x2e: {  	s0 =	sadd.s32 @!p0 $0x100000, s0;
	[bflag:$0x2] =	sbarrier.arrive $0xFFFF  }
0x2f: {  	[sflag:s0] =	ssyncadd.tile.s32 @!p0 $0x1;
	_ =	shalt  }
.Lfunc_end2:
_tile_overlayer_lowered:
.L_overlay_start_2:
0x30: {  	(tag) =	ssettag $0x2  }
0x31: {  	s0 =	rddreg [dreg:$0x0];
	s2 =	stileid.u32  }
0x32: {  	s1 =	rddreg [dreg:$0x1];
	p0 =	sne.s32 s2, $0x0  }
0x33: {  	s3 =	rddreg [dreg:$0x2];
	[bflag:$0x3] =	sbarrier.arrive $0xFFFF;
	s2 =	simm.s32 @!p0 $0x1C02  }
0x34: {  	[timem:s3], [sflag:s2] =	dma.local @!p0 [hbm:s0], s1  }
0x35: {  	s0 =	simm.s32 @!p0 $0x2  }
0x36: {  	_ =	swait.ge @!p0 [sflag:s0], s1  }
0x37: {  	s1 =	ssub.s32 @!p0 $0x0, s1;
	[sflag:s0] =	ssyncset.done @!p0 $0x0  }
0x38: {  	[sflag:s0] =	ssyncadd.s32 @!p0 s1  }
0x39: {  	[bflag:$0x3] =	sbarrier.arrive $0xFFFF  }
0x3a: {  	_ =	shalt  }

// kernel: kernel.50.cloned.1.call-start
scs
__scs_entry_jumppad:
0x0: {  	(pc) =	sbr.rel $0x88, $3  }
0x1: {  	(tag) =	ssettag $0x0;
	lr =	simm.s32 $0x1  }
0x2: {  	[smem:$0x3F9F] =	sst lr;
	_ =	strace $0xD0000000  }
0x3: {  	_ = 	snop  }
0x4: {  	_ = 	snop  }
0x5: {  	_ = 	snop  }
0x6: {  	_ = 	snop  }
0x7: {  	_ = 	snop  }
__scs_overlays_trampoline_lowered:
0x8: {  	[smem:$0x3FAE] =	sst s0  }
0x9: {  	[smem:$0x3FAF] =	sst s1  }
0xa: {  	[smem:$0x3FB0] =	sst s2  }
0xb: {  	[smem:$0x3FB1] =	sst s3  }
0xc: {  	[smem:$0x3FB2] =	sst s4  }
0xd: {  	[smem:$0x3FB3] =	sst s5  }
0xe: {  	[smem:$0x3FB4] =	sst s6  }
0xf: {  	[smem:$0x3FB5] =	sst s7  }
0x10: {  	[smem:$0x3FB6] =	sst s8  }
0x11: {  	[smem:$0x3FB7] =	sst s9;
	s0 =	simm.s32 @!p0 $0x0  }
0x12: {  	s1 =	sld [smem:$0x3F9D];
	s0 =	simm.s32 @p0 $0x1  }
0x13: {  	[smem:$0x3FB8] =	sst s0;
	s0 =	simm.s32 @!p1 $0x0  }
0x14: {  	s2 =	sld [smem:$0x3F9C];
	s0 =	simm.s32 @p1 $0x1  }
0x15: {  	[smem:$0x3FB9] =	sst s0;
	s0 =	simm.s32 @!p2 $0x0  }
0x16: {  	s3 =	sld [smem:$0x3FDB];
	s0 =	simm.s32 @p2 $0x1  }
0x17: {  	s4 =	simm.s32 $0x1BF5;
	[smem:$0x3FBB] =	sst s0  }
0x18: {  	s0 =	sld [smem:$0x3F9E];
	_ =	swait.ge [sflag:s4], $0x0  }
0x19: {  	s7 =	sld [smem:$0x3F9F]  }
0x1a: {  	s8 =	sadd.s32 $0xFFFFE003, lr  }
0x1b: {  	s9 =	sadd.s32 $0xFFFFFEF7, lr;
	s5 =	simm.s32 $0xFFFFFFFF;
	p2 =	slt.u32 s8, $0xFFFFF086  }
0x1c: {  	p1 =	slt.u32 s9, $0xF7A;
	s5 =	simm.s32 @!p2 $0x0  }
0x1d: {  	s5 =	simm.s32 @p1 $0x1;
	p0 =	seq.s32 s7, s2  }
0x1e: {  	s7 =	smul.u32 @!p0 $0xF7A, s2;
	p2 =	seq.s32 @!p0 s5, $0x0  }
0x1f: {  	s9 =	smul.u32 $0xF7A, s1;
	s8 =	simm.s32 @!p0 $0x1BF5;
	p2 =	por !p2, p0  }
0x20: {  	[sflag:s8] =	ssyncset.s32 @!p0 $0xFFFFF086;
	s6 =	sadd.s32 @!p0 s3, s7;
	s7 =	simm.s32 @!p0 $0x108  }
0x21: {  	s3 =	sadd.s32 s3, s9;
	s6 =	sadd.s32 @!p0 $0x88, s6;
	s7 =	simm.s32 @p2 $0x1082  }
0x22: {  	[simem:s7], [sflag:s8] =	dma.local @!p0 [hbm:s6], $0xF7A  }
0x23: {  	s9 =	sor.u32 $0xD0000000, s2;
	s6 =	simm.s32 $0x108;
	_ =	swait.ge @!p0 [sflag:s8], $0x0  }
0x24: {  	s3 =	sadd.s32 $0x88, s3;
	s6 =	simm.s32 @!p1 $0x1082;
	[sflag:s4] =	ssyncset.s32 $0xFFFFF086  }
0x25: {  	[simem:s6], [sflag:s4] =	dma.local [hbm:s3], $0xF7A  }
0x26: {  	[smem:$0x3F9F] =	sst s1;
	(tag) =	ssettag s2;
	_ =	strace s9  }
0x27: {  	s1 =	sld [smem:$0x3FAF]  }
0x28: {  	s2 =	sld [smem:$0x3FB0]  }
0x29: {  	s4 =	sld [smem:$0x3FB2]  }
0x2a: {  	p0 =	seq.s32 s5, $0x0;
	s5 =	sld [smem:$0x3FB3]  }
0x2b: {  	s6 =	sld [smem:$0x3FB4]  }
0x2c: {  	s7 =	sld [smem:$0x3FB5]  }
0x2d: {  	s3 =	simm.s32 $0x108;
	s8 =	sld [smem:$0x3FB6]  }
0x2e: {  	s3 =	simm.s32 @!p0 $0x1082;
	s9 =	sld [smem:$0x3FB7]  }
0x2f: {  	lr =	sadd.s32 s0, s3;
	s0 =	sld [smem:$0x3FAE]  }
0x30: {  	s3 =	sld [smem:$0x3FB1]  }
0x31: {  	[smem:$0x3FBA] =	sst s10  }
0x32: {  	s10 =	sld [smem:$0x3FB8];
	_ =	sdelay $0x3  }
0x33: {  	p0 =	seq.s32 s10, $0x1;
	s10 =	sld [smem:$0x3FBA];
	_ =	sdelay $0x3  }
0x34: {  	[smem:$0x3FBA] =	sst s10  }
0x35: {  	s10 =	sld [smem:$0x3FB9];
	_ =	sdelay $0x3  }
0x36: {  	p1 =	seq.s32 s10, $0x1;
	s10 =	sld [smem:$0x3FBA];
	_ =	sdelay $0x3  }
0x37: {  	[smem:$0x3FBA] =	sst s10  }
0x38: {  	s10 =	sld [smem:$0x3FBB]  }
0x39: {  	_ = 	snop;
	(pc) =	sbr.ind lr, $3  }
0x3a: {  	_ = 	snop  }
0x3b: {  	_ = 	snop  }
0x3c: {  	p2 =	seq.s32 s10, $0x1;
	s10 =	sld [smem:$0x3FBA]  }
0x3d: {  	_ =	shalt  }
0x3e: {  	_ =	shalt  }
0x3f: {  	_ =	shalt  }
0x40: {  	_ =	shalt  }
0x41: {  	_ =	shalt  }
0x42: {  	_ =	shalt  }
0x43: {  	_ =	shalt  }
0x44: {  	_ =	shalt  }
0x45: {  	_ =	shalt  }
0x46: {  	_ =	shalt  }
0x47: {  	_ =	shalt  }
0x48: {  	_ =	shalt  }
0x49: {  	_ =	shalt  }
0x4a: {  	_ =	shalt  }
0x4b: {  	_ =	shalt  }
0x4c: {  	_ =	shalt  }
0x4d: {  	_ =	shalt  }
0x4e: {  	_ =	shalt  }
0x4f: {  	_ =	shalt  }
0x50: {  	_ =	shalt  }
0x51: {  	_ =	shalt  }
0x52: {  	_ =	shalt  }
0x53: {  	_ =	shalt  }
0x54: {  	_ =	shalt  }
0x55: {  	_ =	shalt  }
0x56: {  	_ =	shalt  }
0x57: {  	_ =	shalt  }
0x58: {  	_ =	shalt  }
0x59: {  	_ =	shalt  }
0x5a: {  	_ =	shalt  }
0x5b: {  	_ =	shalt  }
0x5c: {  	_ =	shalt  }
0x5d: {  	_ =	shalt  }
0x5e: {  	_ =	shalt  }
0x5f: {  	_ =	shalt  }
0x60: {  	_ =	shalt  }
0x61: {  	_ =	shalt  }
0x62: {  	_ =	shalt  }
0x63: {  	_ =	shalt  }
0x64: {  	_ =	shalt  }
0x65: {  	_ =	shalt  }
0x66: {  	_ =	shalt  }
0x67: {  	_ =	shalt  }
0x68: {  	_ =	shalt  }
0x69: {  	_ =	shalt  }
0x6a: {  	_ =	shalt  }
0x6b: {  	_ =	shalt  }
0x6c: {  	_ =	shalt  }
0x6d: {  	_ =	shalt  }
0x6e: {  	_ =	shalt  }
0x6f: {  	_ =	shalt  }
0x70: {  	_ =	shalt  }
0x71: {  	_ =	shalt  }
0x72: {  	_ =	shalt  }
0x73: {  	_ =	shalt  }
0x74: {  	_ =	shalt  }
0x75: {  	_ =	shalt  }
0x76: {  	_ =	shalt  }
0x77: {  	_ =	shalt  }
0x78: {  	_ =	shalt  }
0x79: {  	_ =	shalt  }
0x7a: {  	_ =	shalt  }
0x7b: {  	_ =	shalt  }
0x7c: {  	_ =	shalt  }
0x7d: {  	_ =	shalt  }
0x7e: {  	_ =	shalt  }
0x7f: {  	_ =	shalt  }
0x80: {  	_ =	shalt  }
0x81: {  	_ =	shalt  }
0x82: {  	_ =	shalt  }
0x83: {  	_ =	shalt  }
0x84: {  	_ =	shalt  }
0x85: {  	_ =	shalt  }
0x86: {  	_ =	shalt  }
0x87: {  	_ =	shalt  }
.Lfunc_end0:
.L_simem_size_0:
called_computation.5_lowered:
.L_overlay_start_0:
0x88: {  	s2 =	sld [smem:$0x3FD9]  }
0x89: {  	s3 =	sld [smem:$0x3FFE];
	_ =	sdelay $0x1  }
0x8a: {  	s1 =	srdreg.scid  }
0x8b: {  	s0 =	sand.u32 $0x1, s1  }
0x8c: {  	s14 =	sshll.u32 s0, $0xA;
	s2 =	sadd.s32 s3, s2  }
0x8d: {  	s2 =	sadd.s32 s2, s14  }
0x8e: {  	[smem:$0x3FC6] =	sst s2  }
0x8f: {  	_ = 	snop  }
0x90: {  	s2 =	sld [smem:$0x3FD0];
	_ =	sdelay $0x2  }
0x91: {  	s4 =	simm.s32 $0xA;
	s5 =	simm.s32 $0x10;
	s15 =	sld [smem:$0x3FC8]  }
0x92: {  	[smem:s5], [sflag:s4] =	dma.local [hbm:s2], $0x1  }
0x93: {  	_ =	swait.eq [sflag:s4], $0x1  }
0x94: {  	[sflag:s4] =	ssyncset.done $0x0  }
0x95: {  	[sflag:s4] =	ssyncadd.s32 $0xFFFFFFFF  }
0x96: {  	s16 =	sld [smem:$0x11];
	(tm) =	ssettm $0x1  }
0x97: {  	s17 =	sld [smem:$0x3FFB];
	_ =	sdelay $0x3  }
0x98: {  	_ =	strace s17  }
0x99: {  	s4 =	sld [smem:$0x3FFC];
	_ =	sdelay $0x3  }
0x9a: {  	_ =	strace s4  }
0x9b: {  	s4 =	sld [smem:$0x3FFD];
	_ =	sdelay $0x3  }
0x9c: {  	_ =	strace s4  }
0x9d: {  	_ =	strace $0x8FFFFFFF  }
0x9e: {  	s18 =	sld [smem:$0x3FDB];
	_ =	sdelay $0x1  }
0x9f: {  	s19 =	simm.s32 $_scs_section_size  }
0xa0: {  	s6 =	simm.s32 $_size__tile_overlayer_lowered;
	s7 =	simm.s32 $_tile_overlayer_lowered  }
0xa1: {  	s22 =	simm.s32 $0x1BFF;
	s21 =	sshll.u32 s7, $0x1;
	s4 =	sadd.s32 s19, s18  }
0xa2: {  	s8 =	simm.s32 $0x0;
	s20 =	sshll.u32 s6, $0x1;
	s6 =	sadd.s32 s21, s4  }
0xa3: {  	[timem:s8], [sflag:s22] =	dma.local [hbm:s6], s20  }
0xa4: {  	_ =	swait.ge [sflag:s22], s20  }
0xa5: {  	s5 =	ssub.s32 $0x0, s20;
	[sflag:s22] =	ssyncset.done $0x0  }
0xa6: {  	[sflag:s22] =	ssyncadd.s32 s5;
	_ =	sdelay $0x1  }
0xa7: {  	s23 =	simm.s32 $0x1B8B  }
0xa8: {  	_ =	swait.ge [sflag:s23], $0x1  }
0xa9: {  	[sflag:s23] =	ssyncset.done $0x0  }
0xaa: {  	s25 =	simm.s32 $0x1B8E;
	s24 =	sld [smem:$0x3FFE];
	[sflag:s23] =	ssyncadd.s32 $0xFFFFFFFF  }
0xab: {  	s26 =	simm.s32 $execute0_lowered;
	[smem:$0x3FD2] =	sst s25  }
0xac: {  	s6 =	sshll.u32 s26, $0x1;
	_ =	strace $0x80000055;
	[dreg:$0x1] =	wrdreg $0xFFFFFFFF  }
0xad: {  	s28 =	simm.s32 $_size_execute0_lowered;
	s4 =	sadd.s32 s4, s6;
	[dreg:$0x0] =	wrdreg $0x0  }
0xae: {  	s6 =	sshll.u32 s28, $0x1;
	[dreg:$0x2] =	wrdreg s4  }
0xaf: {  	[dreg:$0x3] =	wrdreg s6  }
0xb0: {  	[dreg:$0x4] =	wrdreg $0xC0  }
0xb1: {  	_ =	task [dreg:s8], $0x5FFFF  }
0xb2: {  	[dreg:$0x1] =	wrdreg $0xFFFFFFFF  }
0xb3: {  	[dreg:$0x0] =	wrdreg $0x60  }
0xb4: {  	[dreg:$0x2] =	wrdreg s15  }
0xb5: {  	[dreg:$0x3] =	wrdreg s24  }
0xb6: {  	[dreg:$0x4] =	wrdreg s16  }
0xb7: {  	[dreg:$0x5] =	wrdreg $0x9  }
0xb8: {  	_ =	task.clear_ibuf [dreg:s8], $0x6FFFF;
	_ =	strace $0x90000055  }
0xb9: {  	s29 =	simm.s32 $0x9;
	_ =	strace $0x80000057  }
0xba: {  	_ =	swait.ge [sflag:s29], $0x1  }
0xbb: {  	[sflag:s29] =	ssyncadd.s32 $0xFFFFFFFF  }
0xbc: {  	_ =	strace $0x90000057  }
0xbd: {  	_ =	sfence  }
0xbe: {  	s30 =	sld [smem:$0x0];
	_ =	sdelay $0x2  }
0xbf: {  	s31 =	sshll.u32 s1, $0xD;
	s1 =	sshrl.u32 s1, $0x2  }
0xc0: {  	s3 =	sand.u32 $0x4000, s31;
	s1 =	sadd.s32 s1, s30  }
0xc1: {  	s0 =	sor.u32 s3, s0;
	s1 =	sshll.u32 s1, $0x11  }
0xc2: {  	s0 =	sor.u32 s1, s0  }
0xc3: {  	s0 =	sadd.s32 $0x8F2B, s0  }
0xc4: {  	[sflag:s0] =	ssyncadd.remote.s32 $0x1  }
0xc5: {  	_ =	sfence.sel $0xFFFF  }
0xc6: {  	[dreg:$0x0] =	wrdreg $0xFFFFFFFF;
	(pc) =	sbr.abs _section_cstart, $3  }
0xc7: {  	[dreg:$0x1] =	wrdreg $0xFFFFFFFF  }
0xc8: {  	_ =	task.clear_ibuf [dreg:s8], $0x2FFFF;
	_ =	strace $0x9FFFFFFF  }
0xc9: {  	(tm) =	ssettm $0x7FFFFFFF  }
tec
execute0_lowered:
.L_overlay_start_1:
0x0: {  	(tag) =	ssettag $0x1  }
0x1: {  	s1 =	rddreg [dreg:$0x0]  }
0x2: {  	s4 =	rddreg [dreg:$0x1]  }
0x3: {  	s5 =	rddreg [dreg:$0x2];
	s3 =	srdreg.scid  }
0x4: {  	s0 =	rddreg [dreg:$0x3];
	s2 =	stileid.u32;
	s10 =	simm.s32 $0x1080  }
0x5: {  	s11 =	simm.s32 $0x1880;
	s12 =	simm.s32 $0x1;
	s6 =	sand.u32 $0x1, s3  }
0x6: {  	s3 =	simm.s32 $0x0;
	s7 =	sshll.u32 s2, $0x6;
	s8 =	sshll.u32 s6, $0x5  }
0x7: {  	[smem:$0x7FF] =	sst s3;
	s6 =	ssub.s32 $0x2, s6;
	s7 =	sor.u32 s8, s7  }
0x8: {  	_ =	strace $0x80000056;
	s9 =	sshrl.u32 s6, $0x1;
	s8 =	sshrl.u32 s7, $0x3  }
0x9: {  	v2 =	vlaneseq.u32;
	s6 =	ssub.s32 s6, s9;
	s7 =	sshll.u32 s7, $0x5;
	s9 =	simm.s32 $0x880  }
0xa: {  	vm0 =	vmmov $0xffff;
	v1 =	vshrl.u32 v2, $0x3;
	s4 =	sadd.s32 s8, s4;
	s5 =	sadd.s32 s5, s7;
	s6 =	smax.u32 s6, $0x1  }
0xb: {  	v0 =	vand.u32 $0x7, v2;
	v2 =	vor.u32 $0x8, v2;
	v1 =	vmul.u32 $0x8, v1;
	s7 =	simm.s32 $0x2;
	s8 =	simm.s32 $0x80;
	s4 =	sadd.s32 $0xC800, s4  }
.LBB2_1:
0xc: {  	[tilespmem:s3], [sflag:$0x2] =	stream.linear.gather [hbm4b:s4+s3], $0x20, $0x38;
	[tilespmem:$0x2080] =	vst v63  }
0xd: {  	_ =	swait.ge [sflag:s7], $0x20  }
0xe: {  	[sflag:s7] =	ssyncset.done $0x0  }
0xf: {  	[sflag:s7] =	ssyncadd.s32 $0xFFFFFFE0  }
0x10: {  	v3 =	vld [tilespmem:$0x0];
	_ =	sdelay $0x4  }
0x11: {  	v4 =	vshll.u32 v3, $0x1  }
0x12: {  	v3 =	vand.u32 $0x7, v3;
	v4 =	vand.u32 $0xFFFFFFF0, v4  }
0x13: {  	v3 =	vor.u32 v3, v4  }
0x14: {  	v4 =	vperm.xlane v3, v0;
	_ =	sdelay $0x1  }
0x15: {  	v3 =	vperm.xlane v3, v2;
	v4 =	vadd.s32 v1, v4;
	_ =	sdelay $0x1  }
0x16: {  	v3 =	vadd.s32 v1, v3;
	_ =	sdelay $0x2  }
0x17: {  	[tilespmem:s8], [sflag:$0x1] =	stream.indirect_vreg.gather [hbm4b:s1+s3], $0x80, v4, vm0, $0xb8;
	[tilespmem:$0x2080] =	vst v63  }
0x18: {  	_ = 	snop  }
0x19: {  	[tilespmem:s9], [sflag:$0x1] =	stream.indirect_vreg.gather [hbm4b:s1+s3], $0x80, v3, vm0, $0xb8;
	[tilespmem:$0x2080] =	vst v63  }
0x1a: {  	v3 =	vld [tilespmem:$0x10];
	_ =	sdelay $0x4  }
0x1b: {  	v63 =	vshll.u32 v3, $0x1  }
0x1c: {  	v3 =	vand.u32 $0x7, v3;
	v4 =	vand.u32 $0xFFFFFFF0, v63  }
0x1d: {  	v3 =	vor.u32 v3, v4  }
0x1e: {  	v4 =	vperm.xlane v3, v0;
	_ =	sdelay $0x1  }
0x1f: {  	v3 =	vperm.xlane v3, v2;
	v4 =	vadd.s32 v1, v4;
	_ =	sdelay $0x1  }
0x20: {  	v3 =	vadd.s32 v1, v3;
	_ =	sdelay $0x2  }
0x21: {  	[tilespmem:s10], [sflag:$0x1] =	stream.indirect_vreg.gather [hbm4b:s1+s3], $0x80, v4, vm0, $0xb8;
	[tilespmem:$0x2080] =	vst v63  }
0x22: {  	_ = 	snop  }
0x23: {  	[tilespmem:s11], [sflag:$0x1] =	stream.indirect_vreg.gather [hbm4b:s1+s3], $0x80, v3, vm0, $0xb8;
	[tilespmem:$0x2080] =	vst v63  }
0x24: {  	_ =	swait.ge [sflag:s12], $0x2000  }
0x25: {  	p0 =	sne.s32 s6, $0x1;
	[sflag:s12] =	ssyncset.done $0x0  }
.Ltmp0:
0x26: {  	[sflag:s12] =	ssyncadd.s32 $0xFFFFE000;
	(pc) =	sbr.rel @p0 .LBB2_1-.Ltmp0, $4  }
0x27: {  	[hbm4b:s5+s3] =	stream.linear.scatter [tilespmem:s8], [sflag:$0x2], $0x2000, $0x38;
	[tilespmem:$0x2080] =	vst v63  }
0x28: {  	_ =	swait.ge [sflag:s7], $0x2000  }
0x29: {  	[sflag:s7] =	ssyncset.done $0x0  }
0x2a: {  	s6 =	sadd.s32 $0xFFFFFFFF, s6;
	[sflag:s7] =	ssyncadd.s32 $0xFFFFE000  }
0x2b: {  	_ =	sfence.sel $0x180000  }
0x2c: {  	[bflag:$0x0] =	sbarrier.arrive $0xFFFF  }
0x2d: {  	p0 =	sne.s32 s2, $0x0;
	_ =	strace $0x90000056  }
0x2e: {  	s0 =	sadd.s32 @!p0 $0x100000, s0;
	[bflag:$0x2] =	sbarrier.arrive $0xFFFF  }
0x2f: {  	[sflag:s0] =	ssyncadd.tile.s32 @!p0 $0x1;
	_ =	shalt  }
.Lfunc_end2:
_tile_overlayer_lowered:
.L_overlay_start_2:
0x30: {  	(tag) =	ssettag $0x2  }
0x31: {  	s0 =	rddreg [dreg:$0x0];
	s2 =	stileid.u32  }
0x32: {  	s1 =	rddreg [dreg:$0x1];
	p0 =	sne.s32 s2, $0x0  }
0x33: {  	s3 =	rddreg [dreg:$0x2];
	[bflag:$0x3] =	sbarrier.arrive $0xFFFF;
	s2 =	simm.s32 @!p0 $0x1C02  }
0x34: {  	[timem:s3], [sflag:s2] =	dma.local @!p0 [hbm:s0], s1  }
0x35: {  	s0 =	simm.s32 @!p0 $0x2  }
0x36: {  	_ =	swait.ge @!p0 [sflag:s0], s1  }
0x37: {  	s1 =	ssub.s32 @!p0 $0x0, s1;
	[sflag:s0] =	ssyncset.done @!p0 $0x0  }
0x38: {  	[sflag:s0] =	ssyncadd.s32 @!p0 s1  }
0x39: {  	[bflag:$0x3] =	sbarrier.arrive $0xFFFF  }
0x3a: {  	_ =	shalt  }

// kernel: kernel.53.cloned.1.call-start
scs
__scs_entry_jumppad:
0x0: {  	(pc) =	sbr.rel $0x88, $3  }
0x1: {  	(tag) =	ssettag $0x0;
	lr =	simm.s32 $0x1  }
0x2: {  	[smem:$0x3F9F] =	sst lr;
	_ =	strace $0xD0000000  }
0x3: {  	_ = 	snop  }
0x4: {  	_ = 	snop  }
0x5: {  	_ = 	snop  }
0x6: {  	_ = 	snop  }
0x7: {  	_ = 	snop  }
__scs_overlays_trampoline_lowered:
0x8: {  	[smem:$0x3FAE] =	sst s0  }
0x9: {  	[smem:$0x3FAF] =	sst s1  }
0xa: {  	[smem:$0x3FB0] =	sst s2  }
0xb: {  	[smem:$0x3FB1] =	sst s3  }
0xc: {  	[smem:$0x3FB2] =	sst s4  }
0xd: {  	[smem:$0x3FB3] =	sst s5  }
0xe: {  	[smem:$0x3FB4] =	sst s6  }
0xf: {  	[smem:$0x3FB5] =	sst s7  }
0x10: {  	[smem:$0x3FB6] =	sst s8  }
0x11: {  	[smem:$0x3FB7] =	sst s9;
	s0 =	simm.s32 @!p0 $0x0  }
0x12: {  	s1 =	sld [smem:$0x3F9D];
	s0 =	simm.s32 @p0 $0x1  }
0x13: {  	[smem:$0x3FB8] =	sst s0;
	s0 =	simm.s32 @!p1 $0x0  }
0x14: {  	s2 =	sld [smem:$0x3F9C];
	s0 =	simm.s32 @p1 $0x1  }
0x15: {  	[smem:$0x3FB9] =	sst s0;
	s0 =	simm.s32 @!p2 $0x0  }
0x16: {  	s3 =	sld [smem:$0x3FDB];
	s0 =	simm.s32 @p2 $0x1  }
0x17: {  	s4 =	simm.s32 $0x1BF5;
	[smem:$0x3FBB] =	sst s0  }
0x18: {  	s0 =	sld [smem:$0x3F9E];
	_ =	swait.ge [sflag:s4], $0x0  }
0x19: {  	s7 =	sld [smem:$0x3F9F]  }
0x1a: {  	s8 =	sadd.s32 $0xFFFFE003, lr  }
0x1b: {  	s9 =	sadd.s32 $0xFFFFFEF7, lr;
	s5 =	simm.s32 $0xFFFFFFFF;
	p2 =	slt.u32 s8, $0xFFFFF086  }
0x1c: {  	p1 =	slt.u32 s9, $0xF7A;
	s5 =	simm.s32 @!p2 $0x0  }
0x1d: {  	s5 =	simm.s32 @p1 $0x1;
	p0 =	seq.s32 s7, s2  }
0x1e: {  	s7 =	smul.u32 @!p0 $0xF7A, s2;
	p2 =	seq.s32 @!p0 s5, $0x0  }
0x1f: {  	s9 =	smul.u32 $0xF7A, s1;
	s8 =	simm.s32 @!p0 $0x1BF5;
	p2 =	por !p2, p0  }
0x20: {  	[sflag:s8] =	ssyncset.s32 @!p0 $0xFFFFF086;
	s6 =	sadd.s32 @!p0 s3, s7;
	s7 =	simm.s32 @!p0 $0x108  }
0x21: {  	s3 =	sadd.s32 s3, s9;
	s6 =	sadd.s32 @!p0 $0x88, s6;
	s7 =	simm.s32 @p2 $0x1082  }
0x22: {  	[simem:s7], [sflag:s8] =	dma.local @!p0 [hbm:s6], $0xF7A  }
0x23: {  	s9 =	sor.u32 $0xD0000000, s2;
	s6 =	simm.s32 $0x108;
	_ =	swait.ge @!p0 [sflag:s8], $0x0  }
0x24: {  	s3 =	sadd.s32 $0x88, s3;
	s6 =	simm.s32 @!p1 $0x1082;
	[sflag:s4] =	ssyncset.s32 $0xFFFFF086  }
0x25: {  	[simem:s6], [sflag:s4] =	dma.local [hbm:s3], $0xF7A  }
0x26: {  	[smem:$0x3F9F] =	sst s1;
	(tag) =	ssettag s2;
	_ =	strace s9  }
0x27: {  	s1 =	sld [smem:$0x3FAF]  }
0x28: {  	s2 =	sld [smem:$0x3FB0]  }
0x29: {  	s4 =	sld [smem:$0x3FB2]  }
0x2a: {  	p0 =	seq.s32 s5, $0x0;
	s5 =	sld [smem:$0x3FB3]  }
0x2b: {  	s6 =	sld [smem:$0x3FB4]  }
0x2c: {  	s7 =	sld [smem:$0x3FB5]  }
0x2d: {  	s3 =	simm.s32 $0x108;
	s8 =	sld [smem:$0x3FB6]  }
0x2e: {  	s3 =	simm.s32 @!p0 $0x1082;
	s9 =	sld [smem:$0x3FB7]  }
0x2f: {  	lr =	sadd.s32 s0, s3;
	s0 =	sld [smem:$0x3FAE]  }
0x30: {  	s3 =	sld [smem:$0x3FB1]  }
0x31: {  	[smem:$0x3FBA] =	sst s10  }
0x32: {  	s10 =	sld [smem:$0x3FB8];
	_ =	sdelay $0x3  }
0x33: {  	p0 =	seq.s32 s10, $0x1;
	s10 =	sld [smem:$0x3FBA];
	_ =	sdelay $0x3  }
0x34: {  	[smem:$0x3FBA] =	sst s10  }
0x35: {  	s10 =	sld [smem:$0x3FB9];
	_ =	sdelay $0x3  }
0x36: {  	p1 =	seq.s32 s10, $0x1;
	s10 =	sld [smem:$0x3FBA];
	_ =	sdelay $0x3  }
0x37: {  	[smem:$0x3FBA] =	sst s10  }
0x38: {  	s10 =	sld [smem:$0x3FBB]  }
0x39: {  	_ = 	snop;
	(pc) =	sbr.ind lr, $3  }
0x3a: {  	_ = 	snop  }
0x3b: {  	_ = 	snop  }
0x3c: {  	p2 =	seq.s32 s10, $0x1;
	s10 =	sld [smem:$0x3FBA]  }
0x3d: {  	_ =	shalt  }
0x3e: {  	_ =	shalt  }
0x3f: {  	_ =	shalt  }
0x40: {  	_ =	shalt  }
0x41: {  	_ =	shalt  }
0x42: {  	_ =	shalt  }
0x43: {  	_ =	shalt  }
0x44: {  	_ =	shalt  }
0x45: {  	_ =	shalt  }
0x46: {  	_ =	shalt  }
0x47: {  	_ =	shalt  }
0x48: {  	_ =	shalt  }
0x49: {  	_ =	shalt  }
0x4a: {  	_ =	shalt  }
0x4b: {  	_ =	shalt  }
0x4c: {  	_ =	shalt  }
0x4d: {  	_ =	shalt  }
0x4e: {  	_ =	shalt  }
0x4f: {  	_ =	shalt  }
0x50: {  	_ =	shalt  }
0x51: {  	_ =	shalt  }
0x52: {  	_ =	shalt  }
0x53: {  	_ =	shalt  }
0x54: {  	_ =	shalt  }
0x55: {  	_ =	shalt  }
0x56: {  	_ =	shalt  }
0x57: {  	_ =	shalt  }
0x58: {  	_ =	shalt  }
0x59: {  	_ =	shalt  }
0x5a: {  	_ =	shalt  }
0x5b: {  	_ =	shalt  }
0x5c: {  	_ =	shalt  }
0x5d: {  	_ =	shalt  }
0x5e: {  	_ =	shalt  }
0x5f: {  	_ =	shalt  }
0x60: {  	_ =	shalt  }
0x61: {  	_ =	shalt  }
0x62: {  	_ =	shalt  }
0x63: {  	_ =	shalt  }
0x64: {  	_ =	shalt  }
0x65: {  	_ =	shalt  }
0x66: {  	_ =	shalt  }
0x67: {  	_ =	shalt  }
0x68: {  	_ =	shalt  }
0x69: {  	_ =	shalt  }
0x6a: {  	_ =	shalt  }
0x6b: {  	_ =	shalt  }
0x6c: {  	_ =	shalt  }
0x6d: {  	_ =	shalt  }
0x6e: {  	_ =	shalt  }
0x6f: {  	_ =	shalt  }
0x70: {  	_ =	shalt  }
0x71: {  	_ =	shalt  }
0x72: {  	_ =	shalt  }
0x73: {  	_ =	shalt  }
0x74: {  	_ =	shalt  }
0x75: {  	_ =	shalt  }
0x76: {  	_ =	shalt  }
0x77: {  	_ =	shalt  }
0x78: {  	_ =	shalt  }
0x79: {  	_ =	shalt  }
0x7a: {  	_ =	shalt  }
0x7b: {  	_ =	shalt  }
0x7c: {  	_ =	shalt  }
0x7d: {  	_ =	shalt  }
0x7e: {  	_ =	shalt  }
0x7f: {  	_ =	shalt  }
0x80: {  	_ =	shalt  }
0x81: {  	_ =	shalt  }
0x82: {  	_ =	shalt  }
0x83: {  	_ =	shalt  }
0x84: {  	_ =	shalt  }
0x85: {  	_ =	shalt  }
0x86: {  	_ =	shalt  }
0x87: {  	_ =	shalt  }
.Lfunc_end0:
.L_simem_size_0:
called_computation.6_lowered:
.L_overlay_start_0:
0x88: {  	s2 =	sld [smem:$0x3FD9]  }
0x89: {  	s3 =	sld [smem:$0x3FFE];
	_ =	sdelay $0x1  }
0x8a: {  	s1 =	srdreg.scid  }
0x8b: {  	s0 =	sand.u32 $0x1, s1  }
0x8c: {  	s14 =	sshll.u32 s0, $0xA;
	s2 =	sadd.s32 s3, s2  }
0x8d: {  	s2 =	sadd.s32 s2, s14  }
0x8e: {  	[smem:$0x3FC6] =	sst s2  }
0x8f: {  	_ = 	snop  }
0x90: {  	s2 =	sld [smem:$0x3FD0];
	_ =	sdelay $0x2  }
0x91: {  	s4 =	simm.s32 $0xA;
	s5 =	simm.s32 $0x10;
	s15 =	sld [smem:$0x3FC8]  }
0x92: {  	[smem:s5], [sflag:s4] =	dma.local [hbm:s2], $0x1  }
0x93: {  	_ =	swait.eq [sflag:s4], $0x1  }
0x94: {  	[sflag:s4] =	ssyncset.done $0x0  }
0x95: {  	[sflag:s4] =	ssyncadd.s32 $0xFFFFFFFF  }
0x96: {  	s16 =	sld [smem:$0x11];
	(tm) =	ssettm $0x1  }
0x97: {  	s17 =	sld [smem:$0x3FFB];
	_ =	sdelay $0x3  }
0x98: {  	_ =	strace s17  }
0x99: {  	s4 =	sld [smem:$0x3FFC];
	_ =	sdelay $0x3  }
0x9a: {  	_ =	strace s4  }
0x9b: {  	s4 =	sld [smem:$0x3FFD];
	_ =	sdelay $0x3  }
0x9c: {  	_ =	strace s4  }
0x9d: {  	_ =	strace $0x8FFFFFFF  }
0x9e: {  	s18 =	sld [smem:$0x3FDB];
	_ =	sdelay $0x1  }
0x9f: {  	s19 =	simm.s32 $_scs_section_size  }
0xa0: {  	s6 =	simm.s32 $_size__tile_overlayer_lowered;
	s7 =	simm.s32 $_tile_overlayer_lowered  }
0xa1: {  	s22 =	simm.s32 $0x1BFF;
	s21 =	sshll.u32 s7, $0x1;
	s4 =	sadd.s32 s19, s18  }
0xa2: {  	s8 =	simm.s32 $0x0;
	s20 =	sshll.u32 s6, $0x1;
	s6 =	sadd.s32 s21, s4  }
0xa3: {  	[timem:s8], [sflag:s22] =	dma.local [hbm:s6], s20  }
0xa4: {  	_ =	swait.ge [sflag:s22], s20  }
0xa5: {  	s5 =	ssub.s32 $0x0, s20;
	[sflag:s22] =	ssyncset.done $0x0  }
0xa6: {  	[sflag:s22] =	ssyncadd.s32 s5;
	_ =	sdelay $0x1  }
0xa7: {  	s23 =	simm.s32 $0x1B8B  }
0xa8: {  	_ =	swait.ge [sflag:s23], $0x1  }
0xa9: {  	[sflag:s23] =	ssyncset.done $0x0  }
0xaa: {  	s25 =	simm.s32 $0x1B8E;
	s24 =	sld [smem:$0x3FFE];
	[sflag:s23] =	ssyncadd.s32 $0xFFFFFFFF  }
0xab: {  	s26 =	simm.s32 $execute0_lowered;
	[smem:$0x3FD2] =	sst s25  }
0xac: {  	s6 =	sshll.u32 s26, $0x1;
	_ =	strace $0x80000058;
	[dreg:$0x1] =	wrdreg $0xFFFFFFFF  }
0xad: {  	s28 =	simm.s32 $_size_execute0_lowered;
	s4 =	sadd.s32 s4, s6;
	[dreg:$0x0] =	wrdreg $0x0  }
0xae: {  	s6 =	sshll.u32 s28, $0x1;
	[dreg:$0x2] =	wrdreg s4  }
0xaf: {  	[dreg:$0x3] =	wrdreg s6  }
0xb0: {  	[dreg:$0x4] =	wrdreg $0xC0  }
0xb1: {  	_ =	task [dreg:s8], $0x5FFFF  }
0xb2: {  	[dreg:$0x1] =	wrdreg $0xFFFFFFFF  }
0xb3: {  	[dreg:$0x0] =	wrdreg $0x60  }
0xb4: {  	[dreg:$0x2] =	wrdreg s15  }
0xb5: {  	[dreg:$0x3] =	wrdreg s24  }
0xb6: {  	[dreg:$0x4] =	wrdreg s16  }
0xb7: {  	[dreg:$0x5] =	wrdreg $0x9  }
0xb8: {  	_ =	task.clear_ibuf [dreg:s8], $0x6FFFF;
	_ =	strace $0x90000058  }
0xb9: {  	s29 =	simm.s32 $0x9;
	_ =	strace $0x8000005A  }
0xba: {  	_ =	swait.ge [sflag:s29], $0x1  }
0xbb: {  	[sflag:s29] =	ssyncadd.s32 $0xFFFFFFFF  }
0xbc: {  	_ =	strace $0x9000005A  }
0xbd: {  	_ =	sfence  }
0xbe: {  	s30 =	sld [smem:$0x0];
	_ =	sdelay $0x2  }
0xbf: {  	s31 =	sshll.u32 s1, $0xD;
	s1 =	sshrl.u32 s1, $0x2  }
0xc0: {  	s3 =	sand.u32 $0x4000, s31;
	s1 =	sadd.s32 s1, s30  }
0xc1: {  	s0 =	sor.u32 s3, s0;
	s1 =	sshll.u32 s1, $0x11  }
0xc2: {  	s0 =	sor.u32 s1, s0  }
0xc3: {  	s0 =	sadd.s32 $0x8F2B, s0  }
0xc4: {  	[sflag:s0] =	ssyncadd.remote.s32 $0x1  }
0xc5: {  	_ =	sfence.sel $0xFFFF  }
0xc6: {  	[dreg:$0x0] =	wrdreg $0xFFFFFFFF;
	(pc) =	sbr.abs _section_cstart, $3  }
0xc7: {  	[dreg:$0x1] =	wrdreg $0xFFFFFFFF  }
0xc8: {  	_ =	task.clear_ibuf [dreg:s8], $0x2FFFF;
	_ =	strace $0x9FFFFFFF  }
0xc9: {  	(tm) =	ssettm $0x7FFFFFFF  }
tec
execute0_lowered:
.L_overlay_start_1:
0x0: {  	(tag) =	ssettag $0x1  }
0x1: {  	s1 =	rddreg [dreg:$0x0]  }
0x2: {  	s4 =	rddreg [dreg:$0x1]  }
0x3: {  	s5 =	rddreg [dreg:$0x2];
	s3 =	srdreg.scid  }
0x4: {  	s0 =	rddreg [dreg:$0x3];
	s2 =	stileid.u32;
	s10 =	simm.s32 $0x1080  }
0x5: {  	s11 =	simm.s32 $0x1880;
	s12 =	simm.s32 $0x1;
	s6 =	sand.u32 $0x1, s3  }
0x6: {  	s3 =	simm.s32 $0x0;
	s7 =	sshll.u32 s2, $0x6;
	s8 =	sshll.u32 s6, $0x5  }
0x7: {  	[smem:$0x7FF] =	sst s3;
	s6 =	ssub.s32 $0x2, s6;
	s7 =	sor.u32 s8, s7  }
0x8: {  	_ =	strace $0x80000059;
	s9 =	sshrl.u32 s6, $0x1;
	s8 =	sshrl.u32 s7, $0x3  }
0x9: {  	v2 =	vlaneseq.u32;
	s6 =	ssub.s32 s6, s9;
	s7 =	sshll.u32 s7, $0x5;
	s9 =	simm.s32 $0x880  }
0xa: {  	vm0 =	vmmov $0xffff;
	v1 =	vshrl.u32 v2, $0x3;
	s4 =	sadd.s32 s8, s4;
	s5 =	sadd.s32 s5, s7;
	s6 =	smax.u32 s6, $0x1  }
0xb: {  	v0 =	vand.u32 $0x7, v2;
	v2 =	vor.u32 $0x8, v2;
	v1 =	vmul.u32 $0x8, v1;
	s7 =	simm.s32 $0x2;
	s8 =	simm.s32 $0x80;
	s4 =	sadd.s32 $0xC800, s4  }
.LBB2_1:
0xc: {  	[tilespmem:s3], [sflag:$0x2] =	stream.linear.gather [hbm4b:s4+s3], $0x20, $0x38;
	[tilespmem:$0x2080] =	vst v63  }
0xd: {  	_ =	swait.ge [sflag:s7], $0x20  }
0xe: {  	[sflag:s7] =	ssyncset.done $0x0  }
0xf: {  	[sflag:s7] =	ssyncadd.s32 $0xFFFFFFE0  }
0x10: {  	v3 =	vld [tilespmem:$0x0];
	_ =	sdelay $0x4  }
0x11: {  	v4 =	vshll.u32 v3, $0x1  }
0x12: {  	v3 =	vand.u32 $0x7, v3;
	v4 =	vand.u32 $0xFFFFFFF0, v4  }
0x13: {  	v3 =	vor.u32 v3, v4  }
0x14: {  	v4 =	vperm.xlane v3, v0;
	_ =	sdelay $0x1  }
0x15: {  	v3 =	vperm.xlane v3, v2;
	v4 =	vadd.s32 v1, v4;
	_ =	sdelay $0x1  }
0x16: {  	v3 =	vadd.s32 v1, v3;
	_ =	sdelay $0x2  }
0x17: {  	[tilespmem:s8], [sflag:$0x1] =	stream.indirect_vreg.gather [hbm4b:s1+s3], $0x80, v4, vm0, $0xb8;
	[tilespmem:$0x2080] =	vst v63  }
0x18: {  	_ = 	snop  }
0x19: {  	[tilespmem:s9], [sflag:$0x1] =	stream.indirect_vreg.gather [hbm4b:s1+s3], $0x80, v3, vm0, $0xb8;
	[tilespmem:$0x2080] =	vst v63  }
0x1a: {  	v3 =	vld [tilespmem:$0x10];
	_ =	sdelay $0x4  }
0x1b: {  	v63 =	vshll.u32 v3, $0x1  }
0x1c: {  	v3 =	vand.u32 $0x7, v3;
	v4 =	vand.u32 $0xFFFFFFF0, v63  }
0x1d: {  	v3 =	vor.u32 v3, v4  }
0x1e: {  	v4 =	vperm.xlane v3, v0;
	_ =	sdelay $0x1  }
0x1f: {  	v3 =	vperm.xlane v3, v2;
	v4 =	vadd.s32 v1, v4;
	_ =	sdelay $0x1  }
0x20: {  	v3 =	vadd.s32 v1, v3;
	_ =	sdelay $0x2  }
0x21: {  	[tilespmem:s10], [sflag:$0x1] =	stream.indirect_vreg.gather [hbm4b:s1+s3], $0x80, v4, vm0, $0xb8;
	[tilespmem:$0x2080] =	vst v63  }
0x22: {  	_ = 	snop  }
0x23: {  	[tilespmem:s11], [sflag:$0x1] =	stream.indirect_vreg.gather [hbm4b:s1+s3], $0x80, v3, vm0, $0xb8;
	[tilespmem:$0x2080] =	vst v63  }
0x24: {  	_ =	swait.ge [sflag:s12], $0x2000  }
0x25: {  	p0 =	sne.s32 s6, $0x1;
	[sflag:s12] =	ssyncset.done $0x0  }
.Ltmp0:
0x26: {  	[sflag:s12] =	ssyncadd.s32 $0xFFFFE000;
	(pc) =	sbr.rel @p0 .LBB2_1-.Ltmp0, $4  }
0x27: {  	[hbm4b:s5+s3] =	stream.linear.scatter [tilespmem:s8], [sflag:$0x2], $0x2000, $0x38;
	[tilespmem:$0x2080] =	vst v63  }
0x28: {  	_ =	swait.ge [sflag:s7], $0x2000  }
0x29: {  	[sflag:s7] =	ssyncset.done $0x0  }
0x2a: {  	s6 =	sadd.s32 $0xFFFFFFFF, s6;
	[sflag:s7] =	ssyncadd.s32 $0xFFFFE000  }
0x2b: {  	_ =	sfence.sel $0x180000  }
0x2c: {  	[bflag:$0x0] =	sbarrier.arrive $0xFFFF  }
0x2d: {  	p0 =	sne.s32 s2, $0x0;
	_ =	strace $0x90000059  }
0x2e: {  	s0 =	sadd.s32 @!p0 $0x100000, s0;
	[bflag:$0x2] =	sbarrier.arrive $0xFFFF  }
0x2f: {  	[sflag:s0] =	ssyncadd.tile.s32 @!p0 $0x1;
	_ =	shalt  }
.Lfunc_end2:
_tile_overlayer_lowered:
.L_overlay_start_2:
0x30: {  	(tag) =	ssettag $0x2  }
0x31: {  	s0 =	rddreg [dreg:$0x0];
	s2 =	stileid.u32  }
0x32: {  	s1 =	rddreg [dreg:$0x1];
	p0 =	sne.s32 s2, $0x0  }
0x33: {  	s3 =	rddreg [dreg:$0x2];
	[bflag:$0x3] =	sbarrier.arrive $0xFFFF;
	s2 =	simm.s32 @!p0 $0x1C02  }
0x34: {  	[timem:s3], [sflag:s2] =	dma.local @!p0 [hbm:s0], s1  }
0x35: {  	s0 =	simm.s32 @!p0 $0x2  }
0x36: {  	_ =	swait.ge @!p0 [sflag:s0], s1  }
0x37: {  	s1 =	ssub.s32 @!p0 $0x0, s1;
	[sflag:s0] =	ssyncset.done @!p0 $0x0  }
0x38: {  	[sflag:s0] =	ssyncadd.s32 @!p0 s1  }
0x39: {  	[bflag:$0x3] =	sbarrier.arrive $0xFFFF  }
0x3a: {  	_ =	shalt  }

// kernel: kernel.56.cloned.1.call-start
scs
__scs_entry_jumppad:
0x0: {  	(pc) =	sbr.rel $0x88, $3  }
0x1: {  	(tag) =	ssettag $0x0;
	lr =	simm.s32 $0x1  }
0x2: {  	[smem:$0x3F9F] =	sst lr;
	_ =	strace $0xD0000000  }
0x3: {  	_ = 	snop  }
0x4: {  	_ = 	snop  }
0x5: {  	_ = 	snop  }
0x6: {  	_ = 	snop  }
0x7: {  	_ = 	snop  }
__scs_overlays_trampoline_lowered:
0x8: {  	[smem:$0x3FAE] =	sst s0  }
0x9: {  	[smem:$0x3FAF] =	sst s1  }
0xa: {  	[smem:$0x3FB0] =	sst s2  }
0xb: {  	[smem:$0x3FB1] =	sst s3  }
0xc: {  	[smem:$0x3FB2] =	sst s4  }
0xd: {  	[smem:$0x3FB3] =	sst s5  }
0xe: {  	[smem:$0x3FB4] =	sst s6  }
0xf: {  	[smem:$0x3FB5] =	sst s7  }
0x10: {  	[smem:$0x3FB6] =	sst s8  }
0x11: {  	[smem:$0x3FB7] =	sst s9;
	s0 =	simm.s32 @!p0 $0x0  }
0x12: {  	s1 =	sld [smem:$0x3F9D];
	s0 =	simm.s32 @p0 $0x1  }
0x13: {  	[smem:$0x3FB8] =	sst s0;
	s0 =	simm.s32 @!p1 $0x0  }
0x14: {  	s2 =	sld [smem:$0x3F9C];
	s0 =	simm.s32 @p1 $0x1  }
0x15: {  	[smem:$0x3FB9] =	sst s0;
	s0 =	simm.s32 @!p2 $0x0  }
0x16: {  	s3 =	sld [smem:$0x3FDB];
	s0 =	simm.s32 @p2 $0x1  }
0x17: {  	s4 =	simm.s32 $0x1BF5;
	[smem:$0x3FBB] =	sst s0  }
0x18: {  	s0 =	sld [smem:$0x3F9E];
	_ =	swait.ge [sflag:s4], $0x0  }
0x19: {  	s7 =	sld [smem:$0x3F9F]  }
0x1a: {  	s8 =	sadd.s32 $0xFFFFE003, lr  }
0x1b: {  	s9 =	sadd.s32 $0xFFFFFEF7, lr;
	s5 =	simm.s32 $0xFFFFFFFF;
	p2 =	slt.u32 s8, $0xFFFFF086  }
0x1c: {  	p1 =	slt.u32 s9, $0xF7A;
	s5 =	simm.s32 @!p2 $0x0  }
0x1d: {  	s5 =	simm.s32 @p1 $0x1;
	p0 =	seq.s32 s7, s2  }
0x1e: {  	s7 =	smul.u32 @!p0 $0xF7A, s2;
	p2 =	seq.s32 @!p0 s5, $0x0  }
0x1f: {  	s9 =	smul.u32 $0xF7A, s1;
	s8 =	simm.s32 @!p0 $0x1BF5;
	p2 =	por !p2, p0  }
0x20: {  	[sflag:s8] =	ssyncset.s32 @!p0 $0xFFFFF086;
	s6 =	sadd.s32 @!p0 s3, s7;
	s7 =	simm.s32 @!p0 $0x108  }
0x21: {  	s3 =	sadd.s32 s3, s9;
	s6 =	sadd.s32 @!p0 $0x88, s6;
	s7 =	simm.s32 @p2 $0x1082  }
0x22: {  	[simem:s7], [sflag:s8] =	dma.local @!p0 [hbm:s6], $0xF7A  }
0x23: {  	s9 =	sor.u32 $0xD0000000, s2;
	s6 =	simm.s32 $0x108;
	_ =	swait.ge @!p0 [sflag:s8], $0x0  }
0x24: {  	s3 =	sadd.s32 $0x88, s3;
	s6 =	simm.s32 @!p1 $0x1082;
	[sflag:s4] =	ssyncset.s32 $0xFFFFF086  }
0x25: {  	[simem:s6], [sflag:s4] =	dma.local [hbm:s3], $0xF7A  }
0x26: {  	[smem:$0x3F9F] =	sst s1;
	(tag) =	ssettag s2;
	_ =	strace s9  }
0x27: {  	s1 =	sld [smem:$0x3FAF]  }
0x28: {  	s2 =	sld [smem:$0x3FB0]  }
0x29: {  	s4 =	sld [smem:$0x3FB2]  }
0x2a: {  	p0 =	seq.s32 s5, $0x0;
	s5 =	sld [smem:$0x3FB3]  }
0x2b: {  	s6 =	sld [smem:$0x3FB4]  }
0x2c: {  	s7 =	sld [smem:$0x3FB5]  }
0x2d: {  	s3 =	simm.s32 $0x108;
	s8 =	sld [smem:$0x3FB6]  }
0x2e: {  	s3 =	simm.s32 @!p0 $0x1082;
	s9 =	sld [smem:$0x3FB7]  }
0x2f: {  	lr =	sadd.s32 s0, s3;
	s0 =	sld [smem:$0x3FAE]  }
0x30: {  	s3 =	sld [smem:$0x3FB1]  }
0x31: {  	[smem:$0x3FBA] =	sst s10  }
0x32: {  	s10 =	sld [smem:$0x3FB8];
	_ =	sdelay $0x3  }
0x33: {  	p0 =	seq.s32 s10, $0x1;
	s10 =	sld [smem:$0x3FBA];
	_ =	sdelay $0x3  }
0x34: {  	[smem:$0x3FBA] =	sst s10  }
0x35: {  	s10 =	sld [smem:$0x3FB9];
	_ =	sdelay $0x3  }
0x36: {  	p1 =	seq.s32 s10, $0x1;
	s10 =	sld [smem:$0x3FBA];
	_ =	sdelay $0x3  }
0x37: {  	[smem:$0x3FBA] =	sst s10  }
0x38: {  	s10 =	sld [smem:$0x3FBB]  }
0x39: {  	_ = 	snop;
	(pc) =	sbr.ind lr, $3  }
0x3a: {  	_ = 	snop  }
0x3b: {  	_ = 	snop  }
0x3c: {  	p2 =	seq.s32 s10, $0x1;
	s10 =	sld [smem:$0x3FBA]  }
0x3d: {  	_ =	shalt  }
0x3e: {  	_ =	shalt  }
0x3f: {  	_ =	shalt  }
0x40: {  	_ =	shalt  }
0x41: {  	_ =	shalt  }
0x42: {  	_ =	shalt  }
0x43: {  	_ =	shalt  }
0x44: {  	_ =	shalt  }
0x45: {  	_ =	shalt  }
0x46: {  	_ =	shalt  }
0x47: {  	_ =	shalt  }
0x48: {  	_ =	shalt  }
0x49: {  	_ =	shalt  }
0x4a: {  	_ =	shalt  }
0x4b: {  	_ =	shalt  }
0x4c: {  	_ =	shalt  }
0x4d: {  	_ =	shalt  }
0x4e: {  	_ =	shalt  }
0x4f: {  	_ =	shalt  }
0x50: {  	_ =	shalt  }
0x51: {  	_ =	shalt  }
0x52: {  	_ =	shalt  }
0x53: {  	_ =	shalt  }
0x54: {  	_ =	shalt  }
0x55: {  	_ =	shalt  }
0x56: {  	_ =	shalt  }
0x57: {  	_ =	shalt  }
0x58: {  	_ =	shalt  }
0x59: {  	_ =	shalt  }
0x5a: {  	_ =	shalt  }
0x5b: {  	_ =	shalt  }
0x5c: {  	_ =	shalt  }
0x5d: {  	_ =	shalt  }
0x5e: {  	_ =	shalt  }
0x5f: {  	_ =	shalt  }
0x60: {  	_ =	shalt  }
0x61: {  	_ =	shalt  }
0x62: {  	_ =	shalt  }
0x63: {  	_ =	shalt  }
0x64: {  	_ =	shalt  }
0x65: {  	_ =	shalt  }
0x66: {  	_ =	shalt  }
0x67: {  	_ =	shalt  }
0x68: {  	_ =	shalt  }
0x69: {  	_ =	shalt  }
0x6a: {  	_ =	shalt  }
0x6b: {  	_ =	shalt  }
0x6c: {  	_ =	shalt  }
0x6d: {  	_ =	shalt  }
0x6e: {  	_ =	shalt  }
0x6f: {  	_ =	shalt  }
0x70: {  	_ =	shalt  }
0x71: {  	_ =	shalt  }
0x72: {  	_ =	shalt  }
0x73: {  	_ =	shalt  }
0x74: {  	_ =	shalt  }
0x75: {  	_ =	shalt  }
0x76: {  	_ =	shalt  }
0x77: {  	_ =	shalt  }
0x78: {  	_ =	shalt  }
0x79: {  	_ =	shalt  }
0x7a: {  	_ =	shalt  }
0x7b: {  	_ =	shalt  }
0x7c: {  	_ =	shalt  }
0x7d: {  	_ =	shalt  }
0x7e: {  	_ =	shalt  }
0x7f: {  	_ =	shalt  }
0x80: {  	_ =	shalt  }
0x81: {  	_ =	shalt  }
0x82: {  	_ =	shalt  }
0x83: {  	_ =	shalt  }
0x84: {  	_ =	shalt  }
0x85: {  	_ =	shalt  }
0x86: {  	_ =	shalt  }
0x87: {  	_ =	shalt  }
.Lfunc_end0:
.L_simem_size_0:
called_computation.7_lowered:
.L_overlay_start_0:
0x88: {  	s2 =	sld [smem:$0x3FD9]  }
0x89: {  	s3 =	sld [smem:$0x3FFE];
	_ =	sdelay $0x1  }
0x8a: {  	s1 =	srdreg.scid  }
0x8b: {  	s0 =	sand.u32 $0x1, s1  }
0x8c: {  	s14 =	sshll.u32 s0, $0xA;
	s2 =	sadd.s32 s3, s2  }
0x8d: {  	s2 =	sadd.s32 s2, s14  }
0x8e: {  	[smem:$0x3FC6] =	sst s2  }
0x8f: {  	_ = 	snop  }
0x90: {  	s2 =	sld [smem:$0x3FD0];
	_ =	sdelay $0x2  }
0x91: {  	s4 =	simm.s32 $0xA;
	s5 =	simm.s32 $0x10;
	s15 =	sld [smem:$0x3FC8]  }
0x92: {  	[smem:s5], [sflag:s4] =	dma.local [hbm:s2], $0x1  }
0x93: {  	_ =	swait.eq [sflag:s4], $0x1  }
0x94: {  	[sflag:s4] =	ssyncset.done $0x0  }
0x95: {  	[sflag:s4] =	ssyncadd.s32 $0xFFFFFFFF  }
0x96: {  	s16 =	sld [smem:$0x11];
	(tm) =	ssettm $0x1  }
0x97: {  	s17 =	sld [smem:$0x3FFB];
	_ =	sdelay $0x3  }
0x98: {  	_ =	strace s17  }
0x99: {  	s4 =	sld [smem:$0x3FFC];
	_ =	sdelay $0x3  }
0x9a: {  	_ =	strace s4  }
0x9b: {  	s4 =	sld [smem:$0x3FFD];
	_ =	sdelay $0x3  }
0x9c: {  	_ =	strace s4  }
0x9d: {  	_ =	strace $0x8FFFFFFF  }
0x9e: {  	s18 =	sld [smem:$0x3FDB];
	_ =	sdelay $0x1  }
0x9f: {  	s19 =	simm.s32 $_scs_section_size  }
0xa0: {  	s6 =	simm.s32 $_size__tile_overlayer_lowered;
	s7 =	simm.s32 $_tile_overlayer_lowered  }
0xa1: {  	s22 =	simm.s32 $0x1BFF;
	s21 =	sshll.u32 s7, $0x1;
	s4 =	sadd.s32 s19, s18  }
0xa2: {  	s8 =	simm.s32 $0x0;
	s20 =	sshll.u32 s6, $0x1;
	s6 =	sadd.s32 s21, s4  }
0xa3: {  	[timem:s8], [sflag:s22] =	dma.local [hbm:s6], s20  }
0xa4: {  	_ =	swait.ge [sflag:s22], s20  }
0xa5: {  	s5 =	ssub.s32 $0x0, s20;
	[sflag:s22] =	ssyncset.done $0x0  }
0xa6: {  	[sflag:s22] =	ssyncadd.s32 s5;
	_ =	sdelay $0x1  }
0xa7: {  	s23 =	simm.s32 $0x1B8B  }
0xa8: {  	_ =	swait.ge [sflag:s23], $0x1  }
0xa9: {  	[sflag:s23] =	ssyncset.done $0x0  }
0xaa: {  	s25 =	simm.s32 $0x1B8E;
	s24 =	sld [smem:$0x3FFE];
	[sflag:s23] =	ssyncadd.s32 $0xFFFFFFFF  }
0xab: {  	s26 =	simm.s32 $execute0_lowered;
	[smem:$0x3FD2] =	sst s25  }
0xac: {  	s6 =	sshll.u32 s26, $0x1;
	_ =	strace $0x8000005B;
	[dreg:$0x1] =	wrdreg $0xFFFFFFFF  }
0xad: {  	s28 =	simm.s32 $_size_execute0_lowered;
	s4 =	sadd.s32 s4, s6;
	[dreg:$0x0] =	wrdreg $0x0  }
0xae: {  	s6 =	sshll.u32 s28, $0x1;
	[dreg:$0x2] =	wrdreg s4  }
0xaf: {  	[dreg:$0x3] =	wrdreg s6  }
0xb0: {  	[dreg:$0x4] =	wrdreg $0xC0  }
0xb1: {  	_ =	task [dreg:s8], $0x5FFFF  }
0xb2: {  	[dreg:$0x1] =	wrdreg $0xFFFFFFFF  }
0xb3: {  	[dreg:$0x0] =	wrdreg $0x60  }
0xb4: {  	[dreg:$0x2] =	wrdreg s15  }
0xb5: {  	[dreg:$0x3] =	wrdreg s24  }
0xb6: {  	[dreg:$0x4] =	wrdreg s16  }
0xb7: {  	[dreg:$0x5] =	wrdreg $0x9  }
0xb8: {  	_ =	task.clear_ibuf [dreg:s8], $0x6FFFF;
	_ =	strace $0x9000005B  }
0xb9: {  	s29 =	simm.s32 $0x9;
	_ =	strace $0x8000005D  }
0xba: {  	_ =	swait.ge [sflag:s29], $0x1  }
0xbb: {  	[sflag:s29] =	ssyncadd.s32 $0xFFFFFFFF  }
0xbc: {  	_ =	strace $0x9000005D  }
0xbd: {  	_ =	sfence  }
0xbe: {  	s30 =	sld [smem:$0x0];
	_ =	sdelay $0x2  }
0xbf: {  	s31 =	sshll.u32 s1, $0xD;
	s1 =	sshrl.u32 s1, $0x2  }
0xc0: {  	s3 =	sand.u32 $0x4000, s31;
	s1 =	sadd.s32 s1, s30  }
0xc1: {  	s0 =	sor.u32 s3, s0;
	s1 =	sshll.u32 s1, $0x11  }
0xc2: {  	s0 =	sor.u32 s1, s0  }
0xc3: {  	s0 =	sadd.s32 $0x8F2B, s0  }
0xc4: {  	[sflag:s0] =	ssyncadd.remote.s32 $0x1  }
0xc5: {  	_ =	sfence.sel $0xFFFF  }
0xc6: {  	[dreg:$0x0] =	wrdreg $0xFFFFFFFF;
	(pc) =	sbr.abs _section_cstart, $3  }
0xc7: {  	[dreg:$0x1] =	wrdreg $0xFFFFFFFF  }
0xc8: {  	_ =	task.clear_ibuf [dreg:s8], $0x2FFFF;
	_ =	strace $0x9FFFFFFF  }
0xc9: {  	(tm) =	ssettm $0x7FFFFFFF  }
tec
execute0_lowered:
.L_overlay_start_1:
0x0: {  	(tag) =	ssettag $0x1  }
0x1: {  	s1 =	rddreg [dreg:$0x0]  }
0x2: {  	s4 =	rddreg [dreg:$0x1]  }
0x3: {  	s5 =	rddreg [dreg:$0x2];
	s3 =	srdreg.scid  }
0x4: {  	s0 =	rddreg [dreg:$0x3];
	s2 =	stileid.u32;
	s10 =	simm.s32 $0x1080  }
0x5: {  	s11 =	simm.s32 $0x1880;
	s12 =	simm.s32 $0x1;
	s6 =	sand.u32 $0x1, s3  }
0x6: {  	s3 =	simm.s32 $0x0;
	s7 =	sshll.u32 s2, $0x6;
	s8 =	sshll.u32 s6, $0x5  }
0x7: {  	[smem:$0x7FF] =	sst s3;
	s6 =	ssub.s32 $0x2, s6;
	s7 =	sor.u32 s8, s7  }
0x8: {  	_ =	strace $0x8000005C;
	s9 =	sshrl.u32 s6, $0x1;
	s8 =	sshrl.u32 s7, $0x3  }
0x9: {  	v2 =	vlaneseq.u32;
	s6 =	ssub.s32 s6, s9;
	s7 =	sshll.u32 s7, $0x5;
	s9 =	simm.s32 $0x880  }
0xa: {  	vm0 =	vmmov $0xffff;
	v1 =	vshrl.u32 v2, $0x3;
	s4 =	sadd.s32 s8, s4;
	s5 =	sadd.s32 s5, s7;
	s6 =	smax.u32 s6, $0x1  }
0xb: {  	v0 =	vand.u32 $0x7, v2;
	v2 =	vor.u32 $0x8, v2;
	v1 =	vmul.u32 $0x8, v1;
	s7 =	simm.s32 $0x2;
	s8 =	simm.s32 $0x80;
	s4 =	sadd.s32 $0xC800, s4  }
.LBB2_1:
0xc: {  	[tilespmem:s3], [sflag:$0x2] =	stream.linear.gather [hbm4b:s4+s3], $0x20, $0x38;
	[tilespmem:$0x2080] =	vst v63  }
0xd: {  	_ =	swait.ge [sflag:s7], $0x20  }
0xe: {  	[sflag:s7] =	ssyncset.done $0x0  }
0xf: {  	[sflag:s7] =	ssyncadd.s32 $0xFFFFFFE0  }
0x10: {  	v3 =	vld [tilespmem:$0x0];
	_ =	sdelay $0x4  }
0x11: {  	v4 =	vshll.u32 v3, $0x1  }
0x12: {  	v3 =	vand.u32 $0x7, v3;
	v4 =	vand.u32 $0xFFFFFFF0, v4  }
0x13: {  	v3 =	vor.u32 v3, v4  }
0x14: {  	v4 =	vperm.xlane v3, v0;
	_ =	sdelay $0x1  }
0x15: {  	v3 =	vperm.xlane v3, v2;
	v4 =	vadd.s32 v1, v4;
	_ =	sdelay $0x1  }
0x16: {  	v3 =	vadd.s32 v1, v3;
	_ =	sdelay $0x2  }
0x17: {  	[tilespmem:s8], [sflag:$0x1] =	stream.indirect_vreg.gather [hbm4b:s1+s3], $0x80, v4, vm0, $0xb8;
	[tilespmem:$0x2080] =	vst v63  }
0x18: {  	_ = 	snop  }
0x19: {  	[tilespmem:s9], [sflag:$0x1] =	stream.indirect_vreg.gather [hbm4b:s1+s3], $0x80, v3, vm0, $0xb8;
	[tilespmem:$0x2080] =	vst v63  }
0x1a: {  	v3 =	vld [tilespmem:$0x10];
	_ =	sdelay $0x4  }
0x1b: {  	v63 =	vshll.u32 v3, $0x1  }
0x1c: {  	v3 =	vand.u32 $0x7, v3;
	v4 =	vand.u32 $0xFFFFFFF0, v63  }
0x1d: {  	v3 =	vor.u32 v3, v4  }
0x1e: {  	v4 =	vperm.xlane v3, v0;
	_ =	sdelay $0x1  }
0x1f: {  	v3 =	vperm.xlane v3, v2;
	v4 =	vadd.s32 v1, v4;
	_ =	sdelay $0x1  }
0x20: {  	v3 =	vadd.s32 v1, v3;
	_ =	sdelay $0x2  }
0x21: {  	[tilespmem:s10], [sflag:$0x1] =	stream.indirect_vreg.gather [hbm4b:s1+s3], $0x80, v4, vm0, $0xb8;
	[tilespmem:$0x2080] =	vst v63  }
0x22: {  	_ = 	snop  }
0x23: {  	[tilespmem:s11], [sflag:$0x1] =	stream.indirect_vreg.gather [hbm4b:s1+s3], $0x80, v3, vm0, $0xb8;
	[tilespmem:$0x2080] =	vst v63  }
0x24: {  	_ =	swait.ge [sflag:s12], $0x2000  }
0x25: {  	p0 =	sne.s32 s6, $0x1;
	[sflag:s12] =	ssyncset.done $0x0  }
.Ltmp0:
0x26: {  	[sflag:s12] =	ssyncadd.s32 $0xFFFFE000;
	(pc) =	sbr.rel @p0 .LBB2_1-.Ltmp0, $4  }
0x27: {  	[hbm4b:s5+s3] =	stream.linear.scatter [tilespmem:s8], [sflag:$0x2], $0x2000, $0x38;
	[tilespmem:$0x2080] =	vst v63  }
0x28: {  	_ =	swait.ge [sflag:s7], $0x2000  }
0x29: {  	[sflag:s7] =	ssyncset.done $0x0  }
0x2a: {  	s6 =	sadd.s32 $0xFFFFFFFF, s6;
	[sflag:s7] =	ssyncadd.s32 $0xFFFFE000  }
0x2b: {  	_ =	sfence.sel $0x180000  }
0x2c: {  	[bflag:$0x0] =	sbarrier.arrive $0xFFFF  }
0x2d: {  	p0 =	sne.s32 s2, $0x0;
	_ =	strace $0x9000005C  }
0x2e: {  	s0 =	sadd.s32 @!p0 $0x100000, s0;
	[bflag:$0x2] =	sbarrier.arrive $0xFFFF  }
0x2f: {  	[sflag:s0] =	ssyncadd.tile.s32 @!p0 $0x1;
	_ =	shalt  }
.Lfunc_end2:
_tile_overlayer_lowered:
.L_overlay_start_2:
0x30: {  	(tag) =	ssettag $0x2  }
0x31: {  	s0 =	rddreg [dreg:$0x0];
	s2 =	stileid.u32  }
0x32: {  	s1 =	rddreg [dreg:$0x1];
	p0 =	sne.s32 s2, $0x0  }
0x33: {  	s3 =	rddreg [dreg:$0x2];
	[bflag:$0x3] =	sbarrier.arrive $0xFFFF;
	s2 =	simm.s32 @!p0 $0x1C02  }
0x34: {  	[timem:s3], [sflag:s2] =	dma.local @!p0 [hbm:s0], s1  }
0x35: {  	s0 =	simm.s32 @!p0 $0x2  }
0x36: {  	_ =	swait.ge @!p0 [sflag:s0], s1  }
0x37: {  	s1 =	ssub.s32 @!p0 $0x0, s1;
	[sflag:s0] =	ssyncset.done @!p0 $0x0  }
0x38: {  	[sflag:s0] =	ssyncadd.s32 @!p0 s1  }
0x39: {  	[bflag:$0x3] =	sbarrier.arrive $0xFFFF  }
0x3a: {  	_ =	shalt  }

// kernel: kernel.59.cloned.1.call-start
scs
__scs_entry_jumppad:
0x0: {  	(pc) =	sbr.rel $0x88, $3  }
0x1: {  	(tag) =	ssettag $0x0;
	lr =	simm.s32 $0x1  }
0x2: {  	[smem:$0x3F9F] =	sst lr;
	_ =	strace $0xD0000000  }
0x3: {  	_ = 	snop  }
0x4: {  	_ = 	snop  }
0x5: {  	_ = 	snop  }
0x6: {  	_ = 	snop  }
0x7: {  	_ = 	snop  }
__scs_overlays_trampoline_lowered:
0x8: {  	[smem:$0x3FAE] =	sst s0  }
0x9: {  	[smem:$0x3FAF] =	sst s1  }
0xa: {  	[smem:$0x3FB0] =	sst s2  }
0xb: {  	[smem:$0x3FB1] =	sst s3  }
0xc: {  	[smem:$0x3FB2] =	sst s4  }
0xd: {  	[smem:$0x3FB3] =	sst s5  }
0xe: {  	[smem:$0x3FB4] =	sst s6  }
0xf: {  	[smem:$0x3FB5] =	sst s7  }
0x10: {  	[smem:$0x3FB6] =	sst s8  }
0x11: {  	[smem:$0x3FB7] =	sst s9;
	s0 =	simm.s32 @!p0 $0x0  }
0x12: {  	s1 =	sld [smem:$0x3F9D];
	s0 =	simm.s32 @p0 $0x1  }
0x13: {  	[smem:$0x3FB8] =	sst s0;
	s0 =	simm.s32 @!p1 $0x0  }
0x14: {  	s2 =	sld [smem:$0x3F9C];
	s0 =	simm.s32 @p1 $0x1  }
0x15: {  	[smem:$0x3FB9] =	sst s0;
	s0 =	simm.s32 @!p2 $0x0  }
0x16: {  	s3 =	sld [smem:$0x3FDB];
	s0 =	simm.s32 @p2 $0x1  }
0x17: {  	s4 =	simm.s32 $0x1BF5;
	[smem:$0x3FBB] =	sst s0  }
0x18: {  	s0 =	sld [smem:$0x3F9E];
	_ =	swait.ge [sflag:s4], $0x0  }
0x19: {  	s7 =	sld [smem:$0x3F9F]  }
0x1a: {  	s8 =	sadd.s32 $0xFFFFE003, lr  }
0x1b: {  	s9 =	sadd.s32 $0xFFFFFEF7, lr;
	s5 =	simm.s32 $0xFFFFFFFF;
	p2 =	slt.u32 s8, $0xFFFFF086  }
0x1c: {  	p1 =	slt.u32 s9, $0xF7A;
	s5 =	simm.s32 @!p2 $0x0  }
0x1d: {  	s5 =	simm.s32 @p1 $0x1;
	p0 =	seq.s32 s7, s2  }
0x1e: {  	s7 =	smul.u32 @!p0 $0xF7A, s2;
	p2 =	seq.s32 @!p0 s5, $0x0  }
0x1f: {  	s9 =	smul.u32 $0xF7A, s1;
	s8 =	simm.s32 @!p0 $0x1BF5;
	p2 =	por !p2, p0  }
0x20: {  	[sflag:s8] =	ssyncset.s32 @!p0 $0xFFFFF086;
	s6 =	sadd.s32 @!p0 s3, s7;
	s7 =	simm.s32 @!p0 $0x108  }
0x21: {  	s3 =	sadd.s32 s3, s9;
	s6 =	sadd.s32 @!p0 $0x88, s6;
	s7 =	simm.s32 @p2 $0x1082  }
0x22: {  	[simem:s7], [sflag:s8] =	dma.local @!p0 [hbm:s6], $0xF7A  }
0x23: {  	s9 =	sor.u32 $0xD0000000, s2;
	s6 =	simm.s32 $0x108;
	_ =	swait.ge @!p0 [sflag:s8], $0x0  }
0x24: {  	s3 =	sadd.s32 $0x88, s3;
	s6 =	simm.s32 @!p1 $0x1082;
	[sflag:s4] =	ssyncset.s32 $0xFFFFF086  }
0x25: {  	[simem:s6], [sflag:s4] =	dma.local [hbm:s3], $0xF7A  }
0x26: {  	[smem:$0x3F9F] =	sst s1;
	(tag) =	ssettag s2;
	_ =	strace s9  }
0x27: {  	s1 =	sld [smem:$0x3FAF]  }
0x28: {  	s2 =	sld [smem:$0x3FB0]  }
0x29: {  	s4 =	sld [smem:$0x3FB2]  }
0x2a: {  	p0 =	seq.s32 s5, $0x0;
	s5 =	sld [smem:$0x3FB3]  }
0x2b: {  	s6 =	sld [smem:$0x3FB4]  }
0x2c: {  	s7 =	sld [smem:$0x3FB5]  }
0x2d: {  	s3 =	simm.s32 $0x108;
	s8 =	sld [smem:$0x3FB6]  }
0x2e: {  	s3 =	simm.s32 @!p0 $0x1082;
	s9 =	sld [smem:$0x3FB7]  }
0x2f: {  	lr =	sadd.s32 s0, s3;
	s0 =	sld [smem:$0x3FAE]  }
0x30: {  	s3 =	sld [smem:$0x3FB1]  }
0x31: {  	[smem:$0x3FBA] =	sst s10  }
0x32: {  	s10 =	sld [smem:$0x3FB8];
	_ =	sdelay $0x3  }
0x33: {  	p0 =	seq.s32 s10, $0x1;
	s10 =	sld [smem:$0x3FBA];
	_ =	sdelay $0x3  }
0x34: {  	[smem:$0x3FBA] =	sst s10  }
0x35: {  	s10 =	sld [smem:$0x3FB9];
	_ =	sdelay $0x3  }
0x36: {  	p1 =	seq.s32 s10, $0x1;
	s10 =	sld [smem:$0x3FBA];
	_ =	sdelay $0x3  }
0x37: {  	[smem:$0x3FBA] =	sst s10  }
0x38: {  	s10 =	sld [smem:$0x3FBB]  }
0x39: {  	_ = 	snop;
	(pc) =	sbr.ind lr, $3  }
0x3a: {  	_ = 	snop  }
0x3b: {  	_ = 	snop  }
0x3c: {  	p2 =	seq.s32 s10, $0x1;
	s10 =	sld [smem:$0x3FBA]  }
0x3d: {  	_ =	shalt  }
0x3e: {  	_ =	shalt  }
0x3f: {  	_ =	shalt  }
0x40: {  	_ =	shalt  }
0x41: {  	_ =	shalt  }
0x42: {  	_ =	shalt  }
0x43: {  	_ =	shalt  }
0x44: {  	_ =	shalt  }
0x45: {  	_ =	shalt  }
0x46: {  	_ =	shalt  }
0x47: {  	_ =	shalt  }
0x48: {  	_ =	shalt  }
0x49: {  	_ =	shalt  }
0x4a: {  	_ =	shalt  }
0x4b: {  	_ =	shalt  }
0x4c: {  	_ =	shalt  }
0x4d: {  	_ =	shalt  }
0x4e: {  	_ =	shalt  }
0x4f: {  	_ =	shalt  }
0x50: {  	_ =	shalt  }
0x51: {  	_ =	shalt  }
0x52: {  	_ =	shalt  }
0x53: {  	_ =	shalt  }
0x54: {  	_ =	shalt  }
0x55: {  	_ =	shalt  }
0x56: {  	_ =	shalt  }
0x57: {  	_ =	shalt  }
0x58: {  	_ =	shalt  }
0x59: {  	_ =	shalt  }
0x5a: {  	_ =	shalt  }
0x5b: {  	_ =	shalt  }
0x5c: {  	_ =	shalt  }
0x5d: {  	_ =	shalt  }
0x5e: {  	_ =	shalt  }
0x5f: {  	_ =	shalt  }
0x60: {  	_ =	shalt  }
0x61: {  	_ =	shalt  }
0x62: {  	_ =	shalt  }
0x63: {  	_ =	shalt  }
0x64: {  	_ =	shalt  }
0x65: {  	_ =	shalt  }
0x66: {  	_ =	shalt  }
0x67: {  	_ =	shalt  }
0x68: {  	_ =	shalt  }
0x69: {  	_ =	shalt  }
0x6a: {  	_ =	shalt  }
0x6b: {  	_ =	shalt  }
0x6c: {  	_ =	shalt  }
0x6d: {  	_ =	shalt  }
0x6e: {  	_ =	shalt  }
0x6f: {  	_ =	shalt  }
0x70: {  	_ =	shalt  }
0x71: {  	_ =	shalt  }
0x72: {  	_ =	shalt  }
0x73: {  	_ =	shalt  }
0x74: {  	_ =	shalt  }
0x75: {  	_ =	shalt  }
0x76: {  	_ =	shalt  }
0x77: {  	_ =	shalt  }
0x78: {  	_ =	shalt  }
0x79: {  	_ =	shalt  }
0x7a: {  	_ =	shalt  }
0x7b: {  	_ =	shalt  }
0x7c: {  	_ =	shalt  }
0x7d: {  	_ =	shalt  }
0x7e: {  	_ =	shalt  }
0x7f: {  	_ =	shalt  }
0x80: {  	_ =	shalt  }
0x81: {  	_ =	shalt  }
0x82: {  	_ =	shalt  }
0x83: {  	_ =	shalt  }
0x84: {  	_ =	shalt  }
0x85: {  	_ =	shalt  }
0x86: {  	_ =	shalt  }
0x87: {  	_ =	shalt  }
.Lfunc_end0:
.L_simem_size_0:
called_computation.8_lowered:
.L_overlay_start_0:
0x88: {  	s2 =	sld [smem:$0x3FD9]  }
0x89: {  	s3 =	sld [smem:$0x3FFE];
	_ =	sdelay $0x1  }
0x8a: {  	s1 =	srdreg.scid  }
0x8b: {  	s0 =	sand.u32 $0x1, s1  }
0x8c: {  	s14 =	sshll.u32 s0, $0xA;
	s2 =	sadd.s32 s3, s2  }
0x8d: {  	s2 =	sadd.s32 s2, s14  }
0x8e: {  	[smem:$0x3FC6] =	sst s2  }
0x8f: {  	_ = 	snop  }
0x90: {  	s2 =	sld [smem:$0x3FD0];
	_ =	sdelay $0x2  }
0x91: {  	s4 =	simm.s32 $0xA;
	s5 =	simm.s32 $0x10;
	s15 =	sld [smem:$0x3FC8]  }
0x92: {  	[smem:s5], [sflag:s4] =	dma.local [hbm:s2], $0x1  }
0x93: {  	_ =	swait.eq [sflag:s4], $0x1  }
0x94: {  	[sflag:s4] =	ssyncset.done $0x0  }
0x95: {  	[sflag:s4] =	ssyncadd.s32 $0xFFFFFFFF  }
0x96: {  	s16 =	sld [smem:$0x11];
	(tm) =	ssettm $0x1  }
0x97: {  	s17 =	sld [smem:$0x3FFB];
	_ =	sdelay $0x3  }
0x98: {  	_ =	strace s17  }
0x99: {  	s4 =	sld [smem:$0x3FFC];
	_ =	sdelay $0x3  }
0x9a: {  	_ =	strace s4  }
0x9b: {  	s4 =	sld [smem:$0x3FFD];
	_ =	sdelay $0x3  }
0x9c: {  	_ =	strace s4  }
0x9d: {  	_ =	strace $0x8FFFFFFF  }
0x9e: {  	s18 =	sld [smem:$0x3FDB];
	_ =	sdelay $0x1  }
0x9f: {  	s19 =	simm.s32 $_scs_section_size  }
0xa0: {  	s6 =	simm.s32 $_size__tile_overlayer_lowered;
	s7 =	simm.s32 $_tile_overlayer_lowered  }
0xa1: {  	s22 =	simm.s32 $0x1BFF;
	s21 =	sshll.u32 s7, $0x1;
	s4 =	sadd.s32 s19, s18  }
0xa2: {  	s8 =	simm.s32 $0x0;
	s20 =	sshll.u32 s6, $0x1;
	s6 =	sadd.s32 s21, s4  }
0xa3: {  	[timem:s8], [sflag:s22] =	dma.local [hbm:s6], s20  }
0xa4: {  	_ =	swait.ge [sflag:s22], s20  }
0xa5: {  	s5 =	ssub.s32 $0x0, s20;
	[sflag:s22] =	ssyncset.done $0x0  }
0xa6: {  	[sflag:s22] =	ssyncadd.s32 s5;
	_ =	sdelay $0x1  }
0xa7: {  	s23 =	simm.s32 $0x1B8B  }
0xa8: {  	_ =	swait.ge [sflag:s23], $0x1  }
0xa9: {  	[sflag:s23] =	ssyncset.done $0x0  }
0xaa: {  	s25 =	simm.s32 $0x1B8E;
	s24 =	sld [smem:$0x3FFE];
	[sflag:s23] =	ssyncadd.s32 $0xFFFFFFFF  }
0xab: {  	s26 =	simm.s32 $execute0_lowered;
	[smem:$0x3FD2] =	sst s25  }
0xac: {  	s6 =	sshll.u32 s26, $0x1;
	_ =	strace $0x8000005E;
	[dreg:$0x1] =	wrdreg $0xFFFFFFFF  }
0xad: {  	s28 =	simm.s32 $_size_execute0_lowered;
	s4 =	sadd.s32 s4, s6;
	[dreg:$0x0] =	wrdreg $0x0  }
0xae: {  	s6 =	sshll.u32 s28, $0x1;
	[dreg:$0x2] =	wrdreg s4  }
0xaf: {  	[dreg:$0x3] =	wrdreg s6  }
0xb0: {  	[dreg:$0x4] =	wrdreg $0xC0  }
0xb1: {  	_ =	task [dreg:s8], $0x5FFFF  }
0xb2: {  	[dreg:$0x1] =	wrdreg $0xFFFFFFFF  }
0xb3: {  	[dreg:$0x0] =	wrdreg $0x60  }
0xb4: {  	[dreg:$0x2] =	wrdreg s15  }
0xb5: {  	[dreg:$0x3] =	wrdreg s24  }
0xb6: {  	[dreg:$0x4] =	wrdreg s16  }
0xb7: {  	[dreg:$0x5] =	wrdreg $0x9  }
0xb8: {  	_ =	task.clear_ibuf [dreg:s8], $0x6FFFF;
	_ =	strace $0x9000005E  }
0xb9: {  	s29 =	simm.s32 $0x9;
	_ =	strace $0x80000060  }
0xba: {  	_ =	swait.ge [sflag:s29], $0x1  }
0xbb: {  	[sflag:s29] =	ssyncadd.s32 $0xFFFFFFFF  }
0xbc: {  	_ =	strace $0x90000060  }
0xbd: {  	_ =	sfence  }
0xbe: {  	s30 =	sld [smem:$0x0];
	_ =	sdelay $0x2  }
0xbf: {  	s31 =	sshll.u32 s1, $0xD;
	s1 =	sshrl.u32 s1, $0x2  }
0xc0: {  	s3 =	sand.u32 $0x4000, s31;
	s1 =	sadd.s32 s1, s30  }
0xc1: {  	s0 =	sor.u32 s3, s0;
	s1 =	sshll.u32 s1, $0x11  }
0xc2: {  	s0 =	sor.u32 s1, s0  }
0xc3: {  	s0 =	sadd.s32 $0x8F2B, s0  }
0xc4: {  	[sflag:s0] =	ssyncadd.remote.s32 $0x1  }
0xc5: {  	_ =	sfence.sel $0xFFFF  }
0xc6: {  	[dreg:$0x0] =	wrdreg $0xFFFFFFFF;
	(pc) =	sbr.abs _section_cstart, $3  }
0xc7: {  	[dreg:$0x1] =	wrdreg $0xFFFFFFFF  }
0xc8: {  	_ =	task.clear_ibuf [dreg:s8], $0x2FFFF;
	_ =	strace $0x9FFFFFFF  }
0xc9: {  	(tm) =	ssettm $0x7FFFFFFF  }
tec
execute0_lowered:
.L_overlay_start_1:
0x0: {  	(tag) =	ssettag $0x1  }
0x1: {  	s1 =	rddreg [dreg:$0x0]  }
0x2: {  	s4 =	rddreg [dreg:$0x1]  }
0x3: {  	s5 =	rddreg [dreg:$0x2];
	s3 =	srdreg.scid  }
0x4: {  	s0 =	rddreg [dreg:$0x3];
	s2 =	stileid.u32;
	s10 =	simm.s32 $0x1080  }
0x5: {  	s11 =	simm.s32 $0x1880;
	s12 =	simm.s32 $0x1;
	s6 =	sand.u32 $0x1, s3  }
0x6: {  	s3 =	simm.s32 $0x0;
	s7 =	sshll.u32 s2, $0x6;
	s8 =	sshll.u32 s6, $0x5  }
0x7: {  	[smem:$0x7FF] =	sst s3;
	s6 =	ssub.s32 $0x2, s6;
	s7 =	sor.u32 s8, s7  }
0x8: {  	_ =	strace $0x8000005F;
	s9 =	sshrl.u32 s6, $0x1;
	s8 =	sshrl.u32 s7, $0x3  }
0x9: {  	v2 =	vlaneseq.u32;
	s6 =	ssub.s32 s6, s9;
	s7 =	sshll.u32 s7, $0x5;
	s9 =	simm.s32 $0x880  }
0xa: {  	vm0 =	vmmov $0xffff;
	v1 =	vshrl.u32 v2, $0x3;
	s4 =	sadd.s32 s8, s4;
	s5 =	sadd.s32 s5, s7;
	s6 =	smax.u32 s6, $0x1  }
0xb: {  	v0 =	vand.u32 $0x7, v2;
	v2 =	vor.u32 $0x8, v2;
	v1 =	vmul.u32 $0x8, v1;
	s7 =	simm.s32 $0x2;
	s8 =	simm.s32 $0x80;
	s4 =	sadd.s32 $0xC800, s4  }
.LBB2_1:
0xc: {  	[tilespmem:s3], [sflag:$0x2] =	stream.linear.gather [hbm4b:s4+s3], $0x20, $0x38;
	[tilespmem:$0x2080] =	vst v63  }
0xd: {  	_ =	swait.ge [sflag:s7], $0x20  }
0xe: {  	[sflag:s7] =	ssyncset.done $0x0  }
0xf: {  	[sflag:s7] =	ssyncadd.s32 $0xFFFFFFE0  }
0x10: {  	v3 =	vld [tilespmem:$0x0];
	_ =	sdelay $0x4  }
0x11: {  	v4 =	vshll.u32 v3, $0x1  }
0x12: {  	v3 =	vand.u32 $0x7, v3;
	v4 =	vand.u32 $0xFFFFFFF0, v4  }
0x13: {  	v3 =	vor.u32 v3, v4  }
0x14: {  	v4 =	vperm.xlane v3, v0;
	_ =	sdelay $0x1  }
0x15: {  	v3 =	vperm.xlane v3, v2;
	v4 =	vadd.s32 v1, v4;
	_ =	sdelay $0x1  }
0x16: {  	v3 =	vadd.s32 v1, v3;
	_ =	sdelay $0x2  }
0x17: {  	[tilespmem:s8], [sflag:$0x1] =	stream.indirect_vreg.gather [hbm4b:s1+s3], $0x80, v4, vm0, $0xb8;
	[tilespmem:$0x2080] =	vst v63  }
0x18: {  	_ = 	snop  }
0x19: {  	[tilespmem:s9], [sflag:$0x1] =	stream.indirect_vreg.gather [hbm4b:s1+s3], $0x80, v3, vm0, $0xb8;
	[tilespmem:$0x2080] =	vst v63  }
0x1a: {  	v3 =	vld [tilespmem:$0x10];
	_ =	sdelay $0x4  }
0x1b: {  	v63 =	vshll.u32 v3, $0x1  }
0x1c: {  	v3 =	vand.u32 $0x7, v3;
	v4 =	vand.u32 $0xFFFFFFF0, v63  }
0x1d: {  	v3 =	vor.u32 v3, v4  }
0x1e: {  	v4 =	vperm.xlane v3, v0;
	_ =	sdelay $0x1  }
0x1f: {  	v3 =	vperm.xlane v3, v2;
	v4 =	vadd.s32 v1, v4;
	_ =	sdelay $0x1  }
0x20: {  	v3 =	vadd.s32 v1, v3;
	_ =	sdelay $0x2  }
0x21: {  	[tilespmem:s10], [sflag:$0x1] =	stream.indirect_vreg.gather [hbm4b:s1+s3], $0x80, v4, vm0, $0xb8;
	[tilespmem:$0x2080] =	vst v63  }
0x22: {  	_ = 	snop  }
0x23: {  	[tilespmem:s11], [sflag:$0x1] =	stream.indirect_vreg.gather [hbm4b:s1+s3], $0x80, v3, vm0, $0xb8;
	[tilespmem:$0x2080] =	vst v63  }
0x24: {  	_ =	swait.ge [sflag:s12], $0x2000  }
0x25: {  	p0 =	sne.s32 s6, $0x1;
	[sflag:s12] =	ssyncset.done $0x0  }
.Ltmp0:
0x26: {  	[sflag:s12] =	ssyncadd.s32 $0xFFFFE000;
	(pc) =	sbr.rel @p0 .LBB2_1-.Ltmp0, $4  }
0x27: {  	[hbm4b:s5+s3] =	stream.linear.scatter [tilespmem:s8], [sflag:$0x2], $0x2000, $0x38;
	[tilespmem:$0x2080] =	vst v63  }
0x28: {  	_ =	swait.ge [sflag:s7], $0x2000  }
0x29: {  	[sflag:s7] =	ssyncset.done $0x0  }
0x2a: {  	s6 =	sadd.s32 $0xFFFFFFFF, s6;
	[sflag:s7] =	ssyncadd.s32 $0xFFFFE000  }
0x2b: {  	_ =	sfence.sel $0x180000  }
0x2c: {  	[bflag:$0x0] =	sbarrier.arrive $0xFFFF  }
0x2d: {  	p0 =	sne.s32 s2, $0x0;
	_ =	strace $0x9000005F  }
0x2e: {  	s0 =	sadd.s32 @!p0 $0x100000, s0;
	[bflag:$0x2] =	sbarrier.arrive $0xFFFF  }
0x2f: {  	[sflag:s0] =	ssyncadd.tile.s32 @!p0 $0x1;
	_ =	shalt  }
.Lfunc_end2:
_tile_overlayer_lowered:
.L_overlay_start_2:
0x30: {  	(tag) =	ssettag $0x2  }
0x31: {  	s0 =	rddreg [dreg:$0x0];
	s2 =	stileid.u32  }
0x32: {  	s1 =	rddreg [dreg:$0x1];
	p0 =	sne.s32 s2, $0x0  }
0x33: {  	s3 =	rddreg [dreg:$0x2];
	[bflag:$0x3] =	sbarrier.arrive $0xFFFF;
	s2 =	simm.s32 @!p0 $0x1C02  }
0x34: {  	[timem:s3], [sflag:s2] =	dma.local @!p0 [hbm:s0], s1  }
0x35: {  	s0 =	simm.s32 @!p0 $0x2  }
0x36: {  	_ =	swait.ge @!p0 [sflag:s0], s1  }
0x37: {  	s1 =	ssub.s32 @!p0 $0x0, s1;
	[sflag:s0] =	ssyncset.done @!p0 $0x0  }
0x38: {  	[sflag:s0] =	ssyncadd.s32 @!p0 s1  }
0x39: {  	[bflag:$0x3] =	sbarrier.arrive $0xFFFF  }
0x3a: {  	_ =	shalt  }

// kernel: kernel.62.cloned.1.call-start
scs
__scs_entry_jumppad:
0x0: {  	(pc) =	sbr.rel $0x88, $3  }
0x1: {  	(tag) =	ssettag $0x0;
	lr =	simm.s32 $0x1  }
0x2: {  	[smem:$0x3F9F] =	sst lr;
	_ =	strace $0xD0000000  }
0x3: {  	_ = 	snop  }
0x4: {  	_ = 	snop  }
0x5: {  	_ = 	snop  }
0x6: {  	_ = 	snop  }
0x7: {  	_ = 	snop  }
__scs_overlays_trampoline_lowered:
0x8: {  	[smem:$0x3FAE] =	sst s0  }
0x9: {  	[smem:$0x3FAF] =	sst s1  }
0xa: {  	[smem:$0x3FB0] =	sst s2  }
0xb: {  	[smem:$0x3FB1] =	sst s3  }
0xc: {  	[smem:$0x3FB2] =	sst s4  }
0xd: {  	[smem:$0x3FB3] =	sst s5  }
0xe: {  	[smem:$0x3FB4] =	sst s6  }
0xf: {  	[smem:$0x3FB5] =	sst s7  }
0x10: {  	[smem:$0x3FB6] =	sst s8  }
0x11: {  	[smem:$0x3FB7] =	sst s9;
	s0 =	simm.s32 @!p0 $0x0  }
0x12: {  	s1 =	sld [smem:$0x3F9D];
	s0 =	simm.s32 @p0 $0x1  }
0x13: {  	[smem:$0x3FB8] =	sst s0;
	s0 =	simm.s32 @!p1 $0x0  }
0x14: {  	s2 =	sld [smem:$0x3F9C];
	s0 =	simm.s32 @p1 $0x1  }
0x15: {  	[smem:$0x3FB9] =	sst s0;
	s0 =	simm.s32 @!p2 $0x0  }
0x16: {  	s3 =	sld [smem:$0x3FDB];
	s0 =	simm.s32 @p2 $0x1  }
0x17: {  	s4 =	simm.s32 $0x1BF5;
	[smem:$0x3FBB] =	sst s0  }
0x18: {  	s0 =	sld [smem:$0x3F9E];
	_ =	swait.ge [sflag:s4], $0x0  }
0x19: {  	s7 =	sld [smem:$0x3F9F]  }
0x1a: {  	s8 =	sadd.s32 $0xFFFFE003, lr  }
0x1b: {  	s9 =	sadd.s32 $0xFFFFFEF7, lr;
	s5 =	simm.s32 $0xFFFFFFFF;
	p2 =	slt.u32 s8, $0xFFFFF086  }
0x1c: {  	p1 =	slt.u32 s9, $0xF7A;
	s5 =	simm.s32 @!p2 $0x0  }
0x1d: {  	s5 =	simm.s32 @p1 $0x1;
	p0 =	seq.s32 s7, s2  }
0x1e: {  	s7 =	smul.u32 @!p0 $0xF7A, s2;
	p2 =	seq.s32 @!p0 s5, $0x0  }
0x1f: {  	s9 =	smul.u32 $0xF7A, s1;
	s8 =	simm.s32 @!p0 $0x1BF5;
	p2 =	por !p2, p0  }
0x20: {  	[sflag:s8] =	ssyncset.s32 @!p0 $0xFFFFF086;
	s6 =	sadd.s32 @!p0 s3, s7;
	s7 =	simm.s32 @!p0 $0x108  }
0x21: {  	s3 =	sadd.s32 s3, s9;
	s6 =	sadd.s32 @!p0 $0x88, s6;
	s7 =	simm.s32 @p2 $0x1082  }
0x22: {  	[simem:s7], [sflag:s8] =	dma.local @!p0 [hbm:s6], $0xF7A  }
0x23: {  	s9 =	sor.u32 $0xD0000000, s2;
	s6 =	simm.s32 $0x108;
	_ =	swait.ge @!p0 [sflag:s8], $0x0  }
0x24: {  	s3 =	sadd.s32 $0x88, s3;
	s6 =	simm.s32 @!p1 $0x1082;
	[sflag:s4] =	ssyncset.s32 $0xFFFFF086  }
0x25: {  	[simem:s6], [sflag:s4] =	dma.local [hbm:s3], $0xF7A  }
0x26: {  	[smem:$0x3F9F] =	sst s1;
	(tag) =	ssettag s2;
	_ =	strace s9  }
0x27: {  	s1 =	sld [smem:$0x3FAF]  }
0x28: {  	s2 =	sld [smem:$0x3FB0]  }
0x29: {  	s4 =	sld [smem:$0x3FB2]  }
0x2a: {  	p0 =	seq.s32 s5, $0x0;
	s5 =	sld [smem:$0x3FB3]  }
0x2b: {  	s6 =	sld [smem:$0x3FB4]  }
0x2c: {  	s7 =	sld [smem:$0x3FB5]  }
0x2d: {  	s3 =	simm.s32 $0x108;
	s8 =	sld [smem:$0x3FB6]  }
0x2e: {  	s3 =	simm.s32 @!p0 $0x1082;
	s9 =	sld [smem:$0x3FB7]  }
0x2f: {  	lr =	sadd.s32 s0, s3;
	s0 =	sld [smem:$0x3FAE]  }
0x30: {  	s3 =	sld [smem:$0x3FB1]  }
0x31: {  	[smem:$0x3FBA] =	sst s10  }
0x32: {  	s10 =	sld [smem:$0x3FB8];
	_ =	sdelay $0x3  }
0x33: {  	p0 =	seq.s32 s10, $0x1;
	s10 =	sld [smem:$0x3FBA];
	_ =	sdelay $0x3  }
0x34: {  	[smem:$0x3FBA] =	sst s10  }
0x35: {  	s10 =	sld [smem:$0x3FB9];
	_ =	sdelay $0x3  }
0x36: {  	p1 =	seq.s32 s10, $0x1;
	s10 =	sld [smem:$0x3FBA];
	_ =	sdelay $0x3  }
0x37: {  	[smem:$0x3FBA] =	sst s10  }
0x38: {  	s10 =	sld [smem:$0x3FBB]  }
0x39: {  	_ = 	snop;
	(pc) =	sbr.ind lr, $3  }
0x3a: {  	_ = 	snop  }
0x3b: {  	_ = 	snop  }
0x3c: {  	p2 =	seq.s32 s10, $0x1;
	s10 =	sld [smem:$0x3FBA]  }
0x3d: {  	_ =	shalt  }
0x3e: {  	_ =	shalt  }
0x3f: {  	_ =	shalt  }
0x40: {  	_ =	shalt  }
0x41: {  	_ =	shalt  }
0x42: {  	_ =	shalt  }
0x43: {  	_ =	shalt  }
0x44: {  	_ =	shalt  }
0x45: {  	_ =	shalt  }
0x46: {  	_ =	shalt  }
0x47: {  	_ =	shalt  }
0x48: {  	_ =	shalt  }
0x49: {  	_ =	shalt  }
0x4a: {  	_ =	shalt  }
0x4b: {  	_ =	shalt  }
0x4c: {  	_ =	shalt  }
0x4d: {  	_ =	shalt  }
0x4e: {  	_ =	shalt  }
0x4f: {  	_ =	shalt  }
0x50: {  	_ =	shalt  }
0x51: {  	_ =	shalt  }
0x52: {  	_ =	shalt  }
0x53: {  	_ =	shalt  }
0x54: {  	_ =	shalt  }
0x55: {  	_ =	shalt  }
0x56: {  	_ =	shalt  }
0x57: {  	_ =	shalt  }
0x58: {  	_ =	shalt  }
0x59: {  	_ =	shalt  }
0x5a: {  	_ =	shalt  }
0x5b: {  	_ =	shalt  }
0x5c: {  	_ =	shalt  }
0x5d: {  	_ =	shalt  }
0x5e: {  	_ =	shalt  }
0x5f: {  	_ =	shalt  }
0x60: {  	_ =	shalt  }
0x61: {  	_ =	shalt  }
0x62: {  	_ =	shalt  }
0x63: {  	_ =	shalt  }
0x64: {  	_ =	shalt  }
0x65: {  	_ =	shalt  }
0x66: {  	_ =	shalt  }
0x67: {  	_ =	shalt  }
0x68: {  	_ =	shalt  }
0x69: {  	_ =	shalt  }
0x6a: {  	_ =	shalt  }
0x6b: {  	_ =	shalt  }
0x6c: {  	_ =	shalt  }
0x6d: {  	_ =	shalt  }
0x6e: {  	_ =	shalt  }
0x6f: {  	_ =	shalt  }
0x70: {  	_ =	shalt  }
0x71: {  	_ =	shalt  }
0x72: {  	_ =	shalt  }
0x73: {  	_ =	shalt  }
0x74: {  	_ =	shalt  }
0x75: {  	_ =	shalt  }
0x76: {  	_ =	shalt  }
0x77: {  	_ =	shalt  }
0x78: {  	_ =	shalt  }
0x79: {  	_ =	shalt  }
0x7a: {  	_ =	shalt  }
0x7b: {  	_ =	shalt  }
0x7c: {  	_ =	shalt  }
0x7d: {  	_ =	shalt  }
0x7e: {  	_ =	shalt  }
0x7f: {  	_ =	shalt  }
0x80: {  	_ =	shalt  }
0x81: {  	_ =	shalt  }
0x82: {  	_ =	shalt  }
0x83: {  	_ =	shalt  }
0x84: {  	_ =	shalt  }
0x85: {  	_ =	shalt  }
0x86: {  	_ =	shalt  }
0x87: {  	_ =	shalt  }
.Lfunc_end0:
.L_simem_size_0:
called_computation.9_lowered:
.L_overlay_start_0:
0x88: {  	s2 =	sld [smem:$0x3FD9]  }
0x89: {  	s3 =	sld [smem:$0x3FFE];
	_ =	sdelay $0x1  }
0x8a: {  	s1 =	srdreg.scid  }
0x8b: {  	s0 =	sand.u32 $0x1, s1  }
0x8c: {  	s14 =	sshll.u32 s0, $0xA;
	s2 =	sadd.s32 s3, s2  }
0x8d: {  	s2 =	sadd.s32 s2, s14  }
0x8e: {  	[smem:$0x3FC6] =	sst s2  }
0x8f: {  	_ = 	snop  }
0x90: {  	s2 =	sld [smem:$0x3FD0];
	_ =	sdelay $0x2  }
0x91: {  	s4 =	simm.s32 $0xA;
	s5 =	simm.s32 $0x10;
	s15 =	sld [smem:$0x3FC8]  }
0x92: {  	[smem:s5], [sflag:s4] =	dma.local [hbm:s2], $0x1  }
0x93: {  	_ =	swait.eq [sflag:s4], $0x1  }
0x94: {  	[sflag:s4] =	ssyncset.done $0x0  }
0x95: {  	[sflag:s4] =	ssyncadd.s32 $0xFFFFFFFF  }
0x96: {  	s16 =	sld [smem:$0x11];
	(tm) =	ssettm $0x1  }
0x97: {  	s17 =	sld [smem:$0x3FFB];
	_ =	sdelay $0x3  }
0x98: {  	_ =	strace s17  }
0x99: {  	s4 =	sld [smem:$0x3FFC];
	_ =	sdelay $0x3  }
0x9a: {  	_ =	strace s4  }
0x9b: {  	s4 =	sld [smem:$0x3FFD];
	_ =	sdelay $0x3  }
0x9c: {  	_ =	strace s4  }
0x9d: {  	_ =	strace $0x8FFFFFFF  }
0x9e: {  	s18 =	sld [smem:$0x3FDB];
	_ =	sdelay $0x1  }
0x9f: {  	s19 =	simm.s32 $_scs_section_size  }
0xa0: {  	s6 =	simm.s32 $_size__tile_overlayer_lowered;
	s7 =	simm.s32 $_tile_overlayer_lowered  }
0xa1: {  	s22 =	simm.s32 $0x1BFF;
	s21 =	sshll.u32 s7, $0x1;
	s4 =	sadd.s32 s19, s18  }
0xa2: {  	s8 =	simm.s32 $0x0;
	s20 =	sshll.u32 s6, $0x1;
	s6 =	sadd.s32 s21, s4  }
0xa3: {  	[timem:s8], [sflag:s22] =	dma.local [hbm:s6], s20  }
0xa4: {  	_ =	swait.ge [sflag:s22], s20  }
0xa5: {  	s5 =	ssub.s32 $0x0, s20;
	[sflag:s22] =	ssyncset.done $0x0  }
0xa6: {  	[sflag:s22] =	ssyncadd.s32 s5;
	_ =	sdelay $0x1  }
0xa7: {  	s23 =	simm.s32 $0x1B8B  }
0xa8: {  	_ =	swait.ge [sflag:s23], $0x1  }
0xa9: {  	[sflag:s23] =	ssyncset.done $0x0  }
0xaa: {  	s25 =	simm.s32 $0x1B8E;
	s24 =	sld [smem:$0x3FFE];
	[sflag:s23] =	ssyncadd.s32 $0xFFFFFFFF  }
0xab: {  	s26 =	simm.s32 $execute0_lowered;
	[smem:$0x3FD2] =	sst s25  }
0xac: {  	s6 =	sshll.u32 s26, $0x1;
	_ =	strace $0x80000061;
	[dreg:$0x1] =	wrdreg $0xFFFFFFFF  }
0xad: {  	s28 =	simm.s32 $_size_execute0_lowered;
	s4 =	sadd.s32 s4, s6;
	[dreg:$0x0] =	wrdreg $0x0  }
0xae: {  	s6 =	sshll.u32 s28, $0x1;
	[dreg:$0x2] =	wrdreg s4  }
0xaf: {  	[dreg:$0x3] =	wrdreg s6  }
0xb0: {  	[dreg:$0x4] =	wrdreg $0xC0  }
0xb1: {  	_ =	task [dreg:s8], $0x5FFFF  }
0xb2: {  	[dreg:$0x1] =	wrdreg $0xFFFFFFFF  }
0xb3: {  	[dreg:$0x0] =	wrdreg $0x60  }
0xb4: {  	[dreg:$0x2] =	wrdreg s15  }
0xb5: {  	[dreg:$0x3] =	wrdreg s24  }
0xb6: {  	[dreg:$0x4] =	wrdreg s16  }
0xb7: {  	[dreg:$0x5] =	wrdreg $0x9  }
0xb8: {  	_ =	task.clear_ibuf [dreg:s8], $0x6FFFF;
	_ =	strace $0x90000061  }
0xb9: {  	s29 =	simm.s32 $0x9;
	_ =	strace $0x80000063  }
0xba: {  	_ =	swait.ge [sflag:s29], $0x1  }
0xbb: {  	[sflag:s29] =	ssyncadd.s32 $0xFFFFFFFF  }
0xbc: {  	_ =	strace $0x90000063  }
0xbd: {  	_ =	sfence  }
0xbe: {  	s30 =	sld [smem:$0x0];
	_ =	sdelay $0x2  }
0xbf: {  	s31 =	sshll.u32 s1, $0xD;
	s1 =	sshrl.u32 s1, $0x2  }
0xc0: {  	s3 =	sand.u32 $0x4000, s31;
	s1 =	sadd.s32 s1, s30  }
0xc1: {  	s0 =	sor.u32 s3, s0;
	s1 =	sshll.u32 s1, $0x11  }
0xc2: {  	s0 =	sor.u32 s1, s0  }
0xc3: {  	s0 =	sadd.s32 $0x8F2B, s0  }
0xc4: {  	[sflag:s0] =	ssyncadd.remote.s32 $0x1  }
0xc5: {  	_ =	sfence.sel $0xFFFF  }
0xc6: {  	[dreg:$0x0] =	wrdreg $0xFFFFFFFF;
	(pc) =	sbr.abs _section_cstart, $3  }
0xc7: {  	[dreg:$0x1] =	wrdreg $0xFFFFFFFF  }
0xc8: {  	_ =	task.clear_ibuf [dreg:s8], $0x2FFFF;
	_ =	strace $0x9FFFFFFF  }
0xc9: {  	(tm) =	ssettm $0x7FFFFFFF  }
tec
execute0_lowered:
.L_overlay_start_1:
0x0: {  	(tag) =	ssettag $0x1  }
0x1: {  	s1 =	rddreg [dreg:$0x0]  }
0x2: {  	s4 =	rddreg [dreg:$0x1]  }
0x3: {  	s5 =	rddreg [dreg:$0x2];
	s3 =	srdreg.scid  }
0x4: {  	s0 =	rddreg [dreg:$0x3];
	s2 =	stileid.u32;
	s10 =	simm.s32 $0x1080  }
0x5: {  	s11 =	simm.s32 $0x1880;
	s12 =	simm.s32 $0x1;
	s6 =	sand.u32 $0x1, s3  }
0x6: {  	s3 =	simm.s32 $0x0;
	s7 =	sshll.u32 s2, $0x6;
	s8 =	sshll.u32 s6, $0x5  }
0x7: {  	[smem:$0x7FF] =	sst s3;
	s6 =	ssub.s32 $0x2, s6;
	s7 =	sor.u32 s8, s7  }
0x8: {  	_ =	strace $0x80000062;
	s9 =	sshrl.u32 s6, $0x1;
	s8 =	sshrl.u32 s7, $0x3  }
0x9: {  	v2 =	vlaneseq.u32;
	s6 =	ssub.s32 s6, s9;
	s7 =	sshll.u32 s7, $0x5;
	s9 =	simm.s32 $0x880  }
0xa: {  	vm0 =	vmmov $0xffff;
	v1 =	vshrl.u32 v2, $0x3;
	s4 =	sadd.s32 s8, s4;
	s5 =	sadd.s32 s5, s7;
	s6 =	smax.u32 s6, $0x1  }
0xb: {  	v0 =	vand.u32 $0x7, v2;
	v2 =	vor.u32 $0x8, v2;
	v1 =	vmul.u32 $0x8, v1;
	s7 =	simm.s32 $0x2;
	s8 =	simm.s32 $0x80;
	s4 =	sadd.s32 $0xC800, s4  }
.LBB2_1:
0xc: {  	[tilespmem:s3], [sflag:$0x2] =	stream.linear.gather [hbm4b:s4+s3], $0x20, $0x38;
	[tilespmem:$0x2080] =	vst v63  }
0xd: {  	_ =	swait.ge [sflag:s7], $0x20  }
0xe: {  	[sflag:s7] =	ssyncset.done $0x0  }
0xf: {  	[sflag:s7] =	ssyncadd.s32 $0xFFFFFFE0  }
0x10: {  	v3 =	vld [tilespmem:$0x0];
	_ =	sdelay $0x4  }
0x11: {  	v4 =	vshll.u32 v3, $0x1  }
0x12: {  	v3 =	vand.u32 $0x7, v3;
	v4 =	vand.u32 $0xFFFFFFF0, v4  }
0x13: {  	v3 =	vor.u32 v3, v4  }
0x14: {  	v4 =	vperm.xlane v3, v0;
	_ =	sdelay $0x1  }
0x15: {  	v3 =	vperm.xlane v3, v2;
	v4 =	vadd.s32 v1, v4;
	_ =	sdelay $0x1  }
0x16: {  	v3 =	vadd.s32 v1, v3;
	_ =	sdelay $0x2  }
0x17: {  	[tilespmem:s8], [sflag:$0x1] =	stream.indirect_vreg.gather [hbm4b:s1+s3], $0x80, v4, vm0, $0xb8;
	[tilespmem:$0x2080] =	vst v63  }
0x18: {  	_ = 	snop  }
0x19: {  	[tilespmem:s9], [sflag:$0x1] =	stream.indirect_vreg.gather [hbm4b:s1+s3], $0x80, v3, vm0, $0xb8;
	[tilespmem:$0x2080] =	vst v63  }
0x1a: {  	v3 =	vld [tilespmem:$0x10];
	_ =	sdelay $0x4  }
0x1b: {  	v63 =	vshll.u32 v3, $0x1  }
0x1c: {  	v3 =	vand.u32 $0x7, v3;
	v4 =	vand.u32 $0xFFFFFFF0, v63  }
0x1d: {  	v3 =	vor.u32 v3, v4  }
0x1e: {  	v4 =	vperm.xlane v3, v0;
	_ =	sdelay $0x1  }
0x1f: {  	v3 =	vperm.xlane v3, v2;
	v4 =	vadd.s32 v1, v4;
	_ =	sdelay $0x1  }
0x20: {  	v3 =	vadd.s32 v1, v3;
	_ =	sdelay $0x2  }
0x21: {  	[tilespmem:s10], [sflag:$0x1] =	stream.indirect_vreg.gather [hbm4b:s1+s3], $0x80, v4, vm0, $0xb8;
	[tilespmem:$0x2080] =	vst v63  }
0x22: {  	_ = 	snop  }
0x23: {  	[tilespmem:s11], [sflag:$0x1] =	stream.indirect_vreg.gather [hbm4b:s1+s3], $0x80, v3, vm0, $0xb8;
	[tilespmem:$0x2080] =	vst v63  }
0x24: {  	_ =	swait.ge [sflag:s12], $0x2000  }
0x25: {  	p0 =	sne.s32 s6, $0x1;
	[sflag:s12] =	ssyncset.done $0x0  }
.Ltmp0:
0x26: {  	[sflag:s12] =	ssyncadd.s32 $0xFFFFE000;
	(pc) =	sbr.rel @p0 .LBB2_1-.Ltmp0, $4  }
0x27: {  	[hbm4b:s5+s3] =	stream.linear.scatter [tilespmem:s8], [sflag:$0x2], $0x2000, $0x38;
	[tilespmem:$0x2080] =	vst v63  }
0x28: {  	_ =	swait.ge [sflag:s7], $0x2000  }
0x29: {  	[sflag:s7] =	ssyncset.done $0x0  }
0x2a: {  	s6 =	sadd.s32 $0xFFFFFFFF, s6;
	[sflag:s7] =	ssyncadd.s32 $0xFFFFE000  }
0x2b: {  	_ =	sfence.sel $0x180000  }
0x2c: {  	[bflag:$0x0] =	sbarrier.arrive $0xFFFF  }
0x2d: {  	p0 =	sne.s32 s2, $0x0;
	_ =	strace $0x90000062  }
0x2e: {  	s0 =	sadd.s32 @!p0 $0x100000, s0;
	[bflag:$0x2] =	sbarrier.arrive $0xFFFF  }
0x2f: {  	[sflag:s0] =	ssyncadd.tile.s32 @!p0 $0x1;
	_ =	shalt  }
.Lfunc_end2:
_tile_overlayer_lowered:
.L_overlay_start_2:
0x30: {  	(tag) =	ssettag $0x2  }
0x31: {  	s0 =	rddreg [dreg:$0x0];
	s2 =	stileid.u32  }
0x32: {  	s1 =	rddreg [dreg:$0x1];
	p0 =	sne.s32 s2, $0x0  }
0x33: {  	s3 =	rddreg [dreg:$0x2];
	[bflag:$0x3] =	sbarrier.arrive $0xFFFF;
	s2 =	simm.s32 @!p0 $0x1C02  }
0x34: {  	[timem:s3], [sflag:s2] =	dma.local @!p0 [hbm:s0], s1  }
0x35: {  	s0 =	simm.s32 @!p0 $0x2  }
0x36: {  	_ =	swait.ge @!p0 [sflag:s0], s1  }
0x37: {  	s1 =	ssub.s32 @!p0 $0x0, s1;
	[sflag:s0] =	ssyncset.done @!p0 $0x0  }
0x38: {  	[sflag:s0] =	ssyncadd.s32 @!p0 s1  }
0x39: {  	[bflag:$0x3] =	sbarrier.arrive $0xFFFF  }
0x3a: {  	_ =	shalt  }

// kernel: kernel.65.cloned.1.call-start
scs
__scs_entry_jumppad:
0x0: {  	(pc) =	sbr.rel $0x88, $3  }
0x1: {  	(tag) =	ssettag $0x0;
	lr =	simm.s32 $0x1  }
0x2: {  	[smem:$0x3F9F] =	sst lr;
	_ =	strace $0xD0000000  }
0x3: {  	_ = 	snop  }
0x4: {  	_ = 	snop  }
0x5: {  	_ = 	snop  }
0x6: {  	_ = 	snop  }
0x7: {  	_ = 	snop  }
__scs_overlays_trampoline_lowered:
0x8: {  	[smem:$0x3FAE] =	sst s0  }
0x9: {  	[smem:$0x3FAF] =	sst s1  }
0xa: {  	[smem:$0x3FB0] =	sst s2  }
0xb: {  	[smem:$0x3FB1] =	sst s3  }
0xc: {  	[smem:$0x3FB2] =	sst s4  }
0xd: {  	[smem:$0x3FB3] =	sst s5  }
0xe: {  	[smem:$0x3FB4] =	sst s6  }
0xf: {  	[smem:$0x3FB5] =	sst s7  }
0x10: {  	[smem:$0x3FB6] =	sst s8  }
0x11: {  	[smem:$0x3FB7] =	sst s9;
	s0 =	simm.s32 @!p0 $0x0  }
0x12: {  	s1 =	sld [smem:$0x3F9D];
	s0 =	simm.s32 @p0 $0x1  }
0x13: {  	[smem:$0x3FB8] =	sst s0;
	s0 =	simm.s32 @!p1 $0x0  }
0x14: {  	s2 =	sld [smem:$0x3F9C];
	s0 =	simm.s32 @p1 $0x1  }
0x15: {  	[smem:$0x3FB9] =	sst s0;
	s0 =	simm.s32 @!p2 $0x0  }
0x16: {  	s3 =	sld [smem:$0x3FDB];
	s0 =	simm.s32 @p2 $0x1  }
0x17: {  	s4 =	simm.s32 $0x1BF5;
	[smem:$0x3FBB] =	sst s0  }
0x18: {  	s0 =	sld [smem:$0x3F9E];
	_ =	swait.ge [sflag:s4], $0x0  }
0x19: {  	s7 =	sld [smem:$0x3F9F]  }
0x1a: {  	s8 =	sadd.s32 $0xFFFFE003, lr  }
0x1b: {  	s9 =	sadd.s32 $0xFFFFFEF7, lr;
	s5 =	simm.s32 $0xFFFFFFFF;
	p2 =	slt.u32 s8, $0xFFFFF086  }
0x1c: {  	p1 =	slt.u32 s9, $0xF7A;
	s5 =	simm.s32 @!p2 $0x0  }
0x1d: {  	s5 =	simm.s32 @p1 $0x1;
	p0 =	seq.s32 s7, s2  }
0x1e: {  	s7 =	smul.u32 @!p0 $0xF7A, s2;
	p2 =	seq.s32 @!p0 s5, $0x0  }
0x1f: {  	s9 =	smul.u32 $0xF7A, s1;
	s8 =	simm.s32 @!p0 $0x1BF5;
	p2 =	por !p2, p0  }
0x20: {  	[sflag:s8] =	ssyncset.s32 @!p0 $0xFFFFF086;
	s6 =	sadd.s32 @!p0 s3, s7;
	s7 =	simm.s32 @!p0 $0x108  }
0x21: {  	s3 =	sadd.s32 s3, s9;
	s6 =	sadd.s32 @!p0 $0x88, s6;
	s7 =	simm.s32 @p2 $0x1082  }
0x22: {  	[simem:s7], [sflag:s8] =	dma.local @!p0 [hbm:s6], $0xF7A  }
0x23: {  	s9 =	sor.u32 $0xD0000000, s2;
	s6 =	simm.s32 $0x108;
	_ =	swait.ge @!p0 [sflag:s8], $0x0  }
0x24: {  	s3 =	sadd.s32 $0x88, s3;
	s6 =	simm.s32 @!p1 $0x1082;
	[sflag:s4] =	ssyncset.s32 $0xFFFFF086  }
0x25: {  	[simem:s6], [sflag:s4] =	dma.local [hbm:s3], $0xF7A  }
0x26: {  	[smem:$0x3F9F] =	sst s1;
	(tag) =	ssettag s2;
	_ =	strace s9  }
0x27: {  	s1 =	sld [smem:$0x3FAF]  }
0x28: {  	s2 =	sld [smem:$0x3FB0]  }
0x29: {  	s4 =	sld [smem:$0x3FB2]  }
0x2a: {  	p0 =	seq.s32 s5, $0x0;
	s5 =	sld [smem:$0x3FB3]  }
0x2b: {  	s6 =	sld [smem:$0x3FB4]  }
0x2c: {  	s7 =	sld [smem:$0x3FB5]  }
0x2d: {  	s3 =	simm.s32 $0x108;
	s8 =	sld [smem:$0x3FB6]  }
0x2e: {  	s3 =	simm.s32 @!p0 $0x1082;
	s9 =	sld [smem:$0x3FB7]  }
0x2f: {  	lr =	sadd.s32 s0, s3;
	s0 =	sld [smem:$0x3FAE]  }
0x30: {  	s3 =	sld [smem:$0x3FB1]  }
0x31: {  	[smem:$0x3FBA] =	sst s10  }
0x32: {  	s10 =	sld [smem:$0x3FB8];
	_ =	sdelay $0x3  }
0x33: {  	p0 =	seq.s32 s10, $0x1;
	s10 =	sld [smem:$0x3FBA];
	_ =	sdelay $0x3  }
0x34: {  	[smem:$0x3FBA] =	sst s10  }
0x35: {  	s10 =	sld [smem:$0x3FB9];
	_ =	sdelay $0x3  }
0x36: {  	p1 =	seq.s32 s10, $0x1;
	s10 =	sld [smem:$0x3FBA];
	_ =	sdelay $0x3  }
0x37: {  	[smem:$0x3FBA] =	sst s10  }
0x38: {  	s10 =	sld [smem:$0x3FBB]  }
0x39: {  	_ = 	snop;
	(pc) =	sbr.ind lr, $3  }
0x3a: {  	_ = 	snop  }
0x3b: {  	_ = 	snop  }
0x3c: {  	p2 =	seq.s32 s10, $0x1;
	s10 =	sld [smem:$0x3FBA]  }
0x3d: {  	_ =	shalt  }
0x3e: {  	_ =	shalt  }
0x3f: {  	_ =	shalt  }
0x40: {  	_ =	shalt  }
0x41: {  	_ =	shalt  }
0x42: {  	_ =	shalt  }
0x43: {  	_ =	shalt  }
0x44: {  	_ =	shalt  }
0x45: {  	_ =	shalt  }
0x46: {  	_ =	shalt  }
0x47: {  	_ =	shalt  }
0x48: {  	_ =	shalt  }
0x49: {  	_ =	shalt  }
0x4a: {  	_ =	shalt  }
0x4b: {  	_ =	shalt  }
0x4c: {  	_ =	shalt  }
0x4d: {  	_ =	shalt  }
0x4e: {  	_ =	shalt  }
0x4f: {  	_ =	shalt  }
0x50: {  	_ =	shalt  }
0x51: {  	_ =	shalt  }
0x52: {  	_ =	shalt  }
0x53: {  	_ =	shalt  }
0x54: {  	_ =	shalt  }
0x55: {  	_ =	shalt  }
0x56: {  	_ =	shalt  }
0x57: {  	_ =	shalt  }
0x58: {  	_ =	shalt  }
0x59: {  	_ =	shalt  }
0x5a: {  	_ =	shalt  }
0x5b: {  	_ =	shalt  }
0x5c: {  	_ =	shalt  }
0x5d: {  	_ =	shalt  }
0x5e: {  	_ =	shalt  }
0x5f: {  	_ =	shalt  }
0x60: {  	_ =	shalt  }
0x61: {  	_ =	shalt  }
0x62: {  	_ =	shalt  }
0x63: {  	_ =	shalt  }
0x64: {  	_ =	shalt  }
0x65: {  	_ =	shalt  }
0x66: {  	_ =	shalt  }
0x67: {  	_ =	shalt  }
0x68: {  	_ =	shalt  }
0x69: {  	_ =	shalt  }
0x6a: {  	_ =	shalt  }
0x6b: {  	_ =	shalt  }
0x6c: {  	_ =	shalt  }
0x6d: {  	_ =	shalt  }
0x6e: {  	_ =	shalt  }
0x6f: {  	_ =	shalt  }
0x70: {  	_ =	shalt  }
0x71: {  	_ =	shalt  }
0x72: {  	_ =	shalt  }
0x73: {  	_ =	shalt  }
0x74: {  	_ =	shalt  }
0x75: {  	_ =	shalt  }
0x76: {  	_ =	shalt  }
0x77: {  	_ =	shalt  }
0x78: {  	_ =	shalt  }
0x79: {  	_ =	shalt  }
0x7a: {  	_ =	shalt  }
0x7b: {  	_ =	shalt  }
0x7c: {  	_ =	shalt  }
0x7d: {  	_ =	shalt  }
0x7e: {  	_ =	shalt  }
0x7f: {  	_ =	shalt  }
0x80: {  	_ =	shalt  }
0x81: {  	_ =	shalt  }
0x82: {  	_ =	shalt  }
0x83: {  	_ =	shalt  }
0x84: {  	_ =	shalt  }
0x85: {  	_ =	shalt  }
0x86: {  	_ =	shalt  }
0x87: {  	_ =	shalt  }
.Lfunc_end0:
.L_simem_size_0:
called_computation.10_lowered:
.L_overlay_start_0:
0x88: {  	s2 =	sld [smem:$0x3FD9]  }
0x89: {  	s3 =	sld [smem:$0x3FFE];
	_ =	sdelay $0x1  }
0x8a: {  	s1 =	srdreg.scid  }
0x8b: {  	s0 =	sand.u32 $0x1, s1  }
0x8c: {  	s14 =	sshll.u32 s0, $0xA;
	s2 =	sadd.s32 s3, s2  }
0x8d: {  	s2 =	sadd.s32 s2, s14  }
0x8e: {  	[smem:$0x3FC6] =	sst s2  }
0x8f: {  	_ = 	snop  }
0x90: {  	s2 =	sld [smem:$0x3FD0];
	_ =	sdelay $0x2  }
0x91: {  	s4 =	simm.s32 $0xA;
	s5 =	simm.s32 $0x10;
	s15 =	sld [smem:$0x3FC8]  }
0x92: {  	[smem:s5], [sflag:s4] =	dma.local [hbm:s2], $0x1  }
0x93: {  	_ =	swait.eq [sflag:s4], $0x1  }
0x94: {  	[sflag:s4] =	ssyncset.done $0x0  }
0x95: {  	[sflag:s4] =	ssyncadd.s32 $0xFFFFFFFF  }
0x96: {  	s16 =	sld [smem:$0x11];
	(tm) =	ssettm $0x1  }
0x97: {  	s17 =	sld [smem:$0x3FFB];
	_ =	sdelay $0x3  }
0x98: {  	_ =	strace s17  }
0x99: {  	s4 =	sld [smem:$0x3FFC];
	_ =	sdelay $0x3  }
0x9a: {  	_ =	strace s4  }
0x9b: {  	s4 =	sld [smem:$0x3FFD];
	_ =	sdelay $0x3  }
0x9c: {  	_ =	strace s4  }
0x9d: {  	_ =	strace $0x8FFFFFFF  }
0x9e: {  	s18 =	sld [smem:$0x3FDB];
	_ =	sdelay $0x1  }
0x9f: {  	s19 =	simm.s32 $_scs_section_size  }
0xa0: {  	s6 =	simm.s32 $_size__tile_overlayer_lowered;
	s7 =	simm.s32 $_tile_overlayer_lowered  }
0xa1: {  	s22 =	simm.s32 $0x1BFF;
	s21 =	sshll.u32 s7, $0x1;
	s4 =	sadd.s32 s19, s18  }
0xa2: {  	s8 =	simm.s32 $0x0;
	s20 =	sshll.u32 s6, $0x1;
	s6 =	sadd.s32 s21, s4  }
0xa3: {  	[timem:s8], [sflag:s22] =	dma.local [hbm:s6], s20  }
0xa4: {  	_ =	swait.ge [sflag:s22], s20  }
0xa5: {  	s5 =	ssub.s32 $0x0, s20;
	[sflag:s22] =	ssyncset.done $0x0  }
0xa6: {  	[sflag:s22] =	ssyncadd.s32 s5;
	_ =	sdelay $0x1  }
0xa7: {  	s23 =	simm.s32 $0x1B8B  }
0xa8: {  	_ =	swait.ge [sflag:s23], $0x1  }
0xa9: {  	[sflag:s23] =	ssyncset.done $0x0  }
0xaa: {  	s25 =	simm.s32 $0x1B8E;
	s24 =	sld [smem:$0x3FFE];
	[sflag:s23] =	ssyncadd.s32 $0xFFFFFFFF  }
0xab: {  	s26 =	simm.s32 $execute0_lowered;
	[smem:$0x3FD2] =	sst s25  }
0xac: {  	s6 =	sshll.u32 s26, $0x1;
	_ =	strace $0x80000064;
	[dreg:$0x1] =	wrdreg $0xFFFFFFFF  }
0xad: {  	s28 =	simm.s32 $_size_execute0_lowered;
	s4 =	sadd.s32 s4, s6;
	[dreg:$0x0] =	wrdreg $0x0  }
0xae: {  	s6 =	sshll.u32 s28, $0x1;
	[dreg:$0x2] =	wrdreg s4  }
0xaf: {  	[dreg:$0x3] =	wrdreg s6  }
0xb0: {  	[dreg:$0x4] =	wrdreg $0xC0  }
0xb1: {  	_ =	task [dreg:s8], $0x5FFFF  }
0xb2: {  	[dreg:$0x1] =	wrdreg $0xFFFFFFFF  }
0xb3: {  	[dreg:$0x0] =	wrdreg $0x60  }
0xb4: {  	[dreg:$0x2] =	wrdreg s15  }
0xb5: {  	[dreg:$0x3] =	wrdreg s24  }
0xb6: {  	[dreg:$0x4] =	wrdreg s16  }
0xb7: {  	[dreg:$0x5] =	wrdreg $0x9  }
0xb8: {  	_ =	task.clear_ibuf [dreg:s8], $0x6FFFF;
	_ =	strace $0x90000064  }
0xb9: {  	s29 =	simm.s32 $0x9;
	_ =	strace $0x80000066  }
0xba: {  	_ =	swait.ge [sflag:s29], $0x1  }
0xbb: {  	[sflag:s29] =	ssyncadd.s32 $0xFFFFFFFF  }
0xbc: {  	_ =	strace $0x90000066  }
0xbd: {  	_ =	sfence  }
0xbe: {  	s30 =	sld [smem:$0x0];
	_ =	sdelay $0x2  }
0xbf: {  	s31 =	sshll.u32 s1, $0xD;
	s1 =	sshrl.u32 s1, $0x2  }
0xc0: {  	s3 =	sand.u32 $0x4000, s31;
	s1 =	sadd.s32 s1, s30  }
0xc1: {  	s0 =	sor.u32 s3, s0;
	s1 =	sshll.u32 s1, $0x11  }
0xc2: {  	s0 =	sor.u32 s1, s0  }
0xc3: {  	s0 =	sadd.s32 $0x8F2B, s0  }
0xc4: {  	[sflag:s0] =	ssyncadd.remote.s32 $0x1  }
0xc5: {  	_ =	sfence.sel $0xFFFF  }
0xc6: {  	[dreg:$0x0] =	wrdreg $0xFFFFFFFF;
	(pc) =	sbr.abs _section_cstart, $3  }
0xc7: {  	[dreg:$0x1] =	wrdreg $0xFFFFFFFF  }
0xc8: {  	_ =	task.clear_ibuf [dreg:s8], $0x2FFFF;
	_ =	strace $0x9FFFFFFF  }
0xc9: {  	(tm) =	ssettm $0x7FFFFFFF  }
tec
execute0_lowered:
.L_overlay_start_1:
0x0: {  	(tag) =	ssettag $0x1  }
0x1: {  	s1 =	rddreg [dreg:$0x0]  }
0x2: {  	s4 =	rddreg [dreg:$0x1]  }
0x3: {  	s5 =	rddreg [dreg:$0x2];
	s3 =	srdreg.scid  }
0x4: {  	s0 =	rddreg [dreg:$0x3];
	s2 =	stileid.u32;
	s10 =	simm.s32 $0x1080  }
0x5: {  	s11 =	simm.s32 $0x1880;
	s12 =	simm.s32 $0x1;
	s6 =	sand.u32 $0x1, s3  }
0x6: {  	s3 =	simm.s32 $0x0;
	s7 =	sshll.u32 s2, $0x6;
	s8 =	sshll.u32 s6, $0x5  }
0x7: {  	[smem:$0x7FF] =	sst s3;
	s6 =	ssub.s32 $0x2, s6;
	s7 =	sor.u32 s8, s7  }
0x8: {  	_ =	strace $0x80000065;
	s9 =	sshrl.u32 s6, $0x1;
	s8 =	sshrl.u32 s7, $0x3  }
0x9: {  	v2 =	vlaneseq.u32;
	s6 =	ssub.s32 s6, s9;
	s7 =	sshll.u32 s7, $0x5;
	s9 =	simm.s32 $0x880  }
0xa: {  	vm0 =	vmmov $0xffff;
	v1 =	vshrl.u32 v2, $0x3;
	s4 =	sadd.s32 s8, s4;
	s5 =	sadd.s32 s5, s7;
	s6 =	smax.u32 s6, $0x1  }
0xb: {  	v0 =	vand.u32 $0x7, v2;
	v2 =	vor.u32 $0x8, v2;
	v1 =	vmul.u32 $0x8, v1;
	s7 =	simm.s32 $0x2;
	s8 =	simm.s32 $0x80;
	s4 =	sadd.s32 $0xC800, s4  }
.LBB2_1:
0xc: {  	[tilespmem:s3], [sflag:$0x2] =	stream.linear.gather [hbm4b:s4+s3], $0x20, $0x38;
	[tilespmem:$0x2080] =	vst v63  }
0xd: {  	_ =	swait.ge [sflag:s7], $0x20  }
0xe: {  	[sflag:s7] =	ssyncset.done $0x0  }
0xf: {  	[sflag:s7] =	ssyncadd.s32 $0xFFFFFFE0  }
0x10: {  	v3 =	vld [tilespmem:$0x0];
	_ =	sdelay $0x4  }
0x11: {  	v4 =	vshll.u32 v3, $0x1  }
0x12: {  	v3 =	vand.u32 $0x7, v3;
	v4 =	vand.u32 $0xFFFFFFF0, v4  }
0x13: {  	v3 =	vor.u32 v3, v4  }
0x14: {  	v4 =	vperm.xlane v3, v0;
	_ =	sdelay $0x1  }
0x15: {  	v3 =	vperm.xlane v3, v2;
	v4 =	vadd.s32 v1, v4;
	_ =	sdelay $0x1  }
0x16: {  	v3 =	vadd.s32 v1, v3;
	_ =	sdelay $0x2  }
0x17: {  	[tilespmem:s8], [sflag:$0x1] =	stream.indirect_vreg.gather [hbm4b:s1+s3], $0x80, v4, vm0, $0xb8;
	[tilespmem:$0x2080] =	vst v63  }
0x18: {  	_ = 	snop  }
0x19: {  	[tilespmem:s9], [sflag:$0x1] =	stream.indirect_vreg.gather [hbm4b:s1+s3], $0x80, v3, vm0, $0xb8;
	[tilespmem:$0x2080] =	vst v63  }
0x1a: {  	v3 =	vld [tilespmem:$0x10];
	_ =	sdelay $0x4  }
0x1b: {  	v63 =	vshll.u32 v3, $0x1  }
0x1c: {  	v3 =	vand.u32 $0x7, v3;
	v4 =	vand.u32 $0xFFFFFFF0, v63  }
0x1d: {  	v3 =	vor.u32 v3, v4  }
0x1e: {  	v4 =	vperm.xlane v3, v0;
	_ =	sdelay $0x1  }
0x1f: {  	v3 =	vperm.xlane v3, v2;
	v4 =	vadd.s32 v1, v4;
	_ =	sdelay $0x1  }
0x20: {  	v3 =	vadd.s32 v1, v3;
	_ =	sdelay $0x2  }
0x21: {  	[tilespmem:s10], [sflag:$0x1] =	stream.indirect_vreg.gather [hbm4b:s1+s3], $0x80, v4, vm0, $0xb8;
	[tilespmem:$0x2080] =	vst v63  }
0x22: {  	_ = 	snop  }
0x23: {  	[tilespmem:s11], [sflag:$0x1] =	stream.indirect_vreg.gather [hbm4b:s1+s3], $0x80, v3, vm0, $0xb8;
	[tilespmem:$0x2080] =	vst v63  }
0x24: {  	_ =	swait.ge [sflag:s12], $0x2000  }
0x25: {  	p0 =	sne.s32 s6, $0x1;
	[sflag:s12] =	ssyncset.done $0x0  }
.Ltmp0:
0x26: {  	[sflag:s12] =	ssyncadd.s32 $0xFFFFE000;
	(pc) =	sbr.rel @p0 .LBB2_1-.Ltmp0, $4  }
0x27: {  	[hbm4b:s5+s3] =	stream.linear.scatter [tilespmem:s8], [sflag:$0x2], $0x2000, $0x38;
	[tilespmem:$0x2080] =	vst v63  }
0x28: {  	_ =	swait.ge [sflag:s7], $0x2000  }
0x29: {  	[sflag:s7] =	ssyncset.done $0x0  }
0x2a: {  	s6 =	sadd.s32 $0xFFFFFFFF, s6;
	[sflag:s7] =	ssyncadd.s32 $0xFFFFE000  }
0x2b: {  	_ =	sfence.sel $0x180000  }
0x2c: {  	[bflag:$0x0] =	sbarrier.arrive $0xFFFF  }
0x2d: {  	p0 =	sne.s32 s2, $0x0;
	_ =	strace $0x90000065  }
0x2e: {  	s0 =	sadd.s32 @!p0 $0x100000, s0;
	[bflag:$0x2] =	sbarrier.arrive $0xFFFF  }
0x2f: {  	[sflag:s0] =	ssyncadd.tile.s32 @!p0 $0x1;
	_ =	shalt  }
.Lfunc_end2:
_tile_overlayer_lowered:
.L_overlay_start_2:
0x30: {  	(tag) =	ssettag $0x2  }
0x31: {  	s0 =	rddreg [dreg:$0x0];
	s2 =	stileid.u32  }
0x32: {  	s1 =	rddreg [dreg:$0x1];
	p0 =	sne.s32 s2, $0x0  }
0x33: {  	s3 =	rddreg [dreg:$0x2];
	[bflag:$0x3] =	sbarrier.arrive $0xFFFF;
	s2 =	simm.s32 @!p0 $0x1C02  }
0x34: {  	[timem:s3], [sflag:s2] =	dma.local @!p0 [hbm:s0], s1  }
0x35: {  	s0 =	simm.s32 @!p0 $0x2  }
0x36: {  	_ =	swait.ge @!p0 [sflag:s0], s1  }
0x37: {  	s1 =	ssub.s32 @!p0 $0x0, s1;
	[sflag:s0] =	ssyncset.done @!p0 $0x0  }
0x38: {  	[sflag:s0] =	ssyncadd.s32 @!p0 s1  }
0x39: {  	[bflag:$0x3] =	sbarrier.arrive $0xFFFF  }
0x3a: {  	_ =	shalt  }

// kernel: kernel.68.cloned.1.call-start
scs
__scs_entry_jumppad:
0x0: {  	(pc) =	sbr.rel $0x88, $3  }
0x1: {  	(tag) =	ssettag $0x0;
	lr =	simm.s32 $0x1  }
0x2: {  	[smem:$0x3F9F] =	sst lr;
	_ =	strace $0xD0000000  }
0x3: {  	_ = 	snop  }
0x4: {  	_ = 	snop  }
0x5: {  	_ = 	snop  }
0x6: {  	_ = 	snop  }
0x7: {  	_ = 	snop  }
__scs_overlays_trampoline_lowered:
0x8: {  	[smem:$0x3FAE] =	sst s0  }
0x9: {  	[smem:$0x3FAF] =	sst s1  }
0xa: {  	[smem:$0x3FB0] =	sst s2  }
0xb: {  	[smem:$0x3FB1] =	sst s3  }
0xc: {  	[smem:$0x3FB2] =	sst s4  }
0xd: {  	[smem:$0x3FB3] =	sst s5  }
0xe: {  	[smem:$0x3FB4] =	sst s6  }
0xf: {  	[smem:$0x3FB5] =	sst s7  }
0x10: {  	[smem:$0x3FB6] =	sst s8  }
0x11: {  	[smem:$0x3FB7] =	sst s9;
	s0 =	simm.s32 @!p0 $0x0  }
0x12: {  	s1 =	sld [smem:$0x3F9D];
	s0 =	simm.s32 @p0 $0x1  }
0x13: {  	[smem:$0x3FB8] =	sst s0;
	s0 =	simm.s32 @!p1 $0x0  }
0x14: {  	s2 =	sld [smem:$0x3F9C];
	s0 =	simm.s32 @p1 $0x1  }
0x15: {  	[smem:$0x3FB9] =	sst s0;
	s0 =	simm.s32 @!p2 $0x0  }
0x16: {  	s3 =	sld [smem:$0x3FDB];
	s0 =	simm.s32 @p2 $0x1  }
0x17: {  	s4 =	simm.s32 $0x1BF5;
	[smem:$0x3FBB] =	sst s0  }
0x18: {  	s0 =	sld [smem:$0x3F9E];
	_ =	swait.ge [sflag:s4], $0x0  }
0x19: {  	s7 =	sld [smem:$0x3F9F]  }
0x1a: {  	s8 =	sadd.s32 $0xFFFFE003, lr  }
0x1b: {  	s9 =	sadd.s32 $0xFFFFFEF7, lr;
	s5 =	simm.s32 $0xFFFFFFFF;
	p2 =	slt.u32 s8, $0xFFFFF086  }
0x1c: {  	p1 =	slt.u32 s9, $0xF7A;
	s5 =	simm.s32 @!p2 $0x0  }
0x1d: {  	s5 =	simm.s32 @p1 $0x1;
	p0 =	seq.s32 s7, s2  }
0x1e: {  	s7 =	smul.u32 @!p0 $0xF7A, s2;
	p2 =	seq.s32 @!p0 s5, $0x0  }
0x1f: {  	s9 =	smul.u32 $0xF7A, s1;
	s8 =	simm.s32 @!p0 $0x1BF5;
	p2 =	por !p2, p0  }
0x20: {  	[sflag:s8] =	ssyncset.s32 @!p0 $0xFFFFF086;
	s6 =	sadd.s32 @!p0 s3, s7;
	s7 =	simm.s32 @!p0 $0x108  }
0x21: {  	s3 =	sadd.s32 s3, s9;
	s6 =	sadd.s32 @!p0 $0x88, s6;
	s7 =	simm.s32 @p2 $0x1082  }
0x22: {  	[simem:s7], [sflag:s8] =	dma.local @!p0 [hbm:s6], $0xF7A  }
0x23: {  	s9 =	sor.u32 $0xD0000000, s2;
	s6 =	simm.s32 $0x108;
	_ =	swait.ge @!p0 [sflag:s8], $0x0  }
0x24: {  	s3 =	sadd.s32 $0x88, s3;
	s6 =	simm.s32 @!p1 $0x1082;
	[sflag:s4] =	ssyncset.s32 $0xFFFFF086  }
0x25: {  	[simem:s6], [sflag:s4] =	dma.local [hbm:s3], $0xF7A  }
0x26: {  	[smem:$0x3F9F] =	sst s1;
	(tag) =	ssettag s2;
	_ =	strace s9  }
0x27: {  	s1 =	sld [smem:$0x3FAF]  }
0x28: {  	s2 =	sld [smem:$0x3FB0]  }
0x29: {  	s4 =	sld [smem:$0x3FB2]  }
0x2a: {  	p0 =	seq.s32 s5, $0x0;
	s5 =	sld [smem:$0x3FB3]  }
0x2b: {  	s6 =	sld [smem:$0x3FB4]  }
0x2c: {  	s7 =	sld [smem:$0x3FB5]  }
0x2d: {  	s3 =	simm.s32 $0x108;
	s8 =	sld [smem:$0x3FB6]  }
0x2e: {  	s3 =	simm.s32 @!p0 $0x1082;
	s9 =	sld [smem:$0x3FB7]  }
0x2f: {  	lr =	sadd.s32 s0, s3;
	s0 =	sld [smem:$0x3FAE]  }
0x30: {  	s3 =	sld [smem:$0x3FB1]  }
0x31: {  	[smem:$0x3FBA] =	sst s10  }
0x32: {  	s10 =	sld [smem:$0x3FB8];
	_ =	sdelay $0x3  }
0x33: {  	p0 =	seq.s32 s10, $0x1;
	s10 =	sld [smem:$0x3FBA];
	_ =	sdelay $0x3  }
0x34: {  	[smem:$0x3FBA] =	sst s10  }
0x35: {  	s10 =	sld [smem:$0x3FB9];
	_ =	sdelay $0x3  }
0x36: {  	p1 =	seq.s32 s10, $0x1;
	s10 =	sld [smem:$0x3FBA];
	_ =	sdelay $0x3  }
0x37: {  	[smem:$0x3FBA] =	sst s10  }
0x38: {  	s10 =	sld [smem:$0x3FBB]  }
0x39: {  	_ = 	snop;
	(pc) =	sbr.ind lr, $3  }
0x3a: {  	_ = 	snop  }
0x3b: {  	_ = 	snop  }
0x3c: {  	p2 =	seq.s32 s10, $0x1;
	s10 =	sld [smem:$0x3FBA]  }
0x3d: {  	_ =	shalt  }
0x3e: {  	_ =	shalt  }
0x3f: {  	_ =	shalt  }
0x40: {  	_ =	shalt  }
0x41: {  	_ =	shalt  }
0x42: {  	_ =	shalt  }
0x43: {  	_ =	shalt  }
0x44: {  	_ =	shalt  }
0x45: {  	_ =	shalt  }
0x46: {  	_ =	shalt  }
0x47: {  	_ =	shalt  }
0x48: {  	_ =	shalt  }
0x49: {  	_ =	shalt  }
0x4a: {  	_ =	shalt  }
0x4b: {  	_ =	shalt  }
0x4c: {  	_ =	shalt  }
0x4d: {  	_ =	shalt  }
0x4e: {  	_ =	shalt  }
0x4f: {  	_ =	shalt  }
0x50: {  	_ =	shalt  }
0x51: {  	_ =	shalt  }
0x52: {  	_ =	shalt  }
0x53: {  	_ =	shalt  }
0x54: {  	_ =	shalt  }
0x55: {  	_ =	shalt  }
0x56: {  	_ =	shalt  }
0x57: {  	_ =	shalt  }
0x58: {  	_ =	shalt  }
0x59: {  	_ =	shalt  }
0x5a: {  	_ =	shalt  }
0x5b: {  	_ =	shalt  }
0x5c: {  	_ =	shalt  }
0x5d: {  	_ =	shalt  }
0x5e: {  	_ =	shalt  }
0x5f: {  	_ =	shalt  }
0x60: {  	_ =	shalt  }
0x61: {  	_ =	shalt  }
0x62: {  	_ =	shalt  }
0x63: {  	_ =	shalt  }
0x64: {  	_ =	shalt  }
0x65: {  	_ =	shalt  }
0x66: {  	_ =	shalt  }
0x67: {  	_ =	shalt  }
0x68: {  	_ =	shalt  }
0x69: {  	_ =	shalt  }
0x6a: {  	_ =	shalt  }
0x6b: {  	_ =	shalt  }
0x6c: {  	_ =	shalt  }
0x6d: {  	_ =	shalt  }
0x6e: {  	_ =	shalt  }
0x6f: {  	_ =	shalt  }
0x70: {  	_ =	shalt  }
0x71: {  	_ =	shalt  }
0x72: {  	_ =	shalt  }
0x73: {  	_ =	shalt  }
0x74: {  	_ =	shalt  }
0x75: {  	_ =	shalt  }
0x76: {  	_ =	shalt  }
0x77: {  	_ =	shalt  }
0x78: {  	_ =	shalt  }
0x79: {  	_ =	shalt  }
0x7a: {  	_ =	shalt  }
0x7b: {  	_ =	shalt  }
0x7c: {  	_ =	shalt  }
0x7d: {  	_ =	shalt  }
0x7e: {  	_ =	shalt  }
0x7f: {  	_ =	shalt  }
0x80: {  	_ =	shalt  }
0x81: {  	_ =	shalt  }
0x82: {  	_ =	shalt  }
0x83: {  	_ =	shalt  }
0x84: {  	_ =	shalt  }
0x85: {  	_ =	shalt  }
0x86: {  	_ =	shalt  }
0x87: {  	_ =	shalt  }
.Lfunc_end0:
.L_simem_size_0:
called_computation.11_lowered:
.L_overlay_start_0:
0x88: {  	s2 =	sld [smem:$0x3FD9]  }
0x89: {  	s3 =	sld [smem:$0x3FFE];
	_ =	sdelay $0x1  }
0x8a: {  	s1 =	srdreg.scid  }
0x8b: {  	s0 =	sand.u32 $0x1, s1  }
0x8c: {  	s14 =	sshll.u32 s0, $0xA;
	s2 =	sadd.s32 s3, s2  }
0x8d: {  	s2 =	sadd.s32 s2, s14  }
0x8e: {  	[smem:$0x3FC6] =	sst s2  }
0x8f: {  	_ = 	snop  }
0x90: {  	s2 =	sld [smem:$0x3FD0];
	_ =	sdelay $0x2  }
0x91: {  	s4 =	simm.s32 $0xA;
	s5 =	simm.s32 $0x10;
	s15 =	sld [smem:$0x3FC8]  }
0x92: {  	[smem:s5], [sflag:s4] =	dma.local [hbm:s2], $0x1  }
0x93: {  	_ =	swait.eq [sflag:s4], $0x1  }
0x94: {  	[sflag:s4] =	ssyncset.done $0x0  }
0x95: {  	[sflag:s4] =	ssyncadd.s32 $0xFFFFFFFF  }
0x96: {  	s16 =	sld [smem:$0x11];
	(tm) =	ssettm $0x1  }
0x97: {  	s17 =	sld [smem:$0x3FFB];
	_ =	sdelay $0x3  }
0x98: {  	_ =	strace s17  }
0x99: {  	s4 =	sld [smem:$0x3FFC];
	_ =	sdelay $0x3  }
0x9a: {  	_ =	strace s4  }
0x9b: {  	s4 =	sld [smem:$0x3FFD];
	_ =	sdelay $0x3  }
0x9c: {  	_ =	strace s4  }
0x9d: {  	_ =	strace $0x8FFFFFFF  }
0x9e: {  	s18 =	sld [smem:$0x3FDB];
	_ =	sdelay $0x1  }
0x9f: {  	s19 =	simm.s32 $_scs_section_size  }
0xa0: {  	s6 =	simm.s32 $_size__tile_overlayer_lowered;
	s7 =	simm.s32 $_tile_overlayer_lowered  }
0xa1: {  	s22 =	simm.s32 $0x1BFF;
	s21 =	sshll.u32 s7, $0x1;
	s4 =	sadd.s32 s19, s18  }
0xa2: {  	s8 =	simm.s32 $0x0;
	s20 =	sshll.u32 s6, $0x1;
	s6 =	sadd.s32 s21, s4  }
0xa3: {  	[timem:s8], [sflag:s22] =	dma.local [hbm:s6], s20  }
0xa4: {  	_ =	swait.ge [sflag:s22], s20  }
0xa5: {  	s5 =	ssub.s32 $0x0, s20;
	[sflag:s22] =	ssyncset.done $0x0  }
0xa6: {  	[sflag:s22] =	ssyncadd.s32 s5;
	_ =	sdelay $0x1  }
0xa7: {  	s23 =	simm.s32 $0x1B8B  }
0xa8: {  	_ =	swait.ge [sflag:s23], $0x1  }
0xa9: {  	[sflag:s23] =	ssyncset.done $0x0  }
0xaa: {  	s25 =	simm.s32 $0x1B8E;
	s24 =	sld [smem:$0x3FFE];
	[sflag:s23] =	ssyncadd.s32 $0xFFFFFFFF  }
0xab: {  	s26 =	simm.s32 $execute0_lowered;
	[smem:$0x3FD2] =	sst s25  }
0xac: {  	s6 =	sshll.u32 s26, $0x1;
	_ =	strace $0x80000067;
	[dreg:$0x1] =	wrdreg $0xFFFFFFFF  }
0xad: {  	s28 =	simm.s32 $_size_execute0_lowered;
	s4 =	sadd.s32 s4, s6;
	[dreg:$0x0] =	wrdreg $0x0  }
0xae: {  	s6 =	sshll.u32 s28, $0x1;
	[dreg:$0x2] =	wrdreg s4  }
0xaf: {  	[dreg:$0x3] =	wrdreg s6  }
0xb0: {  	[dreg:$0x4] =	wrdreg $0xC0  }
0xb1: {  	_ =	task [dreg:s8], $0x5FFFF  }
0xb2: {  	[dreg:$0x1] =	wrdreg $0xFFFFFFFF  }
0xb3: {  	[dreg:$0x0] =	wrdreg $0x60  }
0xb4: {  	[dreg:$0x2] =	wrdreg s15  }
0xb5: {  	[dreg:$0x3] =	wrdreg s24  }
0xb6: {  	[dreg:$0x4] =	wrdreg s16  }
0xb7: {  	[dreg:$0x5] =	wrdreg $0x9  }
0xb8: {  	_ =	task.clear_ibuf [dreg:s8], $0x6FFFF;
	_ =	strace $0x90000067  }
0xb9: {  	s29 =	simm.s32 $0x9;
	_ =	strace $0x80000069  }
0xba: {  	_ =	swait.ge [sflag:s29], $0x1  }
0xbb: {  	[sflag:s29] =	ssyncadd.s32 $0xFFFFFFFF  }
0xbc: {  	_ =	strace $0x90000069  }
0xbd: {  	_ =	sfence  }
0xbe: {  	s30 =	sld [smem:$0x0];
	_ =	sdelay $0x2  }
0xbf: {  	s31 =	sshll.u32 s1, $0xD;
	s1 =	sshrl.u32 s1, $0x2  }
0xc0: {  	s3 =	sand.u32 $0x4000, s31;
	s1 =	sadd.s32 s1, s30  }
0xc1: {  	s0 =	sor.u32 s3, s0;
	s1 =	sshll.u32 s1, $0x11  }
0xc2: {  	s0 =	sor.u32 s1, s0  }
0xc3: {  	s0 =	sadd.s32 $0x8F2B, s0  }
0xc4: {  	[sflag:s0] =	ssyncadd.remote.s32 $0x1  }
0xc5: {  	_ =	sfence.sel $0xFFFF  }
0xc6: {  	[dreg:$0x0] =	wrdreg $0xFFFFFFFF;
	(pc) =	sbr.abs _section_cstart, $3  }
0xc7: {  	[dreg:$0x1] =	wrdreg $0xFFFFFFFF  }
0xc8: {  	_ =	task.clear_ibuf [dreg:s8], $0x2FFFF;
	_ =	strace $0x9FFFFFFF  }
0xc9: {  	(tm) =	ssettm $0x7FFFFFFF  }
tec
execute0_lowered:
.L_overlay_start_1:
0x0: {  	(tag) =	ssettag $0x1  }
0x1: {  	s1 =	rddreg [dreg:$0x0]  }
0x2: {  	s4 =	rddreg [dreg:$0x1]  }
0x3: {  	s5 =	rddreg [dreg:$0x2];
	s3 =	srdreg.scid  }
0x4: {  	s0 =	rddreg [dreg:$0x3];
	s2 =	stileid.u32;
	s10 =	simm.s32 $0x1080  }
0x5: {  	s11 =	simm.s32 $0x1880;
	s12 =	simm.s32 $0x1;
	s6 =	sand.u32 $0x1, s3  }
0x6: {  	s3 =	simm.s32 $0x0;
	s7 =	sshll.u32 s2, $0x6;
	s8 =	sshll.u32 s6, $0x5  }
0x7: {  	[smem:$0x7FF] =	sst s3;
	s6 =	ssub.s32 $0x2, s6;
	s7 =	sor.u32 s8, s7  }
0x8: {  	_ =	strace $0x80000068;
	s9 =	sshrl.u32 s6, $0x1;
	s8 =	sshrl.u32 s7, $0x3  }
0x9: {  	v2 =	vlaneseq.u32;
	s6 =	ssub.s32 s6, s9;
	s7 =	sshll.u32 s7, $0x5;
	s9 =	simm.s32 $0x880  }
0xa: {  	vm0 =	vmmov $0xffff;
	v1 =	vshrl.u32 v2, $0x3;
	s4 =	sadd.s32 s8, s4;
	s5 =	sadd.s32 s5, s7;
	s6 =	smax.u32 s6, $0x1  }
0xb: {  	v0 =	vand.u32 $0x7, v2;
	v2 =	vor.u32 $0x8, v2;
	v1 =	vmul.u32 $0x8, v1;
	s7 =	simm.s32 $0x2;
	s8 =	simm.s32 $0x80;
	s4 =	sadd.s32 $0xC800, s4  }
.LBB2_1:
0xc: {  	[tilespmem:s3], [sflag:$0x2] =	stream.linear.gather [hbm4b:s4+s3], $0x20, $0x38;
	[tilespmem:$0x2080] =	vst v63  }
0xd: {  	_ =	swait.ge [sflag:s7], $0x20  }
0xe: {  	[sflag:s7] =	ssyncset.done $0x0  }
0xf: {  	[sflag:s7] =	ssyncadd.s32 $0xFFFFFFE0  }
0x10: {  	v3 =	vld [tilespmem:$0x0];
	_ =	sdelay $0x4  }
0x11: {  	v4 =	vshll.u32 v3, $0x1  }
0x12: {  	v3 =	vand.u32 $0x7, v3;
	v4 =	vand.u32 $0xFFFFFFF0, v4  }
0x13: {  	v3 =	vor.u32 v3, v4  }
0x14: {  	v4 =	vperm.xlane v3, v0;
	_ =	sdelay $0x1  }
0x15: {  	v3 =	vperm.xlane v3, v2;
	v4 =	vadd.s32 v1, v4;
	_ =	sdelay $0x1  }
0x16: {  	v3 =	vadd.s32 v1, v3;
	_ =	sdelay $0x2  }
0x17: {  	[tilespmem:s8], [sflag:$0x1] =	stream.indirect_vreg.gather [hbm4b:s1+s3], $0x80, v4, vm0, $0xb8;
	[tilespmem:$0x2080] =	vst v63  }
0x18: {  	_ = 	snop  }
0x19: {  	[tilespmem:s9], [sflag:$0x1] =	stream.indirect_vreg.gather [hbm4b:s1+s3], $0x80, v3, vm0, $0xb8;
	[tilespmem:$0x2080] =	vst v63  }
0x1a: {  	v3 =	vld [tilespmem:$0x10];
	_ =	sdelay $0x4  }
0x1b: {  	v63 =	vshll.u32 v3, $0x1  }
0x1c: {  	v3 =	vand.u32 $0x7, v3;
	v4 =	vand.u32 $0xFFFFFFF0, v63  }
0x1d: {  	v3 =	vor.u32 v3, v4  }
0x1e: {  	v4 =	vperm.xlane v3, v0;
	_ =	sdelay $0x1  }
0x1f: {  	v3 =	vperm.xlane v3, v2;
	v4 =	vadd.s32 v1, v4;
	_ =	sdelay $0x1  }
0x20: {  	v3 =	vadd.s32 v1, v3;
	_ =	sdelay $0x2  }
0x21: {  	[tilespmem:s10], [sflag:$0x1] =	stream.indirect_vreg.gather [hbm4b:s1+s3], $0x80, v4, vm0, $0xb8;
	[tilespmem:$0x2080] =	vst v63  }
0x22: {  	_ = 	snop  }
0x23: {  	[tilespmem:s11], [sflag:$0x1] =	stream.indirect_vreg.gather [hbm4b:s1+s3], $0x80, v3, vm0, $0xb8;
	[tilespmem:$0x2080] =	vst v63  }
0x24: {  	_ =	swait.ge [sflag:s12], $0x2000  }
0x25: {  	p0 =	sne.s32 s6, $0x1;
	[sflag:s12] =	ssyncset.done $0x0  }
.Ltmp0:
0x26: {  	[sflag:s12] =	ssyncadd.s32 $0xFFFFE000;
	(pc) =	sbr.rel @p0 .LBB2_1-.Ltmp0, $4  }
0x27: {  	[hbm4b:s5+s3] =	stream.linear.scatter [tilespmem:s8], [sflag:$0x2], $0x2000, $0x38;
	[tilespmem:$0x2080] =	vst v63  }
0x28: {  	_ =	swait.ge [sflag:s7], $0x2000  }
0x29: {  	[sflag:s7] =	ssyncset.done $0x0  }
0x2a: {  	s6 =	sadd.s32 $0xFFFFFFFF, s6;
	[sflag:s7] =	ssyncadd.s32 $0xFFFFE000  }
0x2b: {  	_ =	sfence.sel $0x180000  }
0x2c: {  	[bflag:$0x0] =	sbarrier.arrive $0xFFFF  }
0x2d: {  	p0 =	sne.s32 s2, $0x0;
	_ =	strace $0x90000068  }
0x2e: {  	s0 =	sadd.s32 @!p0 $0x100000, s0;
	[bflag:$0x2] =	sbarrier.arrive $0xFFFF  }
0x2f: {  	[sflag:s0] =	ssyncadd.tile.s32 @!p0 $0x1;
	_ =	shalt  }
.Lfunc_end2:
_tile_overlayer_lowered:
.L_overlay_start_2:
0x30: {  	(tag) =	ssettag $0x2  }
0x31: {  	s0 =	rddreg [dreg:$0x0];
	s2 =	stileid.u32  }
0x32: {  	s1 =	rddreg [dreg:$0x1];
	p0 =	sne.s32 s2, $0x0  }
0x33: {  	s3 =	rddreg [dreg:$0x2];
	[bflag:$0x3] =	sbarrier.arrive $0xFFFF;
	s2 =	simm.s32 @!p0 $0x1C02  }
0x34: {  	[timem:s3], [sflag:s2] =	dma.local @!p0 [hbm:s0], s1  }
0x35: {  	s0 =	simm.s32 @!p0 $0x2  }
0x36: {  	_ =	swait.ge @!p0 [sflag:s0], s1  }
0x37: {  	s1 =	ssub.s32 @!p0 $0x0, s1;
	[sflag:s0] =	ssyncset.done @!p0 $0x0  }
0x38: {  	[sflag:s0] =	ssyncadd.s32 @!p0 s1  }
0x39: {  	[bflag:$0x3] =	sbarrier.arrive $0xFFFF  }
0x3a: {  	_ =	shalt  }

// kernel: kernel.71.cloned.1.call-start
scs
__scs_entry_jumppad:
0x0: {  	(pc) =	sbr.rel $0x88, $3  }
0x1: {  	(tag) =	ssettag $0x0;
	lr =	simm.s32 $0x1  }
0x2: {  	[smem:$0x3F9F] =	sst lr;
	_ =	strace $0xD0000000  }
0x3: {  	_ = 	snop  }
0x4: {  	_ = 	snop  }
0x5: {  	_ = 	snop  }
0x6: {  	_ = 	snop  }
0x7: {  	_ = 	snop  }
__scs_overlays_trampoline_lowered:
0x8: {  	[smem:$0x3FAE] =	sst s0  }
0x9: {  	[smem:$0x3FAF] =	sst s1  }
0xa: {  	[smem:$0x3FB0] =	sst s2  }
0xb: {  	[smem:$0x3FB1] =	sst s3  }
0xc: {  	[smem:$0x3FB2] =	sst s4  }
0xd: {  	[smem:$0x3FB3] =	sst s5  }
0xe: {  	[smem:$0x3FB4] =	sst s6  }
0xf: {  	[smem:$0x3FB5] =	sst s7  }
0x10: {  	[smem:$0x3FB6] =	sst s8  }
0x11: {  	[smem:$0x3FB7] =	sst s9;
	s0 =	simm.s32 @!p0 $0x0  }
0x12: {  	s1 =	sld [smem:$0x3F9D];
	s0 =	simm.s32 @p0 $0x1  }
0x13: {  	[smem:$0x3FB8] =	sst s0;
	s0 =	simm.s32 @!p1 $0x0  }
0x14: {  	s2 =	sld [smem:$0x3F9C];
	s0 =	simm.s32 @p1 $0x1  }
0x15: {  	[smem:$0x3FB9] =	sst s0;
	s0 =	simm.s32 @!p2 $0x0  }
0x16: {  	s3 =	sld [smem:$0x3FDB];
	s0 =	simm.s32 @p2 $0x1  }
0x17: {  	s4 =	simm.s32 $0x1BF5;
	[smem:$0x3FBB] =	sst s0  }
0x18: {  	s0 =	sld [smem:$0x3F9E];
	_ =	swait.ge [sflag:s4], $0x0  }
0x19: {  	s7 =	sld [smem:$0x3F9F]  }
0x1a: {  	s8 =	sadd.s32 $0xFFFFE003, lr  }
0x1b: {  	s9 =	sadd.s32 $0xFFFFFEF7, lr;
	s5 =	simm.s32 $0xFFFFFFFF;
	p2 =	slt.u32 s8, $0xFFFFF086  }
0x1c: {  	p1 =	slt.u32 s9, $0xF7A;
	s5 =	simm.s32 @!p2 $0x0  }
0x1d: {  	s5 =	simm.s32 @p1 $0x1;
	p0 =	seq.s32 s7, s2  }
0x1e: {  	s7 =	smul.u32 @!p0 $0xF7A, s2;
	p2 =	seq.s32 @!p0 s5, $0x0  }
0x1f: {  	s9 =	smul.u32 $0xF7A, s1;
	s8 =	simm.s32 @!p0 $0x1BF5;
	p2 =	por !p2, p0  }
0x20: {  	[sflag:s8] =	ssyncset.s32 @!p0 $0xFFFFF086;
	s6 =	sadd.s32 @!p0 s3, s7;
	s7 =	simm.s32 @!p0 $0x108  }
0x21: {  	s3 =	sadd.s32 s3, s9;
	s6 =	sadd.s32 @!p0 $0x88, s6;
	s7 =	simm.s32 @p2 $0x1082  }
0x22: {  	[simem:s7], [sflag:s8] =	dma.local @!p0 [hbm:s6], $0xF7A  }
0x23: {  	s9 =	sor.u32 $0xD0000000, s2;
	s6 =	simm.s32 $0x108;
	_ =	swait.ge @!p0 [sflag:s8], $0x0  }
0x24: {  	s3 =	sadd.s32 $0x88, s3;
	s6 =	simm.s32 @!p1 $0x1082;
	[sflag:s4] =	ssyncset.s32 $0xFFFFF086  }
0x25: {  	[simem:s6], [sflag:s4] =	dma.local [hbm:s3], $0xF7A  }
0x26: {  	[smem:$0x3F9F] =	sst s1;
	(tag) =	ssettag s2;
	_ =	strace s9  }
0x27: {  	s1 =	sld [smem:$0x3FAF]  }
0x28: {  	s2 =	sld [smem:$0x3FB0]  }
0x29: {  	s4 =	sld [smem:$0x3FB2]  }
0x2a: {  	p0 =	seq.s32 s5, $0x0;
	s5 =	sld [smem:$0x3FB3]  }
0x2b: {  	s6 =	sld [smem:$0x3FB4]  }
0x2c: {  	s7 =	sld [smem:$0x3FB5]  }
0x2d: {  	s3 =	simm.s32 $0x108;
	s8 =	sld [smem:$0x3FB6]  }
0x2e: {  	s3 =	simm.s32 @!p0 $0x1082;
	s9 =	sld [smem:$0x3FB7]  }
0x2f: {  	lr =	sadd.s32 s0, s3;
	s0 =	sld [smem:$0x3FAE]  }
0x30: {  	s3 =	sld [smem:$0x3FB1]  }
0x31: {  	[smem:$0x3FBA] =	sst s10  }
0x32: {  	s10 =	sld [smem:$0x3FB8];
	_ =	sdelay $0x3  }
0x33: {  	p0 =	seq.s32 s10, $0x1;
	s10 =	sld [smem:$0x3FBA];
	_ =	sdelay $0x3  }
0x34: {  	[smem:$0x3FBA] =	sst s10  }
0x35: {  	s10 =	sld [smem:$0x3FB9];
	_ =	sdelay $0x3  }
0x36: {  	p1 =	seq.s32 s10, $0x1;
	s10 =	sld [smem:$0x3FBA];
	_ =	sdelay $0x3  }
0x37: {  	[smem:$0x3FBA] =	sst s10  }
0x38: {  	s10 =	sld [smem:$0x3FBB]  }
0x39: {  	_ = 	snop;
	(pc) =	sbr.ind lr, $3  }
0x3a: {  	_ = 	snop  }
0x3b: {  	_ = 	snop  }
0x3c: {  	p2 =	seq.s32 s10, $0x1;
	s10 =	sld [smem:$0x3FBA]  }
0x3d: {  	_ =	shalt  }
0x3e: {  	_ =	shalt  }
0x3f: {  	_ =	shalt  }
0x40: {  	_ =	shalt  }
0x41: {  	_ =	shalt  }
0x42: {  	_ =	shalt  }
0x43: {  	_ =	shalt  }
0x44: {  	_ =	shalt  }
0x45: {  	_ =	shalt  }
0x46: {  	_ =	shalt  }
0x47: {  	_ =	shalt  }
0x48: {  	_ =	shalt  }
0x49: {  	_ =	shalt  }
0x4a: {  	_ =	shalt  }
0x4b: {  	_ =	shalt  }
0x4c: {  	_ =	shalt  }
0x4d: {  	_ =	shalt  }
0x4e: {  	_ =	shalt  }
0x4f: {  	_ =	shalt  }
0x50: {  	_ =	shalt  }
0x51: {  	_ =	shalt  }
0x52: {  	_ =	shalt  }
0x53: {  	_ =	shalt  }
0x54: {  	_ =	shalt  }
0x55: {  	_ =	shalt  }
0x56: {  	_ =	shalt  }
0x57: {  	_ =	shalt  }
0x58: {  	_ =	shalt  }
0x59: {  	_ =	shalt  }
0x5a: {  	_ =	shalt  }
0x5b: {  	_ =	shalt  }
0x5c: {  	_ =	shalt  }
0x5d: {  	_ =	shalt  }
0x5e: {  	_ =	shalt  }
0x5f: {  	_ =	shalt  }
0x60: {  	_ =	shalt  }
0x61: {  	_ =	shalt  }
0x62: {  	_ =	shalt  }
0x63: {  	_ =	shalt  }
0x64: {  	_ =	shalt  }
0x65: {  	_ =	shalt  }
0x66: {  	_ =	shalt  }
0x67: {  	_ =	shalt  }
0x68: {  	_ =	shalt  }
0x69: {  	_ =	shalt  }
0x6a: {  	_ =	shalt  }
0x6b: {  	_ =	shalt  }
0x6c: {  	_ =	shalt  }
0x6d: {  	_ =	shalt  }
0x6e: {  	_ =	shalt  }
0x6f: {  	_ =	shalt  }
0x70: {  	_ =	shalt  }
0x71: {  	_ =	shalt  }
0x72: {  	_ =	shalt  }
0x73: {  	_ =	shalt  }
0x74: {  	_ =	shalt  }
0x75: {  	_ =	shalt  }
0x76: {  	_ =	shalt  }
0x77: {  	_ =	shalt  }
0x78: {  	_ =	shalt  }
0x79: {  	_ =	shalt  }
0x7a: {  	_ =	shalt  }
0x7b: {  	_ =	shalt  }
0x7c: {  	_ =	shalt  }
0x7d: {  	_ =	shalt  }
0x7e: {  	_ =	shalt  }
0x7f: {  	_ =	shalt  }
0x80: {  	_ =	shalt  }
0x81: {  	_ =	shalt  }
0x82: {  	_ =	shalt  }
0x83: {  	_ =	shalt  }
0x84: {  	_ =	shalt  }
0x85: {  	_ =	shalt  }
0x86: {  	_ =	shalt  }
0x87: {  	_ =	shalt  }
.Lfunc_end0:
.L_simem_size_0:
called_computation.12_lowered:
.L_overlay_start_0:
0x88: {  	s2 =	sld [smem:$0x3FD9]  }
0x89: {  	s3 =	sld [smem:$0x3FFE];
	_ =	sdelay $0x1  }
0x8a: {  	s1 =	srdreg.scid  }
0x8b: {  	s0 =	sand.u32 $0x1, s1  }
0x8c: {  	s14 =	sshll.u32 s0, $0xA;
	s2 =	sadd.s32 s3, s2  }
0x8d: {  	s2 =	sadd.s32 s2, s14  }
0x8e: {  	[smem:$0x3FC6] =	sst s2  }
0x8f: {  	_ = 	snop  }
0x90: {  	s2 =	sld [smem:$0x3FD0];
	_ =	sdelay $0x2  }
0x91: {  	s4 =	simm.s32 $0xA;
	s5 =	simm.s32 $0x10;
	s15 =	sld [smem:$0x3FC8]  }
0x92: {  	[smem:s5], [sflag:s4] =	dma.local [hbm:s2], $0x1  }
0x93: {  	_ =	swait.eq [sflag:s4], $0x1  }
0x94: {  	[sflag:s4] =	ssyncset.done $0x0  }
0x95: {  	[sflag:s4] =	ssyncadd.s32 $0xFFFFFFFF  }
0x96: {  	s16 =	sld [smem:$0x11];
	(tm) =	ssettm $0x1  }
0x97: {  	s17 =	sld [smem:$0x3FFB];
	_ =	sdelay $0x3  }
0x98: {  	_ =	strace s17  }
0x99: {  	s4 =	sld [smem:$0x3FFC];
	_ =	sdelay $0x3  }
0x9a: {  	_ =	strace s4  }
0x9b: {  	s4 =	sld [smem:$0x3FFD];
	_ =	sdelay $0x3  }
0x9c: {  	_ =	strace s4  }
0x9d: {  	_ =	strace $0x8FFFFFFF  }
0x9e: {  	s18 =	sld [smem:$0x3FDB];
	_ =	sdelay $0x1  }
0x9f: {  	s19 =	simm.s32 $_scs_section_size  }
0xa0: {  	s6 =	simm.s32 $_size__tile_overlayer_lowered;
	s7 =	simm.s32 $_tile_overlayer_lowered  }
0xa1: {  	s22 =	simm.s32 $0x1BFF;
	s21 =	sshll.u32 s7, $0x1;
	s4 =	sadd.s32 s19, s18  }
0xa2: {  	s8 =	simm.s32 $0x0;
	s20 =	sshll.u32 s6, $0x1;
	s6 =	sadd.s32 s21, s4  }
0xa3: {  	[timem:s8], [sflag:s22] =	dma.local [hbm:s6], s20  }
0xa4: {  	_ =	swait.ge [sflag:s22], s20  }
0xa5: {  	s5 =	ssub.s32 $0x0, s20;
	[sflag:s22] =	ssyncset.done $0x0  }
0xa6: {  	[sflag:s22] =	ssyncadd.s32 s5;
	_ =	sdelay $0x1  }
0xa7: {  	s23 =	simm.s32 $0x1B8B  }
0xa8: {  	_ =	swait.ge [sflag:s23], $0x1  }
0xa9: {  	[sflag:s23] =	ssyncset.done $0x0  }
0xaa: {  	s25 =	simm.s32 $0x1B8E;
	s24 =	sld [smem:$0x3FFE];
	[sflag:s23] =	ssyncadd.s32 $0xFFFFFFFF  }
0xab: {  	s26 =	simm.s32 $execute0_lowered;
	[smem:$0x3FD2] =	sst s25  }
0xac: {  	s6 =	sshll.u32 s26, $0x1;
	_ =	strace $0x8000006A;
	[dreg:$0x1] =	wrdreg $0xFFFFFFFF  }
0xad: {  	s28 =	simm.s32 $_size_execute0_lowered;
	s4 =	sadd.s32 s4, s6;
	[dreg:$0x0] =	wrdreg $0x0  }
0xae: {  	s6 =	sshll.u32 s28, $0x1;
	[dreg:$0x2] =	wrdreg s4  }
0xaf: {  	[dreg:$0x3] =	wrdreg s6  }
0xb0: {  	[dreg:$0x4] =	wrdreg $0xC0  }
0xb1: {  	_ =	task [dreg:s8], $0x5FFFF  }
0xb2: {  	[dreg:$0x1] =	wrdreg $0xFFFFFFFF  }
0xb3: {  	[dreg:$0x0] =	wrdreg $0x60  }
0xb4: {  	[dreg:$0x2] =	wrdreg s15  }
0xb5: {  	[dreg:$0x3] =	wrdreg s24  }
0xb6: {  	[dreg:$0x4] =	wrdreg s16  }
0xb7: {  	[dreg:$0x5] =	wrdreg $0x9  }
0xb8: {  	_ =	task.clear_ibuf [dreg:s8], $0x6FFFF;
	_ =	strace $0x9000006A  }
0xb9: {  	s29 =	simm.s32 $0x9;
	_ =	strace $0x8000006C  }
0xba: {  	_ =	swait.ge [sflag:s29], $0x1  }
0xbb: {  	[sflag:s29] =	ssyncadd.s32 $0xFFFFFFFF  }
0xbc: {  	_ =	strace $0x9000006C  }
0xbd: {  	_ =	sfence  }
0xbe: {  	s30 =	sld [smem:$0x0];
	_ =	sdelay $0x2  }
0xbf: {  	s31 =	sshll.u32 s1, $0xD;
	s1 =	sshrl.u32 s1, $0x2  }
0xc0: {  	s3 =	sand.u32 $0x4000, s31;
	s1 =	sadd.s32 s1, s30  }
0xc1: {  	s0 =	sor.u32 s3, s0;
	s1 =	sshll.u32 s1, $0x11  }
0xc2: {  	s0 =	sor.u32 s1, s0  }
0xc3: {  	s0 =	sadd.s32 $0x8F2B, s0  }
0xc4: {  	[sflag:s0] =	ssyncadd.remote.s32 $0x1  }
0xc5: {  	_ =	sfence.sel $0xFFFF  }
0xc6: {  	[dreg:$0x0] =	wrdreg $0xFFFFFFFF;
	(pc) =	sbr.abs _section_cstart, $3  }
0xc7: {  	[dreg:$0x1] =	wrdreg $0xFFFFFFFF  }
0xc8: {  	_ =	task.clear_ibuf [dreg:s8], $0x2FFFF;
	_ =	strace $0x9FFFFFFF  }
0xc9: {  	(tm) =	ssettm $0x7FFFFFFF  }
tec
execute0_lowered:
.L_overlay_start_1:
0x0: {  	(tag) =	ssettag $0x1  }
0x1: {  	s1 =	rddreg [dreg:$0x0]  }
0x2: {  	s4 =	rddreg [dreg:$0x1]  }
0x3: {  	s5 =	rddreg [dreg:$0x2];
	s3 =	srdreg.scid  }
0x4: {  	s0 =	rddreg [dreg:$0x3];
	s2 =	stileid.u32;
	s10 =	simm.s32 $0x1080  }
0x5: {  	s11 =	simm.s32 $0x1880;
	s12 =	simm.s32 $0x1;
	s6 =	sand.u32 $0x1, s3  }
0x6: {  	s3 =	simm.s32 $0x0;
	s7 =	sshll.u32 s2, $0x6;
	s8 =	sshll.u32 s6, $0x5  }
0x7: {  	[smem:$0x7FF] =	sst s3;
	s6 =	ssub.s32 $0x2, s6;
	s7 =	sor.u32 s8, s7  }
0x8: {  	_ =	strace $0x8000006B;
	s9 =	sshrl.u32 s6, $0x1;
	s8 =	sshrl.u32 s7, $0x3  }
0x9: {  	v2 =	vlaneseq.u32;
	s6 =	ssub.s32 s6, s9;
	s7 =	sshll.u32 s7, $0x5;
	s9 =	simm.s32 $0x880  }
0xa: {  	vm0 =	vmmov $0xffff;
	v1 =	vshrl.u32 v2, $0x3;
	s4 =	sadd.s32 s8, s4;
	s5 =	sadd.s32 s5, s7;
	s6 =	smax.u32 s6, $0x1  }
0xb: {  	v0 =	vand.u32 $0x7, v2;
	v2 =	vor.u32 $0x8, v2;
	v1 =	vmul.u32 $0x8, v1;
	s7 =	simm.s32 $0x2;
	s8 =	simm.s32 $0x80;
	s4 =	sadd.s32 $0xC800, s4  }
.LBB2_1:
0xc: {  	[tilespmem:s3], [sflag:$0x2] =	stream.linear.gather [hbm4b:s4+s3], $0x20, $0x38;
	[tilespmem:$0x2080] =	vst v63  }
0xd: {  	_ =	swait.ge [sflag:s7], $0x20  }
0xe: {  	[sflag:s7] =	ssyncset.done $0x0  }
0xf: {  	[sflag:s7] =	ssyncadd.s32 $0xFFFFFFE0  }
0x10: {  	v3 =	vld [tilespmem:$0x0];
	_ =	sdelay $0x4  }
0x11: {  	v4 =	vshll.u32 v3, $0x1  }
0x12: {  	v3 =	vand.u32 $0x7, v3;
	v4 =	vand.u32 $0xFFFFFFF0, v4  }
0x13: {  	v3 =	vor.u32 v3, v4  }
0x14: {  	v4 =	vperm.xlane v3, v0;
	_ =	sdelay $0x1  }
0x15: {  	v3 =	vperm.xlane v3, v2;
	v4 =	vadd.s32 v1, v4;
	_ =	sdelay $0x1  }
0x16: {  	v3 =	vadd.s32 v1, v3;
	_ =	sdelay $0x2  }
0x17: {  	[tilespmem:s8], [sflag:$0x1] =	stream.indirect_vreg.gather [hbm4b:s1+s3], $0x80, v4, vm0, $0xb8;
	[tilespmem:$0x2080] =	vst v63  }
0x18: {  	_ = 	snop  }
0x19: {  	[tilespmem:s9], [sflag:$0x1] =	stream.indirect_vreg.gather [hbm4b:s1+s3], $0x80, v3, vm0, $0xb8;
	[tilespmem:$0x2080] =	vst v63  }
0x1a: {  	v3 =	vld [tilespmem:$0x10];
	_ =	sdelay $0x4  }
0x1b: {  	v63 =	vshll.u32 v3, $0x1  }
0x1c: {  	v3 =	vand.u32 $0x7, v3;
	v4 =	vand.u32 $0xFFFFFFF0, v63  }
0x1d: {  	v3 =	vor.u32 v3, v4  }
0x1e: {  	v4 =	vperm.xlane v3, v0;
	_ =	sdelay $0x1  }
0x1f: {  	v3 =	vperm.xlane v3, v2;
	v4 =	vadd.s32 v1, v4;
	_ =	sdelay $0x1  }
0x20: {  	v3 =	vadd.s32 v1, v3;
	_ =	sdelay $0x2  }
0x21: {  	[tilespmem:s10], [sflag:$0x1] =	stream.indirect_vreg.gather [hbm4b:s1+s3], $0x80, v4, vm0, $0xb8;
	[tilespmem:$0x2080] =	vst v63  }
0x22: {  	_ = 	snop  }
0x23: {  	[tilespmem:s11], [sflag:$0x1] =	stream.indirect_vreg.gather [hbm4b:s1+s3], $0x80, v3, vm0, $0xb8;
	[tilespmem:$0x2080] =	vst v63  }
0x24: {  	_ =	swait.ge [sflag:s12], $0x2000  }
0x25: {  	p0 =	sne.s32 s6, $0x1;
	[sflag:s12] =	ssyncset.done $0x0  }
.Ltmp0:
0x26: {  	[sflag:s12] =	ssyncadd.s32 $0xFFFFE000;
	(pc) =	sbr.rel @p0 .LBB2_1-.Ltmp0, $4  }
0x27: {  	[hbm4b:s5+s3] =	stream.linear.scatter [tilespmem:s8], [sflag:$0x2], $0x2000, $0x38;
	[tilespmem:$0x2080] =	vst v63  }
0x28: {  	_ =	swait.ge [sflag:s7], $0x2000  }
0x29: {  	[sflag:s7] =	ssyncset.done $0x0  }
0x2a: {  	s6 =	sadd.s32 $0xFFFFFFFF, s6;
	[sflag:s7] =	ssyncadd.s32 $0xFFFFE000  }
0x2b: {  	_ =	sfence.sel $0x180000  }
0x2c: {  	[bflag:$0x0] =	sbarrier.arrive $0xFFFF  }
0x2d: {  	p0 =	sne.s32 s2, $0x0;
	_ =	strace $0x9000006B  }
0x2e: {  	s0 =	sadd.s32 @!p0 $0x100000, s0;
	[bflag:$0x2] =	sbarrier.arrive $0xFFFF  }
0x2f: {  	[sflag:s0] =	ssyncadd.tile.s32 @!p0 $0x1;
	_ =	shalt  }
.Lfunc_end2:
_tile_overlayer_lowered:
.L_overlay_start_2:
0x30: {  	(tag) =	ssettag $0x2  }
0x31: {  	s0 =	rddreg [dreg:$0x0];
	s2 =	stileid.u32  }
0x32: {  	s1 =	rddreg [dreg:$0x1];
	p0 =	sne.s32 s2, $0x0  }
0x33: {  	s3 =	rddreg [dreg:$0x2];
	[bflag:$0x3] =	sbarrier.arrive $0xFFFF;
	s2 =	simm.s32 @!p0 $0x1C02  }
0x34: {  	[timem:s3], [sflag:s2] =	dma.local @!p0 [hbm:s0], s1  }
0x35: {  	s0 =	simm.s32 @!p0 $0x2  }
0x36: {  	_ =	swait.ge @!p0 [sflag:s0], s1  }
0x37: {  	s1 =	ssub.s32 @!p0 $0x0, s1;
	[sflag:s0] =	ssyncset.done @!p0 $0x0  }
0x38: {  	[sflag:s0] =	ssyncadd.s32 @!p0 s1  }
0x39: {  	[bflag:$0x3] =	sbarrier.arrive $0xFFFF  }
0x3a: {  	_ =	shalt  }

// kernel: kernel.74.cloned.1.call-start
scs
__scs_entry_jumppad:
0x0: {  	(pc) =	sbr.rel $0x88, $3  }
0x1: {  	(tag) =	ssettag $0x0;
	lr =	simm.s32 $0x1  }
0x2: {  	[smem:$0x3F9F] =	sst lr;
	_ =	strace $0xD0000000  }
0x3: {  	_ = 	snop  }
0x4: {  	_ = 	snop  }
0x5: {  	_ = 	snop  }
0x6: {  	_ = 	snop  }
0x7: {  	_ = 	snop  }
__scs_overlays_trampoline_lowered:
0x8: {  	[smem:$0x3FAE] =	sst s0  }
0x9: {  	[smem:$0x3FAF] =	sst s1  }
0xa: {  	[smem:$0x3FB0] =	sst s2  }
0xb: {  	[smem:$0x3FB1] =	sst s3  }
0xc: {  	[smem:$0x3FB2] =	sst s4  }
0xd: {  	[smem:$0x3FB3] =	sst s5  }
0xe: {  	[smem:$0x3FB4] =	sst s6  }
0xf: {  	[smem:$0x3FB5] =	sst s7  }
0x10: {  	[smem:$0x3FB6] =	sst s8  }
0x11: {  	[smem:$0x3FB7] =	sst s9;
	s0 =	simm.s32 @!p0 $0x0  }
0x12: {  	s1 =	sld [smem:$0x3F9D];
	s0 =	simm.s32 @p0 $0x1  }
0x13: {  	[smem:$0x3FB8] =	sst s0;
	s0 =	simm.s32 @!p1 $0x0  }
0x14: {  	s2 =	sld [smem:$0x3F9C];
	s0 =	simm.s32 @p1 $0x1  }
0x15: {  	[smem:$0x3FB9] =	sst s0;
	s0 =	simm.s32 @!p2 $0x0  }
0x16: {  	s3 =	sld [smem:$0x3FDB];
	s0 =	simm.s32 @p2 $0x1  }
0x17: {  	s4 =	simm.s32 $0x1BF5;
	[smem:$0x3FBB] =	sst s0  }
0x18: {  	s0 =	sld [smem:$0x3F9E];
	_ =	swait.ge [sflag:s4], $0x0  }
0x19: {  	s7 =	sld [smem:$0x3F9F]  }
0x1a: {  	s8 =	sadd.s32 $0xFFFFE003, lr  }
0x1b: {  	s9 =	sadd.s32 $0xFFFFFEF7, lr;
	s5 =	simm.s32 $0xFFFFFFFF;
	p2 =	slt.u32 s8, $0xFFFFF086  }
0x1c: {  	p1 =	slt.u32 s9, $0xF7A;
	s5 =	simm.s32 @!p2 $0x0  }
0x1d: {  	s5 =	simm.s32 @p1 $0x1;
	p0 =	seq.s32 s7, s2  }
0x1e: {  	s7 =	smul.u32 @!p0 $0xF7A, s2;
	p2 =	seq.s32 @!p0 s5, $0x0  }
0x1f: {  	s9 =	smul.u32 $0xF7A, s1;
	s8 =	simm.s32 @!p0 $0x1BF5;
	p2 =	por !p2, p0  }
0x20: {  	[sflag:s8] =	ssyncset.s32 @!p0 $0xFFFFF086;
	s6 =	sadd.s32 @!p0 s3, s7;
	s7 =	simm.s32 @!p0 $0x108  }
0x21: {  	s3 =	sadd.s32 s3, s9;
	s6 =	sadd.s32 @!p0 $0x88, s6;
	s7 =	simm.s32 @p2 $0x1082  }
0x22: {  	[simem:s7], [sflag:s8] =	dma.local @!p0 [hbm:s6], $0xF7A  }
0x23: {  	s9 =	sor.u32 $0xD0000000, s2;
	s6 =	simm.s32 $0x108;
	_ =	swait.ge @!p0 [sflag:s8], $0x0  }
0x24: {  	s3 =	sadd.s32 $0x88, s3;
	s6 =	simm.s32 @!p1 $0x1082;
	[sflag:s4] =	ssyncset.s32 $0xFFFFF086  }
0x25: {  	[simem:s6], [sflag:s4] =	dma.local [hbm:s3], $0xF7A  }
0x26: {  	[smem:$0x3F9F] =	sst s1;
	(tag) =	ssettag s2;
	_ =	strace s9  }
0x27: {  	s1 =	sld [smem:$0x3FAF]  }
0x28: {  	s2 =	sld [smem:$0x3FB0]  }
0x29: {  	s4 =	sld [smem:$0x3FB2]  }
0x2a: {  	p0 =	seq.s32 s5, $0x0;
	s5 =	sld [smem:$0x3FB3]  }
0x2b: {  	s6 =	sld [smem:$0x3FB4]  }
0x2c: {  	s7 =	sld [smem:$0x3FB5]  }
0x2d: {  	s3 =	simm.s32 $0x108;
	s8 =	sld [smem:$0x3FB6]  }
0x2e: {  	s3 =	simm.s32 @!p0 $0x1082;
	s9 =	sld [smem:$0x3FB7]  }
0x2f: {  	lr =	sadd.s32 s0, s3;
	s0 =	sld [smem:$0x3FAE]  }
0x30: {  	s3 =	sld [smem:$0x3FB1]  }
0x31: {  	[smem:$0x3FBA] =	sst s10  }
0x32: {  	s10 =	sld [smem:$0x3FB8];
	_ =	sdelay $0x3  }
0x33: {  	p0 =	seq.s32 s10, $0x1;
	s10 =	sld [smem:$0x3FBA];
	_ =	sdelay $0x3  }
0x34: {  	[smem:$0x3FBA] =	sst s10  }
0x35: {  	s10 =	sld [smem:$0x3FB9];
	_ =	sdelay $0x3  }
0x36: {  	p1 =	seq.s32 s10, $0x1;
	s10 =	sld [smem:$0x3FBA];
	_ =	sdelay $0x3  }
0x37: {  	[smem:$0x3FBA] =	sst s10  }
0x38: {  	s10 =	sld [smem:$0x3FBB]  }
0x39: {  	_ = 	snop;
	(pc) =	sbr.ind lr, $3  }
0x3a: {  	_ = 	snop  }
0x3b: {  	_ = 	snop  }
0x3c: {  	p2 =	seq.s32 s10, $0x1;
	s10 =	sld [smem:$0x3FBA]  }
0x3d: {  	_ =	shalt  }
0x3e: {  	_ =	shalt  }
0x3f: {  	_ =	shalt  }
0x40: {  	_ =	shalt  }
0x41: {  	_ =	shalt  }
0x42: {  	_ =	shalt  }
0x43: {  	_ =	shalt  }
0x44: {  	_ =	shalt  }
0x45: {  	_ =	shalt  }
0x46: {  	_ =	shalt  }
0x47: {  	_ =	shalt  }
0x48: {  	_ =	shalt  }
0x49: {  	_ =	shalt  }
0x4a: {  	_ =	shalt  }
0x4b: {  	_ =	shalt  }
0x4c: {  	_ =	shalt  }
0x4d: {  	_ =	shalt  }
0x4e: {  	_ =	shalt  }
0x4f: {  	_ =	shalt  }
0x50: {  	_ =	shalt  }
0x51: {  	_ =	shalt  }
0x52: {  	_ =	shalt  }
0x53: {  	_ =	shalt  }
0x54: {  	_ =	shalt  }
0x55: {  	_ =	shalt  }
0x56: {  	_ =	shalt  }
0x57: {  	_ =	shalt  }
0x58: {  	_ =	shalt  }
0x59: {  	_ =	shalt  }
0x5a: {  	_ =	shalt  }
0x5b: {  	_ =	shalt  }
0x5c: {  	_ =	shalt  }
0x5d: {  	_ =	shalt  }
0x5e: {  	_ =	shalt  }
0x5f: {  	_ =	shalt  }
0x60: {  	_ =	shalt  }
0x61: {  	_ =	shalt  }
0x62: {  	_ =	shalt  }
0x63: {  	_ =	shalt  }
0x64: {  	_ =	shalt  }
0x65: {  	_ =	shalt  }
0x66: {  	_ =	shalt  }
0x67: {  	_ =	shalt  }
0x68: {  	_ =	shalt  }
0x69: {  	_ =	shalt  }
0x6a: {  	_ =	shalt  }
0x6b: {  	_ =	shalt  }
0x6c: {  	_ =	shalt  }
0x6d: {  	_ =	shalt  }
0x6e: {  	_ =	shalt  }
0x6f: {  	_ =	shalt  }
0x70: {  	_ =	shalt  }
0x71: {  	_ =	shalt  }
0x72: {  	_ =	shalt  }
0x73: {  	_ =	shalt  }
0x74: {  	_ =	shalt  }
0x75: {  	_ =	shalt  }
0x76: {  	_ =	shalt  }
0x77: {  	_ =	shalt  }
0x78: {  	_ =	shalt  }
0x79: {  	_ =	shalt  }
0x7a: {  	_ =	shalt  }
0x7b: {  	_ =	shalt  }
0x7c: {  	_ =	shalt  }
0x7d: {  	_ =	shalt  }
0x7e: {  	_ =	shalt  }
0x7f: {  	_ =	shalt  }
0x80: {  	_ =	shalt  }
0x81: {  	_ =	shalt  }
0x82: {  	_ =	shalt  }
0x83: {  	_ =	shalt  }
0x84: {  	_ =	shalt  }
0x85: {  	_ =	shalt  }
0x86: {  	_ =	shalt  }
0x87: {  	_ =	shalt  }
.Lfunc_end0:
.L_simem_size_0:
called_computation.13_lowered:
.L_overlay_start_0:
0x88: {  	s2 =	sld [smem:$0x3FD9]  }
0x89: {  	s3 =	sld [smem:$0x3FFE];
	_ =	sdelay $0x1  }
0x8a: {  	s1 =	srdreg.scid  }
0x8b: {  	s0 =	sand.u32 $0x1, s1  }
0x8c: {  	s14 =	sshll.u32 s0, $0xA;
	s2 =	sadd.s32 s3, s2  }
0x8d: {  	s2 =	sadd.s32 s2, s14  }
0x8e: {  	[smem:$0x3FC6] =	sst s2  }
0x8f: {  	_ = 	snop  }
0x90: {  	s2 =	sld [smem:$0x3FD0];
	_ =	sdelay $0x2  }
0x91: {  	s4 =	simm.s32 $0xA;
	s5 =	simm.s32 $0x10;
	s15 =	sld [smem:$0x3FC8]  }
0x92: {  	[smem:s5], [sflag:s4] =	dma.local [hbm:s2], $0x1  }
0x93: {  	_ =	swait.eq [sflag:s4], $0x1  }
0x94: {  	[sflag:s4] =	ssyncset.done $0x0  }
0x95: {  	[sflag:s4] =	ssyncadd.s32 $0xFFFFFFFF  }
0x96: {  	s16 =	sld [smem:$0x11];
	(tm) =	ssettm $0x1  }
0x97: {  	s17 =	sld [smem:$0x3FFB];
	_ =	sdelay $0x3  }
0x98: {  	_ =	strace s17  }
0x99: {  	s4 =	sld [smem:$0x3FFC];
	_ =	sdelay $0x3  }
0x9a: {  	_ =	strace s4  }
0x9b: {  	s4 =	sld [smem:$0x3FFD];
	_ =	sdelay $0x3  }
0x9c: {  	_ =	strace s4  }
0x9d: {  	_ =	strace $0x8FFFFFFF  }
0x9e: {  	s18 =	sld [smem:$0x3FDB];
	_ =	sdelay $0x1  }
0x9f: {  	s19 =	simm.s32 $_scs_section_size  }
0xa0: {  	s6 =	simm.s32 $_size__tile_overlayer_lowered;
	s7 =	simm.s32 $_tile_overlayer_lowered  }
0xa1: {  	s22 =	simm.s32 $0x1BFF;
	s21 =	sshll.u32 s7, $0x1;
	s4 =	sadd.s32 s19, s18  }
0xa2: {  	s8 =	simm.s32 $0x0;
	s20 =	sshll.u32 s6, $0x1;
	s6 =	sadd.s32 s21, s4  }
0xa3: {  	[timem:s8], [sflag:s22] =	dma.local [hbm:s6], s20  }
0xa4: {  	_ =	swait.ge [sflag:s22], s20  }
0xa5: {  	s5 =	ssub.s32 $0x0, s20;
	[sflag:s22] =	ssyncset.done $0x0  }
0xa6: {  	[sflag:s22] =	ssyncadd.s32 s5;
	_ =	sdelay $0x1  }
0xa7: {  	s23 =	simm.s32 $0x1B8B  }
0xa8: {  	_ =	swait.ge [sflag:s23], $0x1  }
0xa9: {  	[sflag:s23] =	ssyncset.done $0x0  }
0xaa: {  	s25 =	simm.s32 $0x1B8E;
	s24 =	sld [smem:$0x3FFE];
	[sflag:s23] =	ssyncadd.s32 $0xFFFFFFFF  }
0xab: {  	s26 =	simm.s32 $execute0_lowered;
	[smem:$0x3FD2] =	sst s25  }
0xac: {  	s6 =	sshll.u32 s26, $0x1;
	_ =	strace $0x8000006D;
	[dreg:$0x1] =	wrdreg $0xFFFFFFFF  }
0xad: {  	s28 =	simm.s32 $_size_execute0_lowered;
	s4 =	sadd.s32 s4, s6;
	[dreg:$0x0] =	wrdreg $0x0  }
0xae: {  	s6 =	sshll.u32 s28, $0x1;
	[dreg:$0x2] =	wrdreg s4  }
0xaf: {  	[dreg:$0x3] =	wrdreg s6  }
0xb0: {  	[dreg:$0x4] =	wrdreg $0xC0  }
0xb1: {  	_ =	task [dreg:s8], $0x5FFFF  }
0xb2: {  	[dreg:$0x1] =	wrdreg $0xFFFFFFFF  }
0xb3: {  	[dreg:$0x0] =	wrdreg $0x60  }
0xb4: {  	[dreg:$0x2] =	wrdreg s15  }
0xb5: {  	[dreg:$0x3] =	wrdreg s24  }
0xb6: {  	[dreg:$0x4] =	wrdreg s16  }
0xb7: {  	[dreg:$0x5] =	wrdreg $0x9  }
0xb8: {  	_ =	task.clear_ibuf [dreg:s8], $0x6FFFF;
	_ =	strace $0x9000006D  }
0xb9: {  	s29 =	simm.s32 $0x9;
	_ =	strace $0x8000006F  }
0xba: {  	_ =	swait.ge [sflag:s29], $0x1  }
0xbb: {  	[sflag:s29] =	ssyncadd.s32 $0xFFFFFFFF  }
0xbc: {  	_ =	strace $0x9000006F  }
0xbd: {  	_ =	sfence  }
0xbe: {  	s30 =	sld [smem:$0x0];
	_ =	sdelay $0x2  }
0xbf: {  	s31 =	sshll.u32 s1, $0xD;
	s1 =	sshrl.u32 s1, $0x2  }
0xc0: {  	s3 =	sand.u32 $0x4000, s31;
	s1 =	sadd.s32 s1, s30  }
0xc1: {  	s0 =	sor.u32 s3, s0;
	s1 =	sshll.u32 s1, $0x11  }
0xc2: {  	s0 =	sor.u32 s1, s0  }
0xc3: {  	s0 =	sadd.s32 $0x8F2B, s0  }
0xc4: {  	[sflag:s0] =	ssyncadd.remote.s32 $0x1  }
0xc5: {  	_ =	sfence.sel $0xFFFF  }
0xc6: {  	[dreg:$0x0] =	wrdreg $0xFFFFFFFF;
	(pc) =	sbr.abs _section_cstart, $3  }
0xc7: {  	[dreg:$0x1] =	wrdreg $0xFFFFFFFF  }
0xc8: {  	_ =	task.clear_ibuf [dreg:s8], $0x2FFFF;
	_ =	strace $0x9FFFFFFF  }
0xc9: {  	(tm) =	ssettm $0x7FFFFFFF  }
tec
execute0_lowered:
.L_overlay_start_1:
0x0: {  	(tag) =	ssettag $0x1  }
0x1: {  	s1 =	rddreg [dreg:$0x0]  }
0x2: {  	s4 =	rddreg [dreg:$0x1]  }
0x3: {  	s5 =	rddreg [dreg:$0x2];
	s3 =	srdreg.scid  }
0x4: {  	s0 =	rddreg [dreg:$0x3];
	s2 =	stileid.u32;
	s10 =	simm.s32 $0x1080  }
0x5: {  	s11 =	simm.s32 $0x1880;
	s12 =	simm.s32 $0x1;
	s6 =	sand.u32 $0x1, s3  }
0x6: {  	s3 =	simm.s32 $0x0;
	s7 =	sshll.u32 s2, $0x6;
	s8 =	sshll.u32 s6, $0x5  }
0x7: {  	[smem:$0x7FF] =	sst s3;
	s6 =	ssub.s32 $0x2, s6;
	s7 =	sor.u32 s8, s7  }
0x8: {  	_ =	strace $0x8000006E;
	s9 =	sshrl.u32 s6, $0x1;
	s8 =	sshrl.u32 s7, $0x3  }
0x9: {  	v2 =	vlaneseq.u32;
	s6 =	ssub.s32 s6, s9;
	s7 =	sshll.u32 s7, $0x5;
	s9 =	simm.s32 $0x880  }
0xa: {  	vm0 =	vmmov $0xffff;
	v1 =	vshrl.u32 v2, $0x3;
	s4 =	sadd.s32 s8, s4;
	s5 =	sadd.s32 s5, s7;
	s6 =	smax.u32 s6, $0x1  }
0xb: {  	v0 =	vand.u32 $0x7, v2;
	v2 =	vor.u32 $0x8, v2;
	v1 =	vmul.u32 $0x8, v1;
	s7 =	simm.s32 $0x2;
	s8 =	simm.s32 $0x80;
	s4 =	sadd.s32 $0xC800, s4  }
.LBB2_1:
0xc: {  	[tilespmem:s3], [sflag:$0x2] =	stream.linear.gather [hbm4b:s4+s3], $0x20, $0x38;
	[tilespmem:$0x2080] =	vst v63  }
0xd: {  	_ =	swait.ge [sflag:s7], $0x20  }
0xe: {  	[sflag:s7] =	ssyncset.done $0x0  }
0xf: {  	[sflag:s7] =	ssyncadd.s32 $0xFFFFFFE0  }
0x10: {  	v3 =	vld [tilespmem:$0x0];
	_ =	sdelay $0x4  }
0x11: {  	v4 =	vshll.u32 v3, $0x1  }
0x12: {  	v3 =	vand.u32 $0x7, v3;
	v4 =	vand.u32 $0xFFFFFFF0, v4  }
0x13: {  	v3 =	vor.u32 v3, v4  }
0x14: {  	v4 =	vperm.xlane v3, v0;
	_ =	sdelay $0x1  }
0x15: {  	v3 =	vperm.xlane v3, v2;
	v4 =	vadd.s32 v1, v4;
	_ =	sdelay $0x1  }
0x16: {  	v3 =	vadd.s32 v1, v3;
	_ =	sdelay $0x2  }
0x17: {  	[tilespmem:s8], [sflag:$0x1] =	stream.indirect_vreg.gather [hbm4b:s1+s3], $0x80, v4, vm0, $0xb8;
	[tilespmem:$0x2080] =	vst v63  }
0x18: {  	_ = 	snop  }
0x19: {  	[tilespmem:s9], [sflag:$0x1] =	stream.indirect_vreg.gather [hbm4b:s1+s3], $0x80, v3, vm0, $0xb8;
	[tilespmem:$0x2080] =	vst v63  }
0x1a: {  	v3 =	vld [tilespmem:$0x10];
	_ =	sdelay $0x4  }
0x1b: {  	v63 =	vshll.u32 v3, $0x1  }
0x1c: {  	v3 =	vand.u32 $0x7, v3;
	v4 =	vand.u32 $0xFFFFFFF0, v63  }
0x1d: {  	v3 =	vor.u32 v3, v4  }
0x1e: {  	v4 =	vperm.xlane v3, v0;
	_ =	sdelay $0x1  }
0x1f: {  	v3 =	vperm.xlane v3, v2;
	v4 =	vadd.s32 v1, v4;
	_ =	sdelay $0x1  }
0x20: {  	v3 =	vadd.s32 v1, v3;
	_ =	sdelay $0x2  }
0x21: {  	[tilespmem:s10], [sflag:$0x1] =	stream.indirect_vreg.gather [hbm4b:s1+s3], $0x80, v4, vm0, $0xb8;
	[tilespmem:$0x2080] =	vst v63  }
0x22: {  	_ = 	snop  }
0x23: {  	[tilespmem:s11], [sflag:$0x1] =	stream.indirect_vreg.gather [hbm4b:s1+s3], $0x80, v3, vm0, $0xb8;
	[tilespmem:$0x2080] =	vst v63  }
0x24: {  	_ =	swait.ge [sflag:s12], $0x2000  }
0x25: {  	p0 =	sne.s32 s6, $0x1;
	[sflag:s12] =	ssyncset.done $0x0  }
.Ltmp0:
0x26: {  	[sflag:s12] =	ssyncadd.s32 $0xFFFFE000;
	(pc) =	sbr.rel @p0 .LBB2_1-.Ltmp0, $4  }
0x27: {  	[hbm4b:s5+s3] =	stream.linear.scatter [tilespmem:s8], [sflag:$0x2], $0x2000, $0x38;
	[tilespmem:$0x2080] =	vst v63  }
0x28: {  	_ =	swait.ge [sflag:s7], $0x2000  }
0x29: {  	[sflag:s7] =	ssyncset.done $0x0  }
0x2a: {  	s6 =	sadd.s32 $0xFFFFFFFF, s6;
	[sflag:s7] =	ssyncadd.s32 $0xFFFFE000  }
0x2b: {  	_ =	sfence.sel $0x180000  }
0x2c: {  	[bflag:$0x0] =	sbarrier.arrive $0xFFFF  }
0x2d: {  	p0 =	sne.s32 s2, $0x0;
	_ =	strace $0x9000006E  }
0x2e: {  	s0 =	sadd.s32 @!p0 $0x100000, s0;
	[bflag:$0x2] =	sbarrier.arrive $0xFFFF  }
0x2f: {  	[sflag:s0] =	ssyncadd.tile.s32 @!p0 $0x1;
	_ =	shalt  }
.Lfunc_end2:
_tile_overlayer_lowered:
.L_overlay_start_2:
0x30: {  	(tag) =	ssettag $0x2  }
0x31: {  	s0 =	rddreg [dreg:$0x0];
	s2 =	stileid.u32  }
0x32: {  	s1 =	rddreg [dreg:$0x1];
	p0 =	sne.s32 s2, $0x0  }
0x33: {  	s3 =	rddreg [dreg:$0x2];
	[bflag:$0x3] =	sbarrier.arrive $0xFFFF;
	s2 =	simm.s32 @!p0 $0x1C02  }
0x34: {  	[timem:s3], [sflag:s2] =	dma.local @!p0 [hbm:s0], s1  }
0x35: {  	s0 =	simm.s32 @!p0 $0x2  }
0x36: {  	_ =	swait.ge @!p0 [sflag:s0], s1  }
0x37: {  	s1 =	ssub.s32 @!p0 $0x0, s1;
	[sflag:s0] =	ssyncset.done @!p0 $0x0  }
0x38: {  	[sflag:s0] =	ssyncadd.s32 @!p0 s1  }
0x39: {  	[bflag:$0x3] =	sbarrier.arrive $0xFFFF  }
0x3a: {  	_ =	shalt  }

// kernel: kernel.77.cloned.1.call-start
scs
__scs_entry_jumppad:
0x0: {  	(pc) =	sbr.rel $0x88, $3  }
0x1: {  	(tag) =	ssettag $0x0;
	lr =	simm.s32 $0x1  }
0x2: {  	[smem:$0x3F9F] =	sst lr;
	_ =	strace $0xD0000000  }
0x3: {  	_ = 	snop  }
0x4: {  	_ = 	snop  }
0x5: {  	_ = 	snop  }
0x6: {  	_ = 	snop  }
0x7: {  	_ = 	snop  }
__scs_overlays_trampoline_lowered:
0x8: {  	[smem:$0x3FAE] =	sst s0  }
0x9: {  	[smem:$0x3FAF] =	sst s1  }
0xa: {  	[smem:$0x3FB0] =	sst s2  }
0xb: {  	[smem:$0x3FB1] =	sst s3  }
0xc: {  	[smem:$0x3FB2] =	sst s4  }
0xd: {  	[smem:$0x3FB3] =	sst s5  }
0xe: {  	[smem:$0x3FB4] =	sst s6  }
0xf: {  	[smem:$0x3FB5] =	sst s7  }
0x10: {  	[smem:$0x3FB6] =	sst s8  }
0x11: {  	[smem:$0x3FB7] =	sst s9;
	s0 =	simm.s32 @!p0 $0x0  }
0x12: {  	s1 =	sld [smem:$0x3F9D];
	s0 =	simm.s32 @p0 $0x1  }
0x13: {  	[smem:$0x3FB8] =	sst s0;
	s0 =	simm.s32 @!p1 $0x0  }
0x14: {  	s2 =	sld [smem:$0x3F9C];
	s0 =	simm.s32 @p1 $0x1  }
0x15: {  	[smem:$0x3FB9] =	sst s0;
	s0 =	simm.s32 @!p2 $0x0  }
0x16: {  	s3 =	sld [smem:$0x3FDB];
	s0 =	simm.s32 @p2 $0x1  }
0x17: {  	s4 =	simm.s32 $0x1BF5;
	[smem:$0x3FBB] =	sst s0  }
0x18: {  	s0 =	sld [smem:$0x3F9E];
	_ =	swait.ge [sflag:s4], $0x0  }
0x19: {  	s7 =	sld [smem:$0x3F9F]  }
0x1a: {  	s8 =	sadd.s32 $0xFFFFE003, lr  }
0x1b: {  	s9 =	sadd.s32 $0xFFFFFEF7, lr;
	s5 =	simm.s32 $0xFFFFFFFF;
	p2 =	slt.u32 s8, $0xFFFFF086  }
0x1c: {  	p1 =	slt.u32 s9, $0xF7A;
	s5 =	simm.s32 @!p2 $0x0  }
0x1d: {  	s5 =	simm.s32 @p1 $0x1;
	p0 =	seq.s32 s7, s2  }
0x1e: {  	s7 =	smul.u32 @!p0 $0xF7A, s2;
	p2 =	seq.s32 @!p0 s5, $0x0  }
0x1f: {  	s9 =	smul.u32 $0xF7A, s1;
	s8 =	simm.s32 @!p0 $0x1BF5;
	p2 =	por !p2, p0  }
0x20: {  	[sflag:s8] =	ssyncset.s32 @!p0 $0xFFFFF086;
	s6 =	sadd.s32 @!p0 s3, s7;
	s7 =	simm.s32 @!p0 $0x108  }
0x21: {  	s3 =	sadd.s32 s3, s9;
	s6 =	sadd.s32 @!p0 $0x88, s6;
	s7 =	simm.s32 @p2 $0x1082  }
0x22: {  	[simem:s7], [sflag:s8] =	dma.local @!p0 [hbm:s6], $0xF7A  }
0x23: {  	s9 =	sor.u32 $0xD0000000, s2;
	s6 =	simm.s32 $0x108;
	_ =	swait.ge @!p0 [sflag:s8], $0x0  }
0x24: {  	s3 =	sadd.s32 $0x88, s3;
	s6 =	simm.s32 @!p1 $0x1082;
	[sflag:s4] =	ssyncset.s32 $0xFFFFF086  }
0x25: {  	[simem:s6], [sflag:s4] =	dma.local [hbm:s3], $0xF7A  }
0x26: {  	[smem:$0x3F9F] =	sst s1;
	(tag) =	ssettag s2;
	_ =	strace s9  }
0x27: {  	s1 =	sld [smem:$0x3FAF]  }
0x28: {  	s2 =	sld [smem:$0x3FB0]  }
0x29: {  	s4 =	sld [smem:$0x3FB2]  }
0x2a: {  	p0 =	seq.s32 s5, $0x0;
	s5 =	sld [smem:$0x3FB3]  }
0x2b: {  	s6 =	sld [smem:$0x3FB4]  }
0x2c: {  	s7 =	sld [smem:$0x3FB5]  }
0x2d: {  	s3 =	simm.s32 $0x108;
	s8 =	sld [smem:$0x3FB6]  }
0x2e: {  	s3 =	simm.s32 @!p0 $0x1082;
	s9 =	sld [smem:$0x3FB7]  }
0x2f: {  	lr =	sadd.s32 s0, s3;
	s0 =	sld [smem:$0x3FAE]  }
0x30: {  	s3 =	sld [smem:$0x3FB1]  }
0x31: {  	[smem:$0x3FBA] =	sst s10  }
0x32: {  	s10 =	sld [smem:$0x3FB8];
	_ =	sdelay $0x3  }
0x33: {  	p0 =	seq.s32 s10, $0x1;
	s10 =	sld [smem:$0x3FBA];
	_ =	sdelay $0x3  }
0x34: {  	[smem:$0x3FBA] =	sst s10  }
0x35: {  	s10 =	sld [smem:$0x3FB9];
	_ =	sdelay $0x3  }
0x36: {  	p1 =	seq.s32 s10, $0x1;
	s10 =	sld [smem:$0x3FBA];
	_ =	sdelay $0x3  }
0x37: {  	[smem:$0x3FBA] =	sst s10  }
0x38: {  	s10 =	sld [smem:$0x3FBB]  }
0x39: {  	_ = 	snop;
	(pc) =	sbr.ind lr, $3  }
0x3a: {  	_ = 	snop  }
0x3b: {  	_ = 	snop  }
0x3c: {  	p2 =	seq.s32 s10, $0x1;
	s10 =	sld [smem:$0x3FBA]  }
0x3d: {  	_ =	shalt  }
0x3e: {  	_ =	shalt  }
0x3f: {  	_ =	shalt  }
0x40: {  	_ =	shalt  }
0x41: {  	_ =	shalt  }
0x42: {  	_ =	shalt  }
0x43: {  	_ =	shalt  }
0x44: {  	_ =	shalt  }
0x45: {  	_ =	shalt  }
0x46: {  	_ =	shalt  }
0x47: {  	_ =	shalt  }
0x48: {  	_ =	shalt  }
0x49: {  	_ =	shalt  }
0x4a: {  	_ =	shalt  }
0x4b: {  	_ =	shalt  }
0x4c: {  	_ =	shalt  }
0x4d: {  	_ =	shalt  }
0x4e: {  	_ =	shalt  }
0x4f: {  	_ =	shalt  }
0x50: {  	_ =	shalt  }
0x51: {  	_ =	shalt  }
0x52: {  	_ =	shalt  }
0x53: {  	_ =	shalt  }
0x54: {  	_ =	shalt  }
0x55: {  	_ =	shalt  }
0x56: {  	_ =	shalt  }
0x57: {  	_ =	shalt  }
0x58: {  	_ =	shalt  }
0x59: {  	_ =	shalt  }
0x5a: {  	_ =	shalt  }
0x5b: {  	_ =	shalt  }
0x5c: {  	_ =	shalt  }
0x5d: {  	_ =	shalt  }
0x5e: {  	_ =	shalt  }
0x5f: {  	_ =	shalt  }
0x60: {  	_ =	shalt  }
0x61: {  	_ =	shalt  }
0x62: {  	_ =	shalt  }
0x63: {  	_ =	shalt  }
0x64: {  	_ =	shalt  }
0x65: {  	_ =	shalt  }
0x66: {  	_ =	shalt  }
0x67: {  	_ =	shalt  }
0x68: {  	_ =	shalt  }
0x69: {  	_ =	shalt  }
0x6a: {  	_ =	shalt  }
0x6b: {  	_ =	shalt  }
0x6c: {  	_ =	shalt  }
0x6d: {  	_ =	shalt  }
0x6e: {  	_ =	shalt  }
0x6f: {  	_ =	shalt  }
0x70: {  	_ =	shalt  }
0x71: {  	_ =	shalt  }
0x72: {  	_ =	shalt  }
0x73: {  	_ =	shalt  }
0x74: {  	_ =	shalt  }
0x75: {  	_ =	shalt  }
0x76: {  	_ =	shalt  }
0x77: {  	_ =	shalt  }
0x78: {  	_ =	shalt  }
0x79: {  	_ =	shalt  }
0x7a: {  	_ =	shalt  }
0x7b: {  	_ =	shalt  }
0x7c: {  	_ =	shalt  }
0x7d: {  	_ =	shalt  }
0x7e: {  	_ =	shalt  }
0x7f: {  	_ =	shalt  }
0x80: {  	_ =	shalt  }
0x81: {  	_ =	shalt  }
0x82: {  	_ =	shalt  }
0x83: {  	_ =	shalt  }
0x84: {  	_ =	shalt  }
0x85: {  	_ =	shalt  }
0x86: {  	_ =	shalt  }
0x87: {  	_ =	shalt  }
.Lfunc_end0:
.L_simem_size_0:
called_computation.14_lowered:
.L_overlay_start_0:
0x88: {  	s2 =	sld [smem:$0x3FD9]  }
0x89: {  	s3 =	sld [smem:$0x3FFE];
	_ =	sdelay $0x1  }
0x8a: {  	s1 =	srdreg.scid  }
0x8b: {  	s0 =	sand.u32 $0x1, s1  }
0x8c: {  	s14 =	sshll.u32 s0, $0xA;
	s2 =	sadd.s32 s3, s2  }
0x8d: {  	s2 =	sadd.s32 s2, s14  }
0x8e: {  	[smem:$0x3FC6] =	sst s2  }
0x8f: {  	_ = 	snop  }
0x90: {  	s2 =	sld [smem:$0x3FD0];
	_ =	sdelay $0x2  }
0x91: {  	s4 =	simm.s32 $0xA;
	s5 =	simm.s32 $0x10;
	s15 =	sld [smem:$0x3FC8]  }
0x92: {  	[smem:s5], [sflag:s4] =	dma.local [hbm:s2], $0x1  }
0x93: {  	_ =	swait.eq [sflag:s4], $0x1  }
0x94: {  	[sflag:s4] =	ssyncset.done $0x0  }
0x95: {  	[sflag:s4] =	ssyncadd.s32 $0xFFFFFFFF  }
0x96: {  	s16 =	sld [smem:$0x11];
	(tm) =	ssettm $0x1  }
0x97: {  	s17 =	sld [smem:$0x3FFB];
	_ =	sdelay $0x3  }
0x98: {  	_ =	strace s17  }
0x99: {  	s4 =	sld [smem:$0x3FFC];
	_ =	sdelay $0x3  }
0x9a: {  	_ =	strace s4  }
0x9b: {  	s4 =	sld [smem:$0x3FFD];
	_ =	sdelay $0x3  }
0x9c: {  	_ =	strace s4  }
0x9d: {  	_ =	strace $0x8FFFFFFF  }
0x9e: {  	s18 =	sld [smem:$0x3FDB];
	_ =	sdelay $0x1  }
0x9f: {  	s19 =	simm.s32 $_scs_section_size  }
0xa0: {  	s6 =	simm.s32 $_size__tile_overlayer_lowered;
	s7 =	simm.s32 $_tile_overlayer_lowered  }
0xa1: {  	s22 =	simm.s32 $0x1BFF;
	s21 =	sshll.u32 s7, $0x1;
	s4 =	sadd.s32 s19, s18  }
0xa2: {  	s8 =	simm.s32 $0x0;
	s20 =	sshll.u32 s6, $0x1;
	s6 =	sadd.s32 s21, s4  }
0xa3: {  	[timem:s8], [sflag:s22] =	dma.local [hbm:s6], s20  }
0xa4: {  	_ =	swait.ge [sflag:s22], s20  }
0xa5: {  	s5 =	ssub.s32 $0x0, s20;
	[sflag:s22] =	ssyncset.done $0x0  }
0xa6: {  	[sflag:s22] =	ssyncadd.s32 s5;
	_ =	sdelay $0x1  }
0xa7: {  	s23 =	simm.s32 $0x1B8B  }
0xa8: {  	_ =	swait.ge [sflag:s23], $0x1  }
0xa9: {  	[sflag:s23] =	ssyncset.done $0x0  }
0xaa: {  	s25 =	simm.s32 $0x1B8E;
	s24 =	sld [smem:$0x3FFE];
	[sflag:s23] =	ssyncadd.s32 $0xFFFFFFFF  }
0xab: {  	s26 =	simm.s32 $execute0_lowered;
	[smem:$0x3FD2] =	sst s25  }
0xac: {  	s6 =	sshll.u32 s26, $0x1;
	_ =	strace $0x80000070;
	[dreg:$0x1] =	wrdreg $0xFFFFFFFF  }
0xad: {  	s28 =	simm.s32 $_size_execute0_lowered;
	s4 =	sadd.s32 s4, s6;
	[dreg:$0x0] =	wrdreg $0x0  }
0xae: {  	s6 =	sshll.u32 s28, $0x1;
	[dreg:$0x2] =	wrdreg s4  }
0xaf: {  	[dreg:$0x3] =	wrdreg s6  }
0xb0: {  	[dreg:$0x4] =	wrdreg $0xC0  }
0xb1: {  	_ =	task [dreg:s8], $0x5FFFF  }
0xb2: {  	[dreg:$0x1] =	wrdreg $0xFFFFFFFF  }
0xb3: {  	[dreg:$0x0] =	wrdreg $0x60  }
0xb4: {  	[dreg:$0x2] =	wrdreg s15  }
0xb5: {  	[dreg:$0x3] =	wrdreg s24  }
0xb6: {  	[dreg:$0x4] =	wrdreg s16  }
0xb7: {  	[dreg:$0x5] =	wrdreg $0x9  }
0xb8: {  	_ =	task.clear_ibuf [dreg:s8], $0x6FFFF;
	_ =	strace $0x90000070  }
0xb9: {  	s29 =	simm.s32 $0x9;
	_ =	strace $0x80000072  }
0xba: {  	_ =	swait.ge [sflag:s29], $0x1  }
0xbb: {  	[sflag:s29] =	ssyncadd.s32 $0xFFFFFFFF  }
0xbc: {  	_ =	strace $0x90000072  }
0xbd: {  	_ =	sfence  }
0xbe: {  	s30 =	sld [smem:$0x0];
	_ =	sdelay $0x2  }
0xbf: {  	s31 =	sshll.u32 s1, $0xD;
	s1 =	sshrl.u32 s1, $0x2  }
0xc0: {  	s3 =	sand.u32 $0x4000, s31;
	s1 =	sadd.s32 s1, s30  }
0xc1: {  	s0 =	sor.u32 s3, s0;
	s1 =	sshll.u32 s1, $0x11  }
0xc2: {  	s0 =	sor.u32 s1, s0  }
0xc3: {  	s0 =	sadd.s32 $0x8F2B, s0  }
0xc4: {  	[sflag:s0] =	ssyncadd.remote.s32 $0x1  }
0xc5: {  	_ =	sfence.sel $0xFFFF  }
0xc6: {  	[dreg:$0x0] =	wrdreg $0xFFFFFFFF;
	(pc) =	sbr.abs _section_cstart, $3  }
0xc7: {  	[dreg:$0x1] =	wrdreg $0xFFFFFFFF  }
0xc8: {  	_ =	task.clear_ibuf [dreg:s8], $0x2FFFF;
	_ =	strace $0x9FFFFFFF  }
0xc9: {  	(tm) =	ssettm $0x7FFFFFFF  }
tec
execute0_lowered:
.L_overlay_start_1:
0x0: {  	(tag) =	ssettag $0x1  }
0x1: {  	s1 =	rddreg [dreg:$0x0]  }
0x2: {  	s4 =	rddreg [dreg:$0x1]  }
0x3: {  	s5 =	rddreg [dreg:$0x2];
	s3 =	srdreg.scid  }
0x4: {  	s0 =	rddreg [dreg:$0x3];
	s2 =	stileid.u32;
	s10 =	simm.s32 $0x1080  }
0x5: {  	s11 =	simm.s32 $0x1880;
	s12 =	simm.s32 $0x1;
	s6 =	sand.u32 $0x1, s3  }
0x6: {  	s3 =	simm.s32 $0x0;
	s7 =	sshll.u32 s2, $0x6;
	s8 =	sshll.u32 s6, $0x5  }
0x7: {  	[smem:$0x7FF] =	sst s3;
	s6 =	ssub.s32 $0x2, s6;
	s7 =	sor.u32 s8, s7  }
0x8: {  	_ =	strace $0x80000071;
	s9 =	sshrl.u32 s6, $0x1;
	s8 =	sshrl.u32 s7, $0x3  }
0x9: {  	v2 =	vlaneseq.u32;
	s6 =	ssub.s32 s6, s9;
	s7 =	sshll.u32 s7, $0x5;
	s9 =	simm.s32 $0x880  }
0xa: {  	vm0 =	vmmov $0xffff;
	v1 =	vshrl.u32 v2, $0x3;
	s4 =	sadd.s32 s8, s4;
	s5 =	sadd.s32 s5, s7;
	s6 =	smax.u32 s6, $0x1  }
0xb: {  	v0 =	vand.u32 $0x7, v2;
	v2 =	vor.u32 $0x8, v2;
	v1 =	vmul.u32 $0x8, v1;
	s7 =	simm.s32 $0x2;
	s8 =	simm.s32 $0x80;
	s4 =	sadd.s32 $0xC800, s4  }
.LBB2_1:
0xc: {  	[tilespmem:s3], [sflag:$0x2] =	stream.linear.gather [hbm4b:s4+s3], $0x20, $0x38;
	[tilespmem:$0x2080] =	vst v63  }
0xd: {  	_ =	swait.ge [sflag:s7], $0x20  }
0xe: {  	[sflag:s7] =	ssyncset.done $0x0  }
0xf: {  	[sflag:s7] =	ssyncadd.s32 $0xFFFFFFE0  }
0x10: {  	v3 =	vld [tilespmem:$0x0];
	_ =	sdelay $0x4  }
0x11: {  	v4 =	vshll.u32 v3, $0x1  }
0x12: {  	v3 =	vand.u32 $0x7, v3;
	v4 =	vand.u32 $0xFFFFFFF0, v4  }
0x13: {  	v3 =	vor.u32 v3, v4  }
0x14: {  	v4 =	vperm.xlane v3, v0;
	_ =	sdelay $0x1  }
0x15: {  	v3 =	vperm.xlane v3, v2;
	v4 =	vadd.s32 v1, v4;
	_ =	sdelay $0x1  }
0x16: {  	v3 =	vadd.s32 v1, v3;
	_ =	sdelay $0x2  }
0x17: {  	[tilespmem:s8], [sflag:$0x1] =	stream.indirect_vreg.gather [hbm4b:s1+s3], $0x80, v4, vm0, $0xb8;
	[tilespmem:$0x2080] =	vst v63  }
0x18: {  	_ = 	snop  }
0x19: {  	[tilespmem:s9], [sflag:$0x1] =	stream.indirect_vreg.gather [hbm4b:s1+s3], $0x80, v3, vm0, $0xb8;
	[tilespmem:$0x2080] =	vst v63  }
0x1a: {  	v3 =	vld [tilespmem:$0x10];
	_ =	sdelay $0x4  }
0x1b: {  	v63 =	vshll.u32 v3, $0x1  }
0x1c: {  	v3 =	vand.u32 $0x7, v3;
	v4 =	vand.u32 $0xFFFFFFF0, v63  }
0x1d: {  	v3 =	vor.u32 v3, v4  }
0x1e: {  	v4 =	vperm.xlane v3, v0;
	_ =	sdelay $0x1  }
0x1f: {  	v3 =	vperm.xlane v3, v2;
	v4 =	vadd.s32 v1, v4;
	_ =	sdelay $0x1  }
0x20: {  	v3 =	vadd.s32 v1, v3;
	_ =	sdelay $0x2  }
0x21: {  	[tilespmem:s10], [sflag:$0x1] =	stream.indirect_vreg.gather [hbm4b:s1+s3], $0x80, v4, vm0, $0xb8;
	[tilespmem:$0x2080] =	vst v63  }
0x22: {  	_ = 	snop  }
0x23: {  	[tilespmem:s11], [sflag:$0x1] =	stream.indirect_vreg.gather [hbm4b:s1+s3], $0x80, v3, vm0, $0xb8;
	[tilespmem:$0x2080] =	vst v63  }
0x24: {  	_ =	swait.ge [sflag:s12], $0x2000  }
0x25: {  	p0 =	sne.s32 s6, $0x1;
	[sflag:s12] =	ssyncset.done $0x0  }
.Ltmp0:
0x26: {  	[sflag:s12] =	ssyncadd.s32 $0xFFFFE000;
	(pc) =	sbr.rel @p0 .LBB2_1-.Ltmp0, $4  }
0x27: {  	[hbm4b:s5+s3] =	stream.linear.scatter [tilespmem:s8], [sflag:$0x2], $0x2000, $0x38;
	[tilespmem:$0x2080] =	vst v63  }
0x28: {  	_ =	swait.ge [sflag:s7], $0x2000  }
0x29: {  	[sflag:s7] =	ssyncset.done $0x0  }
0x2a: {  	s6 =	sadd.s32 $0xFFFFFFFF, s6;
	[sflag:s7] =	ssyncadd.s32 $0xFFFFE000  }
0x2b: {  	_ =	sfence.sel $0x180000  }
0x2c: {  	[bflag:$0x0] =	sbarrier.arrive $0xFFFF  }
0x2d: {  	p0 =	sne.s32 s2, $0x0;
	_ =	strace $0x90000071  }
0x2e: {  	s0 =	sadd.s32 @!p0 $0x100000, s0;
	[bflag:$0x2] =	sbarrier.arrive $0xFFFF  }
0x2f: {  	[sflag:s0] =	ssyncadd.tile.s32 @!p0 $0x1;
	_ =	shalt  }
.Lfunc_end2:
_tile_overlayer_lowered:
.L_overlay_start_2:
0x30: {  	(tag) =	ssettag $0x2  }
0x31: {  	s0 =	rddreg [dreg:$0x0];
	s2 =	stileid.u32  }
0x32: {  	s1 =	rddreg [dreg:$0x1];
	p0 =	sne.s32 s2, $0x0  }
0x33: {  	s3 =	rddreg [dreg:$0x2];
	[bflag:$0x3] =	sbarrier.arrive $0xFFFF;
	s2 =	simm.s32 @!p0 $0x1C02  }
0x34: {  	[timem:s3], [sflag:s2] =	dma.local @!p0 [hbm:s0], s1  }
0x35: {  	s0 =	simm.s32 @!p0 $0x2  }
0x36: {  	_ =	swait.ge @!p0 [sflag:s0], s1  }
0x37: {  	s1 =	ssub.s32 @!p0 $0x0, s1;
	[sflag:s0] =	ssyncset.done @!p0 $0x0  }
0x38: {  	[sflag:s0] =	ssyncadd.s32 @!p0 s1  }
0x39: {  	[bflag:$0x3] =	sbarrier.arrive $0xFFFF  }
0x3a: {  	_ =	shalt  }

// kernel: kernel.80.cloned.1.call-start
scs
__scs_entry_jumppad:
0x0: {  	(pc) =	sbr.rel $0x88, $3  }
0x1: {  	(tag) =	ssettag $0x0;
	lr =	simm.s32 $0x1  }
0x2: {  	[smem:$0x3F9F] =	sst lr;
	_ =	strace $0xD0000000  }
0x3: {  	_ = 	snop  }
0x4: {  	_ = 	snop  }
0x5: {  	_ = 	snop  }
0x6: {  	_ = 	snop  }
0x7: {  	_ = 	snop  }
__scs_overlays_trampoline_lowered:
0x8: {  	[smem:$0x3FAE] =	sst s0  }
0x9: {  	[smem:$0x3FAF] =	sst s1  }
0xa: {  	[smem:$0x3FB0] =	sst s2  }
0xb: {  	[smem:$0x3FB1] =	sst s3  }
0xc: {  	[smem:$0x3FB2] =	sst s4  }
0xd: {  	[smem:$0x3FB3] =	sst s5  }
0xe: {  	[smem:$0x3FB4] =	sst s6  }
0xf: {  	[smem:$0x3FB5] =	sst s7  }
0x10: {  	[smem:$0x3FB6] =	sst s8  }
0x11: {  	[smem:$0x3FB7] =	sst s9;
	s0 =	simm.s32 @!p0 $0x0  }
0x12: {  	s1 =	sld [smem:$0x3F9D];
	s0 =	simm.s32 @p0 $0x1  }
0x13: {  	[smem:$0x3FB8] =	sst s0;
	s0 =	simm.s32 @!p1 $0x0  }
0x14: {  	s2 =	sld [smem:$0x3F9C];
	s0 =	simm.s32 @p1 $0x1  }
0x15: {  	[smem:$0x3FB9] =	sst s0;
	s0 =	simm.s32 @!p2 $0x0  }
0x16: {  	s3 =	sld [smem:$0x3FDB];
	s0 =	simm.s32 @p2 $0x1  }
0x17: {  	s4 =	simm.s32 $0x1BF5;
	[smem:$0x3FBB] =	sst s0  }
0x18: {  	s0 =	sld [smem:$0x3F9E];
	_ =	swait.ge [sflag:s4], $0x0  }
0x19: {  	s7 =	sld [smem:$0x3F9F]  }
0x1a: {  	s8 =	sadd.s32 $0xFFFFE003, lr  }
0x1b: {  	s9 =	sadd.s32 $0xFFFFFEF7, lr;
	s5 =	simm.s32 $0xFFFFFFFF;
	p2 =	slt.u32 s8, $0xFFFFF086  }
0x1c: {  	p1 =	slt.u32 s9, $0xF7A;
	s5 =	simm.s32 @!p2 $0x0  }
0x1d: {  	s5 =	simm.s32 @p1 $0x1;
	p0 =	seq.s32 s7, s2  }
0x1e: {  	s7 =	smul.u32 @!p0 $0xF7A, s2;
	p2 =	seq.s32 @!p0 s5, $0x0  }
0x1f: {  	s9 =	smul.u32 $0xF7A, s1;
	s8 =	simm.s32 @!p0 $0x1BF5;
	p2 =	por !p2, p0  }
0x20: {  	[sflag:s8] =	ssyncset.s32 @!p0 $0xFFFFF086;
	s6 =	sadd.s32 @!p0 s3, s7;
	s7 =	simm.s32 @!p0 $0x108  }
0x21: {  	s3 =	sadd.s32 s3, s9;
	s6 =	sadd.s32 @!p0 $0x88, s6;
	s7 =	simm.s32 @p2 $0x1082  }
0x22: {  	[simem:s7], [sflag:s8] =	dma.local @!p0 [hbm:s6], $0xF7A  }
0x23: {  	s9 =	sor.u32 $0xD0000000, s2;
	s6 =	simm.s32 $0x108;
	_ =	swait.ge @!p0 [sflag:s8], $0x0  }
0x24: {  	s3 =	sadd.s32 $0x88, s3;
	s6 =	simm.s32 @!p1 $0x1082;
	[sflag:s4] =	ssyncset.s32 $0xFFFFF086  }
0x25: {  	[simem:s6], [sflag:s4] =	dma.local [hbm:s3], $0xF7A  }
0x26: {  	[smem:$0x3F9F] =	sst s1;
	(tag) =	ssettag s2;
	_ =	strace s9  }
0x27: {  	s1 =	sld [smem:$0x3FAF]  }
0x28: {  	s2 =	sld [smem:$0x3FB0]  }
0x29: {  	s4 =	sld [smem:$0x3FB2]  }
0x2a: {  	p0 =	seq.s32 s5, $0x0;
	s5 =	sld [smem:$0x3FB3]  }
0x2b: {  	s6 =	sld [smem:$0x3FB4]  }
0x2c: {  	s7 =	sld [smem:$0x3FB5]  }
0x2d: {  	s3 =	simm.s32 $0x108;
	s8 =	sld [smem:$0x3FB6]  }
0x2e: {  	s3 =	simm.s32 @!p0 $0x1082;
	s9 =	sld [smem:$0x3FB7]  }
0x2f: {  	lr =	sadd.s32 s0, s3;
	s0 =	sld [smem:$0x3FAE]  }
0x30: {  	s3 =	sld [smem:$0x3FB1]  }
0x31: {  	[smem:$0x3FBA] =	sst s10  }
0x32: {  	s10 =	sld [smem:$0x3FB8];
	_ =	sdelay $0x3  }
0x33: {  	p0 =	seq.s32 s10, $0x1;
	s10 =	sld [smem:$0x3FBA];
	_ =	sdelay $0x3  }
0x34: {  	[smem:$0x3FBA] =	sst s10  }
0x35: {  	s10 =	sld [smem:$0x3FB9];
	_ =	sdelay $0x3  }
0x36: {  	p1 =	seq.s32 s10, $0x1;
	s10 =	sld [smem:$0x3FBA];
	_ =	sdelay $0x3  }
0x37: {  	[smem:$0x3FBA] =	sst s10  }
0x38: {  	s10 =	sld [smem:$0x3FBB]  }
0x39: {  	_ = 	snop;
	(pc) =	sbr.ind lr, $3  }
0x3a: {  	_ = 	snop  }
0x3b: {  	_ = 	snop  }
0x3c: {  	p2 =	seq.s32 s10, $0x1;
	s10 =	sld [smem:$0x3FBA]  }
0x3d: {  	_ =	shalt  }
0x3e: {  	_ =	shalt  }
0x3f: {  	_ =	shalt  }
0x40: {  	_ =	shalt  }
0x41: {  	_ =	shalt  }
0x42: {  	_ =	shalt  }
0x43: {  	_ =	shalt  }
0x44: {  	_ =	shalt  }
0x45: {  	_ =	shalt  }
0x46: {  	_ =	shalt  }
0x47: {  	_ =	shalt  }
0x48: {  	_ =	shalt  }
0x49: {  	_ =	shalt  }
0x4a: {  	_ =	shalt  }
0x4b: {  	_ =	shalt  }
0x4c: {  	_ =	shalt  }
0x4d: {  	_ =	shalt  }
0x4e: {  	_ =	shalt  }
0x4f: {  	_ =	shalt  }
0x50: {  	_ =	shalt  }
0x51: {  	_ =	shalt  }
0x52: {  	_ =	shalt  }
0x53: {  	_ =	shalt  }
0x54: {  	_ =	shalt  }
0x55: {  	_ =	shalt  }
0x56: {  	_ =	shalt  }
0x57: {  	_ =	shalt  }
0x58: {  	_ =	shalt  }
0x59: {  	_ =	shalt  }
0x5a: {  	_ =	shalt  }
0x5b: {  	_ =	shalt  }
0x5c: {  	_ =	shalt  }
0x5d: {  	_ =	shalt  }
0x5e: {  	_ =	shalt  }
0x5f: {  	_ =	shalt  }
0x60: {  	_ =	shalt  }
0x61: {  	_ =	shalt  }
0x62: {  	_ =	shalt  }
0x63: {  	_ =	shalt  }
0x64: {  	_ =	shalt  }
0x65: {  	_ =	shalt  }
0x66: {  	_ =	shalt  }
0x67: {  	_ =	shalt  }
0x68: {  	_ =	shalt  }
0x69: {  	_ =	shalt  }
0x6a: {  	_ =	shalt  }
0x6b: {  	_ =	shalt  }
0x6c: {  	_ =	shalt  }
0x6d: {  	_ =	shalt  }
0x6e: {  	_ =	shalt  }
0x6f: {  	_ =	shalt  }
0x70: {  	_ =	shalt  }
0x71: {  	_ =	shalt  }
0x72: {  	_ =	shalt  }
0x73: {  	_ =	shalt  }
0x74: {  	_ =	shalt  }
0x75: {  	_ =	shalt  }
0x76: {  	_ =	shalt  }
0x77: {  	_ =	shalt  }
0x78: {  	_ =	shalt  }
0x79: {  	_ =	shalt  }
0x7a: {  	_ =	shalt  }
0x7b: {  	_ =	shalt  }
0x7c: {  	_ =	shalt  }
0x7d: {  	_ =	shalt  }
0x7e: {  	_ =	shalt  }
0x7f: {  	_ =	shalt  }
0x80: {  	_ =	shalt  }
0x81: {  	_ =	shalt  }
0x82: {  	_ =	shalt  }
0x83: {  	_ =	shalt  }
0x84: {  	_ =	shalt  }
0x85: {  	_ =	shalt  }
0x86: {  	_ =	shalt  }
0x87: {  	_ =	shalt  }
.Lfunc_end0:
.L_simem_size_0:
called_computation.15_lowered:
.L_overlay_start_0:
0x88: {  	s2 =	sld [smem:$0x3FD9]  }
0x89: {  	s3 =	sld [smem:$0x3FFE];
	_ =	sdelay $0x1  }
0x8a: {  	s1 =	srdreg.scid  }
0x8b: {  	s0 =	sand.u32 $0x1, s1  }
0x8c: {  	s14 =	sshll.u32 s0, $0xA;
	s2 =	sadd.s32 s3, s2  }
0x8d: {  	s2 =	sadd.s32 s2, s14  }
0x8e: {  	[smem:$0x3FC6] =	sst s2  }
0x8f: {  	_ = 	snop  }
0x90: {  	s2 =	sld [smem:$0x3FD0];
	_ =	sdelay $0x2  }
0x91: {  	s4 =	simm.s32 $0xA;
	s5 =	simm.s32 $0x10;
	s15 =	sld [smem:$0x3FC8]  }
0x92: {  	[smem:s5], [sflag:s4] =	dma.local [hbm:s2], $0x1  }
0x93: {  	_ =	swait.eq [sflag:s4], $0x1  }
0x94: {  	[sflag:s4] =	ssyncset.done $0x0  }
0x95: {  	[sflag:s4] =	ssyncadd.s32 $0xFFFFFFFF  }
0x96: {  	s16 =	sld [smem:$0x11];
	(tm) =	ssettm $0x1  }
0x97: {  	s17 =	sld [smem:$0x3FFB];
	_ =	sdelay $0x3  }
0x98: {  	_ =	strace s17  }
0x99: {  	s4 =	sld [smem:$0x3FFC];
	_ =	sdelay $0x3  }
0x9a: {  	_ =	strace s4  }
0x9b: {  	s4 =	sld [smem:$0x3FFD];
	_ =	sdelay $0x3  }
0x9c: {  	_ =	strace s4  }
0x9d: {  	_ =	strace $0x8FFFFFFF  }
0x9e: {  	s18 =	sld [smem:$0x3FDB];
	_ =	sdelay $0x1  }
0x9f: {  	s19 =	simm.s32 $_scs_section_size  }
0xa0: {  	s6 =	simm.s32 $_size__tile_overlayer_lowered;
	s7 =	simm.s32 $_tile_overlayer_lowered  }
0xa1: {  	s22 =	simm.s32 $0x1BFF;
	s21 =	sshll.u32 s7, $0x1;
	s4 =	sadd.s32 s19, s18  }
0xa2: {  	s8 =	simm.s32 $0x0;
	s20 =	sshll.u32 s6, $0x1;
	s6 =	sadd.s32 s21, s4  }
0xa3: {  	[timem:s8], [sflag:s22] =	dma.local [hbm:s6], s20  }
0xa4: {  	_ =	swait.ge [sflag:s22], s20  }
0xa5: {  	s5 =	ssub.s32 $0x0, s20;
	[sflag:s22] =	ssyncset.done $0x0  }
0xa6: {  	[sflag:s22] =	ssyncadd.s32 s5;
	_ =	sdelay $0x1  }
0xa7: {  	s23 =	simm.s32 $0x1B8B  }
0xa8: {  	_ =	swait.ge [sflag:s23], $0x1  }
0xa9: {  	[sflag:s23] =	ssyncset.done $0x0  }
0xaa: {  	s25 =	simm.s32 $0x1B8E;
	s24 =	sld [smem:$0x3FFE];
	[sflag:s23] =	ssyncadd.s32 $0xFFFFFFFF  }
0xab: {  	s26 =	simm.s32 $execute0_lowered;
	[smem:$0x3FD2] =	sst s25  }
0xac: {  	s6 =	sshll.u32 s26, $0x1;
	_ =	strace $0x80000073;
	[dreg:$0x1] =	wrdreg $0xFFFFFFFF  }
0xad: {  	s28 =	simm.s32 $_size_execute0_lowered;
	s4 =	sadd.s32 s4, s6;
	[dreg:$0x0] =	wrdreg $0x0  }
0xae: {  	s6 =	sshll.u32 s28, $0x1;
	[dreg:$0x2] =	wrdreg s4  }
0xaf: {  	[dreg:$0x3] =	wrdreg s6  }
0xb0: {  	[dreg:$0x4] =	wrdreg $0xC0  }
0xb1: {  	_ =	task [dreg:s8], $0x5FFFF  }
0xb2: {  	[dreg:$0x1] =	wrdreg $0xFFFFFFFF  }
0xb3: {  	[dreg:$0x0] =	wrdreg $0x60  }
0xb4: {  	[dreg:$0x2] =	wrdreg s15  }
0xb5: {  	[dreg:$0x3] =	wrdreg s24  }
0xb6: {  	[dreg:$0x4] =	wrdreg s16  }
0xb7: {  	[dreg:$0x5] =	wrdreg $0x9  }
0xb8: {  	_ =	task.clear_ibuf [dreg:s8], $0x6FFFF;
	_ =	strace $0x90000073  }
0xb9: {  	s29 =	simm.s32 $0x9;
	_ =	strace $0x80000075  }
0xba: {  	_ =	swait.ge [sflag:s29], $0x1  }
0xbb: {  	[sflag:s29] =	ssyncadd.s32 $0xFFFFFFFF  }
0xbc: {  	_ =	strace $0x90000075  }
0xbd: {  	_ =	sfence  }
0xbe: {  	s30 =	sld [smem:$0x0];
	_ =	sdelay $0x2  }
0xbf: {  	s31 =	sshll.u32 s1, $0xD;
	s1 =	sshrl.u32 s1, $0x2  }
0xc0: {  	s3 =	sand.u32 $0x4000, s31;
	s1 =	sadd.s32 s1, s30  }
0xc1: {  	s0 =	sor.u32 s3, s0;
	s1 =	sshll.u32 s1, $0x11  }
0xc2: {  	s0 =	sor.u32 s1, s0  }
0xc3: {  	s0 =	sadd.s32 $0x8F2B, s0  }
0xc4: {  	[sflag:s0] =	ssyncadd.remote.s32 $0x1  }
0xc5: {  	_ =	sfence.sel $0xFFFF  }
0xc6: {  	[dreg:$0x0] =	wrdreg $0xFFFFFFFF;
	(pc) =	sbr.abs _section_cstart, $3  }
0xc7: {  	[dreg:$0x1] =	wrdreg $0xFFFFFFFF  }
0xc8: {  	_ =	task.clear_ibuf [dreg:s8], $0x2FFFF;
	_ =	strace $0x9FFFFFFF  }
0xc9: {  	(tm) =	ssettm $0x7FFFFFFF  }
tec
execute0_lowered:
.L_overlay_start_1:
0x0: {  	(tag) =	ssettag $0x1  }
0x1: {  	s1 =	rddreg [dreg:$0x0]  }
0x2: {  	s4 =	rddreg [dreg:$0x1]  }
0x3: {  	s5 =	rddreg [dreg:$0x2];
	s3 =	srdreg.scid  }
0x4: {  	s0 =	rddreg [dreg:$0x3];
	s2 =	stileid.u32;
	s10 =	simm.s32 $0x1080  }
0x5: {  	s11 =	simm.s32 $0x1880;
	s12 =	simm.s32 $0x1;
	s6 =	sand.u32 $0x1, s3  }
0x6: {  	s3 =	simm.s32 $0x0;
	s7 =	sshll.u32 s2, $0x6;
	s8 =	sshll.u32 s6, $0x5  }
0x7: {  	[smem:$0x7FF] =	sst s3;
	s6 =	ssub.s32 $0x2, s6;
	s7 =	sor.u32 s8, s7  }
0x8: {  	_ =	strace $0x80000074;
	s9 =	sshrl.u32 s6, $0x1;
	s8 =	sshrl.u32 s7, $0x3  }
0x9: {  	v2 =	vlaneseq.u32;
	s6 =	ssub.s32 s6, s9;
	s7 =	sshll.u32 s7, $0x5;
	s9 =	simm.s32 $0x880  }
0xa: {  	vm0 =	vmmov $0xffff;
	v1 =	vshrl.u32 v2, $0x3;
	s4 =	sadd.s32 s8, s4;
	s5 =	sadd.s32 s5, s7;
	s6 =	smax.u32 s6, $0x1  }
0xb: {  	v0 =	vand.u32 $0x7, v2;
	v2 =	vor.u32 $0x8, v2;
	v1 =	vmul.u32 $0x8, v1;
	s7 =	simm.s32 $0x2;
	s8 =	simm.s32 $0x80;
	s4 =	sadd.s32 $0xC800, s4  }
.LBB2_1:
0xc: {  	[tilespmem:s3], [sflag:$0x2] =	stream.linear.gather [hbm4b:s4+s3], $0x20, $0x38;
	[tilespmem:$0x2080] =	vst v63  }
0xd: {  	_ =	swait.ge [sflag:s7], $0x20  }
0xe: {  	[sflag:s7] =	ssyncset.done $0x0  }
0xf: {  	[sflag:s7] =	ssyncadd.s32 $0xFFFFFFE0  }
0x10: {  	v3 =	vld [tilespmem:$0x0];
	_ =	sdelay $0x4  }
0x11: {  	v4 =	vshll.u32 v3, $0x1  }
0x12: {  	v3 =	vand.u32 $0x7, v3;
	v4 =	vand.u32 $0xFFFFFFF0, v4  }
0x13: {  	v3 =	vor.u32 v3, v4  }
0x14: {  	v4 =	vperm.xlane v3, v0;
	_ =	sdelay $0x1  }
0x15: {  	v3 =	vperm.xlane v3, v2;
	v4 =	vadd.s32 v1, v4;
	_ =	sdelay $0x1  }
0x16: {  	v3 =	vadd.s32 v1, v3;
	_ =	sdelay $0x2  }
0x17: {  	[tilespmem:s8], [sflag:$0x1] =	stream.indirect_vreg.gather [hbm4b:s1+s3], $0x80, v4, vm0, $0xb8;
	[tilespmem:$0x2080] =	vst v63  }
0x18: {  	_ = 	snop  }
0x19: {  	[tilespmem:s9], [sflag:$0x1] =	stream.indirect_vreg.gather [hbm4b:s1+s3], $0x80, v3, vm0, $0xb8;
	[tilespmem:$0x2080] =	vst v63  }
0x1a: {  	v3 =	vld [tilespmem:$0x10];
	_ =	sdelay $0x4  }
0x1b: {  	v63 =	vshll.u32 v3, $0x1  }
0x1c: {  	v3 =	vand.u32 $0x7, v3;
	v4 =	vand.u32 $0xFFFFFFF0, v63  }
0x1d: {  	v3 =	vor.u32 v3, v4  }
0x1e: {  	v4 =	vperm.xlane v3, v0;
	_ =	sdelay $0x1  }
0x1f: {  	v3 =	vperm.xlane v3, v2;
	v4 =	vadd.s32 v1, v4;
	_ =	sdelay $0x1  }
0x20: {  	v3 =	vadd.s32 v1, v3;
	_ =	sdelay $0x2  }
0x21: {  	[tilespmem:s10], [sflag:$0x1] =	stream.indirect_vreg.gather [hbm4b:s1+s3], $0x80, v4, vm0, $0xb8;
	[tilespmem:$0x2080] =	vst v63  }
0x22: {  	_ = 	snop  }
0x23: {  	[tilespmem:s11], [sflag:$0x1] =	stream.indirect_vreg.gather [hbm4b:s1+s3], $0x80, v3, vm0, $0xb8;
	[tilespmem:$0x2080] =	vst v63  }
0x24: {  	_ =	swait.ge [sflag:s12], $0x2000  }
0x25: {  	p0 =	sne.s32 s6, $0x1;
	[sflag:s12] =	ssyncset.done $0x0  }
.Ltmp0:
0x26: {  	[sflag:s12] =	ssyncadd.s32 $0xFFFFE000;
	(pc) =	sbr.rel @p0 .LBB2_1-.Ltmp0, $4  }
0x27: {  	[hbm4b:s5+s3] =	stream.linear.scatter [tilespmem:s8], [sflag:$0x2], $0x2000, $0x38;
	[tilespmem:$0x2080] =	vst v63  }
0x28: {  	_ =	swait.ge [sflag:s7], $0x2000  }
0x29: {  	[sflag:s7] =	ssyncset.done $0x0  }
0x2a: {  	s6 =	sadd.s32 $0xFFFFFFFF, s6;
	[sflag:s7] =	ssyncadd.s32 $0xFFFFE000  }
0x2b: {  	_ =	sfence.sel $0x180000  }
0x2c: {  	[bflag:$0x0] =	sbarrier.arrive $0xFFFF  }
0x2d: {  	p0 =	sne.s32 s2, $0x0;
	_ =	strace $0x90000074  }
0x2e: {  	s0 =	sadd.s32 @!p0 $0x100000, s0;
	[bflag:$0x2] =	sbarrier.arrive $0xFFFF  }
0x2f: {  	[sflag:s0] =	ssyncadd.tile.s32 @!p0 $0x1;
	_ =	shalt  }
.Lfunc_end2:
_tile_overlayer_lowered:
.L_overlay_start_2:
0x30: {  	(tag) =	ssettag $0x2  }
0x31: {  	s0 =	rddreg [dreg:$0x0];
	s2 =	stileid.u32  }
0x32: {  	s1 =	rddreg [dreg:$0x1];
	p0 =	sne.s32 s2, $0x0  }
0x33: {  	s3 =	rddreg [dreg:$0x2];
	[bflag:$0x3] =	sbarrier.arrive $0xFFFF;
	s2 =	simm.s32 @!p0 $0x1C02  }
0x34: {  	[timem:s3], [sflag:s2] =	dma.local @!p0 [hbm:s0], s1  }
0x35: {  	s0 =	simm.s32 @!p0 $0x2  }
0x36: {  	_ =	swait.ge @!p0 [sflag:s0], s1  }
0x37: {  	s1 =	ssub.s32 @!p0 $0x0, s1;
	[sflag:s0] =	ssyncset.done @!p0 $0x0  }
0x38: {  	[sflag:s0] =	ssyncadd.s32 @!p0 s1  }
0x39: {  	[bflag:$0x3] =	sbarrier.arrive $0xFFFF  }
0x3a: {  	_ =	shalt  }

</sc_bundles>
